<compile_context>
chip_gen: v7x
topology: tpu7x:2x2x1
jax: 0.10.2.dev20260603
libtpu: 0.0.44.dev20260713+nightly
codegen_flags: <defaults>
</compile_context>

<pallas_src>
import functools
import math

import jax
import jax.numpy as jnp
from jax import lax
from jax.experimental import pallas as pl
from jax.experimental.pallas import tpu as pltpu
from jax.experimental.pallas import tpu_sc as plsc

_VOCAB = 1000000
_EMB = 64
_SCALE = math.sqrt(_EMB)

_NC = 2
_NS = 16
_NW = _NC * _NS

_RB = 320
_NRB = _VOCAB // _RB
_NRB_EACH = _NRB // _NW
_NRB_LEFT = _NRB - _NRB_EACH * _NW

_B = 1024 * 200 * 4
_BPW = _B // _NW
_CHUNK = 128
_NCHUNK = _BPW // _CHUNK
_NBUF = 4
_NGRP = _NCHUNK // _NBUF

_mesh = plsc.VectorSubcoreMesh(core_axis_name="c", subcore_axis_name="s")


@functools.partial(
    pl.kernel,
    mesh=_mesh,
    out_type=jax.ShapeDtypeStruct((_VOCAB // 2, 2 * _EMB), jnp.float32),
    scratch_types=[
        pltpu.VMEM((2, _RB, _EMB), jnp.float32),
        pltpu.VMEM((2, _RB // 2, 2 * _EMB), jnp.float32),
        pltpu.SemaphoreType.DMA((2,)),
        pltpu.SemaphoreType.DMA((2,)),
    ],
    compiler_params=pltpu.CompilerParams(
        use_tc_tiling_on_sc=True, needs_layout_passes=False),
)
def _tconv(t_hbm, out_hbm, cin, cout, gsem, ssem):
    wid = lax.axis_index("s") * _NC + lax.axis_index("c")

    def stage_start(r0, b):
        r0 = pl.multiple_of(r0, 8)
        pltpu.async_copy(t_hbm.at[pl.ds(r0, _RB)], cin.at[b], gsem.at[b])

    def stage_wait(b):
        pltpu.make_async_copy(
            t_hbm.at[pl.ds(0, _RB)], cin.at[b], gsem.at[b]).wait()

    def pack(b):
        @plsc.parallel_loop(0, _RB // 2, unroll=4)
        def pair(k):
            for h in range(2):
                for t in range(_EMB // 16):
                    cout[b, k, pl.ds(h * _EMB + t * 16, 16)] = (
                        cin[b, 2 * k + h, pl.ds(t * 16, 16)])

    def store_start(r0, b):
        o0 = pl.multiple_of(r0 // 2, 8)
        pltpu.async_copy(
            cout.at[b], out_hbm.at[pl.ds(o0, _RB // 2)], ssem.at[b])

    def store_wait(b):
        pltpu.make_async_copy(
            cout.at[b], out_hbm.at[pl.ds(0, _RB // 2)], ssem.at[b]).wait()

    my_base = wid * _NRB_EACH
    extra = jnp.where(wid < _NRB_LEFT, 1, 0)
    n_full = _NRB_EACH + extra

    def blk_r0(g):
        main = (my_base + g) * _RB
        left = (_NW * _NRB_EACH + wid) * _RB
        return jnp.where(g < _NRB_EACH, main, left)

    stage_start(blk_r0(0), 0)

    def grp(p, c):
        for b in range(2):
            g = 2 * p + b
            @pl.when(g + 1 < n_full)
            def _():
                stage_start(blk_r0(g + 1), 1 - b)
            stage_wait(b)
            @pl.when(g >= 2)
            def _():
                store_wait(b)
            pack(b)
            store_start(blk_r0(g), b)
        return c

    lax.fori_loop(0, (_NRB_EACH - 1) // 2, grp, 0)
    g96 = _NRB_EACH - 1
    @pl.when(g96 + 1 < n_full)
    def _():
        stage_start(blk_r0(g96 + 1), 1)
    stage_wait(0)
    store_wait(0)
    pack(0)
    store_start(blk_r0(g96), 0)
    @pl.when(extra == 1)
    def _():
        stage_wait(1)
        store_wait(1)
        pack(1)
        store_start(blk_r0(g96 + 1), 1)
    store_wait(0)
    store_wait(1)


@functools.partial(
    pl.kernel,
    mesh=_mesh,
    out_type=jax.ShapeDtypeStruct((_B, _EMB), jnp.float32),
    scratch_types=[
        pltpu.VMEM((_BPW,), jnp.int32),
        pltpu.VMEM((_NBUF, _CHUNK, _EMB), jnp.float32),
        pltpu.VMEM((_NBUF, _CHUNK, _EMB), jnp.float32),
        pltpu.SemaphoreType.DMA((_NBUF,)),
        pltpu.SemaphoreType.DMA((_NBUF,)),
    ],
    compiler_params=pltpu.CompilerParams(use_tc_tiling_on_sc=False),
)
def _emb_lookup(idx_hbm, table_hbm, out_hbm, idx_v, gbuf, sbuf, gsem, ssem):
    wid = lax.axis_index("s") * _NC + lax.axis_index("c")
    base = wid * _BPW
    pltpu.sync_copy(idx_hbm.at[pl.ds(base, _BPW)], idx_v)

    def gather_start(j, b):
        pltpu.async_copy(
            table_hbm.at[idx_v.at[pl.ds(j * _CHUNK, _CHUNK)]],
            gbuf.at[b], gsem.at[b])

    def gather_wait(b):
        pltpu.make_async_copy(
            table_hbm.at[idx_v.at[pl.ds(0, _CHUNK)]],
            gbuf.at[b], gsem.at[b]).wait()

    def scatter_start(j, b):
        pltpu.async_copy(
            sbuf.at[b], out_hbm.at[pl.ds(base + j * _CHUNK, _CHUNK)],
            ssem.at[b])

    def scatter_wait(b):
        pltpu.make_async_copy(
            sbuf.at[b], out_hbm.at[pl.ds(base, _CHUNK)], ssem.at[b]).wait()

    def scale(b):
        def row_body(i, c):
            for t in range(_EMB // 16):
                sl = pl.ds(t * 16, 16)
                sbuf[b, i, sl] = gbuf[b, i, sl] * _SCALE
            return c
        lax.fori_loop(0, _CHUNK, row_body, 0, unroll=8)

    for b in range(_NBUF):
        gather_start(b, b)

    def group(g, carry):
        for b in range(_NBUF):
            j = g * _NBUF + b
            gather_wait(b)
            @pl.when(g > 0)
            def _():
                scatter_wait(b)
            scale(b)
            @pl.when(j + _NBUF < _NCHUNK)
            def _():
                gather_start(j + _NBUF, b)
            scatter_start(j, b)
        return carry

    lax.fori_loop(0, _NGRP, group, 0)

    for j in range(_NGRP * _NBUF, _NCHUNK):
        b = j % _NBUF
        gather_wait(b)
        scatter_wait(b)
        scale(b)
        scatter_start(j, b)
    for b in range(_NBUF):
        scatter_wait(b)


def kernel(content, table):
    bs, l, sub = content.shape
    idx = content.astype(jnp.int32).reshape(_B)
    tconv = _tconv(table)
    tlin = tconv.reshape(_VOCAB, _EMB)
    out = _emb_lookup(idx, tlin)
    return out.reshape(bs, l, sub * _EMB)

# --- scband reference (transcript-rebuilt; emitter-appended) ---
"""Pipeline reference for scband-left-embedding-82051055223019 (READ-ONLY COPY).

The authoritative reference and input builder live on the scoring server;
editing this copy changes nothing except your own understanding.
"""

import jax, jax.numpy as jnp
import numpy as np
import math

VOCAB = 1000000
EMB = 64
SUB = 4
BS = 1024
L = 200
PAD_IDX = 0


def setup_inputs(seed: int = 0) -> dict:
    key = jax.random.key(seed)
    k1, k2 = jax.random.split(key)
    content = jax.random.randint(k1, (BS, L, SUB), 0, VOCAB, dtype=jnp.int64 if jax.config.jax_enable_x64 else jnp.int32)
    # embedding table: uniform(-0.1, 0.1), padding row zeroed (mirrors _init_embedding_weights)
    table = jax.random.uniform(k2, (VOCAB, EMB), minval=-0.1, maxval=0.1, dtype=jnp.float32)
    table = table.at[PAD_IDX].set(0.0)
    return {"content": content, "table": table}


def reference(content, table):
    # LeftEmbedding.forward (eval mode: dropout is identity):
    #   c_1 = embedding(content).view(bs, l, -1)
    #   c_1 *= sqrt(embedding_size)   (embedding_mul=True)
    #   in_ is None since embedding_size*subtokens == hidden
    bs, l, _ = content.shape
    c1 = jnp.take(table, content, axis=0).reshape(bs, l, -1)
    c1 = c1 * math.sqrt(EMB)
    return c1

if __name__ == "__main__":
    import jax
    _d = setup_inputs()
    print(jax.jit(kernel)(*tuple(_d.values())))

</pallas_src>

<mosaic_0001>
#map = affine_map<(d0, d1) -> (0, 0)>
module attributes {stable_mosaic.version = 14 : i64} {
  func.func @_tconv(%arg0: i32, %arg1: i32, %arg2: memref<1000000x64xf32, #tpu.memory_space<hbm>>, %arg3: memref<500000x128xf32, #tpu.memory_space<hbm>>, %arg4: memref<2x320x64xf32, #tpu.memory_space<vmem>>, %arg5: memref<2x160x128xf32, #tpu.memory_space<vmem>>, %arg6: memref<2x!tpu.dma_semaphore, #tpu.memory_space<semaphore_mem>>, %arg7: memref<2x!tpu.dma_semaphore, #tpu.memory_space<semaphore_mem>>) attributes {dimension_semantics = [#tpu.dimension_semantics<core_parallel>, #tpu.dimension_semantics<subcore_parallel>], iteration_bounds = array<i64: 2, 16>, scalar_prefetch = 0 : i64, scratch_operands = 4 : i64, tpu.core_type = #tpu.core_type<sc_vector_subcore>, window_params = [{transform_indices = #map}, {transform_indices = #map}]} {
    %mul3A = arith.constant 2 : i32
    %mul3A_0 = arith.muli %arg1, %mul3A : i32
    %add3A = arith.addi %mul3A_0, %arg0 : i32
    %mul3A_1 = arith.constant 97 : i32
    %mul3A_2 = arith.muli %add3A, %mul3A_1 : i32
    %lt3A = arith.constant 21 : i32
    %lt3A_3 = arith.cmpi slt, %add3A, %lt3A : i32
    %jit3A = arith.constant 1 : i32
    %jit3A_4 = arith.constant 0 : i32
    %select_n3A = arith.select %lt3A_3, %jit3A, %jit3A_4 : i32
    %add3A_5 = arith.constant 97 : i32
    %add3A_6 = arith.addi %add3A_5, %select_n3A : i32
    %add3A_7 = arith.constant 0 : i32
    %add3A_8 = arith.addi %mul3A_2, %add3A_7 : i32
    %mul3A_9 = arith.constant 320 : i32
    %mul3A_10 = arith.muli %add3A_8, %mul3A_9 : i32
    %add3A_11 = arith.constant 3104 : i32
    %add3A_12 = arith.addi %add3A_11, %add3A : i32
    %mul3A_13 = arith.constant 320 : i32
    %mul3A_14 = arith.muli %add3A_12, %mul3A_13 : i32
    %jit3A_15 = arith.constant true
    %select_n3A_16 = arith.select %jit3A_15, %mul3A_10, %mul3A_14 : i32
    %multiple_of3A = tpu.assume_multiple %select_n3A_16, 8 : i32
    %dma_start3A = arith.constant 0 : i32
    %dma_start3A_17 = arith.constant 0 : i32
    %dma_start3A_18 = arith.constant 0 : i32
    %dma_start3A_19 = arith.constant 0 : i32
    %dma_start3A_20 = tpu.memref_slice %arg4[%dma_start3A, %dma_start3A_18, %dma_start3A_19] : memref<2x320x64xf32, #tpu.memory_space<vmem>> -> memref<1x320x64xf32, #tpu.memory_space<vmem>>
    %dma_start3A_21 = tpu.memref_squeeze %dma_start3A_20 : memref<1x320x64xf32, #tpu.memory_space<vmem>> -> memref<320x64xf32, #tpu.memory_space<vmem>>
    %dma_start3A_22 = arith.constant 0 : i32
    %dma_start3A_23 = tpu.memref_slice %arg2[%multiple_of3A, %dma_start3A_22] : memref<1000000x64xf32, #tpu.memory_space<hbm>> -> memref<320x64xf32, #tpu.memory_space<hbm>>
    %dma_start3A_24 = tpu.memref_slice %arg6[%dma_start3A_17] : memref<2x!tpu.dma_semaphore, #tpu.memory_space<semaphore_mem>> -> memref<1x!tpu.dma_semaphore, #tpu.memory_space<semaphore_mem>>
    %dma_start3A_25 = tpu.memref_squeeze %dma_start3A_24 : memref<1x!tpu.dma_semaphore, #tpu.memory_space<semaphore_mem>> -> memref<!tpu.dma_semaphore, #tpu.memory_space<semaphore_mem>>
    %dma_start3A_26 = arith.constant 0 : i32
    %dma_start3A_27 = arith.constant 0 : i32
    %dma_start3A_28 = tpu.memref_slice %arg4[%dma_start3A, %dma_start3A_26, %dma_start3A_27] : memref<2x320x64xf32, #tpu.memory_space<vmem>> -> memref<1x320x64xf32, #tpu.memory_space<vmem>>
    %dma_start3A_29 = tpu.memref_squeeze %dma_start3A_28 : memref<1x320x64xf32, #tpu.memory_space<vmem>> -> memref<320x64xf32, #tpu.memory_space<vmem>>
    %dma_start3A_30 = arith.constant 0 : i32
    %dma_start3A_31 = tpu.memref_slice %arg2[%multiple_of3A, %dma_start3A_30] : memref<1000000x64xf32, #tpu.memory_space<hbm>> -> memref<320x64xf32, #tpu.memory_space<hbm>>
    tpu.enqueue_dma source(%dma_start3A_31 : memref<320x64xf32, #tpu.memory_space<hbm>>) target(%dma_start3A_29 : memref<320x64xf32, #tpu.memory_space<vmem>>) target_semaphore(%dma_start3A_25 : memref<!tpu.dma_semaphore, #tpu.memory_space<semaphore_mem>>)
    %scan3A = arith.constant 0 : i32
    %scan3A_32 = arith.constant 0 : i32
    %scan3A_33 = arith.constant 48 : i32
    %scan3A_34 = arith.addi %scan3A_32, %scan3A_33 : i32
    %scan3A_35 = arith.constant 1 : i32
    scf.for %scan3A_161 = %scan3A_32 to %scan3A_34 step %scan3A_35  : i32 {
      %mul3A_162 = arith.constant 2 : i32
      %mul3A_163 = arith.muli %mul3A_162, %scan3A_161 : i32
      %add3A_164 = arith.constant 0 : i32
      %add3A_165 = arith.addi %mul3A_163, %add3A_164 : i32
      %add3A_166 = arith.constant 1 : i32
      %add3A_167 = arith.addi %add3A_165, %add3A_166 : i32
      %lt3A_168 = arith.cmpi slt, %add3A_167, %add3A_6 : i32
      %convert_element_type3A_169 = arith.extui %lt3A_168 : i1 to i32
      %cond3A_170 = arith.constant 0 : i32
      %cond3A_171 = arith.cmpi ne, %convert_element_type3A_169, %cond3A_170 : i32
      scf.if %cond3A_171 {
        %add3A_335 = arith.constant 1 : i32
        %add3A_336 = arith.addi %add3A_165, %add3A_335 : i32
        %add3A_337 = arith.addi %mul3A_2, %add3A_336 : i32
        %mul3A_338 = arith.constant 320 : i32
        %mul3A_339 = arith.muli %add3A_337, %mul3A_338 : i32
        %add3A_340 = arith.constant 3104 : i32
        %add3A_341 = arith.addi %add3A_340, %add3A : i32
        %mul3A_342 = arith.constant 320 : i32
        %mul3A_343 = arith.muli %add3A_341, %mul3A_342 : i32
        %lt3A_344 = arith.constant 97 : i32
        %lt3A_345 = arith.cmpi slt, %add3A_336, %lt3A_344 : i32
        %select_n3A_346 = arith.select %lt3A_345, %mul3A_339, %mul3A_343 : i32
        %multiple_of3A_347 = tpu.assume_multiple %select_n3A_346, 8 : i32
        %dma_start3A_348 = arith.constant 1 : i32
        %dma_start3A_349 = arith.constant 1 : i32
        %dma_start3A_350 = arith.constant 0 : i32
        %dma_start3A_351 = arith.constant 0 : i32
        %dma_start3A_352 = tpu.memref_slice %arg4[%dma_start3A_348, %dma_start3A_350, %dma_start3A_351] : memref<2x320x64xf32, #tpu.memory_space<vmem>> -> memref<1x320x64xf32, #tpu.memory_space<vmem>>
        %dma_start3A_353 = tpu.memref_squeeze %dma_start3A_352 : memref<1x320x64xf32, #tpu.memory_space<vmem>> -> memref<320x64xf32, #tpu.memory_space<vmem>>
        %dma_start3A_354 = arith.constant 0 : i32
        %dma_start3A_355 = tpu.memref_slice %arg2[%multiple_of3A_347, %dma_start3A_354] : memref<1000000x64xf32, #tpu.memory_space<hbm>> -> memref<320x64xf32, #tpu.memory_space<hbm>>
        %dma_start3A_356 = tpu.memref_slice %arg6[%dma_start3A_349] : memref<2x!tpu.dma_semaphore, #tpu.memory_space<semaphore_mem>> -> memref<1x!tpu.dma_semaphore, #tpu.memory_space<semaphore_mem>>
        %dma_start3A_357 = tpu.memref_squeeze %dma_start3A_356 : memref<1x!tpu.dma_semaphore, #tpu.memory_space<semaphore_mem>> -> memref<!tpu.dma_semaphore, #tpu.memory_space<semaphore_mem>>
        %dma_start3A_358 = arith.constant 0 : i32
        %dma_start3A_359 = arith.constant 0 : i32
        %dma_start3A_360 = tpu.memref_slice %arg4[%dma_start3A_348, %dma_start3A_358, %dma_start3A_359] : memref<2x320x64xf32, #tpu.memory_space<vmem>> -> memref<1x320x64xf32, #tpu.memory_space<vmem>>
        %dma_start3A_361 = tpu.memref_squeeze %dma_start3A_360 : memref<1x320x64xf32, #tpu.memory_space<vmem>> -> memref<320x64xf32, #tpu.memory_space<vmem>>
        %dma_start3A_362 = arith.constant 0 : i32
        %dma_start3A_363 = tpu.memref_slice %arg2[%multiple_of3A_347, %dma_start3A_362] : memref<1000000x64xf32, #tpu.memory_space<hbm>> -> memref<320x64xf32, #tpu.memory_space<hbm>>
        tpu.enqueue_dma source(%dma_start3A_363 : memref<320x64xf32, #tpu.memory_space<hbm>>) target(%dma_start3A_361 : memref<320x64xf32, #tpu.memory_space<vmem>>) target_semaphore(%dma_start3A_357 : memref<!tpu.dma_semaphore, #tpu.memory_space<semaphore_mem>>)
      } else {
      }
      %dma_wait3A_172 = arith.constant 0 : i32
      %dma_wait3A_173 = arith.constant 0 : i32
      %dma_wait3A_174 = arith.constant 0 : i32
      %dma_wait3A_175 = arith.constant 0 : i32
      %dma_wait3A_176 = tpu.memref_slice %arg4[%dma_wait3A_172, %dma_wait3A_174, %dma_wait3A_175] : memref<2x320x64xf32, #tpu.memory_space<vmem>> -> memref<1x320x64xf32, #tpu.memory_space<vmem>>
      %dma_wait3A_177 = tpu.memref_squeeze %dma_wait3A_176 : memref<1x320x64xf32, #tpu.memory_space<vmem>> -> memref<320x64xf32, #tpu.memory_space<vmem>>
      %dma_wait3A_178 = arith.constant 0 : i32
      %dma_wait3A_179 = arith.constant 0 : i32
      %dma_wait3A_180 = tpu.memref_slice %arg2[%dma_wait3A_178, %dma_wait3A_179] : memref<1000000x64xf32, #tpu.memory_space<hbm>> -> memref<320x64xf32, #tpu.memory_space<hbm>>
      %dma_wait3A_181 = tpu.memref_slice %arg6[%dma_wait3A_173] : memref<2x!tpu.dma_semaphore, #tpu.memory_space<semaphore_mem>> -> memref<1x!tpu.dma_semaphore, #tpu.memory_space<semaphore_mem>>
      %dma_wait3A_182 = tpu.memref_squeeze %dma_wait3A_181 : memref<1x!tpu.dma_semaphore, #tpu.memory_space<semaphore_mem>> -> memref<!tpu.dma_semaphore, #tpu.memory_space<semaphore_mem>>
      %dma_wait3A_183 = arith.constant 0 : i32
      %dma_wait3A_184 = arith.constant 0 : i32
      %dma_wait3A_185 = tpu.memref_slice %arg4[%dma_wait3A_172, %dma_wait3A_183, %dma_wait3A_184] : memref<2x320x64xf32, #tpu.memory_space<vmem>> -> memref<1x320x64xf32, #tpu.memory_space<vmem>>
      %dma_wait3A_186 = tpu.memref_squeeze %dma_wait3A_185 : memref<1x320x64xf32, #tpu.memory_space<vmem>> -> memref<320x64xf32, #tpu.memory_space<vmem>>
      %dma_wait3A_187 = arith.constant 0 : i32
      %dma_wait3A_188 = arith.constant 0 : i32
      %dma_wait3A_189 = tpu.memref_slice %arg2[%dma_wait3A_187, %dma_wait3A_188] : memref<1000000x64xf32, #tpu.memory_space<hbm>> -> memref<320x64xf32, #tpu.memory_space<hbm>>
      tpu.wait_dma2 semaphore(%dma_wait3A_182 : memref<!tpu.dma_semaphore, #tpu.memory_space<semaphore_mem>>) src(%dma_wait3A_189 : memref<320x64xf32, #tpu.memory_space<hbm>>) dst(%dma_wait3A_186 : memref<320x64xf32, #tpu.memory_space<vmem>>)
      %ge3A = arith.constant 2 : i32
      %ge3A_190 = arith.cmpi sge, %add3A_165, %ge3A : i32
      %convert_element_type3A_191 = arith.extui %ge3A_190 : i1 to i32
      %cond3A_192 = arith.constant 0 : i32
      %cond3A_193 = arith.cmpi ne, %convert_element_type3A_191, %cond3A_192 : i32
      scf.if %cond3A_193 {
        %dma_wait3A_335 = arith.constant 0 : i32
        %dma_wait3A_336 = arith.constant 0 : i32
        %dma_wait3A_337 = arith.constant 0 : i32
        %dma_wait3A_338 = arith.constant 0 : i32
        %dma_wait3A_339 = tpu.memref_slice %arg5[%dma_wait3A_335, %dma_wait3A_337, %dma_wait3A_338] : memref<2x160x128xf32, #tpu.memory_space<vmem>> -> memref<1x160x128xf32, #tpu.memory_space<vmem>>
        %dma_wait3A_340 = tpu.memref_squeeze %dma_wait3A_339 : memref<1x160x128xf32, #tpu.memory_space<vmem>> -> memref<160x128xf32, #tpu.memory_space<vmem>>
        %dma_wait3A_341 = arith.constant 0 : i32
        %dma_wait3A_342 = arith.constant 0 : i32
        %dma_wait3A_343 = tpu.memref_slice %arg3[%dma_wait3A_341, %dma_wait3A_342] : memref<500000x128xf32, #tpu.memory_space<hbm>> -> memref<160x128xf32, #tpu.memory_space<hbm>>
        %dma_wait3A_344 = tpu.memref_slice %arg7[%dma_wait3A_336] : memref<2x!tpu.dma_semaphore, #tpu.memory_space<semaphore_mem>> -> memref<1x!tpu.dma_semaphore, #tpu.memory_space<semaphore_mem>>
        %dma_wait3A_345 = tpu.memref_squeeze %dma_wait3A_344 : memref<1x!tpu.dma_semaphore, #tpu.memory_space<semaphore_mem>> -> memref<!tpu.dma_semaphore, #tpu.memory_space<semaphore_mem>>
        %dma_wait3A_346 = arith.constant 0 : i32
        %dma_wait3A_347 = arith.constant 0 : i32
        %dma_wait3A_348 = tpu.memref_slice %arg3[%dma_wait3A_346, %dma_wait3A_347] : memref<500000x128xf32, #tpu.memory_space<hbm>> -> memref<160x128xf32, #tpu.memory_space<hbm>>
        %dma_wait3A_349 = arith.constant 0 : i32
        %dma_wait3A_350 = arith.constant 0 : i32
        %dma_wait3A_351 = tpu.memref_slice %arg5[%dma_wait3A_335, %dma_wait3A_349, %dma_wait3A_350] : memref<2x160x128xf32, #tpu.memory_space<vmem>> -> memref<1x160x128xf32, #tpu.memory_space<vmem>>
        %dma_wait3A_352 = tpu.memref_squeeze %dma_wait3A_351 : memref<1x160x128xf32, #tpu.memory_space<vmem>> -> memref<160x128xf32, #tpu.memory_space<vmem>>
        tpu.wait_dma2 semaphore(%dma_wait3A_345 : memref<!tpu.dma_semaphore, #tpu.memory_space<semaphore_mem>>) src(%dma_wait3A_352 : memref<160x128xf32, #tpu.memory_space<vmem>>) dst(%dma_wait3A_348 : memref<160x128xf32, #tpu.memory_space<hbm>>)
      } else {
      }
      %parallel_loop3A_194 = arith.constant 0 : i32
      %parallel_loop3A_195 = arith.constant 160 : i32
      %parallel_loop3A_196 = arith.constant 1 : i32
      scf.for %parallel_loop3A_335 = %parallel_loop3A_194 to %parallel_loop3A_195 step %parallel_loop3A_196  : i32 {
        %parallel_loop3A_336 = arith.constant 2 : i32
        %parallel_loop3A_337 = arith.muli %parallel_loop3A_336, %parallel_loop3A_335 : i32
        %parallel_loop3A_338 = arith.constant 0 : i32
        %parallel_loop3A_339 = arith.addi %parallel_loop3A_337, %parallel_loop3A_338 : i32
        %parallel_loop3A_340 = arith.constant 0 : i32
        %parallel_loop3A_341 = arith.index_cast %parallel_loop3A_340 : i32 to index
        %parallel_loop3A_342 = arith.index_cast %parallel_loop3A_339 : i32 to index
        %parallel_loop3A_343 = arith.constant 0 : index
        %parallel_loop3A_344 = tpu.vector_load %arg4[%parallel_loop3A_341, %parallel_loop3A_342, %parallel_loop3A_343] {strides = array<i32>} : memref<2x320x64xf32, #tpu.memory_space<vmem>>, vector<16xf32>,
        %parallel_loop3A_345 = arith.constant 0 : i32
        %parallel_loop3A_346 = arith.index_cast %parallel_loop3A_345 : i32 to index
        %parallel_loop3A_347 = arith.index_cast %parallel_loop3A_335 : i32 to index
        %parallel_loop3A_348 = arith.constant 0 : index
        %parallel_loop3A_349 = tpu.vector_load %arg5[%parallel_loop3A_346, %parallel_loop3A_347, %parallel_loop3A_348] {strides = array<i32>} : memref<2x160x128xf32, #tpu.memory_space<vmem>>, vector<16xf32>,
        tpu.vector_store %arg5[%parallel_loop3A_346, %parallel_loop3A_347, %parallel_loop3A_348], %parallel_loop3A_344 {strides = array<i32>} : memref<2x160x128xf32, #tpu.memory_space<vmem>>, vector<16xf32>,
        %parallel_loop3A_350 = arith.constant 2 : i32
        %parallel_loop3A_351 = arith.muli %parallel_loop3A_350, %parallel_loop3A_335 : i32
        %parallel_loop3A_352 = arith.constant 0 : i32
        %parallel_loop3A_353 = arith.addi %parallel_loop3A_351, %parallel_loop3A_352 : i32
        %parallel_loop3A_354 = arith.constant 0 : i32
        %parallel_loop3A_355 = arith.index_cast %parallel_loop3A_354 : i32 to index
        %parallel_loop3A_356 = arith.index_cast %parallel_loop3A_353 : i32 to index
        %parallel_loop3A_357 = arith.constant 16 : index
        %parallel_loop3A_358 = tpu.vector_load %arg4[%parallel_loop3A_355, %parallel_loop3A_356, %parallel_loop3A_357] {strides = array<i32>} : memref<2x320x64xf32, #tpu.memory_space<vmem>>, vector<16xf32>,
        %parallel_loop3A_359 = arith.constant 0 : i32
        %parallel_loop3A_360 = arith.index_cast %parallel_loop3A_359 : i32 to index
        %parallel_loop3A_361 = arith.index_cast %parallel_loop3A_335 : i32 to index
        %parallel_loop3A_362 = arith.constant 16 : index
        %parallel_loop3A_363 = tpu.vector_load %arg5[%parallel_loop3A_360, %parallel_loop3A_361, %parallel_loop3A_362] {strides = array<i32>} : memref<2x160x128xf32, #tpu.memory_space<vmem>>, vector<16xf32>,
        tpu.vector_store %arg5[%parallel_loop3A_360, %parallel_loop3A_361, %parallel_loop3A_362], %parallel_loop3A_358 {strides = array<i32>} : memref<2x160x128xf32, #tpu.memory_space<vmem>>, vector<16xf32>,
        %parallel_loop3A_364 = arith.constant 2 : i32
        %parallel_loop3A_365 = arith.muli %parallel_loop3A_364, %parallel_loop3A_335 : i32
        %parallel_loop3A_366 = arith.constant 0 : i32
        %parallel_loop3A_367 = arith.addi %parallel_loop3A_365, %parallel_loop3A_366 : i32
        %parallel_loop3A_368 = arith.constant 0 : i32
        %parallel_loop3A_369 = arith.index_cast %parallel_loop3A_368 : i32 to index
        %parallel_loop3A_370 = arith.index_cast %parallel_loop3A_367 : i32 to index
        %parallel_loop3A_371 = arith.constant 32 : index
        %parallel_loop3A_372 = tpu.vector_load %arg4[%parallel_loop3A_369, %parallel_loop3A_370, %parallel_loop3A_371] {strides = array<i32>} : memref<2x320x64xf32, #tpu.memory_space<vmem>>, vector<16xf32>,
        %parallel_loop3A_373 = arith.constant 0 : i32
        %parallel_loop3A_374 = arith.index_cast %parallel_loop3A_373 : i32 to index
        %parallel_loop3A_375 = arith.index_cast %parallel_loop3A_335 : i32 to index
        %parallel_loop3A_376 = arith.constant 32 : index
        %parallel_loop3A_377 = tpu.vector_load %arg5[%parallel_loop3A_374, %parallel_loop3A_375, %parallel_loop3A_376] {strides = array<i32>} : memref<2x160x128xf32, #tpu.memory_space<vmem>>, vector<16xf32>,
        tpu.vector_store %arg5[%parallel_loop3A_374, %parallel_loop3A_375, %parallel_loop3A_376], %parallel_loop3A_372 {strides = array<i32>} : memref<2x160x128xf32, #tpu.memory_space<vmem>>, vector<16xf32>,
        %parallel_loop3A_378 = arith.constant 2 : i32
        %parallel_loop3A_379 = arith.muli %parallel_loop3A_378, %parallel_loop3A_335 : i32
        %parallel_loop3A_380 = arith.constant 0 : i32
        %parallel_loop3A_381 = arith.addi %parallel_loop3A_379, %parallel_loop3A_380 : i32
        %parallel_loop3A_382 = arith.constant 0 : i32
        %parallel_loop3A_383 = arith.index_cast %parallel_loop3A_382 : i32 to index
        %parallel_loop3A_384 = arith.index_cast %parallel_loop3A_381 : i32 to index
        %parallel_loop3A_385 = arith.constant 48 : index
        %parallel_loop3A_386 = tpu.vector_load %arg4[%parallel_loop3A_383, %parallel_loop3A_384, %parallel_loop3A_385] {strides = array<i32>} : memref<2x320x64xf32, #tpu.memory_space<vmem>>, vector<16xf32>,
        %parallel_loop3A_387 = arith.constant 0 : i32
        %parallel_loop3A_388 = arith.index_cast %parallel_loop3A_387 : i32 to index
        %parallel_loop3A_389 = arith.index_cast %parallel_loop3A_335 : i32 to index
        %parallel_loop3A_390 = arith.constant 48 : index
        %parallel_loop3A_391 = tpu.vector_load %arg5[%parallel_loop3A_388, %parallel_loop3A_389, %parallel_loop3A_390] {strides = array<i32>} : memref<2x160x128xf32, #tpu.memory_space<vmem>>, vector<16xf32>,
        tpu.vector_store %arg5[%parallel_loop3A_388, %parallel_loop3A_389, %parallel_loop3A_390], %parallel_loop3A_386 {strides = array<i32>} : memref<2x160x128xf32, #tpu.memory_space<vmem>>, vector<16xf32>,
        %parallel_loop3A_392 = arith.constant 2 : i32
        %parallel_loop3A_393 = arith.muli %parallel_loop3A_392, %parallel_loop3A_335 : i32
        %parallel_loop3A_394 = arith.constant 1 : i32
        %parallel_loop3A_395 = arith.addi %parallel_loop3A_393, %parallel_loop3A_394 : i32
        %parallel_loop3A_396 = arith.constant 0 : i32
        %parallel_loop3A_397 = arith.index_cast %parallel_loop3A_396 : i32 to index
        %parallel_loop3A_398 = arith.index_cast %parallel_loop3A_395 : i32 to index
        %parallel_loop3A_399 = arith.constant 0 : index
        %parallel_loop3A_400 = tpu.vector_load %arg4[%parallel_loop3A_397, %parallel_loop3A_398, %parallel_loop3A_399] {strides = array<i32>} : memref<2x320x64xf32, #tpu.memory_space<vmem>>, vector<16xf32>,
        %parallel_loop3A_401 = arith.constant 0 : i32
        %parallel_loop3A_402 = arith.index_cast %parallel_loop3A_401 : i32 to index
        %parallel_loop3A_403 = arith.index_cast %parallel_loop3A_335 : i32 to index
        %parallel_loop3A_404 = arith.constant 64 : index
        %parallel_loop3A_405 = tpu.vector_load %arg5[%parallel_loop3A_402, %parallel_loop3A_403, %parallel_loop3A_404] {strides = array<i32>} : memref<2x160x128xf32, #tpu.memory_space<vmem>>, vector<16xf32>,
        tpu.vector_store %arg5[%parallel_loop3A_402, %parallel_loop3A_403, %parallel_loop3A_404], %parallel_loop3A_400 {strides = array<i32>} : memref<2x160x128xf32, #tpu.memory_space<vmem>>, vector<16xf32>,
        %parallel_loop3A_406 = arith.constant 2 : i32
        %parallel_loop3A_407 = arith.muli %parallel_loop3A_406, %parallel_loop3A_335 : i32
        %parallel_loop3A_408 = arith.constant 1 : i32
        %parallel_loop3A_409 = arith.addi %parallel_loop3A_407, %parallel_loop3A_408 : i32
        %parallel_loop3A_410 = arith.constant 0 : i32
        %parallel_loop3A_411 = arith.index_cast %parallel_loop3A_410 : i32 to index
        %parallel_loop3A_412 = arith.index_cast %parallel_loop3A_409 : i32 to index
        %parallel_loop3A_413 = arith.constant 16 : index
        %parallel_loop3A_414 = tpu.vector_load %arg4[%parallel_loop3A_411, %parallel_loop3A_412, %parallel_loop3A_413] {strides = array<i32>} : memref<2x320x64xf32, #tpu.memory_space<vmem>>, vector<16xf32>,
        %parallel_loop3A_415 = arith.constant 0 : i32
        %parallel_loop3A_416 = arith.index_cast %parallel_loop3A_415 : i32 to index
        %parallel_loop3A_417 = arith.index_cast %parallel_loop3A_335 : i32 to index
        %parallel_loop3A_418 = arith.constant 80 : index
        %parallel_loop3A_419 = tpu.vector_load %arg5[%parallel_loop3A_416, %parallel_loop3A_417, %parallel_loop3A_418] {strides = array<i32>} : memref<2x160x128xf32, #tpu.memory_space<vmem>>, vector<16xf32>,
        tpu.vector_store %arg5[%parallel_loop3A_416, %parallel_loop3A_417, %parallel_loop3A_418], %parallel_loop3A_414 {strides = array<i32>} : memref<2x160x128xf32, #tpu.memory_space<vmem>>, vector<16xf32>,
        %parallel_loop3A_420 = arith.constant 2 : i32
        %parallel_loop3A_421 = arith.muli %parallel_loop3A_420, %parallel_loop3A_335 : i32
        %parallel_loop3A_422 = arith.constant 1 : i32
        %parallel_loop3A_423 = arith.addi %parallel_loop3A_421, %parallel_loop3A_422 : i32
        %parallel_loop3A_424 = arith.constant 0 : i32
        %parallel_loop3A_425 = arith.index_cast %parallel_loop3A_424 : i32 to index
        %parallel_loop3A_426 = arith.index_cast %parallel_loop3A_423 : i32 to index
        %parallel_loop3A_427 = arith.constant 32 : index
        %parallel_loop3A_428 = tpu.vector_load %arg4[%parallel_loop3A_425, %parallel_loop3A_426, %parallel_loop3A_427] {strides = array<i32>} : memref<2x320x64xf32, #tpu.memory_space<vmem>>, vector<16xf32>,
        %parallel_loop3A_429 = arith.constant 0 : i32
        %parallel_loop3A_430 = arith.index_cast %parallel_loop3A_429 : i32 to index
        %parallel_loop3A_431 = arith.index_cast %parallel_loop3A_335 : i32 to index
        %parallel_loop3A_432 = arith.constant 96 : index
        %parallel_loop3A_433 = tpu.vector_load %arg5[%parallel_loop3A_430, %parallel_loop3A_431, %parallel_loop3A_432] {strides = array<i32>} : memref<2x160x128xf32, #tpu.memory_space<vmem>>, vector<16xf32>,
        tpu.vector_store %arg5[%parallel_loop3A_430, %parallel_loop3A_431, %parallel_loop3A_432], %parallel_loop3A_428 {strides = array<i32>} : memref<2x160x128xf32, #tpu.memory_space<vmem>>, vector<16xf32>,
        %parallel_loop3A_434 = arith.constant 2 : i32
        %parallel_loop3A_435 = arith.muli %parallel_loop3A_434, %parallel_loop3A_335 : i32
        %parallel_loop3A_436 = arith.constant 1 : i32
        %parallel_loop3A_437 = arith.addi %parallel_loop3A_435, %parallel_loop3A_436 : i32
        %parallel_loop3A_438 = arith.constant 0 : i32
        %parallel_loop3A_439 = arith.index_cast %parallel_loop3A_438 : i32 to index
        %parallel_loop3A_440 = arith.index_cast %parallel_loop3A_437 : i32 to index
        %parallel_loop3A_441 = arith.constant 48 : index
        %parallel_loop3A_442 = tpu.vector_load %arg4[%parallel_loop3A_439, %parallel_loop3A_440, %parallel_loop3A_441] {strides = array<i32>} : memref<2x320x64xf32, #tpu.memory_space<vmem>>, vector<16xf32>,
        %parallel_loop3A_443 = arith.constant 0 : i32
        %parallel_loop3A_444 = arith.index_cast %parallel_loop3A_443 : i32 to index
        %parallel_loop3A_445 = arith.index_cast %parallel_loop3A_335 : i32 to index
        %parallel_loop3A_446 = arith.constant 112 : index
        %parallel_loop3A_447 = tpu.vector_load %arg5[%parallel_loop3A_444, %parallel_loop3A_445, %parallel_loop3A_446] {strides = array<i32>} : memref<2x160x128xf32, #tpu.memory_space<vmem>>, vector<16xf32>,
        tpu.vector_store %arg5[%parallel_loop3A_444, %parallel_loop3A_445, %parallel_loop3A_446], %parallel_loop3A_442 {strides = array<i32>} : memref<2x160x128xf32, #tpu.memory_space<vmem>>, vector<16xf32>,
      } {sc.loop_unroll_factor = 4 : i64, sc.parallel_access}
      %add3A_197 = arith.addi %mul3A_2, %add3A_165 : i32
      %mul3A_198 = arith.constant 320 : i32
      %mul3A_199 = arith.muli %add3A_197, %mul3A_198 : i32
      %add3A_200 = arith.constant 3104 : i32
      %add3A_201 = arith.addi %add3A_200, %add3A : i32
      %mul3A_202 = arith.constant 320 : i32
      %mul3A_203 = arith.muli %add3A_201, %mul3A_202 : i32
      %lt3A_204 = arith.constant 97 : i32
      %lt3A_205 = arith.cmpi slt, %add3A_165, %lt3A_204 : i32
      %select_n3A_206 = arith.select %lt3A_205, %mul3A_199, %mul3A_203 : i32
      %jit3A_207 = arith.constant 2 : i32
      %div3A_208 = arith.divsi %select_n3A_206, %jit3A_207 : i32
      %sign3A_209 = arith.constant 0 : i32
      %sign3A_210 = arith.cmpi sgt, %select_n3A_206, %sign3A_209 : i32
      %sign3A_211 = arith.extui %sign3A_210 : i1 to i32
      %sign3A_212 = arith.constant 0 : i32
      %sign3A_213 = arith.cmpi slt, %select_n3A_206, %sign3A_212 : i32
      %sign3A_214 = arith.extui %sign3A_213 : i1 to i32
      %sign3A_215 = arith.subi %sign3A_211, %sign3A_214 : i32
      %sign3A_216 = arith.constant 0 : i32
      %sign3A_217 = arith.cmpi sgt, %jit3A_207, %sign3A_216 : i32
      %sign3A_218 = arith.extui %sign3A_217 : i1 to i32
      %sign3A_219 = arith.constant 0 : i32
      %sign3A_220 = arith.cmpi slt, %jit3A_207, %sign3A_219 : i32
      %sign3A_221 = arith.extui %sign3A_220 : i1 to i32
      %sign3A_222 = arith.subi %sign3A_218, %sign3A_221 : i32
      %ne3A_223 = arith.cmpi ne, %sign3A_215, %sign3A_222 : i32
      %rem3A_224 = arith.remsi %select_n3A_206, %jit3A_207 : i32
      %ne3A_225 = arith.constant 0 : i32
      %ne3A_226 = arith.cmpi ne, %rem3A_224, %ne3A_225 : i32
      %and3A_227 = arith.andi %ne3A_223, %ne3A_226 : i1
      %sub3A_228 = arith.constant 1 : i32
      %sub3A_229 = arith.subi %div3A_208, %sub3A_228 : i32
      %select_n3A_230 = arith.select %and3A_227, %sub3A_229, %div3A_208 : i32
      %multiple_of3A_231 = tpu.assume_multiple %select_n3A_230, 8 : i32
      %dma_start3A_232 = arith.constant 0 : i32
      %dma_start3A_233 = arith.constant 0 : i32
      %dma_start3A_234 = arith.constant 0 : i32
      %dma_start3A_235 = arith.constant 0 : i32
      %dma_start3A_236 = tpu.memref_slice %arg5[%dma_start3A_232, %dma_start3A_234, %dma_start3A_235] : memref<2x160x128xf32, #tpu.memory_space<vmem>> -> memref<1x160x128xf32, #tpu.memory_space<vmem>>
      %dma_start3A_237 = tpu.memref_squeeze %dma_start3A_236 : memref<1x160x128xf32, #tpu.memory_space<vmem>> -> memref<160x128xf32, #tpu.memory_space<vmem>>
      %dma_start3A_238 = arith.constant 0 : i32
      %dma_start3A_239 = tpu.memref_slice %arg3[%multiple_of3A_231, %dma_start3A_238] : memref<500000x128xf32, #tpu.memory_space<hbm>> -> memref<160x128xf32, #tpu.memory_space<hbm>>
      %dma_start3A_240 = tpu.memref_slice %arg7[%dma_start3A_233] : memref<2x!tpu.dma_semaphore, #tpu.memory_space<semaphore_mem>> -> memref<1x!tpu.dma_semaphore, #tpu.memory_space<semaphore_mem>>
      %dma_start3A_241 = tpu.memref_squeeze %dma_start3A_240 : memref<1x!tpu.dma_semaphore, #tpu.memory_space<semaphore_mem>> -> memref<!tpu.dma_semaphore, #tpu.memory_space<semaphore_mem>>
      %dma_start3A_242 = arith.constant 0 : i32
      %dma_start3A_243 = tpu.memref_slice %arg3[%multiple_of3A_231, %dma_start3A_242] : memref<500000x128xf32, #tpu.memory_space<hbm>> -> memref<160x128xf32, #tpu.memory_space<hbm>>
      %dma_start3A_244 = arith.constant 0 : i32
      %dma_start3A_245 = arith.constant 0 : i32
      %dma_start3A_246 = tpu.memref_slice %arg5[%dma_start3A_232, %dma_start3A_244, %dma_start3A_245] : memref<2x160x128xf32, #tpu.memory_space<vmem>> -> memref<1x160x128xf32, #tpu.memory_space<vmem>>
      %dma_start3A_247 = tpu.memref_squeeze %dma_start3A_246 : memref<1x160x128xf32, #tpu.memory_space<vmem>> -> memref<160x128xf32, #tpu.memory_space<vmem>>
      tpu.enqueue_dma source(%dma_start3A_247 : memref<160x128xf32, #tpu.memory_space<vmem>>) target(%dma_start3A_243 : memref<160x128xf32, #tpu.memory_space<hbm>>) target_semaphore(%dma_start3A_241 : memref<!tpu.dma_semaphore, #tpu.memory_space<semaphore_mem>>)
      %mul3A_248 = arith.constant 2 : i32
      %mul3A_249 = arith.muli %mul3A_248, %scan3A_161 : i32
      %add3A_250 = arith.constant 1 : i32
      %add3A_251 = arith.addi %mul3A_249, %add3A_250 : i32
      %add3A_252 = arith.constant 1 : i32
      %add3A_253 = arith.addi %add3A_251, %add3A_252 : i32
      %lt3A_254 = arith.cmpi slt, %add3A_253, %add3A_6 : i32
      %convert_element_type3A_255 = arith.extui %lt3A_254 : i1 to i32
      %cond3A_256 = arith.constant 0 : i32
      %cond3A_257 = arith.cmpi ne, %convert_element_type3A_255, %cond3A_256 : i32
      scf.if %cond3A_257 {
        %add3A_335 = arith.constant 1 : i32
        %add3A_336 = arith.addi %add3A_251, %add3A_335 : i32
        %add3A_337 = arith.addi %mul3A_2, %add3A_336 : i32
        %mul3A_338 = arith.constant 320 : i32
        %mul3A_339 = arith.muli %add3A_337, %mul3A_338 : i32
        %add3A_340 = arith.constant 3104 : i32
        %add3A_341 = arith.addi %add3A_340, %add3A : i32
        %mul3A_342 = arith.constant 320 : i32
        %mul3A_343 = arith.muli %add3A_341, %mul3A_342 : i32
        %lt3A_344 = arith.constant 97 : i32
        %lt3A_345 = arith.cmpi slt, %add3A_336, %lt3A_344 : i32
        %select_n3A_346 = arith.select %lt3A_345, %mul3A_339, %mul3A_343 : i32
        %multiple_of3A_347 = tpu.assume_multiple %select_n3A_346, 8 : i32
        %dma_start3A_348 = arith.constant 0 : i32
        %dma_start3A_349 = arith.constant 0 : i32
        %dma_start3A_350 = arith.constant 0 : i32
        %dma_start3A_351 = arith.constant 0 : i32
        %dma_start3A_352 = tpu.memref_slice %arg4[%dma_start3A_348, %dma_start3A_350, %dma_start3A_351] : memref<2x320x64xf32, #tpu.memory_space<vmem>> -> memref<1x320x64xf32, #tpu.memory_space<vmem>>
        %dma_start3A_353 = tpu.memref_squeeze %dma_start3A_352 : memref<1x320x64xf32, #tpu.memory_space<vmem>> -> memref<320x64xf32, #tpu.memory_space<vmem>>
        %dma_start3A_354 = arith.constant 0 : i32
        %dma_start3A_355 = tpu.memref_slice %arg2[%multiple_of3A_347, %dma_start3A_354] : memref<1000000x64xf32, #tpu.memory_space<hbm>> -> memref<320x64xf32, #tpu.memory_space<hbm>>
        %dma_start3A_356 = tpu.memref_slice %arg6[%dma_start3A_349] : memref<2x!tpu.dma_semaphore, #tpu.memory_space<semaphore_mem>> -> memref<1x!tpu.dma_semaphore, #tpu.memory_space<semaphore_mem>>
        %dma_start3A_357 = tpu.memref_squeeze %dma_start3A_356 : memref<1x!tpu.dma_semaphore, #tpu.memory_space<semaphore_mem>> -> memref<!tpu.dma_semaphore, #tpu.memory_space<semaphore_mem>>
        %dma_start3A_358 = arith.constant 0 : i32
        %dma_start3A_359 = arith.constant 0 : i32
        %dma_start3A_360 = tpu.memref_slice %arg4[%dma_start3A_348, %dma_start3A_358, %dma_start3A_359] : memref<2x320x64xf32, #tpu.memory_space<vmem>> -> memref<1x320x64xf32, #tpu.memory_space<vmem>>
        %dma_start3A_361 = tpu.memref_squeeze %dma_start3A_360 : memref<1x320x64xf32, #tpu.memory_space<vmem>> -> memref<320x64xf32, #tpu.memory_space<vmem>>
        %dma_start3A_362 = arith.constant 0 : i32
        %dma_start3A_363 = tpu.memref_slice %arg2[%multiple_of3A_347, %dma_start3A_362] : memref<1000000x64xf32, #tpu.memory_space<hbm>> -> memref<320x64xf32, #tpu.memory_space<hbm>>
        tpu.enqueue_dma source(%dma_start3A_363 : memref<320x64xf32, #tpu.memory_space<hbm>>) target(%dma_start3A_361 : memref<320x64xf32, #tpu.memory_space<vmem>>) target_semaphore(%dma_start3A_357 : memref<!tpu.dma_semaphore, #tpu.memory_space<semaphore_mem>>)
      } else {
      }
      %dma_wait3A_258 = arith.constant 1 : i32
      %dma_wait3A_259 = arith.constant 1 : i32
      %dma_wait3A_260 = arith.constant 0 : i32
      %dma_wait3A_261 = arith.constant 0 : i32
      %dma_wait3A_262 = tpu.memref_slice %arg4[%dma_wait3A_258, %dma_wait3A_260, %dma_wait3A_261] : memref<2x320x64xf32, #tpu.memory_space<vmem>> -> memref<1x320x64xf32, #tpu.memory_space<vmem>>
      %dma_wait3A_263 = tpu.memref_squeeze %dma_wait3A_262 : memref<1x320x64xf32, #tpu.memory_space<vmem>> -> memref<320x64xf32, #tpu.memory_space<vmem>>
      %dma_wait3A_264 = arith.constant 0 : i32
      %dma_wait3A_265 = arith.constant 0 : i32
      %dma_wait3A_266 = tpu.memref_slice %arg2[%dma_wait3A_264, %dma_wait3A_265] : memref<1000000x64xf32, #tpu.memory_space<hbm>> -> memref<320x64xf32, #tpu.memory_space<hbm>>
      %dma_wait3A_267 = tpu.memref_slice %arg6[%dma_wait3A_259] : memref<2x!tpu.dma_semaphore, #tpu.memory_space<semaphore_mem>> -> memref<1x!tpu.dma_semaphore, #tpu.memory_space<semaphore_mem>>
      %dma_wait3A_268 = tpu.memref_squeeze %dma_wait3A_267 : memref<1x!tpu.dma_semaphore, #tpu.memory_space<semaphore_mem>> -> memref<!tpu.dma_semaphore, #tpu.memory_space<semaphore_mem>>
      %dma_wait3A_269 = arith.constant 0 : i32
      %dma_wait3A_270 = arith.constant 0 : i32
      %dma_wait3A_271 = tpu.memref_slice %arg4[%dma_wait3A_258, %dma_wait3A_269, %dma_wait3A_270] : memref<2x320x64xf32, #tpu.memory_space<vmem>> -> memref<1x320x64xf32, #tpu.memory_space<vmem>>
      %dma_wait3A_272 = tpu.memref_squeeze %dma_wait3A_271 : memref<1x320x64xf32, #tpu.memory_space<vmem>> -> memref<320x64xf32, #tpu.memory_space<vmem>>
      %dma_wait3A_273 = arith.constant 0 : i32
      %dma_wait3A_274 = arith.constant 0 : i32
      %dma_wait3A_275 = tpu.memref_slice %arg2[%dma_wait3A_273, %dma_wait3A_274] : memref<1000000x64xf32, #tpu.memory_space<hbm>> -> memref<320x64xf32, #tpu.memory_space<hbm>>
      tpu.wait_dma2 semaphore(%dma_wait3A_268 : memref<!tpu.dma_semaphore, #tpu.memory_space<semaphore_mem>>) src(%dma_wait3A_275 : memref<320x64xf32, #tpu.memory_space<hbm>>) dst(%dma_wait3A_272 : memref<320x64xf32, #tpu.memory_space<vmem>>)
      %ge3A_276 = arith.constant 2 : i32
      %ge3A_277 = arith.cmpi sge, %add3A_251, %ge3A_276 : i32
      %convert_element_type3A_278 = arith.extui %ge3A_277 : i1 to i32
      %cond3A_279 = arith.constant 0 : i32
      %cond3A_280 = arith.cmpi ne, %convert_element_type3A_278, %cond3A_279 : i32
      scf.if %cond3A_280 {
        %dma_wait3A_335 = arith.constant 1 : i32
        %dma_wait3A_336 = arith.constant 1 : i32
        %dma_wait3A_337 = arith.constant 0 : i32
        %dma_wait3A_338 = arith.constant 0 : i32
        %dma_wait3A_339 = tpu.memref_slice %arg5[%dma_wait3A_335, %dma_wait3A_337, %dma_wait3A_338] : memref<2x160x128xf32, #tpu.memory_space<vmem>> -> memref<1x160x128xf32, #tpu.memory_space<vmem>>
        %dma_wait3A_340 = tpu.memref_squeeze %dma_wait3A_339 : memref<1x160x128xf32, #tpu.memory_space<vmem>> -> memref<160x128xf32, #tpu.memory_space<vmem>>
        %dma_wait3A_341 = arith.constant 0 : i32
        %dma_wait3A_342 = arith.constant 0 : i32
        %dma_wait3A_343 = tpu.memref_slice %arg3[%dma_wait3A_341, %dma_wait3A_342] : memref<500000x128xf32, #tpu.memory_space<hbm>> -> memref<160x128xf32, #tpu.memory_space<hbm>>
        %dma_wait3A_344 = tpu.memref_slice %arg7[%dma_wait3A_336] : memref<2x!tpu.dma_semaphore, #tpu.memory_space<semaphore_mem>> -> memref<1x!tpu.dma_semaphore, #tpu.memory_space<semaphore_mem>>
        %dma_wait3A_345 = tpu.memref_squeeze %dma_wait3A_344 : memref<1x!tpu.dma_semaphore, #tpu.memory_space<semaphore_mem>> -> memref<!tpu.dma_semaphore, #tpu.memory_space<semaphore_mem>>
        %dma_wait3A_346 = arith.constant 0 : i32
        %dma_wait3A_347 = arith.constant 0 : i32
        %dma_wait3A_348 = tpu.memref_slice %arg3[%dma_wait3A_346, %dma_wait3A_347] : memref<500000x128xf32, #tpu.memory_space<hbm>> -> memref<160x128xf32, #tpu.memory_space<hbm>>
        %dma_wait3A_349 = arith.constant 0 : i32
        %dma_wait3A_350 = arith.constant 0 : i32
        %dma_wait3A_351 = tpu.memref_slice %arg5[%dma_wait3A_335, %dma_wait3A_349, %dma_wait3A_350] : memref<2x160x128xf32, #tpu.memory_space<vmem>> -> memref<1x160x128xf32, #tpu.memory_space<vmem>>
        %dma_wait3A_352 = tpu.memref_squeeze %dma_wait3A_351 : memref<1x160x128xf32, #tpu.memory_space<vmem>> -> memref<160x128xf32, #tpu.memory_space<vmem>>
        tpu.wait_dma2 semaphore(%dma_wait3A_345 : memref<!tpu.dma_semaphore, #tpu.memory_space<semaphore_mem>>) src(%dma_wait3A_352 : memref<160x128xf32, #tpu.memory_space<vmem>>) dst(%dma_wait3A_348 : memref<160x128xf32, #tpu.memory_space<hbm>>)
      } else {
      }
      %parallel_loop3A_281 = arith.constant 0 : i32
      %parallel_loop3A_282 = arith.constant 160 : i32
      %parallel_loop3A_283 = arith.constant 1 : i32
      scf.for %parallel_loop3A_335 = %parallel_loop3A_281 to %parallel_loop3A_282 step %parallel_loop3A_283  : i32 {
        %parallel_loop3A_336 = arith.constant 2 : i32
        %parallel_loop3A_337 = arith.muli %parallel_loop3A_336, %parallel_loop3A_335 : i32
        %parallel_loop3A_338 = arith.constant 0 : i32
        %parallel_loop3A_339 = arith.addi %parallel_loop3A_337, %parallel_loop3A_338 : i32
        %parallel_loop3A_340 = arith.constant 1 : i32
        %parallel_loop3A_341 = arith.index_cast %parallel_loop3A_340 : i32 to index
        %parallel_loop3A_342 = arith.index_cast %parallel_loop3A_339 : i32 to index
        %parallel_loop3A_343 = arith.constant 0 : index
        %parallel_loop3A_344 = tpu.vector_load %arg4[%parallel_loop3A_341, %parallel_loop3A_342, %parallel_loop3A_343] {strides = array<i32>} : memref<2x320x64xf32, #tpu.memory_space<vmem>>, vector<16xf32>,
        %parallel_loop3A_345 = arith.constant 1 : i32
        %parallel_loop3A_346 = arith.index_cast %parallel_loop3A_345 : i32 to index
        %parallel_loop3A_347 = arith.index_cast %parallel_loop3A_335 : i32 to index
        %parallel_loop3A_348 = arith.constant 0 : index
        %parallel_loop3A_349 = tpu.vector_load %arg5[%parallel_loop3A_346, %parallel_loop3A_347, %parallel_loop3A_348] {strides = array<i32>} : memref<2x160x128xf32, #tpu.memory_space<vmem>>, vector<16xf32>,
        tpu.vector_store %arg5[%parallel_loop3A_346, %parallel_loop3A_347, %parallel_loop3A_348], %parallel_loop3A_344 {strides = array<i32>} : memref<2x160x128xf32, #tpu.memory_space<vmem>>, vector<16xf32>,
        %parallel_loop3A_350 = arith.constant 2 : i32
        %parallel_loop3A_351 = arith.muli %parallel_loop3A_350, %parallel_loop3A_335 : i32
        %parallel_loop3A_352 = arith.constant 0 : i32
        %parallel_loop3A_353 = arith.addi %parallel_loop3A_351, %parallel_loop3A_352 : i32
        %parallel_loop3A_354 = arith.constant 1 : i32
        %parallel_loop3A_355 = arith.index_cast %parallel_loop3A_354 : i32 to index
        %parallel_loop3A_356 = arith.index_cast %parallel_loop3A_353 : i32 to index
        %parallel_loop3A_357 = arith.constant 16 : index
        %parallel_loop3A_358 = tpu.vector_load %arg4[%parallel_loop3A_355, %parallel_loop3A_356, %parallel_loop3A_357] {strides = array<i32>} : memref<2x320x64xf32, #tpu.memory_space<vmem>>, vector<16xf32>,
        %parallel_loop3A_359 = arith.constant 1 : i32
        %parallel_loop3A_360 = arith.index_cast %parallel_loop3A_359 : i32 to index
        %parallel_loop3A_361 = arith.index_cast %parallel_loop3A_335 : i32 to index
        %parallel_loop3A_362 = arith.constant 16 : index
        %parallel_loop3A_363 = tpu.vector_load %arg5[%parallel_loop3A_360, %parallel_loop3A_361, %parallel_loop3A_362] {strides = array<i32>} : memref<2x160x128xf32, #tpu.memory_space<vmem>>, vector<16xf32>,
        tpu.vector_store %arg5[%parallel_loop3A_360, %parallel_loop3A_361, %parallel_loop3A_362], %parallel_loop3A_358 {strides = array<i32>} : memref<2x160x128xf32, #tpu.memory_space<vmem>>, vector<16xf32>,
        %parallel_loop3A_364 = arith.constant 2 : i32
        %parallel_loop3A_365 = arith.muli %parallel_loop3A_364, %parallel_loop3A_335 : i32
        %parallel_loop3A_366 = arith.constant 0 : i32
        %parallel_loop3A_367 = arith.addi %parallel_loop3A_365, %parallel_loop3A_366 : i32
        %parallel_loop3A_368 = arith.constant 1 : i32
        %parallel_loop3A_369 = arith.index_cast %parallel_loop3A_368 : i32 to index
        %parallel_loop3A_370 = arith.index_cast %parallel_loop3A_367 : i32 to index
        %parallel_loop3A_371 = arith.constant 32 : index
        %parallel_loop3A_372 = tpu.vector_load %arg4[%parallel_loop3A_369, %parallel_loop3A_370, %parallel_loop3A_371] {strides = array<i32>} : memref<2x320x64xf32, #tpu.memory_space<vmem>>, vector<16xf32>,
        %parallel_loop3A_373 = arith.constant 1 : i32
        %parallel_loop3A_374 = arith.index_cast %parallel_loop3A_373 : i32 to index
        %parallel_loop3A_375 = arith.index_cast %parallel_loop3A_335 : i32 to index
        %parallel_loop3A_376 = arith.constant 32 : index
        %parallel_loop3A_377 = tpu.vector_load %arg5[%parallel_loop3A_374, %parallel_loop3A_375, %parallel_loop3A_376] {strides = array<i32>} : memref<2x160x128xf32, #tpu.memory_space<vmem>>, vector<16xf32>,
        tpu.vector_store %arg5[%parallel_loop3A_374, %parallel_loop3A_375, %parallel_loop3A_376], %parallel_loop3A_372 {strides = array<i32>} : memref<2x160x128xf32, #tpu.memory_space<vmem>>, vector<16xf32>,
        %parallel_loop3A_378 = arith.constant 2 : i32
        %parallel_loop3A_379 = arith.muli %parallel_loop3A_378, %parallel_loop3A_335 : i32
        %parallel_loop3A_380 = arith.constant 0 : i32
        %parallel_loop3A_381 = arith.addi %parallel_loop3A_379, %parallel_loop3A_380 : i32
        %parallel_loop3A_382 = arith.constant 1 : i32
        %parallel_loop3A_383 = arith.index_cast %parallel_loop3A_382 : i32 to index
        %parallel_loop3A_384 = arith.index_cast %parallel_loop3A_381 : i32 to index
        %parallel_loop3A_385 = arith.constant 48 : index
        %parallel_loop3A_386 = tpu.vector_load %arg4[%parallel_loop3A_383, %parallel_loop3A_384, %parallel_loop3A_385] {strides = array<i32>} : memref<2x320x64xf32, #tpu.memory_space<vmem>>, vector<16xf32>,
        %parallel_loop3A_387 = arith.constant 1 : i32
        %parallel_loop3A_388 = arith.index_cast %parallel_loop3A_387 : i32 to index
        %parallel_loop3A_389 = arith.index_cast %parallel_loop3A_335 : i32 to index
        %parallel_loop3A_390 = arith.constant 48 : index
        %parallel_loop3A_391 = tpu.vector_load %arg5[%parallel_loop3A_388, %parallel_loop3A_389, %parallel_loop3A_390] {strides = array<i32>} : memref<2x160x128xf32, #tpu.memory_space<vmem>>, vector<16xf32>,
        tpu.vector_store %arg5[%parallel_loop3A_388, %parallel_loop3A_389, %parallel_loop3A_390], %parallel_loop3A_386 {strides = array<i32>} : memref<2x160x128xf32, #tpu.memory_space<vmem>>, vector<16xf32>,
        %parallel_loop3A_392 = arith.constant 2 : i32
        %parallel_loop3A_393 = arith.muli %parallel_loop3A_392, %parallel_loop3A_335 : i32
        %parallel_loop3A_394 = arith.constant 1 : i32
        %parallel_loop3A_395 = arith.addi %parallel_loop3A_393, %parallel_loop3A_394 : i32
        %parallel_loop3A_396 = arith.constant 1 : i32
        %parallel_loop3A_397 = arith.index_cast %parallel_loop3A_396 : i32 to index
        %parallel_loop3A_398 = arith.index_cast %parallel_loop3A_395 : i32 to index
        %parallel_loop3A_399 = arith.constant 0 : index
        %parallel_loop3A_400 = tpu.vector_load %arg4[%parallel_loop3A_397, %parallel_loop3A_398, %parallel_loop3A_399] {strides = array<i32>} : memref<2x320x64xf32, #tpu.memory_space<vmem>>, vector<16xf32>,
        %parallel_loop3A_401 = arith.constant 1 : i32
        %parallel_loop3A_402 = arith.index_cast %parallel_loop3A_401 : i32 to index
        %parallel_loop3A_403 = arith.index_cast %parallel_loop3A_335 : i32 to index
        %parallel_loop3A_404 = arith.constant 64 : index
        %parallel_loop3A_405 = tpu.vector_load %arg5[%parallel_loop3A_402, %parallel_loop3A_403, %parallel_loop3A_404] {strides = array<i32>} : memref<2x160x128xf32, #tpu.memory_space<vmem>>, vector<16xf32>,
        tpu.vector_store %arg5[%parallel_loop3A_402, %parallel_loop3A_403, %parallel_loop3A_404], %parallel_loop3A_400 {strides = array<i32>} : memref<2x160x128xf32, #tpu.memory_space<vmem>>, vector<16xf32>,
        %parallel_loop3A_406 = arith.constant 2 : i32
        %parallel_loop3A_407 = arith.muli %parallel_loop3A_406, %parallel_loop3A_335 : i32
        %parallel_loop3A_408 = arith.constant 1 : i32
        %parallel_loop3A_409 = arith.addi %parallel_loop3A_407, %parallel_loop3A_408 : i32
        %parallel_loop3A_410 = arith.constant 1 : i32
        %parallel_loop3A_411 = arith.index_cast %parallel_loop3A_410 : i32 to index
        %parallel_loop3A_412 = arith.index_cast %parallel_loop3A_409 : i32 to index
        %parallel_loop3A_413 = arith.constant 16 : index
        %parallel_loop3A_414 = tpu.vector_load %arg4[%parallel_loop3A_411, %parallel_loop3A_412, %parallel_loop3A_413] {strides = array<i32>} : memref<2x320x64xf32, #tpu.memory_space<vmem>>, vector<16xf32>,
        %parallel_loop3A_415 = arith.constant 1 : i32
        %parallel_loop3A_416 = arith.index_cast %parallel_loop3A_415 : i32 to index
        %parallel_loop3A_417 = arith.index_cast %parallel_loop3A_335 : i32 to index
        %parallel_loop3A_418 = arith.constant 80 : index
        %parallel_loop3A_419 = tpu.vector_load %arg5[%parallel_loop3A_416, %parallel_loop3A_417, %parallel_loop3A_418] {strides = array<i32>} : memref<2x160x128xf32, #tpu.memory_space<vmem>>, vector<16xf32>,
        tpu.vector_store %arg5[%parallel_loop3A_416, %parallel_loop3A_417, %parallel_loop3A_418], %parallel_loop3A_414 {strides = array<i32>} : memref<2x160x128xf32, #tpu.memory_space<vmem>>, vector<16xf32>,
        %parallel_loop3A_420 = arith.constant 2 : i32
        %parallel_loop3A_421 = arith.muli %parallel_loop3A_420, %parallel_loop3A_335 : i32
        %parallel_loop3A_422 = arith.constant 1 : i32
        %parallel_loop3A_423 = arith.addi %parallel_loop3A_421, %parallel_loop3A_422 : i32
        %parallel_loop3A_424 = arith.constant 1 : i32
        %parallel_loop3A_425 = arith.index_cast %parallel_loop3A_424 : i32 to index
        %parallel_loop3A_426 = arith.index_cast %parallel_loop3A_423 : i32 to index
        %parallel_loop3A_427 = arith.constant 32 : index
        %parallel_loop3A_428 = tpu.vector_load %arg4[%parallel_loop3A_425, %parallel_loop3A_426, %parallel_loop3A_427] {strides = array<i32>} : memref<2x320x64xf32, #tpu.memory_space<vmem>>, vector<16xf32>,
        %parallel_loop3A_429 = arith.constant 1 : i32
        %parallel_loop3A_430 = arith.index_cast %parallel_loop3A_429 : i32 to index
        %parallel_loop3A_431 = arith.index_cast %parallel_loop3A_335 : i32 to index
        %parallel_loop3A_432 = arith.constant 96 : index
        %parallel_loop3A_433 = tpu.vector_load %arg5[%parallel_loop3A_430, %parallel_loop3A_431, %parallel_loop3A_432] {strides = array<i32>} : memref<2x160x128xf32, #tpu.memory_space<vmem>>, vector<16xf32>,
        tpu.vector_store %arg5[%parallel_loop3A_430, %parallel_loop3A_431, %parallel_loop3A_432], %parallel_loop3A_428 {strides = array<i32>} : memref<2x160x128xf32, #tpu.memory_space<vmem>>, vector<16xf32>,
        %parallel_loop3A_434 = arith.constant 2 : i32
        %parallel_loop3A_435 = arith.muli %parallel_loop3A_434, %parallel_loop3A_335 : i32
        %parallel_loop3A_436 = arith.constant 1 : i32
        %parallel_loop3A_437 = arith.addi %parallel_loop3A_435, %parallel_loop3A_436 : i32
        %parallel_loop3A_438 = arith.constant 1 : i32
        %parallel_loop3A_439 = arith.index_cast %parallel_loop3A_438 : i32 to index
        %parallel_loop3A_440 = arith.index_cast %parallel_loop3A_437 : i32 to index
        %parallel_loop3A_441 = arith.constant 48 : index
        %parallel_loop3A_442 = tpu.vector_load %arg4[%parallel_loop3A_439, %parallel_loop3A_440, %parallel_loop3A_441] {strides = array<i32>} : memref<2x320x64xf32, #tpu.memory_space<vmem>>, vector<16xf32>,
        %parallel_loop3A_443 = arith.constant 1 : i32
        %parallel_loop3A_444 = arith.index_cast %parallel_loop3A_443 : i32 to index
        %parallel_loop3A_445 = arith.index_cast %parallel_loop3A_335 : i32 to index
        %parallel_loop3A_446 = arith.constant 112 : index
        %parallel_loop3A_447 = tpu.vector_load %arg5[%parallel_loop3A_444, %parallel_loop3A_445, %parallel_loop3A_446] {strides = array<i32>} : memref<2x160x128xf32, #tpu.memory_space<vmem>>, vector<16xf32>,
        tpu.vector_store %arg5[%parallel_loop3A_444, %parallel_loop3A_445, %parallel_loop3A_446], %parallel_loop3A_442 {strides = array<i32>} : memref<2x160x128xf32, #tpu.memory_space<vmem>>, vector<16xf32>,
      } {sc.loop_unroll_factor = 4 : i64, sc.parallel_access}
      %add3A_284 = arith.addi %mul3A_2, %add3A_251 : i32
      %mul3A_285 = arith.constant 320 : i32
      %mul3A_286 = arith.muli %add3A_284, %mul3A_285 : i32
      %add3A_287 = arith.constant 3104 : i32
      %add3A_288 = arith.addi %add3A_287, %add3A : i32
      %mul3A_289 = arith.constant 320 : i32
      %mul3A_290 = arith.muli %add3A_288, %mul3A_289 : i32
      %lt3A_291 = arith.constant 97 : i32
      %lt3A_292 = arith.cmpi slt, %add3A_251, %lt3A_291 : i32
      %select_n3A_293 = arith.select %lt3A_292, %mul3A_286, %mul3A_290 : i32
      %jit3A_294 = arith.constant 2 : i32
      %div3A_295 = arith.divsi %select_n3A_293, %jit3A_294 : i32
      %sign3A_296 = arith.constant 0 : i32
      %sign3A_297 = arith.cmpi sgt, %select_n3A_293, %sign3A_296 : i32
      %sign3A_298 = arith.extui %sign3A_297 : i1 to i32
      %sign3A_299 = arith.constant 0 : i32
      %sign3A_300 = arith.cmpi slt, %select_n3A_293, %sign3A_299 : i32
      %sign3A_301 = arith.extui %sign3A_300 : i1 to i32
      %sign3A_302 = arith.subi %sign3A_298, %sign3A_301 : i32
      %sign3A_303 = arith.constant 0 : i32
      %sign3A_304 = arith.cmpi sgt, %jit3A_294, %sign3A_303 : i32
      %sign3A_305 = arith.extui %sign3A_304 : i1 to i32
      %sign3A_306 = arith.constant 0 : i32
      %sign3A_307 = arith.cmpi slt, %jit3A_294, %sign3A_306 : i32
      %sign3A_308 = arith.extui %sign3A_307 : i1 to i32
      %sign3A_309 = arith.subi %sign3A_305, %sign3A_308 : i32
      %ne3A_310 = arith.cmpi ne, %sign3A_302, %sign3A_309 : i32
      %rem3A_311 = arith.remsi %select_n3A_293, %jit3A_294 : i32
      %ne3A_312 = arith.constant 0 : i32
      %ne3A_313 = arith.cmpi ne, %rem3A_311, %ne3A_312 : i32
      %and3A_314 = arith.andi %ne3A_310, %ne3A_313 : i1
      %sub3A_315 = arith.constant 1 : i32
      %sub3A_316 = arith.subi %div3A_295, %sub3A_315 : i32
      %select_n3A_317 = arith.select %and3A_314, %sub3A_316, %div3A_295 : i32
      %multiple_of3A_318 = tpu.assume_multiple %select_n3A_317, 8 : i32
      %dma_start3A_319 = arith.constant 1 : i32
      %dma_start3A_320 = arith.constant 1 : i32
      %dma_start3A_321 = arith.constant 0 : i32
      %dma_start3A_322 = arith.constant 0 : i32
      %dma_start3A_323 = tpu.memref_slice %arg5[%dma_start3A_319, %dma_start3A_321, %dma_start3A_322] : memref<2x160x128xf32, #tpu.memory_space<vmem>> -> memref<1x160x128xf32, #tpu.memory_space<vmem>>
      %dma_start3A_324 = tpu.memref_squeeze %dma_start3A_323 : memref<1x160x128xf32, #tpu.memory_space<vmem>> -> memref<160x128xf32, #tpu.memory_space<vmem>>
      %dma_start3A_325 = arith.constant 0 : i32
      %dma_start3A_326 = tpu.memref_slice %arg3[%multiple_of3A_318, %dma_start3A_325] : memref<500000x128xf32, #tpu.memory_space<hbm>> -> memref<160x128xf32, #tpu.memory_space<hbm>>
      %dma_start3A_327 = tpu.memref_slice %arg7[%dma_start3A_320] : memref<2x!tpu.dma_semaphore, #tpu.memory_space<semaphore_mem>> -> memref<1x!tpu.dma_semaphore, #tpu.memory_space<semaphore_mem>>
      %dma_start3A_328 = tpu.memref_squeeze %dma_start3A_327 : memref<1x!tpu.dma_semaphore, #tpu.memory_space<semaphore_mem>> -> memref<!tpu.dma_semaphore, #tpu.memory_space<semaphore_mem>>
      %dma_start3A_329 = arith.constant 0 : i32
      %dma_start3A_330 = tpu.memref_slice %arg3[%multiple_of3A_318, %dma_start3A_329] : memref<500000x128xf32, #tpu.memory_space<hbm>> -> memref<160x128xf32, #tpu.memory_space<hbm>>
      %dma_start3A_331 = arith.constant 0 : i32
      %dma_start3A_332 = arith.constant 0 : i32
      %dma_start3A_333 = tpu.memref_slice %arg5[%dma_start3A_319, %dma_start3A_331, %dma_start3A_332] : memref<2x160x128xf32, #tpu.memory_space<vmem>> -> memref<1x160x128xf32, #tpu.memory_space<vmem>>
      %dma_start3A_334 = tpu.memref_squeeze %dma_start3A_333 : memref<1x160x128xf32, #tpu.memory_space<vmem>> -> memref<160x128xf32, #tpu.memory_space<vmem>>
      tpu.enqueue_dma source(%dma_start3A_334 : memref<160x128xf32, #tpu.memory_space<vmem>>) target(%dma_start3A_330 : memref<160x128xf32, #tpu.memory_space<hbm>>) target_semaphore(%dma_start3A_328 : memref<!tpu.dma_semaphore, #tpu.memory_space<semaphore_mem>>)
    }
    %scan3A_36 = arith.constant 48 : i32
    %gt3A = arith.constant 97 : i32
    %gt3A_37 = arith.cmpi sgt, %add3A_6, %gt3A : i32
    %convert_element_type3A = arith.extui %gt3A_37 : i1 to i32
    %cond3A = arith.constant 0 : i32
    %cond3A_38 = arith.cmpi ne, %convert_element_type3A, %cond3A : i32
    scf.if %cond3A_38 {
      %add3A_161 = arith.constant 97 : i32
      %add3A_162 = arith.addi %mul3A_2, %add3A_161 : i32
      %mul3A_163 = arith.constant 320 : i32
      %mul3A_164 = arith.muli %add3A_162, %mul3A_163 : i32
      %add3A_165 = arith.constant 3104 : i32
      %add3A_166 = arith.addi %add3A_165, %add3A : i32
      %mul3A_167 = arith.constant 320 : i32
      %mul3A_168 = arith.muli %add3A_166, %mul3A_167 : i32
      %jit3A_169 = arith.constant false
      %select_n3A_170 = arith.select %jit3A_169, %mul3A_164, %mul3A_168 : i32
      %multiple_of3A_171 = tpu.assume_multiple %select_n3A_170, 8 : i32
      %dma_start3A_172 = arith.constant 1 : i32
      %dma_start3A_173 = arith.constant 1 : i32
      %dma_start3A_174 = arith.constant 0 : i32
      %dma_start3A_175 = arith.constant 0 : i32
      %dma_start3A_176 = tpu.memref_slice %arg4[%dma_start3A_172, %dma_start3A_174, %dma_start3A_175] : memref<2x320x64xf32, #tpu.memory_space<vmem>> -> memref<1x320x64xf32, #tpu.memory_space<vmem>>
      %dma_start3A_177 = tpu.memref_squeeze %dma_start3A_176 : memref<1x320x64xf32, #tpu.memory_space<vmem>> -> memref<320x64xf32, #tpu.memory_space<vmem>>
      %dma_start3A_178 = arith.constant 0 : i32
      %dma_start3A_179 = tpu.memref_slice %arg2[%multiple_of3A_171, %dma_start3A_178] : memref<1000000x64xf32, #tpu.memory_space<hbm>> -> memref<320x64xf32, #tpu.memory_space<hbm>>
      %dma_start3A_180 = tpu.memref_slice %arg6[%dma_start3A_173] : memref<2x!tpu.dma_semaphore, #tpu.memory_space<semaphore_mem>> -> memref<1x!tpu.dma_semaphore, #tpu.memory_space<semaphore_mem>>
      %dma_start3A_181 = tpu.memref_squeeze %dma_start3A_180 : memref<1x!tpu.dma_semaphore, #tpu.memory_space<semaphore_mem>> -> memref<!tpu.dma_semaphore, #tpu.memory_space<semaphore_mem>>
      %dma_start3A_182 = arith.constant 0 : i32
      %dma_start3A_183 = arith.constant 0 : i32
      %dma_start3A_184 = tpu.memref_slice %arg4[%dma_start3A_172, %dma_start3A_182, %dma_start3A_183] : memref<2x320x64xf32, #tpu.memory_space<vmem>> -> memref<1x320x64xf32, #tpu.memory_space<vmem>>
      %dma_start3A_185 = tpu.memref_squeeze %dma_start3A_184 : memref<1x320x64xf32, #tpu.memory_space<vmem>> -> memref<320x64xf32, #tpu.memory_space<vmem>>
      %dma_start3A_186 = arith.constant 0 : i32
      %dma_start3A_187 = tpu.memref_slice %arg2[%multiple_of3A_171, %dma_start3A_186] : memref<1000000x64xf32, #tpu.memory_space<hbm>> -> memref<320x64xf32, #tpu.memory_space<hbm>>
      tpu.enqueue_dma source(%dma_start3A_187 : memref<320x64xf32, #tpu.memory_space<hbm>>) target(%dma_start3A_185 : memref<320x64xf32, #tpu.memory_space<vmem>>) target_semaphore(%dma_start3A_181 : memref<!tpu.dma_semaphore, #tpu.memory_space<semaphore_mem>>)
    } else {
    }
    %dma_wait3A = arith.constant 0 : i32
    %dma_wait3A_39 = arith.constant 0 : i32
    %dma_wait3A_40 = arith.constant 0 : i32
    %dma_wait3A_41 = arith.constant 0 : i32
    %dma_wait3A_42 = tpu.memref_slice %arg4[%dma_wait3A, %dma_wait3A_40, %dma_wait3A_41] : memref<2x320x64xf32, #tpu.memory_space<vmem>> -> memref<1x320x64xf32, #tpu.memory_space<vmem>>
    %dma_wait3A_43 = tpu.memref_squeeze %dma_wait3A_42 : memref<1x320x64xf32, #tpu.memory_space<vmem>> -> memref<320x64xf32, #tpu.memory_space<vmem>>
    %dma_wait3A_44 = arith.constant 0 : i32
    %dma_wait3A_45 = arith.constant 0 : i32
    %dma_wait3A_46 = tpu.memref_slice %arg2[%dma_wait3A_44, %dma_wait3A_45] : memref<1000000x64xf32, #tpu.memory_space<hbm>> -> memref<320x64xf32, #tpu.memory_space<hbm>>
    %dma_wait3A_47 = tpu.memref_slice %arg6[%dma_wait3A_39] : memref<2x!tpu.dma_semaphore, #tpu.memory_space<semaphore_mem>> -> memref<1x!tpu.dma_semaphore, #tpu.memory_space<semaphore_mem>>
    %dma_wait3A_48 = tpu.memref_squeeze %dma_wait3A_47 : memref<1x!tpu.dma_semaphore, #tpu.memory_space<semaphore_mem>> -> memref<!tpu.dma_semaphore, #tpu.memory_space<semaphore_mem>>
    %dma_wait3A_49 = arith.constant 0 : i32
    %dma_wait3A_50 = arith.constant 0 : i32
    %dma_wait3A_51 = tpu.memref_slice %arg4[%dma_wait3A, %dma_wait3A_49, %dma_wait3A_50] : memref<2x320x64xf32, #tpu.memory_space<vmem>> -> memref<1x320x64xf32, #tpu.memory_space<vmem>>
    %dma_wait3A_52 = tpu.memref_squeeze %dma_wait3A_51 : memref<1x320x64xf32, #tpu.memory_space<vmem>> -> memref<320x64xf32, #tpu.memory_space<vmem>>
    %dma_wait3A_53 = arith.constant 0 : i32
    %dma_wait3A_54 = arith.constant 0 : i32
    %dma_wait3A_55 = tpu.memref_slice %arg2[%dma_wait3A_53, %dma_wait3A_54] : memref<1000000x64xf32, #tpu.memory_space<hbm>> -> memref<320x64xf32, #tpu.memory_space<hbm>>
    tpu.wait_dma2 semaphore(%dma_wait3A_48 : memref<!tpu.dma_semaphore, #tpu.memory_space<semaphore_mem>>) src(%dma_wait3A_55 : memref<320x64xf32, #tpu.memory_space<hbm>>) dst(%dma_wait3A_52 : memref<320x64xf32, #tpu.memory_space<vmem>>)
    %dma_wait3A_56 = arith.constant 0 : i32
    %dma_wait3A_57 = arith.constant 0 : i32
    %dma_wait3A_58 = arith.constant 0 : i32
    %dma_wait3A_59 = arith.constant 0 : i32
    %dma_wait3A_60 = tpu.memref_slice %arg5[%dma_wait3A_56, %dma_wait3A_58, %dma_wait3A_59] : memref<2x160x128xf32, #tpu.memory_space<vmem>> -> memref<1x160x128xf32, #tpu.memory_space<vmem>>
    %dma_wait3A_61 = tpu.memref_squeeze %dma_wait3A_60 : memref<1x160x128xf32, #tpu.memory_space<vmem>> -> memref<160x128xf32, #tpu.memory_space<vmem>>
    %dma_wait3A_62 = arith.constant 0 : i32
    %dma_wait3A_63 = arith.constant 0 : i32
    %dma_wait3A_64 = tpu.memref_slice %arg3[%dma_wait3A_62, %dma_wait3A_63] : memref<500000x128xf32, #tpu.memory_space<hbm>> -> memref<160x128xf32, #tpu.memory_space<hbm>>
    %dma_wait3A_65 = tpu.memref_slice %arg7[%dma_wait3A_57] : memref<2x!tpu.dma_semaphore, #tpu.memory_space<semaphore_mem>> -> memref<1x!tpu.dma_semaphore, #tpu.memory_space<semaphore_mem>>
    %dma_wait3A_66 = tpu.memref_squeeze %dma_wait3A_65 : memref<1x!tpu.dma_semaphore, #tpu.memory_space<semaphore_mem>> -> memref<!tpu.dma_semaphore, #tpu.memory_space<semaphore_mem>>
    %dma_wait3A_67 = arith.constant 0 : i32
    %dma_wait3A_68 = arith.constant 0 : i32
    %dma_wait3A_69 = tpu.memref_slice %arg3[%dma_wait3A_67, %dma_wait3A_68] : memref<500000x128xf32, #tpu.memory_space<hbm>> -> memref<160x128xf32, #tpu.memory_space<hbm>>
    %dma_wait3A_70 = arith.constant 0 : i32
    %dma_wait3A_71 = arith.constant 0 : i32
    %dma_wait3A_72 = tpu.memref_slice %arg5[%dma_wait3A_56, %dma_wait3A_70, %dma_wait3A_71] : memref<2x160x128xf32, #tpu.memory_space<vmem>> -> memref<1x160x128xf32, #tpu.memory_space<vmem>>
    %dma_wait3A_73 = tpu.memref_squeeze %dma_wait3A_72 : memref<1x160x128xf32, #tpu.memory_space<vmem>> -> memref<160x128xf32, #tpu.memory_space<vmem>>
    tpu.wait_dma2 semaphore(%dma_wait3A_66 : memref<!tpu.dma_semaphore, #tpu.memory_space<semaphore_mem>>) src(%dma_wait3A_73 : memref<160x128xf32, #tpu.memory_space<vmem>>) dst(%dma_wait3A_69 : memref<160x128xf32, #tpu.memory_space<hbm>>)
    %parallel_loop3A = arith.constant 0 : i32
    %parallel_loop3A_74 = arith.constant 160 : i32
    %parallel_loop3A_75 = arith.constant 1 : i32
    scf.for %parallel_loop3A_161 = %parallel_loop3A to %parallel_loop3A_74 step %parallel_loop3A_75  : i32 {
      %parallel_loop3A_162 = arith.constant 2 : i32
      %parallel_loop3A_163 = arith.muli %parallel_loop3A_162, %parallel_loop3A_161 : i32
      %parallel_loop3A_164 = arith.constant 0 : i32
      %parallel_loop3A_165 = arith.addi %parallel_loop3A_163, %parallel_loop3A_164 : i32
      %parallel_loop3A_166 = arith.constant 0 : i32
      %parallel_loop3A_167 = arith.index_cast %parallel_loop3A_166 : i32 to index
      %parallel_loop3A_168 = arith.index_cast %parallel_loop3A_165 : i32 to index
      %parallel_loop3A_169 = arith.constant 0 : index
      %parallel_loop3A_170 = tpu.vector_load %arg4[%parallel_loop3A_167, %parallel_loop3A_168, %parallel_loop3A_169] {strides = array<i32>} : memref<2x320x64xf32, #tpu.memory_space<vmem>>, vector<16xf32>,
      %parallel_loop3A_171 = arith.constant 0 : i32
      %parallel_loop3A_172 = arith.index_cast %parallel_loop3A_171 : i32 to index
      %parallel_loop3A_173 = arith.index_cast %parallel_loop3A_161 : i32 to index
      %parallel_loop3A_174 = arith.constant 0 : index
      %parallel_loop3A_175 = tpu.vector_load %arg5[%parallel_loop3A_172, %parallel_loop3A_173, %parallel_loop3A_174] {strides = array<i32>} : memref<2x160x128xf32, #tpu.memory_space<vmem>>, vector<16xf32>,
      tpu.vector_store %arg5[%parallel_loop3A_172, %parallel_loop3A_173, %parallel_loop3A_174], %parallel_loop3A_170 {strides = array<i32>} : memref<2x160x128xf32, #tpu.memory_space<vmem>>, vector<16xf32>,
      %parallel_loop3A_176 = arith.constant 2 : i32
      %parallel_loop3A_177 = arith.muli %parallel_loop3A_176, %parallel_loop3A_161 : i32
      %parallel_loop3A_178 = arith.constant 0 : i32
      %parallel_loop3A_179 = arith.addi %parallel_loop3A_177, %parallel_loop3A_178 : i32
      %parallel_loop3A_180 = arith.constant 0 : i32
      %parallel_loop3A_181 = arith.index_cast %parallel_loop3A_180 : i32 to index
      %parallel_loop3A_182 = arith.index_cast %parallel_loop3A_179 : i32 to index
      %parallel_loop3A_183 = arith.constant 16 : index
      %parallel_loop3A_184 = tpu.vector_load %arg4[%parallel_loop3A_181, %parallel_loop3A_182, %parallel_loop3A_183] {strides = array<i32>} : memref<2x320x64xf32, #tpu.memory_space<vmem>>, vector<16xf32>,
      %parallel_loop3A_185 = arith.constant 0 : i32
      %parallel_loop3A_186 = arith.index_cast %parallel_loop3A_185 : i32 to index
      %parallel_loop3A_187 = arith.index_cast %parallel_loop3A_161 : i32 to index
      %parallel_loop3A_188 = arith.constant 16 : index
      %parallel_loop3A_189 = tpu.vector_load %arg5[%parallel_loop3A_186, %parallel_loop3A_187, %parallel_loop3A_188] {strides = array<i32>} : memref<2x160x128xf32, #tpu.memory_space<vmem>>, vector<16xf32>,
      tpu.vector_store %arg5[%parallel_loop3A_186, %parallel_loop3A_187, %parallel_loop3A_188], %parallel_loop3A_184 {strides = array<i32>} : memref<2x160x128xf32, #tpu.memory_space<vmem>>, vector<16xf32>,
      %parallel_loop3A_190 = arith.constant 2 : i32
      %parallel_loop3A_191 = arith.muli %parallel_loop3A_190, %parallel_loop3A_161 : i32
      %parallel_loop3A_192 = arith.constant 0 : i32
      %parallel_loop3A_193 = arith.addi %parallel_loop3A_191, %parallel_loop3A_192 : i32
      %parallel_loop3A_194 = arith.constant 0 : i32
      %parallel_loop3A_195 = arith.index_cast %parallel_loop3A_194 : i32 to index
      %parallel_loop3A_196 = arith.index_cast %parallel_loop3A_193 : i32 to index
      %parallel_loop3A_197 = arith.constant 32 : index
      %parallel_loop3A_198 = tpu.vector_load %arg4[%parallel_loop3A_195, %parallel_loop3A_196, %parallel_loop3A_197] {strides = array<i32>} : memref<2x320x64xf32, #tpu.memory_space<vmem>>, vector<16xf32>,
      %parallel_loop3A_199 = arith.constant 0 : i32
      %parallel_loop3A_200 = arith.index_cast %parallel_loop3A_199 : i32 to index
      %parallel_loop3A_201 = arith.index_cast %parallel_loop3A_161 : i32 to index
      %parallel_loop3A_202 = arith.constant 32 : index
      %parallel_loop3A_203 = tpu.vector_load %arg5[%parallel_loop3A_200, %parallel_loop3A_201, %parallel_loop3A_202] {strides = array<i32>} : memref<2x160x128xf32, #tpu.memory_space<vmem>>, vector<16xf32>,
      tpu.vector_store %arg5[%parallel_loop3A_200, %parallel_loop3A_201, %parallel_loop3A_202], %parallel_loop3A_198 {strides = array<i32>} : memref<2x160x128xf32, #tpu.memory_space<vmem>>, vector<16xf32>,
      %parallel_loop3A_204 = arith.constant 2 : i32
      %parallel_loop3A_205 = arith.muli %parallel_loop3A_204, %parallel_loop3A_161 : i32
      %parallel_loop3A_206 = arith.constant 0 : i32
      %parallel_loop3A_207 = arith.addi %parallel_loop3A_205, %parallel_loop3A_206 : i32
      %parallel_loop3A_208 = arith.constant 0 : i32
      %parallel_loop3A_209 = arith.index_cast %parallel_loop3A_208 : i32 to index
      %parallel_loop3A_210 = arith.index_cast %parallel_loop3A_207 : i32 to index
      %parallel_loop3A_211 = arith.constant 48 : index
      %parallel_loop3A_212 = tpu.vector_load %arg4[%parallel_loop3A_209, %parallel_loop3A_210, %parallel_loop3A_211] {strides = array<i32>} : memref<2x320x64xf32, #tpu.memory_space<vmem>>, vector<16xf32>,
      %parallel_loop3A_213 = arith.constant 0 : i32
      %parallel_loop3A_214 = arith.index_cast %parallel_loop3A_213 : i32 to index
      %parallel_loop3A_215 = arith.index_cast %parallel_loop3A_161 : i32 to index
      %parallel_loop3A_216 = arith.constant 48 : index
      %parallel_loop3A_217 = tpu.vector_load %arg5[%parallel_loop3A_214, %parallel_loop3A_215, %parallel_loop3A_216] {strides = array<i32>} : memref<2x160x128xf32, #tpu.memory_space<vmem>>, vector<16xf32>,
      tpu.vector_store %arg5[%parallel_loop3A_214, %parallel_loop3A_215, %parallel_loop3A_216], %parallel_loop3A_212 {strides = array<i32>} : memref<2x160x128xf32, #tpu.memory_space<vmem>>, vector<16xf32>,
      %parallel_loop3A_218 = arith.constant 2 : i32
      %parallel_loop3A_219 = arith.muli %parallel_loop3A_218, %parallel_loop3A_161 : i32
      %parallel_loop3A_220 = arith.constant 1 : i32
      %parallel_loop3A_221 = arith.addi %parallel_loop3A_219, %parallel_loop3A_220 : i32
      %parallel_loop3A_222 = arith.constant 0 : i32
      %parallel_loop3A_223 = arith.index_cast %parallel_loop3A_222 : i32 to index
      %parallel_loop3A_224 = arith.index_cast %parallel_loop3A_221 : i32 to index
      %parallel_loop3A_225 = arith.constant 0 : index
      %parallel_loop3A_226 = tpu.vector_load %arg4[%parallel_loop3A_223, %parallel_loop3A_224, %parallel_loop3A_225] {strides = array<i32>} : memref<2x320x64xf32, #tpu.memory_space<vmem>>, vector<16xf32>,
      %parallel_loop3A_227 = arith.constant 0 : i32
      %parallel_loop3A_228 = arith.index_cast %parallel_loop3A_227 : i32 to index
      %parallel_loop3A_229 = arith.index_cast %parallel_loop3A_161 : i32 to index
      %parallel_loop3A_230 = arith.constant 64 : index
      %parallel_loop3A_231 = tpu.vector_load %arg5[%parallel_loop3A_228, %parallel_loop3A_229, %parallel_loop3A_230] {strides = array<i32>} : memref<2x160x128xf32, #tpu.memory_space<vmem>>, vector<16xf32>,
      tpu.vector_store %arg5[%parallel_loop3A_228, %parallel_loop3A_229, %parallel_loop3A_230], %parallel_loop3A_226 {strides = array<i32>} : memref<2x160x128xf32, #tpu.memory_space<vmem>>, vector<16xf32>,
      %parallel_loop3A_232 = arith.constant 2 : i32
      %parallel_loop3A_233 = arith.muli %parallel_loop3A_232, %parallel_loop3A_161 : i32
      %parallel_loop3A_234 = arith.constant 1 : i32
      %parallel_loop3A_235 = arith.addi %parallel_loop3A_233, %parallel_loop3A_234 : i32
      %parallel_loop3A_236 = arith.constant 0 : i32
      %parallel_loop3A_237 = arith.index_cast %parallel_loop3A_236 : i32 to index
      %parallel_loop3A_238 = arith.index_cast %parallel_loop3A_235 : i32 to index
      %parallel_loop3A_239 = arith.constant 16 : index
      %parallel_loop3A_240 = tpu.vector_load %arg4[%parallel_loop3A_237, %parallel_loop3A_238, %parallel_loop3A_239] {strides = array<i32>} : memref<2x320x64xf32, #tpu.memory_space<vmem>>, vector<16xf32>,
      %parallel_loop3A_241 = arith.constant 0 : i32
      %parallel_loop3A_242 = arith.index_cast %parallel_loop3A_241 : i32 to index
      %parallel_loop3A_243 = arith.index_cast %parallel_loop3A_161 : i32 to index
      %parallel_loop3A_244 = arith.constant 80 : index
      %parallel_loop3A_245 = tpu.vector_load %arg5[%parallel_loop3A_242, %parallel_loop3A_243, %parallel_loop3A_244] {strides = array<i32>} : memref<2x160x128xf32, #tpu.memory_space<vmem>>, vector<16xf32>,
      tpu.vector_store %arg5[%parallel_loop3A_242, %parallel_loop3A_243, %parallel_loop3A_244], %parallel_loop3A_240 {strides = array<i32>} : memref<2x160x128xf32, #tpu.memory_space<vmem>>, vector<16xf32>,
      %parallel_loop3A_246 = arith.constant 2 : i32
      %parallel_loop3A_247 = arith.muli %parallel_loop3A_246, %parallel_loop3A_161 : i32
      %parallel_loop3A_248 = arith.constant 1 : i32
      %parallel_loop3A_249 = arith.addi %parallel_loop3A_247, %parallel_loop3A_248 : i32
      %parallel_loop3A_250 = arith.constant 0 : i32
      %parallel_loop3A_251 = arith.index_cast %parallel_loop3A_250 : i32 to index
      %parallel_loop3A_252 = arith.index_cast %parallel_loop3A_249 : i32 to index
      %parallel_loop3A_253 = arith.constant 32 : index
      %parallel_loop3A_254 = tpu.vector_load %arg4[%parallel_loop3A_251, %parallel_loop3A_252, %parallel_loop3A_253] {strides = array<i32>} : memref<2x320x64xf32, #tpu.memory_space<vmem>>, vector<16xf32>,
      %parallel_loop3A_255 = arith.constant 0 : i32
      %parallel_loop3A_256 = arith.index_cast %parallel_loop3A_255 : i32 to index
      %parallel_loop3A_257 = arith.index_cast %parallel_loop3A_161 : i32 to index
      %parallel_loop3A_258 = arith.constant 96 : index
      %parallel_loop3A_259 = tpu.vector_load %arg5[%parallel_loop3A_256, %parallel_loop3A_257, %parallel_loop3A_258] {strides = array<i32>} : memref<2x160x128xf32, #tpu.memory_space<vmem>>, vector<16xf32>,
      tpu.vector_store %arg5[%parallel_loop3A_256, %parallel_loop3A_257, %parallel_loop3A_258], %parallel_loop3A_254 {strides = array<i32>} : memref<2x160x128xf32, #tpu.memory_space<vmem>>, vector<16xf32>,
      %parallel_loop3A_260 = arith.constant 2 : i32
      %parallel_loop3A_261 = arith.muli %parallel_loop3A_260, %parallel_loop3A_161 : i32
      %parallel_loop3A_262 = arith.constant 1 : i32
      %parallel_loop3A_263 = arith.addi %parallel_loop3A_261, %parallel_loop3A_262 : i32
      %parallel_loop3A_264 = arith.constant 0 : i32
      %parallel_loop3A_265 = arith.index_cast %parallel_loop3A_264 : i32 to index
      %parallel_loop3A_266 = arith.index_cast %parallel_loop3A_263 : i32 to index
      %parallel_loop3A_267 = arith.constant 48 : index
      %parallel_loop3A_268 = tpu.vector_load %arg4[%parallel_loop3A_265, %parallel_loop3A_266, %parallel_loop3A_267] {strides = array<i32>} : memref<2x320x64xf32, #tpu.memory_space<vmem>>, vector<16xf32>,
      %parallel_loop3A_269 = arith.constant 0 : i32
      %parallel_loop3A_270 = arith.index_cast %parallel_loop3A_269 : i32 to index
      %parallel_loop3A_271 = arith.index_cast %parallel_loop3A_161 : i32 to index
      %parallel_loop3A_272 = arith.constant 112 : index
      %parallel_loop3A_273 = tpu.vector_load %arg5[%parallel_loop3A_270, %parallel_loop3A_271, %parallel_loop3A_272] {strides = array<i32>} : memref<2x160x128xf32, #tpu.memory_space<vmem>>, vector<16xf32>,
      tpu.vector_store %arg5[%parallel_loop3A_270, %parallel_loop3A_271, %parallel_loop3A_272], %parallel_loop3A_268 {strides = array<i32>} : memref<2x160x128xf32, #tpu.memory_space<vmem>>, vector<16xf32>,
    } {sc.loop_unroll_factor = 4 : i64, sc.parallel_access}
    %add3A_76 = arith.constant 96 : i32
    %add3A_77 = arith.addi %mul3A_2, %add3A_76 : i32
    %mul3A_78 = arith.constant 320 : i32
    %mul3A_79 = arith.muli %add3A_77, %mul3A_78 : i32
    %add3A_80 = arith.constant 3104 : i32
    %add3A_81 = arith.addi %add3A_80, %add3A : i32
    %mul3A_82 = arith.constant 320 : i32
    %mul3A_83 = arith.muli %add3A_81, %mul3A_82 : i32
    %jit3A_84 = arith.constant true
    %select_n3A_85 = arith.select %jit3A_84, %mul3A_79, %mul3A_83 : i32
    %jit3A_86 = arith.constant 2 : i32
    %div3A = arith.divsi %select_n3A_85, %jit3A_86 : i32
    %sign3A = arith.constant 0 : i32
    %sign3A_87 = arith.cmpi sgt, %select_n3A_85, %sign3A : i32
    %sign3A_88 = arith.extui %sign3A_87 : i1 to i32
    %sign3A_89 = arith.constant 0 : i32
    %sign3A_90 = arith.cmpi slt, %select_n3A_85, %sign3A_89 : i32
    %sign3A_91 = arith.extui %sign3A_90 : i1 to i32
    %sign3A_92 = arith.subi %sign3A_88, %sign3A_91 : i32
    %sign3A_93 = arith.constant 0 : i32
    %sign3A_94 = arith.cmpi sgt, %jit3A_86, %sign3A_93 : i32
    %sign3A_95 = arith.extui %sign3A_94 : i1 to i32
    %sign3A_96 = arith.constant 0 : i32
    %sign3A_97 = arith.cmpi slt, %jit3A_86, %sign3A_96 : i32
    %sign3A_98 = arith.extui %sign3A_97 : i1 to i32
    %sign3A_99 = arith.subi %sign3A_95, %sign3A_98 : i32
    %ne3A = arith.cmpi ne, %sign3A_92, %sign3A_99 : i32
    %rem3A = arith.remsi %select_n3A_85, %jit3A_86 : i32
    %ne3A_100 = arith.constant 0 : i32
    %ne3A_101 = arith.cmpi ne, %rem3A, %ne3A_100 : i32
    %and3A = arith.andi %ne3A, %ne3A_101 : i1
    %sub3A = arith.constant 1 : i32
    %sub3A_102 = arith.subi %div3A, %sub3A : i32
    %select_n3A_103 = arith.select %and3A, %sub3A_102, %div3A : i32
    %multiple_of3A_104 = tpu.assume_multiple %select_n3A_103, 8 : i32
    %dma_start3A_105 = arith.constant 0 : i32
    %dma_start3A_106 = arith.constant 0 : i32
    %dma_start3A_107 = arith.constant 0 : i32
    %dma_start3A_108 = arith.constant 0 : i32
    %dma_start3A_109 = tpu.memref_slice %arg5[%dma_start3A_105, %dma_start3A_107, %dma_start3A_108] : memref<2x160x128xf32, #tpu.memory_space<vmem>> -> memref<1x160x128xf32, #tpu.memory_space<vmem>>
    %dma_start3A_110 = tpu.memref_squeeze %dma_start3A_109 : memref<1x160x128xf32, #tpu.memory_space<vmem>> -> memref<160x128xf32, #tpu.memory_space<vmem>>
    %dma_start3A_111 = arith.constant 0 : i32
    %dma_start3A_112 = tpu.memref_slice %arg3[%multiple_of3A_104, %dma_start3A_111] : memref<500000x128xf32, #tpu.memory_space<hbm>> -> memref<160x128xf32, #tpu.memory_space<hbm>>
    %dma_start3A_113 = tpu.memref_slice %arg7[%dma_start3A_106] : memref<2x!tpu.dma_semaphore, #tpu.memory_space<semaphore_mem>> -> memref<1x!tpu.dma_semaphore, #tpu.memory_space<semaphore_mem>>
    %dma_start3A_114 = tpu.memref_squeeze %dma_start3A_113 : memref<1x!tpu.dma_semaphore, #tpu.memory_space<semaphore_mem>> -> memref<!tpu.dma_semaphore, #tpu.memory_space<semaphore_mem>>
    %dma_start3A_115 = arith.constant 0 : i32
    %dma_start3A_116 = tpu.memref_slice %arg3[%multiple_of3A_104, %dma_start3A_115] : memref<500000x128xf32, #tpu.memory_space<hbm>> -> memref<160x128xf32, #tpu.memory_space<hbm>>
    %dma_start3A_117 = arith.constant 0 : i32
    %dma_start3A_118 = arith.constant 0 : i32
    %dma_start3A_119 = tpu.memref_slice %arg5[%dma_start3A_105, %dma_start3A_117, %dma_start3A_118] : memref<2x160x128xf32, #tpu.memory_space<vmem>> -> memref<1x160x128xf32, #tpu.memory_space<vmem>>
    %dma_start3A_120 = tpu.memref_squeeze %dma_start3A_119 : memref<1x160x128xf32, #tpu.memory_space<vmem>> -> memref<160x128xf32, #tpu.memory_space<vmem>>
    tpu.enqueue_dma source(%dma_start3A_120 : memref<160x128xf32, #tpu.memory_space<vmem>>) target(%dma_start3A_116 : memref<160x128xf32, #tpu.memory_space<hbm>>) target_semaphore(%dma_start3A_114 : memref<!tpu.dma_semaphore, #tpu.memory_space<semaphore_mem>>)
    %eq3A = arith.constant 1 : i32
    %eq3A_121 = arith.cmpi eq, %select_n3A, %eq3A : i32
    %convert_element_type3A_122 = arith.extui %eq3A_121 : i1 to i32
    %cond3A_123 = arith.constant 0 : i32
    %cond3A_124 = arith.cmpi ne, %convert_element_type3A_122, %cond3A_123 : i32
    scf.if %cond3A_124 {
      %dma_wait3A_161 = arith.constant 1 : i32
      %dma_wait3A_162 = arith.constant 1 : i32
      %dma_wait3A_163 = arith.constant 0 : i32
      %dma_wait3A_164 = arith.constant 0 : i32
      %dma_wait3A_165 = tpu.memref_slice %arg4[%dma_wait3A_161, %dma_wait3A_163, %dma_wait3A_164] : memref<2x320x64xf32, #tpu.memory_space<vmem>> -> memref<1x320x64xf32, #tpu.memory_space<vmem>>
      %dma_wait3A_166 = tpu.memref_squeeze %dma_wait3A_165 : memref<1x320x64xf32, #tpu.memory_space<vmem>> -> memref<320x64xf32, #tpu.memory_space<vmem>>
      %dma_wait3A_167 = arith.constant 0 : i32
      %dma_wait3A_168 = arith.constant 0 : i32
      %dma_wait3A_169 = tpu.memref_slice %arg2[%dma_wait3A_167, %dma_wait3A_168] : memref<1000000x64xf32, #tpu.memory_space<hbm>> -> memref<320x64xf32, #tpu.memory_space<hbm>>
      %dma_wait3A_170 = tpu.memref_slice %arg6[%dma_wait3A_162] : memref<2x!tpu.dma_semaphore, #tpu.memory_space<semaphore_mem>> -> memref<1x!tpu.dma_semaphore, #tpu.memory_space<semaphore_mem>>
      %dma_wait3A_171 = tpu.memref_squeeze %dma_wait3A_170 : memref<1x!tpu.dma_semaphore, #tpu.memory_space<semaphore_mem>> -> memref<!tpu.dma_semaphore, #tpu.memory_space<semaphore_mem>>
      %dma_wait3A_172 = arith.constant 0 : i32
      %dma_wait3A_173 = arith.constant 0 : i32
      %dma_wait3A_174 = tpu.memref_slice %arg4[%dma_wait3A_161, %dma_wait3A_172, %dma_wait3A_173] : memref<2x320x64xf32, #tpu.memory_space<vmem>> -> memref<1x320x64xf32, #tpu.memory_space<vmem>>
      %dma_wait3A_175 = tpu.memref_squeeze %dma_wait3A_174 : memref<1x320x64xf32, #tpu.memory_space<vmem>> -> memref<320x64xf32, #tpu.memory_space<vmem>>
      %dma_wait3A_176 = arith.constant 0 : i32
      %dma_wait3A_177 = arith.constant 0 : i32
      %dma_wait3A_178 = tpu.memref_slice %arg2[%dma_wait3A_176, %dma_wait3A_177] : memref<1000000x64xf32, #tpu.memory_space<hbm>> -> memref<320x64xf32, #tpu.memory_space<hbm>>
      tpu.wait_dma2 semaphore(%dma_wait3A_171 : memref<!tpu.dma_semaphore, #tpu.memory_space<semaphore_mem>>) src(%dma_wait3A_178 : memref<320x64xf32, #tpu.memory_space<hbm>>) dst(%dma_wait3A_175 : memref<320x64xf32, #tpu.memory_space<vmem>>)
      %dma_wait3A_179 = arith.constant 1 : i32
      %dma_wait3A_180 = arith.constant 1 : i32
      %dma_wait3A_181 = arith.constant 0 : i32
      %dma_wait3A_182 = arith.constant 0 : i32
      %dma_wait3A_183 = tpu.memref_slice %arg5[%dma_wait3A_179, %dma_wait3A_181, %dma_wait3A_182] : memref<2x160x128xf32, #tpu.memory_space<vmem>> -> memref<1x160x128xf32, #tpu.memory_space<vmem>>
      %dma_wait3A_184 = tpu.memref_squeeze %dma_wait3A_183 : memref<1x160x128xf32, #tpu.memory_space<vmem>> -> memref<160x128xf32, #tpu.memory_space<vmem>>
      %dma_wait3A_185 = arith.constant 0 : i32
      %dma_wait3A_186 = arith.constant 0 : i32
      %dma_wait3A_187 = tpu.memref_slice %arg3[%dma_wait3A_185, %dma_wait3A_186] : memref<500000x128xf32, #tpu.memory_space<hbm>> -> memref<160x128xf32, #tpu.memory_space<hbm>>
      %dma_wait3A_188 = tpu.memref_slice %arg7[%dma_wait3A_180] : memref<2x!tpu.dma_semaphore, #tpu.memory_space<semaphore_mem>> -> memref<1x!tpu.dma_semaphore, #tpu.memory_space<semaphore_mem>>
      %dma_wait3A_189 = tpu.memref_squeeze %dma_wait3A_188 : memref<1x!tpu.dma_semaphore, #tpu.memory_space<semaphore_mem>> -> memref<!tpu.dma_semaphore, #tpu.memory_space<semaphore_mem>>
      %dma_wait3A_190 = arith.constant 0 : i32
      %dma_wait3A_191 = arith.constant 0 : i32
      %dma_wait3A_192 = tpu.memref_slice %arg3[%dma_wait3A_190, %dma_wait3A_191] : memref<500000x128xf32, #tpu.memory_space<hbm>> -> memref<160x128xf32, #tpu.memory_space<hbm>>
      %dma_wait3A_193 = arith.constant 0 : i32
      %dma_wait3A_194 = arith.constant 0 : i32
      %dma_wait3A_195 = tpu.memref_slice %arg5[%dma_wait3A_179, %dma_wait3A_193, %dma_wait3A_194] : memref<2x160x128xf32, #tpu.memory_space<vmem>> -> memref<1x160x128xf32, #tpu.memory_space<vmem>>
      %dma_wait3A_196 = tpu.memref_squeeze %dma_wait3A_195 : memref<1x160x128xf32, #tpu.memory_space<vmem>> -> memref<160x128xf32, #tpu.memory_space<vmem>>
      tpu.wait_dma2 semaphore(%dma_wait3A_189 : memref<!tpu.dma_semaphore, #tpu.memory_space<semaphore_mem>>) src(%dma_wait3A_196 : memref<160x128xf32, #tpu.memory_space<vmem>>) dst(%dma_wait3A_192 : memref<160x128xf32, #tpu.memory_space<hbm>>)
      %parallel_loop3A_197 = arith.constant 0 : i32
      %parallel_loop3A_198 = arith.constant 160 : i32
      %parallel_loop3A_199 = arith.constant 1 : i32
      scf.for %parallel_loop3A_251 = %parallel_loop3A_197 to %parallel_loop3A_198 step %parallel_loop3A_199  : i32 {
        %parallel_loop3A_252 = arith.constant 2 : i32
        %parallel_loop3A_253 = arith.muli %parallel_loop3A_252, %parallel_loop3A_251 : i32
        %parallel_loop3A_254 = arith.constant 0 : i32
        %parallel_loop3A_255 = arith.addi %parallel_loop3A_253, %parallel_loop3A_254 : i32
        %parallel_loop3A_256 = arith.constant 1 : i32
        %parallel_loop3A_257 = arith.index_cast %parallel_loop3A_256 : i32 to index
        %parallel_loop3A_258 = arith.index_cast %parallel_loop3A_255 : i32 to index
        %parallel_loop3A_259 = arith.constant 0 : index
        %parallel_loop3A_260 = tpu.vector_load %arg4[%parallel_loop3A_257, %parallel_loop3A_258, %parallel_loop3A_259] {strides = array<i32>} : memref<2x320x64xf32, #tpu.memory_space<vmem>>, vector<16xf32>,
        %parallel_loop3A_261 = arith.constant 1 : i32
        %parallel_loop3A_262 = arith.index_cast %parallel_loop3A_261 : i32 to index
        %parallel_loop3A_263 = arith.index_cast %parallel_loop3A_251 : i32 to index
        %parallel_loop3A_264 = arith.constant 0 : index
        %parallel_loop3A_265 = tpu.vector_load %arg5[%parallel_loop3A_262, %parallel_loop3A_263, %parallel_loop3A_264] {strides = array<i32>} : memref<2x160x128xf32, #tpu.memory_space<vmem>>, vector<16xf32>,
        tpu.vector_store %arg5[%parallel_loop3A_262, %parallel_loop3A_263, %parallel_loop3A_264], %parallel_loop3A_260 {strides = array<i32>} : memref<2x160x128xf32, #tpu.memory_space<vmem>>, vector<16xf32>,
        %parallel_loop3A_266 = arith.constant 2 : i32
        %parallel_loop3A_267 = arith.muli %parallel_loop3A_266, %parallel_loop3A_251 : i32
        %parallel_loop3A_268 = arith.constant 0 : i32
        %parallel_loop3A_269 = arith.addi %parallel_loop3A_267, %parallel_loop3A_268 : i32
        %parallel_loop3A_270 = arith.constant 1 : i32
        %parallel_loop3A_271 = arith.index_cast %parallel_loop3A_270 : i32 to index
        %parallel_loop3A_272 = arith.index_cast %parallel_loop3A_269 : i32 to index
        %parallel_loop3A_273 = arith.constant 16 : index
        %parallel_loop3A_274 = tpu.vector_load %arg4[%parallel_loop3A_271, %parallel_loop3A_272, %parallel_loop3A_273] {strides = array<i32>} : memref<2x320x64xf32, #tpu.memory_space<vmem>>, vector<16xf32>,
        %parallel_loop3A_275 = arith.constant 1 : i32
        %parallel_loop3A_276 = arith.index_cast %parallel_loop3A_275 : i32 to index
        %parallel_loop3A_277 = arith.index_cast %parallel_loop3A_251 : i32 to index
        %parallel_loop3A_278 = arith.constant 16 : index
        %parallel_loop3A_279 = tpu.vector_load %arg5[%parallel_loop3A_276, %parallel_loop3A_277, %parallel_loop3A_278] {strides = array<i32>} : memref<2x160x128xf32, #tpu.memory_space<vmem>>, vector<16xf32>,
        tpu.vector_store %arg5[%parallel_loop3A_276, %parallel_loop3A_277, %parallel_loop3A_278], %parallel_loop3A_274 {strides = array<i32>} : memref<2x160x128xf32, #tpu.memory_space<vmem>>, vector<16xf32>,
        %parallel_loop3A_280 = arith.constant 2 : i32
        %parallel_loop3A_281 = arith.muli %parallel_loop3A_280, %parallel_loop3A_251 : i32
        %parallel_loop3A_282 = arith.constant 0 : i32
        %parallel_loop3A_283 = arith.addi %parallel_loop3A_281, %parallel_loop3A_282 : i32
        %parallel_loop3A_284 = arith.constant 1 : i32
        %parallel_loop3A_285 = arith.index_cast %parallel_loop3A_284 : i32 to index
        %parallel_loop3A_286 = arith.index_cast %parallel_loop3A_283 : i32 to index
        %parallel_loop3A_287 = arith.constant 32 : index
        %parallel_loop3A_288 = tpu.vector_load %arg4[%parallel_loop3A_285, %parallel_loop3A_286, %parallel_loop3A_287] {strides = array<i32>} : memref<2x320x64xf32, #tpu.memory_space<vmem>>, vector<16xf32>,
        %parallel_loop3A_289 = arith.constant 1 : i32
        %parallel_loop3A_290 = arith.index_cast %parallel_loop3A_289 : i32 to index
        %parallel_loop3A_291 = arith.index_cast %parallel_loop3A_251 : i32 to index
        %parallel_loop3A_292 = arith.constant 32 : index
        %parallel_loop3A_293 = tpu.vector_load %arg5[%parallel_loop3A_290, %parallel_loop3A_291, %parallel_loop3A_292] {strides = array<i32>} : memref<2x160x128xf32, #tpu.memory_space<vmem>>, vector<16xf32>,
        tpu.vector_store %arg5[%parallel_loop3A_290, %parallel_loop3A_291, %parallel_loop3A_292], %parallel_loop3A_288 {strides = array<i32>} : memref<2x160x128xf32, #tpu.memory_space<vmem>>, vector<16xf32>,
        %parallel_loop3A_294 = arith.constant 2 : i32
        %parallel_loop3A_295 = arith.muli %parallel_loop3A_294, %parallel_loop3A_251 : i32
        %parallel_loop3A_296 = arith.constant 0 : i32
        %parallel_loop3A_297 = arith.addi %parallel_loop3A_295, %parallel_loop3A_296 : i32
        %parallel_loop3A_298 = arith.constant 1 : i32
        %parallel_loop3A_299 = arith.index_cast %parallel_loop3A_298 : i32 to index
        %parallel_loop3A_300 = arith.index_cast %parallel_loop3A_297 : i32 to index
        %parallel_loop3A_301 = arith.constant 48 : index
        %parallel_loop3A_302 = tpu.vector_load %arg4[%parallel_loop3A_299, %parallel_loop3A_300, %parallel_loop3A_301] {strides = array<i32>} : memref<2x320x64xf32, #tpu.memory_space<vmem>>, vector<16xf32>,
        %parallel_loop3A_303 = arith.constant 1 : i32
        %parallel_loop3A_304 = arith.index_cast %parallel_loop3A_303 : i32 to index
        %parallel_loop3A_305 = arith.index_cast %parallel_loop3A_251 : i32 to index
        %parallel_loop3A_306 = arith.constant 48 : index
        %parallel_loop3A_307 = tpu.vector_load %arg5[%parallel_loop3A_304, %parallel_loop3A_305, %parallel_loop3A_306] {strides = array<i32>} : memref<2x160x128xf32, #tpu.memory_space<vmem>>, vector<16xf32>,
        tpu.vector_store %arg5[%parallel_loop3A_304, %parallel_loop3A_305, %parallel_loop3A_306], %parallel_loop3A_302 {strides = array<i32>} : memref<2x160x128xf32, #tpu.memory_space<vmem>>, vector<16xf32>,
        %parallel_loop3A_308 = arith.constant 2 : i32
        %parallel_loop3A_309 = arith.muli %parallel_loop3A_308, %parallel_loop3A_251 : i32
        %parallel_loop3A_310 = arith.constant 1 : i32
        %parallel_loop3A_311 = arith.addi %parallel_loop3A_309, %parallel_loop3A_310 : i32
        %parallel_loop3A_312 = arith.constant 1 : i32
        %parallel_loop3A_313 = arith.index_cast %parallel_loop3A_312 : i32 to index
        %parallel_loop3A_314 = arith.index_cast %parallel_loop3A_311 : i32 to index
        %parallel_loop3A_315 = arith.constant 0 : index
        %parallel_loop3A_316 = tpu.vector_load %arg4[%parallel_loop3A_313, %parallel_loop3A_314, %parallel_loop3A_315] {strides = array<i32>} : memref<2x320x64xf32, #tpu.memory_space<vmem>>, vector<16xf32>,
        %parallel_loop3A_317 = arith.constant 1 : i32
        %parallel_loop3A_318 = arith.index_cast %parallel_loop3A_317 : i32 to index
        %parallel_loop3A_319 = arith.index_cast %parallel_loop3A_251 : i32 to index
        %parallel_loop3A_320 = arith.constant 64 : index
        %parallel_loop3A_321 = tpu.vector_load %arg5[%parallel_loop3A_318, %parallel_loop3A_319, %parallel_loop3A_320] {strides = array<i32>} : memref<2x160x128xf32, #tpu.memory_space<vmem>>, vector<16xf32>,
        tpu.vector_store %arg5[%parallel_loop3A_318, %parallel_loop3A_319, %parallel_loop3A_320], %parallel_loop3A_316 {strides = array<i32>} : memref<2x160x128xf32, #tpu.memory_space<vmem>>, vector<16xf32>,
        %parallel_loop3A_322 = arith.constant 2 : i32
        %parallel_loop3A_323 = arith.muli %parallel_loop3A_322, %parallel_loop3A_251 : i32
        %parallel_loop3A_324 = arith.constant 1 : i32
        %parallel_loop3A_325 = arith.addi %parallel_loop3A_323, %parallel_loop3A_324 : i32
        %parallel_loop3A_326 = arith.constant 1 : i32
        %parallel_loop3A_327 = arith.index_cast %parallel_loop3A_326 : i32 to index
        %parallel_loop3A_328 = arith.index_cast %parallel_loop3A_325 : i32 to index
        %parallel_loop3A_329 = arith.constant 16 : index
        %parallel_loop3A_330 = tpu.vector_load %arg4[%parallel_loop3A_327, %parallel_loop3A_328, %parallel_loop3A_329] {strides = array<i32>} : memref<2x320x64xf32, #tpu.memory_space<vmem>>, vector<16xf32>,
        %parallel_loop3A_331 = arith.constant 1 : i32
        %parallel_loop3A_332 = arith.index_cast %parallel_loop3A_331 : i32 to index
        %parallel_loop3A_333 = arith.index_cast %parallel_loop3A_251 : i32 to index
        %parallel_loop3A_334 = arith.constant 80 : index
        %parallel_loop3A_335 = tpu.vector_load %arg5[%parallel_loop3A_332, %parallel_loop3A_333, %parallel_loop3A_334] {strides = array<i32>} : memref<2x160x128xf32, #tpu.memory_space<vmem>>, vector<16xf32>,
        tpu.vector_store %arg5[%parallel_loop3A_332, %parallel_loop3A_333, %parallel_loop3A_334], %parallel_loop3A_330 {strides = array<i32>} : memref<2x160x128xf32, #tpu.memory_space<vmem>>, vector<16xf32>,
        %parallel_loop3A_336 = arith.constant 2 : i32
        %parallel_loop3A_337 = arith.muli %parallel_loop3A_336, %parallel_loop3A_251 : i32
        %parallel_loop3A_338 = arith.constant 1 : i32
        %parallel_loop3A_339 = arith.addi %parallel_loop3A_337, %parallel_loop3A_338 : i32
        %parallel_loop3A_340 = arith.constant 1 : i32
        %parallel_loop3A_341 = arith.index_cast %parallel_loop3A_340 : i32 to index
        %parallel_loop3A_342 = arith.index_cast %parallel_loop3A_339 : i32 to index
        %parallel_loop3A_343 = arith.constant 32 : index
        %parallel_loop3A_344 = tpu.vector_load %arg4[%parallel_loop3A_341, %parallel_loop3A_342, %parallel_loop3A_343] {strides = array<i32>} : memref<2x320x64xf32, #tpu.memory_space<vmem>>, vector<16xf32>,
        %parallel_loop3A_345 = arith.constant 1 : i32
        %parallel_loop3A_346 = arith.index_cast %parallel_loop3A_345 : i32 to index
        %parallel_loop3A_347 = arith.index_cast %parallel_loop3A_251 : i32 to index
        %parallel_loop3A_348 = arith.constant 96 : index
        %parallel_loop3A_349 = tpu.vector_load %arg5[%parallel_loop3A_346, %parallel_loop3A_347, %parallel_loop3A_348] {strides = array<i32>} : memref<2x160x128xf32, #tpu.memory_space<vmem>>, vector<16xf32>,
        tpu.vector_store %arg5[%parallel_loop3A_346, %parallel_loop3A_347, %parallel_loop3A_348], %parallel_loop3A_344 {strides = array<i32>} : memref<2x160x128xf32, #tpu.memory_space<vmem>>, vector<16xf32>,
        %parallel_loop3A_350 = arith.constant 2 : i32
        %parallel_loop3A_351 = arith.muli %parallel_loop3A_350, %parallel_loop3A_251 : i32
        %parallel_loop3A_352 = arith.constant 1 : i32
        %parallel_loop3A_353 = arith.addi %parallel_loop3A_351, %parallel_loop3A_352 : i32
        %parallel_loop3A_354 = arith.constant 1 : i32
        %parallel_loop3A_355 = arith.index_cast %parallel_loop3A_354 : i32 to index
        %parallel_loop3A_356 = arith.index_cast %parallel_loop3A_353 : i32 to index
        %parallel_loop3A_357 = arith.constant 48 : index
        %parallel_loop3A_358 = tpu.vector_load %arg4[%parallel_loop3A_355, %parallel_loop3A_356, %parallel_loop3A_357] {strides = array<i32>} : memref<2x320x64xf32, #tpu.memory_space<vmem>>, vector<16xf32>,
        %parallel_loop3A_359 = arith.constant 1 : i32
        %parallel_loop3A_360 = arith.index_cast %parallel_loop3A_359 : i32 to index
        %parallel_loop3A_361 = arith.index_cast %parallel_loop3A_251 : i32 to index
        %parallel_loop3A_362 = arith.constant 112 : index
        %parallel_loop3A_363 = tpu.vector_load %arg5[%parallel_loop3A_360, %parallel_loop3A_361, %parallel_loop3A_362] {strides = array<i32>} : memref<2x160x128xf32, #tpu.memory_space<vmem>>, vector<16xf32>,
        tpu.vector_store %arg5[%parallel_loop3A_360, %parallel_loop3A_361, %parallel_loop3A_362], %parallel_loop3A_358 {strides = array<i32>} : memref<2x160x128xf32, #tpu.memory_space<vmem>>, vector<16xf32>,
      } {sc.loop_unroll_factor = 4 : i64, sc.parallel_access}
      %add3A_200 = arith.constant 97 : i32
      %add3A_201 = arith.addi %mul3A_2, %add3A_200 : i32
      %mul3A_202 = arith.constant 320 : i32
      %mul3A_203 = arith.muli %add3A_201, %mul3A_202 : i32
      %add3A_204 = arith.constant 3104 : i32
      %add3A_205 = arith.addi %add3A_204, %add3A : i32
      %mul3A_206 = arith.constant 320 : i32
      %mul3A_207 = arith.muli %add3A_205, %mul3A_206 : i32
      %jit3A_208 = arith.constant false
      %select_n3A_209 = arith.select %jit3A_208, %mul3A_203, %mul3A_207 : i32
      %jit3A_210 = arith.constant 2 : i32
      %div3A_211 = arith.divsi %select_n3A_209, %jit3A_210 : i32
      %sign3A_212 = arith.constant 0 : i32
      %sign3A_213 = arith.cmpi sgt, %select_n3A_209, %sign3A_212 : i32
      %sign3A_214 = arith.extui %sign3A_213 : i1 to i32
      %sign3A_215 = arith.constant 0 : i32
      %sign3A_216 = arith.cmpi slt, %select_n3A_209, %sign3A_215 : i32
      %sign3A_217 = arith.extui %sign3A_216 : i1 to i32
      %sign3A_218 = arith.subi %sign3A_214, %sign3A_217 : i32
      %sign3A_219 = arith.constant 0 : i32
      %sign3A_220 = arith.cmpi sgt, %jit3A_210, %sign3A_219 : i32
      %sign3A_221 = arith.extui %sign3A_220 : i1 to i32
      %sign3A_222 = arith.constant 0 : i32
      %sign3A_223 = arith.cmpi slt, %jit3A_210, %sign3A_222 : i32
      %sign3A_224 = arith.extui %sign3A_223 : i1 to i32
      %sign3A_225 = arith.subi %sign3A_221, %sign3A_224 : i32
      %ne3A_226 = arith.cmpi ne, %sign3A_218, %sign3A_225 : i32
      %rem3A_227 = arith.remsi %select_n3A_209, %jit3A_210 : i32
      %ne3A_228 = arith.constant 0 : i32
      %ne3A_229 = arith.cmpi ne, %rem3A_227, %ne3A_228 : i32
      %and3A_230 = arith.andi %ne3A_226, %ne3A_229 : i1
      %sub3A_231 = arith.constant 1 : i32
      %sub3A_232 = arith.subi %div3A_211, %sub3A_231 : i32
      %select_n3A_233 = arith.select %and3A_230, %sub3A_232, %div3A_211 : i32
      %multiple_of3A_234 = tpu.assume_multiple %select_n3A_233, 8 : i32
      %dma_start3A_235 = arith.constant 1 : i32
      %dma_start3A_236 = arith.constant 1 : i32
      %dma_start3A_237 = arith.constant 0 : i32
      %dma_start3A_238 = arith.constant 0 : i32
      %dma_start3A_239 = tpu.memref_slice %arg5[%dma_start3A_235, %dma_start3A_237, %dma_start3A_238] : memref<2x160x128xf32, #tpu.memory_space<vmem>> -> memref<1x160x128xf32, #tpu.memory_space<vmem>>
      %dma_start3A_240 = tpu.memref_squeeze %dma_start3A_239 : memref<1x160x128xf32, #tpu.memory_space<vmem>> -> memref<160x128xf32, #tpu.memory_space<vmem>>
      %dma_start3A_241 = arith.constant 0 : i32
      %dma_start3A_242 = tpu.memref_slice %arg3[%multiple_of3A_234, %dma_start3A_241] : memref<500000x128xf32, #tpu.memory_space<hbm>> -> memref<160x128xf32, #tpu.memory_space<hbm>>
      %dma_start3A_243 = tpu.memref_slice %arg7[%dma_start3A_236] : memref<2x!tpu.dma_semaphore, #tpu.memory_space<semaphore_mem>> -> memref<1x!tpu.dma_semaphore, #tpu.memory_space<semaphore_mem>>
      %dma_start3A_244 = tpu.memref_squeeze %dma_start3A_243 : memref<1x!tpu.dma_semaphore, #tpu.memory_space<semaphore_mem>> -> memref<!tpu.dma_semaphore, #tpu.memory_space<semaphore_mem>>
      %dma_start3A_245 = arith.constant 0 : i32
      %dma_start3A_246 = tpu.memref_slice %arg3[%multiple_of3A_234, %dma_start3A_245] : memref<500000x128xf32, #tpu.memory_space<hbm>> -> memref<160x128xf32, #tpu.memory_space<hbm>>
      %dma_start3A_247 = arith.constant 0 : i32
      %dma_start3A_248 = arith.constant 0 : i32
      %dma_start3A_249 = tpu.memref_slice %arg5[%dma_start3A_235, %dma_start3A_247, %dma_start3A_248] : memref<2x160x128xf32, #tpu.memory_space<vmem>> -> memref<1x160x128xf32, #tpu.memory_space<vmem>>
      %dma_start3A_250 = tpu.memref_squeeze %dma_start3A_249 : memref<1x160x128xf32, #tpu.memory_space<vmem>> -> memref<160x128xf32, #tpu.memory_space<vmem>>
      tpu.enqueue_dma source(%dma_start3A_250 : memref<160x128xf32, #tpu.memory_space<vmem>>) target(%dma_start3A_246 : memref<160x128xf32, #tpu.memory_space<hbm>>) target_semaphore(%dma_start3A_244 : memref<!tpu.dma_semaphore, #tpu.memory_space<semaphore_mem>>)
    } else {
    }
    %dma_wait3A_125 = arith.constant 0 : i32
    %dma_wait3A_126 = arith.constant 0 : i32
    %dma_wait3A_127 = arith.constant 0 : i32
    %dma_wait3A_128 = arith.constant 0 : i32
    %dma_wait3A_129 = tpu.memref_slice %arg5[%dma_wait3A_125, %dma_wait3A_127, %dma_wait3A_128] : memref<2x160x128xf32, #tpu.memory_space<vmem>> -> memref<1x160x128xf32, #tpu.memory_space<vmem>>
    %dma_wait3A_130 = tpu.memref_squeeze %dma_wait3A_129 : memref<1x160x128xf32, #tpu.memory_space<vmem>> -> memref<160x128xf32, #tpu.memory_space<vmem>>
    %dma_wait3A_131 = arith.constant 0 : i32
    %dma_wait3A_132 = arith.constant 0 : i32
    %dma_wait3A_133 = tpu.memref_slice %arg3[%dma_wait3A_131, %dma_wait3A_132] : memref<500000x128xf32, #tpu.memory_space<hbm>> -> memref<160x128xf32, #tpu.memory_space<hbm>>
    %dma_wait3A_134 = tpu.memref_slice %arg7[%dma_wait3A_126] : memref<2x!tpu.dma_semaphore, #tpu.memory_space<semaphore_mem>> -> memref<1x!tpu.dma_semaphore, #tpu.memory_space<semaphore_mem>>
    %dma_wait3A_135 = tpu.memref_squeeze %dma_wait3A_134 : memref<1x!tpu.dma_semaphore, #tpu.memory_space<semaphore_mem>> -> memref<!tpu.dma_semaphore, #tpu.memory_space<semaphore_mem>>
    %dma_wait3A_136 = arith.constant 0 : i32
    %dma_wait3A_137 = arith.constant 0 : i32
    %dma_wait3A_138 = tpu.memref_slice %arg3[%dma_wait3A_136, %dma_wait3A_137] : memref<500000x128xf32, #tpu.memory_space<hbm>> -> memref<160x128xf32, #tpu.memory_space<hbm>>
    %dma_wait3A_139 = arith.constant 0 : i32
    %dma_wait3A_140 = arith.constant 0 : i32
    %dma_wait3A_141 = tpu.memref_slice %arg5[%dma_wait3A_125, %dma_wait3A_139, %dma_wait3A_140] : memref<2x160x128xf32, #tpu.memory_space<vmem>> -> memref<1x160x128xf32, #tpu.memory_space<vmem>>
    %dma_wait3A_142 = tpu.memref_squeeze %dma_wait3A_141 : memref<1x160x128xf32, #tpu.memory_space<vmem>> -> memref<160x128xf32, #tpu.memory_space<vmem>>
    tpu.wait_dma2 semaphore(%dma_wait3A_135 : memref<!tpu.dma_semaphore, #tpu.memory_space<semaphore_mem>>) src(%dma_wait3A_142 : memref<160x128xf32, #tpu.memory_space<vmem>>) dst(%dma_wait3A_138 : memref<160x128xf32, #tpu.memory_space<hbm>>)
    %dma_wait3A_143 = arith.constant 1 : i32
    %dma_wait3A_144 = arith.constant 1 : i32
    %dma_wait3A_145 = arith.constant 0 : i32
    %dma_wait3A_146 = arith.constant 0 : i32
    %dma_wait3A_147 = tpu.memref_slice %arg5[%dma_wait3A_143, %dma_wait3A_145, %dma_wait3A_146] : memref<2x160x128xf32, #tpu.memory_space<vmem>> -> memref<1x160x128xf32, #tpu.memory_space<vmem>>
    %dma_wait3A_148 = tpu.memref_squeeze %dma_wait3A_147 : memref<1x160x128xf32, #tpu.memory_space<vmem>> -> memref<160x128xf32, #tpu.memory_space<vmem>>
    %dma_wait3A_149 = arith.constant 0 : i32
    %dma_wait3A_150 = arith.constant 0 : i32
    %dma_wait3A_151 = tpu.memref_slice %arg3[%dma_wait3A_149, %dma_wait3A_150] : memref<500000x128xf32, #tpu.memory_space<hbm>> -> memref<160x128xf32, #tpu.memory_space<hbm>>
    %dma_wait3A_152 = tpu.memref_slice %arg7[%dma_wait3A_144] : memref<2x!tpu.dma_semaphore, #tpu.memory_space<semaphore_mem>> -> memref<1x!tpu.dma_semaphore, #tpu.memory_space<semaphore_mem>>
    %dma_wait3A_153 = tpu.memref_squeeze %dma_wait3A_152 : memref<1x!tpu.dma_semaphore, #tpu.memory_space<semaphore_mem>> -> memref<!tpu.dma_semaphore, #tpu.memory_space<semaphore_mem>>
    %dma_wait3A_154 = arith.constant 0 : i32
    %dma_wait3A_155 = arith.constant 0 : i32
    %dma_wait3A_156 = tpu.memref_slice %arg3[%dma_wait3A_154, %dma_wait3A_155] : memref<500000x128xf32, #tpu.memory_space<hbm>> -> memref<160x128xf32, #tpu.memory_space<hbm>>
    %dma_wait3A_157 = arith.constant 0 : i32
    %dma_wait3A_158 = arith.constant 0 : i32
    %dma_wait3A_159 = tpu.memref_slice %arg5[%dma_wait3A_143, %dma_wait3A_157, %dma_wait3A_158] : memref<2x160x128xf32, #tpu.memory_space<vmem>> -> memref<1x160x128xf32, #tpu.memory_space<vmem>>
    %dma_wait3A_160 = tpu.memref_squeeze %dma_wait3A_159 : memref<1x160x128xf32, #tpu.memory_space<vmem>> -> memref<160x128xf32, #tpu.memory_space<vmem>>
    tpu.wait_dma2 semaphore(%dma_wait3A_153 : memref<!tpu.dma_semaphore, #tpu.memory_space<semaphore_mem>>) src(%dma_wait3A_160 : memref<160x128xf32, #tpu.memory_space<vmem>>) dst(%dma_wait3A_156 : memref<160x128xf32, #tpu.memory_space<hbm>>)
    return
  }
}

#map = affine_map<(d0, d1) -> (0)>
#map1 = affine_map<(d0, d1) -> (0, 0)>
module attributes {stable_mosaic.version = 14 : i64} {
  func.func @_emb_lookup(%arg0: i32, %arg1: i32, %arg2: memref<819200xi32, #tpu.memory_space<hbm>>, %arg3: memref<1000000x64xf32, #tpu.memory_space<hbm>>, %arg4: memref<819200x64xf32, #tpu.memory_space<hbm>>, %arg5: memref<25600xi32, #tpu.memory_space<vmem>>, %arg6: memref<4x128x64xf32, #tpu.memory_space<vmem>>, %arg7: memref<4x128x64xf32, #tpu.memory_space<vmem>>, %arg8: memref<4x!tpu.dma_semaphore, #tpu.memory_space<semaphore_mem>>, %arg9: memref<4x!tpu.dma_semaphore, #tpu.memory_space<semaphore_mem>>) attributes {dimension_semantics = [#tpu.dimension_semantics<core_parallel>, #tpu.dimension_semantics<subcore_parallel>], iteration_bounds = array<i64: 2, 16>, scalar_prefetch = 0 : i64, scratch_operands = 5 : i64, tpu.core_type = #tpu.core_type<sc_vector_subcore>, window_params = [{transform_indices = #map}, {transform_indices = #map1}, {transform_indices = #map1}]} {
    %mul3A = arith.constant 2 : i32
    %mul3A_0 = arith.muli %arg1, %mul3A : i32
    %add3A = arith.addi %mul3A_0, %arg0 : i32
    %mul3A_1 = arith.constant 25600 : i32
    %mul3A_2 = arith.muli %add3A, %mul3A_1 : i32
    "tpu.region"() ({
      %run_scoped3A = tpu.sem_alloc : memref<!tpu.dma_semaphore, #tpu.memory_space<semaphore_mem>>
      %dma_start3A_122 = tpu.memref_slice %arg2[%mul3A_2] : memref<819200xi32, #tpu.memory_space<hbm>> -> memref<25600xi32, #tpu.memory_space<hbm>>
      %dma_start3A_123 = tpu.memref_slice %arg2[%mul3A_2] : memref<819200xi32, #tpu.memory_space<hbm>> -> memref<25600xi32, #tpu.memory_space<hbm>>
      tpu.enqueue_dma source(%dma_start3A_123 : memref<25600xi32, #tpu.memory_space<hbm>>) target(%arg5 : memref<25600xi32, #tpu.memory_space<vmem>>) target_semaphore(%run_scoped3A : memref<!tpu.dma_semaphore, #tpu.memory_space<semaphore_mem>>)
      %dma_wait3A_124 = tpu.memref_slice %arg2[%mul3A_2] : memref<819200xi32, #tpu.memory_space<hbm>> -> memref<25600xi32, #tpu.memory_space<hbm>>
      %dma_wait3A_125 = tpu.memref_slice %arg2[%mul3A_2] : memref<819200xi32, #tpu.memory_space<hbm>> -> memref<25600xi32, #tpu.memory_space<hbm>>
      tpu.wait_dma2 semaphore(%run_scoped3A : memref<!tpu.dma_semaphore, #tpu.memory_space<semaphore_mem>>) src(%dma_wait3A_125 : memref<25600xi32, #tpu.memory_space<hbm>>) dst(%arg5 : memref<25600xi32, #tpu.memory_space<vmem>>)
      tpu.yield
    }) : () -> ()
    %dma_start3A = arith.constant 0 : i32
    %dma_start3A_3 = arith.constant 0 : i32
    %dma_start3A_4 = arith.constant 0 : i32
    %dma_start3A_5 = arith.constant 0 : i32
    %dma_start3A_6 = tpu.memref_slice %arg6[%dma_start3A, %dma_start3A_4, %dma_start3A_5] : memref<4x128x64xf32, #tpu.memory_space<vmem>> -> memref<1x128x64xf32, #tpu.memory_space<vmem>>
    %dma_start3A_7 = tpu.memref_squeeze %dma_start3A_6 : memref<1x128x64xf32, #tpu.memory_space<vmem>> -> memref<128x64xf32, #tpu.memory_space<vmem>>
    %dma_start3A_8 = arith.constant 0 : i32
    %dma_start3A_9 = tpu.memref_slice %arg5[%dma_start3A_8] : memref<25600xi32, #tpu.memory_space<vmem>> -> memref<128xi32, #tpu.memory_space<vmem>>
    %dma_start3A_10 = arith.constant 0 : i32
    %dma_start3A_11 = arith.constant 0 : i32
    %dma_start3A_12 = tpu.memref_slice %arg3[%dma_start3A_10, %dma_start3A_11] : memref<1000000x64xf32, #tpu.memory_space<hbm>> -> memref<1000000x64xf32, #tpu.memory_space<hbm>>
    %dma_start3A_13 = tpu.memref_slice %arg8[%dma_start3A_3] : memref<4x!tpu.dma_semaphore, #tpu.memory_space<semaphore_mem>> -> memref<1x!tpu.dma_semaphore, #tpu.memory_space<semaphore_mem>>
    %dma_start3A_14 = tpu.memref_squeeze %dma_start3A_13 : memref<1x!tpu.dma_semaphore, #tpu.memory_space<semaphore_mem>> -> memref<!tpu.dma_semaphore, #tpu.memory_space<semaphore_mem>>
    tpu.enqueue_indirect_dma source(%dma_start3A_12 : memref<1000000x64xf32, #tpu.memory_space<hbm>>) target(%dma_start3A_7 : memref<128x64xf32, #tpu.memory_space<vmem>>) offsets(%dma_start3A_9 : memref<128xi32, #tpu.memory_space<vmem>>) semaphore(%dma_start3A_14 : memref<!tpu.dma_semaphore, #tpu.memory_space<semaphore_mem>>)
    %dma_start3A_15 = arith.constant 1 : i32
    %dma_start3A_16 = arith.constant 1 : i32
    %dma_start3A_17 = arith.constant 0 : i32
    %dma_start3A_18 = arith.constant 0 : i32
    %dma_start3A_19 = tpu.memref_slice %arg6[%dma_start3A_15, %dma_start3A_17, %dma_start3A_18] : memref<4x128x64xf32, #tpu.memory_space<vmem>> -> memref<1x128x64xf32, #tpu.memory_space<vmem>>
    %dma_start3A_20 = tpu.memref_squeeze %dma_start3A_19 : memref<1x128x64xf32, #tpu.memory_space<vmem>> -> memref<128x64xf32, #tpu.memory_space<vmem>>
    %dma_start3A_21 = arith.constant 128 : i32
    %dma_start3A_22 = tpu.memref_slice %arg5[%dma_start3A_21] : memref<25600xi32, #tpu.memory_space<vmem>> -> memref<128xi32, #tpu.memory_space<vmem>>
    %dma_start3A_23 = arith.constant 0 : i32
    %dma_start3A_24 = arith.constant 0 : i32
    %dma_start3A_25 = tpu.memref_slice %arg3[%dma_start3A_23, %dma_start3A_24] : memref<1000000x64xf32, #tpu.memory_space<hbm>> -> memref<1000000x64xf32, #tpu.memory_space<hbm>>
    %dma_start3A_26 = tpu.memref_slice %arg8[%dma_start3A_16] : memref<4x!tpu.dma_semaphore, #tpu.memory_space<semaphore_mem>> -> memref<1x!tpu.dma_semaphore, #tpu.memory_space<semaphore_mem>>
    %dma_start3A_27 = tpu.memref_squeeze %dma_start3A_26 : memref<1x!tpu.dma_semaphore, #tpu.memory_space<semaphore_mem>> -> memref<!tpu.dma_semaphore, #tpu.memory_space<semaphore_mem>>
    tpu.enqueue_indirect_dma source(%dma_start3A_25 : memref<1000000x64xf32, #tpu.memory_space<hbm>>) target(%dma_start3A_20 : memref<128x64xf32, #tpu.memory_space<vmem>>) offsets(%dma_start3A_22 : memref<128xi32, #tpu.memory_space<vmem>>) semaphore(%dma_start3A_27 : memref<!tpu.dma_semaphore, #tpu.memory_space<semaphore_mem>>)
    %dma_start3A_28 = arith.constant 2 : i32
    %dma_start3A_29 = arith.constant 2 : i32
    %dma_start3A_30 = arith.constant 0 : i32
    %dma_start3A_31 = arith.constant 0 : i32
    %dma_start3A_32 = tpu.memref_slice %arg6[%dma_start3A_28, %dma_start3A_30, %dma_start3A_31] : memref<4x128x64xf32, #tpu.memory_space<vmem>> -> memref<1x128x64xf32, #tpu.memory_space<vmem>>
    %dma_start3A_33 = tpu.memref_squeeze %dma_start3A_32 : memref<1x128x64xf32, #tpu.memory_space<vmem>> -> memref<128x64xf32, #tpu.memory_space<vmem>>
    %dma_start3A_34 = arith.constant 256 : i32
    %dma_start3A_35 = tpu.memref_slice %arg5[%dma_start3A_34] : memref<25600xi32, #tpu.memory_space<vmem>> -> memref<128xi32, #tpu.memory_space<vmem>>
    %dma_start3A_36 = arith.constant 0 : i32
    %dma_start3A_37 = arith.constant 0 : i32
    %dma_start3A_38 = tpu.memref_slice %arg3[%dma_start3A_36, %dma_start3A_37] : memref<1000000x64xf32, #tpu.memory_space<hbm>> -> memref<1000000x64xf32, #tpu.memory_space<hbm>>
    %dma_start3A_39 = tpu.memref_slice %arg8[%dma_start3A_29] : memref<4x!tpu.dma_semaphore, #tpu.memory_space<semaphore_mem>> -> memref<1x!tpu.dma_semaphore, #tpu.memory_space<semaphore_mem>>
    %dma_start3A_40 = tpu.memref_squeeze %dma_start3A_39 : memref<1x!tpu.dma_semaphore, #tpu.memory_space<semaphore_mem>> -> memref<!tpu.dma_semaphore, #tpu.memory_space<semaphore_mem>>
    tpu.enqueue_indirect_dma source(%dma_start3A_38 : memref<1000000x64xf32, #tpu.memory_space<hbm>>) target(%dma_start3A_33 : memref<128x64xf32, #tpu.memory_space<vmem>>) offsets(%dma_start3A_35 : memref<128xi32, #tpu.memory_space<vmem>>) semaphore(%dma_start3A_40 : memref<!tpu.dma_semaphore, #tpu.memory_space<semaphore_mem>>)
    %dma_start3A_41 = arith.constant 3 : i32
    %dma_start3A_42 = arith.constant 3 : i32
    %dma_start3A_43 = arith.constant 0 : i32
    %dma_start3A_44 = arith.constant 0 : i32
    %dma_start3A_45 = tpu.memref_slice %arg6[%dma_start3A_41, %dma_start3A_43, %dma_start3A_44] : memref<4x128x64xf32, #tpu.memory_space<vmem>> -> memref<1x128x64xf32, #tpu.memory_space<vmem>>
    %dma_start3A_46 = tpu.memref_squeeze %dma_start3A_45 : memref<1x128x64xf32, #tpu.memory_space<vmem>> -> memref<128x64xf32, #tpu.memory_space<vmem>>
    %dma_start3A_47 = arith.constant 384 : i32
    %dma_start3A_48 = tpu.memref_slice %arg5[%dma_start3A_47] : memref<25600xi32, #tpu.memory_space<vmem>> -> memref<128xi32, #tpu.memory_space<vmem>>
    %dma_start3A_49 = arith.constant 0 : i32
    %dma_start3A_50 = arith.constant 0 : i32
    %dma_start3A_51 = tpu.memref_slice %arg3[%dma_start3A_49, %dma_start3A_50] : memref<1000000x64xf32, #tpu.memory_space<hbm>> -> memref<1000000x64xf32, #tpu.memory_space<hbm>>
    %dma_start3A_52 = tpu.memref_slice %arg8[%dma_start3A_42] : memref<4x!tpu.dma_semaphore, #tpu.memory_space<semaphore_mem>> -> memref<1x!tpu.dma_semaphore, #tpu.memory_space<semaphore_mem>>
    %dma_start3A_53 = tpu.memref_squeeze %dma_start3A_52 : memref<1x!tpu.dma_semaphore, #tpu.memory_space<semaphore_mem>> -> memref<!tpu.dma_semaphore, #tpu.memory_space<semaphore_mem>>
    tpu.enqueue_indirect_dma source(%dma_start3A_51 : memref<1000000x64xf32, #tpu.memory_space<hbm>>) target(%dma_start3A_46 : memref<128x64xf32, #tpu.memory_space<vmem>>) offsets(%dma_start3A_48 : memref<128xi32, #tpu.memory_space<vmem>>) semaphore(%dma_start3A_53 : memref<!tpu.dma_semaphore, #tpu.memory_space<semaphore_mem>>)
    %scan3A = arith.constant 0 : i32
    %scan3A_54 = arith.constant 0 : i32
    %scan3A_55 = arith.constant 50 : i32
    %scan3A_56 = arith.addi %scan3A_54, %scan3A_55 : i32
    %scan3A_57 = arith.constant 1 : i32
    scf.for %scan3A_122 = %scan3A_54 to %scan3A_56 step %scan3A_57  : i32 {
      %mul3A_123 = arith.constant 4 : i32
      %mul3A_124 = arith.muli %scan3A_122, %mul3A_123 : i32
      %add3A_125 = arith.constant 0 : i32
      %add3A_126 = arith.addi %mul3A_124, %add3A_125 : i32
      %dma_wait3A_127 = arith.constant 0 : i32
      %dma_wait3A_128 = arith.constant 0 : i32
      %dma_wait3A_129 = arith.constant 0 : i32
      %dma_wait3A_130 = arith.constant 0 : i32
      %dma_wait3A_131 = tpu.memref_slice %arg6[%dma_wait3A_127, %dma_wait3A_129, %dma_wait3A_130] : memref<4x128x64xf32, #tpu.memory_space<vmem>> -> memref<1x128x64xf32, #tpu.memory_space<vmem>>
      %dma_wait3A_132 = tpu.memref_squeeze %dma_wait3A_131 : memref<1x128x64xf32, #tpu.memory_space<vmem>> -> memref<128x64xf32, #tpu.memory_space<vmem>>
      %dma_wait3A_133 = arith.constant 0 : i32
      %dma_wait3A_134 = tpu.memref_slice %arg5[%dma_wait3A_133] : memref<25600xi32, #tpu.memory_space<vmem>> -> memref<128xi32, #tpu.memory_space<vmem>>
      %dma_wait3A_135 = arith.constant 0 : i32
      %dma_wait3A_136 = arith.constant 0 : i32
      %dma_wait3A_137 = tpu.memref_slice %arg3[%dma_wait3A_135, %dma_wait3A_136] : memref<1000000x64xf32, #tpu.memory_space<hbm>> -> memref<1000000x64xf32, #tpu.memory_space<hbm>>
      %dma_wait3A_138 = tpu.memref_slice %arg8[%dma_wait3A_128] : memref<4x!tpu.dma_semaphore, #tpu.memory_space<semaphore_mem>> -> memref<1x!tpu.dma_semaphore, #tpu.memory_space<semaphore_mem>>
      %dma_wait3A_139 = tpu.memref_squeeze %dma_wait3A_138 : memref<1x!tpu.dma_semaphore, #tpu.memory_space<semaphore_mem>> -> memref<!tpu.dma_semaphore, #tpu.memory_space<semaphore_mem>>
      tpu.wait_indirect_dma semaphore(%dma_wait3A_139 : memref<!tpu.dma_semaphore, #tpu.memory_space<semaphore_mem>>) src(%dma_wait3A_137 : memref<1000000x64xf32, #tpu.memory_space<hbm>>) dst(%dma_wait3A_132 : memref<128x64xf32, #tpu.memory_space<vmem>>)
      %gt3A = arith.constant 0 : i32
      %gt3A_140 = arith.cmpi sgt, %scan3A_122, %gt3A : i32
      %convert_element_type3A = arith.extui %gt3A_140 : i1 to i32
      %cond3A = arith.constant 0 : i32
      %cond3A_141 = arith.cmpi ne, %convert_element_type3A, %cond3A : i32
      scf.if %cond3A_141 {
        %dma_wait3A_335 = arith.constant 0 : i32
        %dma_wait3A_336 = arith.constant 0 : i32
        %dma_wait3A_337 = arith.constant 0 : i32
        %dma_wait3A_338 = arith.constant 0 : i32
        %dma_wait3A_339 = tpu.memref_slice %arg7[%dma_wait3A_335, %dma_wait3A_337, %dma_wait3A_338] : memref<4x128x64xf32, #tpu.memory_space<vmem>> -> memref<1x128x64xf32, #tpu.memory_space<vmem>>
        %dma_wait3A_340 = tpu.memref_squeeze %dma_wait3A_339 : memref<1x128x64xf32, #tpu.memory_space<vmem>> -> memref<128x64xf32, #tpu.memory_space<vmem>>
        %dma_wait3A_341 = arith.constant 0 : i32
        %dma_wait3A_342 = tpu.memref_slice %arg4[%mul3A_2, %dma_wait3A_341] : memref<819200x64xf32, #tpu.memory_space<hbm>> -> memref<128x64xf32, #tpu.memory_space<hbm>>
        %dma_wait3A_343 = tpu.memref_slice %arg9[%dma_wait3A_336] : memref<4x!tpu.dma_semaphore, #tpu.memory_space<semaphore_mem>> -> memref<1x!tpu.dma_semaphore, #tpu.memory_space<semaphore_mem>>
        %dma_wait3A_344 = tpu.memref_squeeze %dma_wait3A_343 : memref<1x!tpu.dma_semaphore, #tpu.memory_space<semaphore_mem>> -> memref<!tpu.dma_semaphore, #tpu.memory_space<semaphore_mem>>
        %dma_wait3A_345 = arith.constant 0 : i32
        %dma_wait3A_346 = tpu.memref_slice %arg4[%mul3A_2, %dma_wait3A_345] : memref<819200x64xf32, #tpu.memory_space<hbm>> -> memref<128x64xf32, #tpu.memory_space<hbm>>
        %dma_wait3A_347 = arith.constant 0 : i32
        %dma_wait3A_348 = arith.constant 0 : i32
        %dma_wait3A_349 = tpu.memref_slice %arg7[%dma_wait3A_335, %dma_wait3A_347, %dma_wait3A_348] : memref<4x128x64xf32, #tpu.memory_space<vmem>> -> memref<1x128x64xf32, #tpu.memory_space<vmem>>
        %dma_wait3A_350 = tpu.memref_squeeze %dma_wait3A_349 : memref<1x128x64xf32, #tpu.memory_space<vmem>> -> memref<128x64xf32, #tpu.memory_space<vmem>>
        tpu.wait_dma2 semaphore(%dma_wait3A_344 : memref<!tpu.dma_semaphore, #tpu.memory_space<semaphore_mem>>) src(%dma_wait3A_350 : memref<128x64xf32, #tpu.memory_space<vmem>>) dst(%dma_wait3A_346 : memref<128x64xf32, #tpu.memory_space<hbm>>)
      } else {
      }
      %scan3A_142 = arith.constant 0 : i32
      %scan3A_143 = arith.constant 0 : i32
      %scan3A_144 = arith.constant 128 : i32
      %scan3A_145 = arith.addi %scan3A_143, %scan3A_144 : i32
      %scan3A_146 = arith.constant 8 : i32
      scf.for %scan3A_335 = %scan3A_143 to %scan3A_145 step %scan3A_146  : i32 {
        %get3A = arith.constant 0 : i32
        %get3A_336 = arith.index_cast %get3A : i32 to index
        %get3A_337 = arith.index_cast %scan3A_335 : i32 to index
        %get3A_338 = arith.constant 0 : index
        %get3A_339 = tpu.vector_load %arg6[%get3A_336, %get3A_337, %get3A_338] {strides = array<i32>} : memref<4x128x64xf32, #tpu.memory_space<vmem>>, vector<1x1x16xf32>,
        %get3A_340 = vector.shape_cast %get3A_339 : vector<1x1x16xf32> to vector<16xf32>
        %mul3A_341 = arith.constant 8.000000e+00 : f32
        %mul3A_342 = vector.broadcast %mul3A_341 : f32 to vector<16xf32>
        %mul3A_343 = arith.mulf %get3A_340, %mul3A_342 : vector<16xf32>
        %swap3A = arith.constant 0 : i32
        %swap3A_344 = arith.index_cast %swap3A : i32 to index
        %swap3A_345 = arith.index_cast %scan3A_335 : i32 to index
        %swap3A_346 = arith.constant 0 : index
        %swap3A_347 = tpu.vector_load %arg7[%swap3A_344, %swap3A_345, %swap3A_346] {strides = array<i32>} : memref<4x128x64xf32, #tpu.memory_space<vmem>>, vector<1x1x16xf32>,
        %swap3A_348 = vector.shape_cast %swap3A_347 : vector<1x1x16xf32> to vector<16xf32>
        %swap3A_349 = vector.shape_cast %mul3A_343 : vector<16xf32> to vector<1x1x16xf32>
        tpu.vector_store %arg7[%swap3A_344, %swap3A_345, %swap3A_346], %swap3A_349 {strides = array<i32>} : memref<4x128x64xf32, #tpu.memory_space<vmem>>, vector<1x1x16xf32>,
        %get3A_350 = arith.constant 0 : i32
        %get3A_351 = arith.index_cast %get3A_350 : i32 to index
        %get3A_352 = arith.index_cast %scan3A_335 : i32 to index
        %get3A_353 = arith.constant 16 : index
        %get3A_354 = tpu.vector_load %arg6[%get3A_351, %get3A_352, %get3A_353] {strides = array<i32>} : memref<4x128x64xf32, #tpu.memory_space<vmem>>, vector<1x1x16xf32>,
        %get3A_355 = vector.shape_cast %get3A_354 : vector<1x1x16xf32> to vector<16xf32>
        %mul3A_356 = arith.constant 8.000000e+00 : f32
        %mul3A_357 = vector.broadcast %mul3A_356 : f32 to vector<16xf32>
        %mul3A_358 = arith.mulf %get3A_355, %mul3A_357 : vector<16xf32>
        %swap3A_359 = arith.constant 0 : i32
        %swap3A_360 = arith.index_cast %swap3A_359 : i32 to index
        %swap3A_361 = arith.index_cast %scan3A_335 : i32 to index
        %swap3A_362 = arith.constant 16 : index
        %swap3A_363 = tpu.vector_load %arg7[%swap3A_360, %swap3A_361, %swap3A_362] {strides = array<i32>} : memref<4x128x64xf32, #tpu.memory_space<vmem>>, vector<1x1x16xf32>,
        %swap3A_364 = vector.shape_cast %swap3A_363 : vector<1x1x16xf32> to vector<16xf32>
        %swap3A_365 = vector.shape_cast %mul3A_358 : vector<16xf32> to vector<1x1x16xf32>
        tpu.vector_store %arg7[%swap3A_360, %swap3A_361, %swap3A_362], %swap3A_365 {strides = array<i32>} : memref<4x128x64xf32, #tpu.memory_space<vmem>>, vector<1x1x16xf32>,
        %get3A_366 = arith.constant 0 : i32
        %get3A_367 = arith.index_cast %get3A_366 : i32 to index
        %get3A_368 = arith.index_cast %scan3A_335 : i32 to index
        %get3A_369 = arith.constant 32 : index
        %get3A_370 = tpu.vector_load %arg6[%get3A_367, %get3A_368, %get3A_369] {strides = array<i32>} : memref<4x128x64xf32, #tpu.memory_space<vmem>>, vector<1x1x16xf32>,
        %get3A_371 = vector.shape_cast %get3A_370 : vector<1x1x16xf32> to vector<16xf32>
        %mul3A_372 = arith.constant 8.000000e+00 : f32
        %mul3A_373 = vector.broadcast %mul3A_372 : f32 to vector<16xf32>
        %mul3A_374 = arith.mulf %get3A_371, %mul3A_373 : vector<16xf32>
        %swap3A_375 = arith.constant 0 : i32
        %swap3A_376 = arith.index_cast %swap3A_375 : i32 to index
        %swap3A_377 = arith.index_cast %scan3A_335 : i32 to index
        %swap3A_378 = arith.constant 32 : index
        %swap3A_379 = tpu.vector_load %arg7[%swap3A_376, %swap3A_377, %swap3A_378] {strides = array<i32>} : memref<4x128x64xf32, #tpu.memory_space<vmem>>, vector<1x1x16xf32>,
        %swap3A_380 = vector.shape_cast %swap3A_379 : vector<1x1x16xf32> to vector<16xf32>
        %swap3A_381 = vector.shape_cast %mul3A_374 : vector<16xf32> to vector<1x1x16xf32>
        tpu.vector_store %arg7[%swap3A_376, %swap3A_377, %swap3A_378], %swap3A_381 {strides = array<i32>} : memref<4x128x64xf32, #tpu.memory_space<vmem>>, vector<1x1x16xf32>,
        %get3A_382 = arith.constant 0 : i32
        %get3A_383 = arith.index_cast %get3A_382 : i32 to index
        %get3A_384 = arith.index_cast %scan3A_335 : i32 to index
        %get3A_385 = arith.constant 48 : index
        %get3A_386 = tpu.vector_load %arg6[%get3A_383, %get3A_384, %get3A_385] {strides = array<i32>} : memref<4x128x64xf32, #tpu.memory_space<vmem>>, vector<1x1x16xf32>,
        %get3A_387 = vector.shape_cast %get3A_386 : vector<1x1x16xf32> to vector<16xf32>
        %mul3A_388 = arith.constant 8.000000e+00 : f32
        %mul3A_389 = vector.broadcast %mul3A_388 : f32 to vector<16xf32>
        %mul3A_390 = arith.mulf %get3A_387, %mul3A_389 : vector<16xf32>
        %swap3A_391 = arith.constant 0 : i32
        %swap3A_392 = arith.index_cast %swap3A_391 : i32 to index
        %swap3A_393 = arith.index_cast %scan3A_335 : i32 to index
        %swap3A_394 = arith.constant 48 : index
        %swap3A_395 = tpu.vector_load %arg7[%swap3A_392, %swap3A_393, %swap3A_394] {strides = array<i32>} : memref<4x128x64xf32, #tpu.memory_space<vmem>>, vector<1x1x16xf32>,
        %swap3A_396 = vector.shape_cast %swap3A_395 : vector<1x1x16xf32> to vector<16xf32>
        %swap3A_397 = vector.shape_cast %mul3A_390 : vector<16xf32> to vector<1x1x16xf32>
        tpu.vector_store %arg7[%swap3A_392, %swap3A_393, %swap3A_394], %swap3A_397 {strides = array<i32>} : memref<4x128x64xf32, #tpu.memory_space<vmem>>, vector<1x1x16xf32>,
        %scan3A_398 = arith.constant 1 : i32
        %scan3A_399 = arith.addi %scan3A_335, %scan3A_398 : i32
        %get3A_400 = arith.constant 0 : i32
        %get3A_401 = arith.index_cast %get3A_400 : i32 to index
        %get3A_402 = arith.index_cast %scan3A_399 : i32 to index
        %get3A_403 = arith.constant 0 : index
        %get3A_404 = tpu.vector_load %arg6[%get3A_401, %get3A_402, %get3A_403] {strides = array<i32>} : memref<4x128x64xf32, #tpu.memory_space<vmem>>, vector<1x1x16xf32>,
        %get3A_405 = vector.shape_cast %get3A_404 : vector<1x1x16xf32> to vector<16xf32>
        %mul3A_406 = arith.constant 8.000000e+00 : f32
        %mul3A_407 = vector.broadcast %mul3A_406 : f32 to vector<16xf32>
        %mul3A_408 = arith.mulf %get3A_405, %mul3A_407 : vector<16xf32>
        %swap3A_409 = arith.constant 0 : i32
        %swap3A_410 = arith.index_cast %swap3A_409 : i32 to index
        %swap3A_411 = arith.index_cast %scan3A_399 : i32 to index
        %swap3A_412 = arith.constant 0 : index
        %swap3A_413 = tpu.vector_load %arg7[%swap3A_410, %swap3A_411, %swap3A_412] {strides = array<i32>} : memref<4x128x64xf32, #tpu.memory_space<vmem>>, vector<1x1x16xf32>,
        %swap3A_414 = vector.shape_cast %swap3A_413 : vector<1x1x16xf32> to vector<16xf32>
        %swap3A_415 = vector.shape_cast %mul3A_408 : vector<16xf32> to vector<1x1x16xf32>
        tpu.vector_store %arg7[%swap3A_410, %swap3A_411, %swap3A_412], %swap3A_415 {strides = array<i32>} : memref<4x128x64xf32, #tpu.memory_space<vmem>>, vector<1x1x16xf32>,
        %get3A_416 = arith.constant 0 : i32
        %get3A_417 = arith.index_cast %get3A_416 : i32 to index
        %get3A_418 = arith.index_cast %scan3A_399 : i32 to index
        %get3A_419 = arith.constant 16 : index
        %get3A_420 = tpu.vector_load %arg6[%get3A_417, %get3A_418, %get3A_419] {strides = array<i32>} : memref<4x128x64xf32, #tpu.memory_space<vmem>>, vector<1x1x16xf32>,
        %get3A_421 = vector.shape_cast %get3A_420 : vector<1x1x16xf32> to vector<16xf32>
        %mul3A_422 = arith.constant 8.000000e+00 : f32
        %mul3A_423 = vector.broadcast %mul3A_422 : f32 to vector<16xf32>
        %mul3A_424 = arith.mulf %get3A_421, %mul3A_423 : vector<16xf32>
        %swap3A_425 = arith.constant 0 : i32
        %swap3A_426 = arith.index_cast %swap3A_425 : i32 to index
        %swap3A_427 = arith.index_cast %scan3A_399 : i32 to index
        %swap3A_428 = arith.constant 16 : index
        %swap3A_429 = tpu.vector_load %arg7[%swap3A_426, %swap3A_427, %swap3A_428] {strides = array<i32>} : memref<4x128x64xf32, #tpu.memory_space<vmem>>, vector<1x1x16xf32>,
        %swap3A_430 = vector.shape_cast %swap3A_429 : vector<1x1x16xf32> to vector<16xf32>
        %swap3A_431 = vector.shape_cast %mul3A_424 : vector<16xf32> to vector<1x1x16xf32>
        tpu.vector_store %arg7[%swap3A_426, %swap3A_427, %swap3A_428], %swap3A_431 {strides = array<i32>} : memref<4x128x64xf32, #tpu.memory_space<vmem>>, vector<1x1x16xf32>,
        %get3A_432 = arith.constant 0 : i32
        %get3A_433 = arith.index_cast %get3A_432 : i32 to index
        %get3A_434 = arith.index_cast %scan3A_399 : i32 to index
        %get3A_435 = arith.constant 32 : index
        %get3A_436 = tpu.vector_load %arg6[%get3A_433, %get3A_434, %get3A_435] {strides = array<i32>} : memref<4x128x64xf32, #tpu.memory_space<vmem>>, vector<1x1x16xf32>,
        %get3A_437 = vector.shape_cast %get3A_436 : vector<1x1x16xf32> to vector<16xf32>
        %mul3A_438 = arith.constant 8.000000e+00 : f32
        %mul3A_439 = vector.broadcast %mul3A_438 : f32 to vector<16xf32>
        %mul3A_440 = arith.mulf %get3A_437, %mul3A_439 : vector<16xf32>
        %swap3A_441 = arith.constant 0 : i32
        %swap3A_442 = arith.index_cast %swap3A_441 : i32 to index
        %swap3A_443 = arith.index_cast %scan3A_399 : i32 to index
        %swap3A_444 = arith.constant 32 : index
        %swap3A_445 = tpu.vector_load %arg7[%swap3A_442, %swap3A_443, %swap3A_444] {strides = array<i32>} : memref<4x128x64xf32, #tpu.memory_space<vmem>>, vector<1x1x16xf32>,
        %swap3A_446 = vector.shape_cast %swap3A_445 : vector<1x1x16xf32> to vector<16xf32>
        %swap3A_447 = vector.shape_cast %mul3A_440 : vector<16xf32> to vector<1x1x16xf32>
        tpu.vector_store %arg7[%swap3A_442, %swap3A_443, %swap3A_444], %swap3A_447 {strides = array<i32>} : memref<4x128x64xf32, #tpu.memory_space<vmem>>, vector<1x1x16xf32>,
        %get3A_448 = arith.constant 0 : i32
        %get3A_449 = arith.index_cast %get3A_448 : i32 to index
        %get3A_450 = arith.index_cast %scan3A_399 : i32 to index
        %get3A_451 = arith.constant 48 : index
        %get3A_452 = tpu.vector_load %arg6[%get3A_449, %get3A_450, %get3A_451] {strides = array<i32>} : memref<4x128x64xf32, #tpu.memory_space<vmem>>, vector<1x1x16xf32>,
        %get3A_453 = vector.shape_cast %get3A_452 : vector<1x1x16xf32> to vector<16xf32>
        %mul3A_454 = arith.constant 8.000000e+00 : f32
        %mul3A_455 = vector.broadcast %mul3A_454 : f32 to vector<16xf32>
        %mul3A_456 = arith.mulf %get3A_453, %mul3A_455 : vector<16xf32>
        %swap3A_457 = arith.constant 0 : i32
        %swap3A_458 = arith.index_cast %swap3A_457 : i32 to index
        %swap3A_459 = arith.index_cast %scan3A_399 : i32 to index
        %swap3A_460 = arith.constant 48 : index
        %swap3A_461 = tpu.vector_load %arg7[%swap3A_458, %swap3A_459, %swap3A_460] {strides = array<i32>} : memref<4x128x64xf32, #tpu.memory_space<vmem>>, vector<1x1x16xf32>,
        %swap3A_462 = vector.shape_cast %swap3A_461 : vector<1x1x16xf32> to vector<16xf32>
        %swap3A_463 = vector.shape_cast %mul3A_456 : vector<16xf32> to vector<1x1x16xf32>
        tpu.vector_store %arg7[%swap3A_458, %swap3A_459, %swap3A_460], %swap3A_463 {strides = array<i32>} : memref<4x128x64xf32, #tpu.memory_space<vmem>>, vector<1x1x16xf32>,
        %scan3A_464 = arith.constant 2 : i32
        %scan3A_465 = arith.addi %scan3A_335, %scan3A_464 : i32
        %get3A_466 = arith.constant 0 : i32
        %get3A_467 = arith.index_cast %get3A_466 : i32 to index
        %get3A_468 = arith.index_cast %scan3A_465 : i32 to index
        %get3A_469 = arith.constant 0 : index
        %get3A_470 = tpu.vector_load %arg6[%get3A_467, %get3A_468, %get3A_469] {strides = array<i32>} : memref<4x128x64xf32, #tpu.memory_space<vmem>>, vector<1x1x16xf32>,
        %get3A_471 = vector.shape_cast %get3A_470 : vector<1x1x16xf32> to vector<16xf32>
        %mul3A_472 = arith.constant 8.000000e+00 : f32
        %mul3A_473 = vector.broadcast %mul3A_472 : f32 to vector<16xf32>
        %mul3A_474 = arith.mulf %get3A_471, %mul3A_473 : vector<16xf32>
        %swap3A_475 = arith.constant 0 : i32
        %swap3A_476 = arith.index_cast %swap3A_475 : i32 to index
        %swap3A_477 = arith.index_cast %scan3A_465 : i32 to index
        %swap3A_478 = arith.constant 0 : index
        %swap3A_479 = tpu.vector_load %arg7[%swap3A_476, %swap3A_477, %swap3A_478] {strides = array<i32>} : memref<4x128x64xf32, #tpu.memory_space<vmem>>, vector<1x1x16xf32>,
        %swap3A_480 = vector.shape_cast %swap3A_479 : vector<1x1x16xf32> to vector<16xf32>
        %swap3A_481 = vector.shape_cast %mul3A_474 : vector<16xf32> to vector<1x1x16xf32>
        tpu.vector_store %arg7[%swap3A_476, %swap3A_477, %swap3A_478], %swap3A_481 {strides = array<i32>} : memref<4x128x64xf32, #tpu.memory_space<vmem>>, vector<1x1x16xf32>,
        %get3A_482 = arith.constant 0 : i32
        %get3A_483 = arith.index_cast %get3A_482 : i32 to index
        %get3A_484 = arith.index_cast %scan3A_465 : i32 to index
        %get3A_485 = arith.constant 16 : index
        %get3A_486 = tpu.vector_load %arg6[%get3A_483, %get3A_484, %get3A_485] {strides = array<i32>} : memref<4x128x64xf32, #tpu.memory_space<vmem>>, vector<1x1x16xf32>,
        %get3A_487 = vector.shape_cast %get3A_486 : vector<1x1x16xf32> to vector<16xf32>
        %mul3A_488 = arith.constant 8.000000e+00 : f32
        %mul3A_489 = vector.broadcast %mul3A_488 : f32 to vector<16xf32>
        %mul3A_490 = arith.mulf %get3A_487, %mul3A_489 : vector<16xf32>
        %swap3A_491 = arith.constant 0 : i32
        %swap3A_492 = arith.index_cast %swap3A_491 : i32 to index
        %swap3A_493 = arith.index_cast %scan3A_465 : i32 to index
        %swap3A_494 = arith.constant 16 : index
        %swap3A_495 = tpu.vector_load %arg7[%swap3A_492, %swap3A_493, %swap3A_494] {strides = array<i32>} : memref<4x128x64xf32, #tpu.memory_space<vmem>>, vector<1x1x16xf32>,
        %swap3A_496 = vector.shape_cast %swap3A_495 : vector<1x1x16xf32> to vector<16xf32>
        %swap3A_497 = vector.shape_cast %mul3A_490 : vector<16xf32> to vector<1x1x16xf32>
        tpu.vector_store %arg7[%swap3A_492, %swap3A_493, %swap3A_494], %swap3A_497 {strides = array<i32>} : memref<4x128x64xf32, #tpu.memory_space<vmem>>, vector<1x1x16xf32>,
        %get3A_498 = arith.constant 0 : i32
        %get3A_499 = arith.index_cast %get3A_498 : i32 to index
        %get3A_500 = arith.index_cast %scan3A_465 : i32 to index
        %get3A_501 = arith.constant 32 : index
        %get3A_502 = tpu.vector_load %arg6[%get3A_499, %get3A_500, %get3A_501] {strides = array<i32>} : memref<4x128x64xf32, #tpu.memory_space<vmem>>, vector<1x1x16xf32>,
        %get3A_503 = vector.shape_cast %get3A_502 : vector<1x1x16xf32> to vector<16xf32>
        %mul3A_504 = arith.constant 8.000000e+00 : f32
        %mul3A_505 = vector.broadcast %mul3A_504 : f32 to vector<16xf32>
        %mul3A_506 = arith.mulf %get3A_503, %mul3A_505 : vector<16xf32>
        %swap3A_507 = arith.constant 0 : i32
        %swap3A_508 = arith.index_cast %swap3A_507 : i32 to index
        %swap3A_509 = arith.index_cast %scan3A_465 : i32 to index
        %swap3A_510 = arith.constant 32 : index
        %swap3A_511 = tpu.vector_load %arg7[%swap3A_508, %swap3A_509, %swap3A_510] {strides = array<i32>} : memref<4x128x64xf32, #tpu.memory_space<vmem>>, vector<1x1x16xf32>,
        %swap3A_512 = vector.shape_cast %swap3A_511 : vector<1x1x16xf32> to vector<16xf32>
        %swap3A_513 = vector.shape_cast %mul3A_506 : vector<16xf32> to vector<1x1x16xf32>
        tpu.vector_store %arg7[%swap3A_508, %swap3A_509, %swap3A_510], %swap3A_513 {strides = array<i32>} : memref<4x128x64xf32, #tpu.memory_space<vmem>>, vector<1x1x16xf32>,
        %get3A_514 = arith.constant 0 : i32
        %get3A_515 = arith.index_cast %get3A_514 : i32 to index
        %get3A_516 = arith.index_cast %scan3A_465 : i32 to index
        %get3A_517 = arith.constant 48 : index
        %get3A_518 = tpu.vector_load %arg6[%get3A_515, %get3A_516, %get3A_517] {strides = array<i32>} : memref<4x128x64xf32, #tpu.memory_space<vmem>>, vector<1x1x16xf32>,
        %get3A_519 = vector.shape_cast %get3A_518 : vector<1x1x16xf32> to vector<16xf32>
        %mul3A_520 = arith.constant 8.000000e+00 : f32
        %mul3A_521 = vector.broadcast %mul3A_520 : f32 to vector<16xf32>
        %mul3A_522 = arith.mulf %get3A_519, %mul3A_521 : vector<16xf32>
        %swap3A_523 = arith.constant 0 : i32
        %swap3A_524 = arith.index_cast %swap3A_523 : i32 to index
        %swap3A_525 = arith.index_cast %scan3A_465 : i32 to index
        %swap3A_526 = arith.constant 48 : index
        %swap3A_527 = tpu.vector_load %arg7[%swap3A_524, %swap3A_525, %swap3A_526] {strides = array<i32>} : memref<4x128x64xf32, #tpu.memory_space<vmem>>, vector<1x1x16xf32>,
        %swap3A_528 = vector.shape_cast %swap3A_527 : vector<1x1x16xf32> to vector<16xf32>
        %swap3A_529 = vector.shape_cast %mul3A_522 : vector<16xf32> to vector<1x1x16xf32>
        tpu.vector_store %arg7[%swap3A_524, %swap3A_525, %swap3A_526], %swap3A_529 {strides = array<i32>} : memref<4x128x64xf32, #tpu.memory_space<vmem>>, vector<1x1x16xf32>,
        %scan3A_530 = arith.constant 3 : i32
        %scan3A_531 = arith.addi %scan3A_335, %scan3A_530 : i32
        %get3A_532 = arith.constant 0 : i32
        %get3A_533 = arith.index_cast %get3A_532 : i32 to index
        %get3A_534 = arith.index_cast %scan3A_531 : i32 to index
        %get3A_535 = arith.constant 0 : index
        %get3A_536 = tpu.vector_load %arg6[%get3A_533, %get3A_534, %get3A_535] {strides = array<i32>} : memref<4x128x64xf32, #tpu.memory_space<vmem>>, vector<1x1x16xf32>,
        %get3A_537 = vector.shape_cast %get3A_536 : vector<1x1x16xf32> to vector<16xf32>
        %mul3A_538 = arith.constant 8.000000e+00 : f32
        %mul3A_539 = vector.broadcast %mul3A_538 : f32 to vector<16xf32>
        %mul3A_540 = arith.mulf %get3A_537, %mul3A_539 : vector<16xf32>
        %swap3A_541 = arith.constant 0 : i32
        %swap3A_542 = arith.index_cast %swap3A_541 : i32 to index
        %swap3A_543 = arith.index_cast %scan3A_531 : i32 to index
        %swap3A_544 = arith.constant 0 : index
        %swap3A_545 = tpu.vector_load %arg7[%swap3A_542, %swap3A_543, %swap3A_544] {strides = array<i32>} : memref<4x128x64xf32, #tpu.memory_space<vmem>>, vector<1x1x16xf32>,
        %swap3A_546 = vector.shape_cast %swap3A_545 : vector<1x1x16xf32> to vector<16xf32>
        %swap3A_547 = vector.shape_cast %mul3A_540 : vector<16xf32> to vector<1x1x16xf32>
        tpu.vector_store %arg7[%swap3A_542, %swap3A_543, %swap3A_544], %swap3A_547 {strides = array<i32>} : memref<4x128x64xf32, #tpu.memory_space<vmem>>, vector<1x1x16xf32>,
        %get3A_548 = arith.constant 0 : i32
        %get3A_549 = arith.index_cast %get3A_548 : i32 to index
        %get3A_550 = arith.index_cast %scan3A_531 : i32 to index
        %get3A_551 = arith.constant 16 : index
        %get3A_552 = tpu.vector_load %arg6[%get3A_549, %get3A_550, %get3A_551] {strides = array<i32>} : memref<4x128x64xf32, #tpu.memory_space<vmem>>, vector<1x1x16xf32>,
        %get3A_553 = vector.shape_cast %get3A_552 : vector<1x1x16xf32> to vector<16xf32>
        %mul3A_554 = arith.constant 8.000000e+00 : f32
        %mul3A_555 = vector.broadcast %mul3A_554 : f32 to vector<16xf32>
        %mul3A_556 = arith.mulf %get3A_553, %mul3A_555 : vector<16xf32>
        %swap3A_557 = arith.constant 0 : i32
        %swap3A_558 = arith.index_cast %swap3A_557 : i32 to index
        %swap3A_559 = arith.index_cast %scan3A_531 : i32 to index
        %swap3A_560 = arith.constant 16 : index
        %swap3A_561 = tpu.vector_load %arg7[%swap3A_558, %swap3A_559, %swap3A_560] {strides = array<i32>} : memref<4x128x64xf32, #tpu.memory_space<vmem>>, vector<1x1x16xf32>,
        %swap3A_562 = vector.shape_cast %swap3A_561 : vector<1x1x16xf32> to vector<16xf32>
        %swap3A_563 = vector.shape_cast %mul3A_556 : vector<16xf32> to vector<1x1x16xf32>
        tpu.vector_store %arg7[%swap3A_558, %swap3A_559, %swap3A_560], %swap3A_563 {strides = array<i32>} : memref<4x128x64xf32, #tpu.memory_space<vmem>>, vector<1x1x16xf32>,
        %get3A_564 = arith.constant 0 : i32
        %get3A_565 = arith.index_cast %get3A_564 : i32 to index
        %get3A_566 = arith.index_cast %scan3A_531 : i32 to index
        %get3A_567 = arith.constant 32 : index
        %get3A_568 = tpu.vector_load %arg6[%get3A_565, %get3A_566, %get3A_567] {strides = array<i32>} : memref<4x128x64xf32, #tpu.memory_space<vmem>>, vector<1x1x16xf32>,
        %get3A_569 = vector.shape_cast %get3A_568 : vector<1x1x16xf32> to vector<16xf32>
        %mul3A_570 = arith.constant 8.000000e+00 : f32
        %mul3A_571 = vector.broadcast %mul3A_570 : f32 to vector<16xf32>
        %mul3A_572 = arith.mulf %get3A_569, %mul3A_571 : vector<16xf32>
        %swap3A_573 = arith.constant 0 : i32
        %swap3A_574 = arith.index_cast %swap3A_573 : i32 to index
        %swap3A_575 = arith.index_cast %scan3A_531 : i32 to index
        %swap3A_576 = arith.constant 32 : index
        %swap3A_577 = tpu.vector_load %arg7[%swap3A_574, %swap3A_575, %swap3A_576] {strides = array<i32>} : memref<4x128x64xf32, #tpu.memory_space<vmem>>, vector<1x1x16xf32>,
        %swap3A_578 = vector.shape_cast %swap3A_577 : vector<1x1x16xf32> to vector<16xf32>
        %swap3A_579 = vector.shape_cast %mul3A_572 : vector<16xf32> to vector<1x1x16xf32>
        tpu.vector_store %arg7[%swap3A_574, %swap3A_575, %swap3A_576], %swap3A_579 {strides = array<i32>} : memref<4x128x64xf32, #tpu.memory_space<vmem>>, vector<1x1x16xf32>,
        %get3A_580 = arith.constant 0 : i32
        %get3A_581 = arith.index_cast %get3A_580 : i32 to index
        %get3A_582 = arith.index_cast %scan3A_531 : i32 to index
        %get3A_583 = arith.constant 48 : index
        %get3A_584 = tpu.vector_load %arg6[%get3A_581, %get3A_582, %get3A_583] {strides = array<i32>} : memref<4x128x64xf32, #tpu.memory_space<vmem>>, vector<1x1x16xf32>,
        %get3A_585 = vector.shape_cast %get3A_584 : vector<1x1x16xf32> to vector<16xf32>
        %mul3A_586 = arith.constant 8.000000e+00 : f32
        %mul3A_587 = vector.broadcast %mul3A_586 : f32 to vector<16xf32>
        %mul3A_588 = arith.mulf %get3A_585, %mul3A_587 : vector<16xf32>
        %swap3A_589 = arith.constant 0 : i32
        %swap3A_590 = arith.index_cast %swap3A_589 : i32 to index
        %swap3A_591 = arith.index_cast %scan3A_531 : i32 to index
        %swap3A_592 = arith.constant 48 : index
        %swap3A_593 = tpu.vector_load %arg7[%swap3A_590, %swap3A_591, %swap3A_592] {strides = array<i32>} : memref<4x128x64xf32, #tpu.memory_space<vmem>>, vector<1x1x16xf32>,
        %swap3A_594 = vector.shape_cast %swap3A_593 : vector<1x1x16xf32> to vector<16xf32>
        %swap3A_595 = vector.shape_cast %mul3A_588 : vector<16xf32> to vector<1x1x16xf32>
        tpu.vector_store %arg7[%swap3A_590, %swap3A_591, %swap3A_592], %swap3A_595 {strides = array<i32>} : memref<4x128x64xf32, #tpu.memory_space<vmem>>, vector<1x1x16xf32>,
        %scan3A_596 = arith.constant 4 : i32
        %scan3A_597 = arith.addi %scan3A_335, %scan3A_596 : i32
        %get3A_598 = arith.constant 0 : i32
        %get3A_599 = arith.index_cast %get3A_598 : i32 to index
        %get3A_600 = arith.index_cast %scan3A_597 : i32 to index
        %get3A_601 = arith.constant 0 : index
        %get3A_602 = tpu.vector_load %arg6[%get3A_599, %get3A_600, %get3A_601] {strides = array<i32>} : memref<4x128x64xf32, #tpu.memory_space<vmem>>, vector<1x1x16xf32>,
        %get3A_603 = vector.shape_cast %get3A_602 : vector<1x1x16xf32> to vector<16xf32>
        %mul3A_604 = arith.constant 8.000000e+00 : f32
        %mul3A_605 = vector.broadcast %mul3A_604 : f32 to vector<16xf32>
        %mul3A_606 = arith.mulf %get3A_603, %mul3A_605 : vector<16xf32>
        %swap3A_607 = arith.constant 0 : i32
        %swap3A_608 = arith.index_cast %swap3A_607 : i32 to index
        %swap3A_609 = arith.index_cast %scan3A_597 : i32 to index
        %swap3A_610 = arith.constant 0 : index
        %swap3A_611 = tpu.vector_load %arg7[%swap3A_608, %swap3A_609, %swap3A_610] {strides = array<i32>} : memref<4x128x64xf32, #tpu.memory_space<vmem>>, vector<1x1x16xf32>,
        %swap3A_612 = vector.shape_cast %swap3A_611 : vector<1x1x16xf32> to vector<16xf32>
        %swap3A_613 = vector.shape_cast %mul3A_606 : vector<16xf32> to vector<1x1x16xf32>
        tpu.vector_store %arg7[%swap3A_608, %swap3A_609, %swap3A_610], %swap3A_613 {strides = array<i32>} : memref<4x128x64xf32, #tpu.memory_space<vmem>>, vector<1x1x16xf32>,
        %get3A_614 = arith.constant 0 : i32
        %get3A_615 = arith.index_cast %get3A_614 : i32 to index
        %get3A_616 = arith.index_cast %scan3A_597 : i32 to index
        %get3A_617 = arith.constant 16 : index
        %get3A_618 = tpu.vector_load %arg6[%get3A_615, %get3A_616, %get3A_617] {strides = array<i32>} : memref<4x128x64xf32, #tpu.memory_space<vmem>>, vector<1x1x16xf32>,
        %get3A_619 = vector.shape_cast %get3A_618 : vector<1x1x16xf32> to vector<16xf32>
        %mul3A_620 = arith.constant 8.000000e+00 : f32
        %mul3A_621 = vector.broadcast %mul3A_620 : f32 to vector<16xf32>
        %mul3A_622 = arith.mulf %get3A_619, %mul3A_621 : vector<16xf32>
        %swap3A_623 = arith.constant 0 : i32
        %swap3A_624 = arith.index_cast %swap3A_623 : i32 to index
        %swap3A_625 = arith.index_cast %scan3A_597 : i32 to index
        %swap3A_626 = arith.constant 16 : index
        %swap3A_627 = tpu.vector_load %arg7[%swap3A_624, %swap3A_625, %swap3A_626] {strides = array<i32>} : memref<4x128x64xf32, #tpu.memory_space<vmem>>, vector<1x1x16xf32>,
        %swap3A_628 = vector.shape_cast %swap3A_627 : vector<1x1x16xf32> to vector<16xf32>
        %swap3A_629 = vector.shape_cast %mul3A_622 : vector<16xf32> to vector<1x1x16xf32>
        tpu.vector_store %arg7[%swap3A_624, %swap3A_625, %swap3A_626], %swap3A_629 {strides = array<i32>} : memref<4x128x64xf32, #tpu.memory_space<vmem>>, vector<1x1x16xf32>,
        %get3A_630 = arith.constant 0 : i32
        %get3A_631 = arith.index_cast %get3A_630 : i32 to index
        %get3A_632 = arith.index_cast %scan3A_597 : i32 to index
        %get3A_633 = arith.constant 32 : index
        %get3A_634 = tpu.vector_load %arg6[%get3A_631, %get3A_632, %get3A_633] {strides = array<i32>} : memref<4x128x64xf32, #tpu.memory_space<vmem>>, vector<1x1x16xf32>,
        %get3A_635 = vector.shape_cast %get3A_634 : vector<1x1x16xf32> to vector<16xf32>
        %mul3A_636 = arith.constant 8.000000e+00 : f32
        %mul3A_637 = vector.broadcast %mul3A_636 : f32 to vector<16xf32>
        %mul3A_638 = arith.mulf %get3A_635, %mul3A_637 : vector<16xf32>
        %swap3A_639 = arith.constant 0 : i32
        %swap3A_640 = arith.index_cast %swap3A_639 : i32 to index
        %swap3A_641 = arith.index_cast %scan3A_597 : i32 to index
        %swap3A_642 = arith.constant 32 : index
        %swap3A_643 = tpu.vector_load %arg7[%swap3A_640, %swap3A_641, %swap3A_642] {strides = array<i32>} : memref<4x128x64xf32, #tpu.memory_space<vmem>>, vector<1x1x16xf32>,
        %swap3A_644 = vector.shape_cast %swap3A_643 : vector<1x1x16xf32> to vector<16xf32>
        %swap3A_645 = vector.shape_cast %mul3A_638 : vector<16xf32> to vector<1x1x16xf32>
        tpu.vector_store %arg7[%swap3A_640, %swap3A_641, %swap3A_642], %swap3A_645 {strides = array<i32>} : memref<4x128x64xf32, #tpu.memory_space<vmem>>, vector<1x1x16xf32>,
        %get3A_646 = arith.constant 0 : i32
        %get3A_647 = arith.index_cast %get3A_646 : i32 to index
        %get3A_648 = arith.index_cast %scan3A_597 : i32 to index
        %get3A_649 = arith.constant 48 : index
        %get3A_650 = tpu.vector_load %arg6[%get3A_647, %get3A_648, %get3A_649] {strides = array<i32>} : memref<4x128x64xf32, #tpu.memory_space<vmem>>, vector<1x1x16xf32>,
        %get3A_651 = vector.shape_cast %get3A_650 : vector<1x1x16xf32> to vector<16xf32>
        %mul3A_652 = arith.constant 8.000000e+00 : f32
        %mul3A_653 = vector.broadcast %mul3A_652 : f32 to vector<16xf32>
        %mul3A_654 = arith.mulf %get3A_651, %mul3A_653 : vector<16xf32>
        %swap3A_655 = arith.constant 0 : i32
        %swap3A_656 = arith.index_cast %swap3A_655 : i32 to index
        %swap3A_657 = arith.index_cast %scan3A_597 : i32 to index
        %swap3A_658 = arith.constant 48 : index
        %swap3A_659 = tpu.vector_load %arg7[%swap3A_656, %swap3A_657, %swap3A_658] {strides = array<i32>} : memref<4x128x64xf32, #tpu.memory_space<vmem>>, vector<1x1x16xf32>,
        %swap3A_660 = vector.shape_cast %swap3A_659 : vector<1x1x16xf32> to vector<16xf32>
        %swap3A_661 = vector.shape_cast %mul3A_654 : vector<16xf32> to vector<1x1x16xf32>
        tpu.vector_store %arg7[%swap3A_656, %swap3A_657, %swap3A_658], %swap3A_661 {strides = array<i32>} : memref<4x128x64xf32, #tpu.memory_space<vmem>>, vector<1x1x16xf32>,
        %scan3A_662 = arith.constant 5 : i32
        %scan3A_663 = arith.addi %scan3A_335, %scan3A_662 : i32
        %get3A_664 = arith.constant 0 : i32
        %get3A_665 = arith.index_cast %get3A_664 : i32 to index
        %get3A_666 = arith.index_cast %scan3A_663 : i32 to index
        %get3A_667 = arith.constant 0 : index
        %get3A_668 = tpu.vector_load %arg6[%get3A_665, %get3A_666, %get3A_667] {strides = array<i32>} : memref<4x128x64xf32, #tpu.memory_space<vmem>>, vector<1x1x16xf32>,
        %get3A_669 = vector.shape_cast %get3A_668 : vector<1x1x16xf32> to vector<16xf32>
        %mul3A_670 = arith.constant 8.000000e+00 : f32
        %mul3A_671 = vector.broadcast %mul3A_670 : f32 to vector<16xf32>
        %mul3A_672 = arith.mulf %get3A_669, %mul3A_671 : vector<16xf32>
        %swap3A_673 = arith.constant 0 : i32
        %swap3A_674 = arith.index_cast %swap3A_673 : i32 to index
        %swap3A_675 = arith.index_cast %scan3A_663 : i32 to index
        %swap3A_676 = arith.constant 0 : index
        %swap3A_677 = tpu.vector_load %arg7[%swap3A_674, %swap3A_675, %swap3A_676] {strides = array<i32>} : memref<4x128x64xf32, #tpu.memory_space<vmem>>, vector<1x1x16xf32>,
        %swap3A_678 = vector.shape_cast %swap3A_677 : vector<1x1x16xf32> to vector<16xf32>
        %swap3A_679 = vector.shape_cast %mul3A_672 : vector<16xf32> to vector<1x1x16xf32>
        tpu.vector_store %arg7[%swap3A_674, %swap3A_675, %swap3A_676], %swap3A_679 {strides = array<i32>} : memref<4x128x64xf32, #tpu.memory_space<vmem>>, vector<1x1x16xf32>,
        %get3A_680 = arith.constant 0 : i32
        %get3A_681 = arith.index_cast %get3A_680 : i32 to index
        %get3A_682 = arith.index_cast %scan3A_663 : i32 to index
        %get3A_683 = arith.constant 16 : index
        %get3A_684 = tpu.vector_load %arg6[%get3A_681, %get3A_682, %get3A_683] {strides = array<i32>} : memref<4x128x64xf32, #tpu.memory_space<vmem>>, vector<1x1x16xf32>,
        %get3A_685 = vector.shape_cast %get3A_684 : vector<1x1x16xf32> to vector<16xf32>
        %mul3A_686 = arith.constant 8.000000e+00 : f32
        %mul3A_687 = vector.broadcast %mul3A_686 : f32 to vector<16xf32>
        %mul3A_688 = arith.mulf %get3A_685, %mul3A_687 : vector<16xf32>
        %swap3A_689 = arith.constant 0 : i32
        %swap3A_690 = arith.index_cast %swap3A_689 : i32 to index
        %swap3A_691 = arith.index_cast %scan3A_663 : i32 to index
        %swap3A_692 = arith.constant 16 : index
        %swap3A_693 = tpu.vector_load %arg7[%swap3A_690, %swap3A_691, %swap3A_692] {strides = array<i32>} : memref<4x128x64xf32, #tpu.memory_space<vmem>>, vector<1x1x16xf32>,
        %swap3A_694 = vector.shape_cast %swap3A_693 : vector<1x1x16xf32> to vector<16xf32>
        %swap3A_695 = vector.shape_cast %mul3A_688 : vector<16xf32> to vector<1x1x16xf32>
        tpu.vector_store %arg7[%swap3A_690, %swap3A_691, %swap3A_692], %swap3A_695 {strides = array<i32>} : memref<4x128x64xf32, #tpu.memory_space<vmem>>, vector<1x1x16xf32>,
        %get3A_696 = arith.constant 0 : i32
        %get3A_697 = arith.index_cast %get3A_696 : i32 to index
        %get3A_698 = arith.index_cast %scan3A_663 : i32 to index
        %get3A_699 = arith.constant 32 : index
        %get3A_700 = tpu.vector_load %arg6[%get3A_697, %get3A_698, %get3A_699] {strides = array<i32>} : memref<4x128x64xf32, #tpu.memory_space<vmem>>, vector<1x1x16xf32>,
        %get3A_701 = vector.shape_cast %get3A_700 : vector<1x1x16xf32> to vector<16xf32>
        %mul3A_702 = arith.constant 8.000000e+00 : f32
        %mul3A_703 = vector.broadcast %mul3A_702 : f32 to vector<16xf32>
        %mul3A_704 = arith.mulf %get3A_701, %mul3A_703 : vector<16xf32>
        %swap3A_705 = arith.constant 0 : i32
        %swap3A_706 = arith.index_cast %swap3A_705 : i32 to index
        %swap3A_707 = arith.index_cast %scan3A_663 : i32 to index
        %swap3A_708 = arith.constant 32 : index
        %swap3A_709 = tpu.vector_load %arg7[%swap3A_706, %swap3A_707, %swap3A_708] {strides = array<i32>} : memref<4x128x64xf32, #tpu.memory_space<vmem>>, vector<1x1x16xf32>,
        %swap3A_710 = vector.shape_cast %swap3A_709 : vector<1x1x16xf32> to vector<16xf32>
        %swap3A_711 = vector.shape_cast %mul3A_704 : vector<16xf32> to vector<1x1x16xf32>
        tpu.vector_store %arg7[%swap3A_706, %swap3A_707, %swap3A_708], %swap3A_711 {strides = array<i32>} : memref<4x128x64xf32, #tpu.memory_space<vmem>>, vector<1x1x16xf32>,
        %get3A_712 = arith.constant 0 : i32
        %get3A_713 = arith.index_cast %get3A_712 : i32 to index
        %get3A_714 = arith.index_cast %scan3A_663 : i32 to index
        %get3A_715 = arith.constant 48 : index
        %get3A_716 = tpu.vector_load %arg6[%get3A_713, %get3A_714, %get3A_715] {strides = array<i32>} : memref<4x128x64xf32, #tpu.memory_space<vmem>>, vector<1x1x16xf32>,
        %get3A_717 = vector.shape_cast %get3A_716 : vector<1x1x16xf32> to vector<16xf32>
        %mul3A_718 = arith.constant 8.000000e+00 : f32
        %mul3A_719 = vector.broadcast %mul3A_718 : f32 to vector<16xf32>
        %mul3A_720 = arith.mulf %get3A_717, %mul3A_719 : vector<16xf32>
        %swap3A_721 = arith.constant 0 : i32
        %swap3A_722 = arith.index_cast %swap3A_721 : i32 to index
        %swap3A_723 = arith.index_cast %scan3A_663 : i32 to index
        %swap3A_724 = arith.constant 48 : index
        %swap3A_725 = tpu.vector_load %arg7[%swap3A_722, %swap3A_723, %swap3A_724] {strides = array<i32>} : memref<4x128x64xf32, #tpu.memory_space<vmem>>, vector<1x1x16xf32>,
        %swap3A_726 = vector.shape_cast %swap3A_725 : vector<1x1x16xf32> to vector<16xf32>
        %swap3A_727 = vector.shape_cast %mul3A_720 : vector<16xf32> to vector<1x1x16xf32>
        tpu.vector_store %arg7[%swap3A_722, %swap3A_723, %swap3A_724], %swap3A_727 {strides = array<i32>} : memref<4x128x64xf32, #tpu.memory_space<vmem>>, vector<1x1x16xf32>,
        %scan3A_728 = arith.constant 6 : i32
        %scan3A_729 = arith.addi %scan3A_335, %scan3A_728 : i32
        %get3A_730 = arith.constant 0 : i32
        %get3A_731 = arith.index_cast %get3A_730 : i32 to index
        %get3A_732 = arith.index_cast %scan3A_729 : i32 to index
        %get3A_733 = arith.constant 0 : index
        %get3A_734 = tpu.vector_load %arg6[%get3A_731, %get3A_732, %get3A_733] {strides = array<i32>} : memref<4x128x64xf32, #tpu.memory_space<vmem>>, vector<1x1x16xf32>,
        %get3A_735 = vector.shape_cast %get3A_734 : vector<1x1x16xf32> to vector<16xf32>
        %mul3A_736 = arith.constant 8.000000e+00 : f32
        %mul3A_737 = vector.broadcast %mul3A_736 : f32 to vector<16xf32>
        %mul3A_738 = arith.mulf %get3A_735, %mul3A_737 : vector<16xf32>
        %swap3A_739 = arith.constant 0 : i32
        %swap3A_740 = arith.index_cast %swap3A_739 : i32 to index
        %swap3A_741 = arith.index_cast %scan3A_729 : i32 to index
        %swap3A_742 = arith.constant 0 : index
        %swap3A_743 = tpu.vector_load %arg7[%swap3A_740, %swap3A_741, %swap3A_742] {strides = array<i32>} : memref<4x128x64xf32, #tpu.memory_space<vmem>>, vector<1x1x16xf32>,
        %swap3A_744 = vector.shape_cast %swap3A_743 : vector<1x1x16xf32> to vector<16xf32>
        %swap3A_745 = vector.shape_cast %mul3A_738 : vector<16xf32> to vector<1x1x16xf32>
        tpu.vector_store %arg7[%swap3A_740, %swap3A_741, %swap3A_742], %swap3A_745 {strides = array<i32>} : memref<4x128x64xf32, #tpu.memory_space<vmem>>, vector<1x1x16xf32>,
        %get3A_746 = arith.constant 0 : i32
        %get3A_747 = arith.index_cast %get3A_746 : i32 to index
        %get3A_748 = arith.index_cast %scan3A_729 : i32 to index
        %get3A_749 = arith.constant 16 : index
        %get3A_750 = tpu.vector_load %arg6[%get3A_747, %get3A_748, %get3A_749] {strides = array<i32>} : memref<4x128x64xf32, #tpu.memory_space<vmem>>, vector<1x1x16xf32>,
        %get3A_751 = vector.shape_cast %get3A_750 : vector<1x1x16xf32> to vector<16xf32>
        %mul3A_752 = arith.constant 8.000000e+00 : f32
        %mul3A_753 = vector.broadcast %mul3A_752 : f32 to vector<16xf32>
        %mul3A_754 = arith.mulf %get3A_751, %mul3A_753 : vector<16xf32>
        %swap3A_755 = arith.constant 0 : i32
        %swap3A_756 = arith.index_cast %swap3A_755 : i32 to index
        %swap3A_757 = arith.index_cast %scan3A_729 : i32 to index
        %swap3A_758 = arith.constant 16 : index
        %swap3A_759 = tpu.vector_load %arg7[%swap3A_756, %swap3A_757, %swap3A_758] {strides = array<i32>} : memref<4x128x64xf32, #tpu.memory_space<vmem>>, vector<1x1x16xf32>,
        %swap3A_760 = vector.shape_cast %swap3A_759 : vector<1x1x16xf32> to vector<16xf32>
        %swap3A_761 = vector.shape_cast %mul3A_754 : vector<16xf32> to vector<1x1x16xf32>
        tpu.vector_store %arg7[%swap3A_756, %swap3A_757, %swap3A_758], %swap3A_761 {strides = array<i32>} : memref<4x128x64xf32, #tpu.memory_space<vmem>>, vector<1x1x16xf32>,
        %get3A_762 = arith.constant 0 : i32
        %get3A_763 = arith.index_cast %get3A_762 : i32 to index
        %get3A_764 = arith.index_cast %scan3A_729 : i32 to index
        %get3A_765 = arith.constant 32 : index
        %get3A_766 = tpu.vector_load %arg6[%get3A_763, %get3A_764, %get3A_765] {strides = array<i32>} : memref<4x128x64xf32, #tpu.memory_space<vmem>>, vector<1x1x16xf32>,
        %get3A_767 = vector.shape_cast %get3A_766 : vector<1x1x16xf32> to vector<16xf32>
        %mul3A_768 = arith.constant 8.000000e+00 : f32
        %mul3A_769 = vector.broadcast %mul3A_768 : f32 to vector<16xf32>
        %mul3A_770 = arith.mulf %get3A_767, %mul3A_769 : vector<16xf32>
        %swap3A_771 = arith.constant 0 : i32
        %swap3A_772 = arith.index_cast %swap3A_771 : i32 to index
        %swap3A_773 = arith.index_cast %scan3A_729 : i32 to index
        %swap3A_774 = arith.constant 32 : index
        %swap3A_775 = tpu.vector_load %arg7[%swap3A_772, %swap3A_773, %swap3A_774] {strides = array<i32>} : memref<4x128x64xf32, #tpu.memory_space<vmem>>, vector<1x1x16xf32>,
        %swap3A_776 = vector.shape_cast %swap3A_775 : vector<1x1x16xf32> to vector<16xf32>
        %swap3A_777 = vector.shape_cast %mul3A_770 : vector<16xf32> to vector<1x1x16xf32>
        tpu.vector_store %arg7[%swap3A_772, %swap3A_773, %swap3A_774], %swap3A_777 {strides = array<i32>} : memref<4x128x64xf32, #tpu.memory_space<vmem>>, vector<1x1x16xf32>,
        %get3A_778 = arith.constant 0 : i32
        %get3A_779 = arith.index_cast %get3A_778 : i32 to index
        %get3A_780 = arith.index_cast %scan3A_729 : i32 to index
        %get3A_781 = arith.constant 48 : index
        %get3A_782 = tpu.vector_load %arg6[%get3A_779, %get3A_780, %get3A_781] {strides = array<i32>} : memref<4x128x64xf32, #tpu.memory_space<vmem>>, vector<1x1x16xf32>,
        %get3A_783 = vector.shape_cast %get3A_782 : vector<1x1x16xf32> to vector<16xf32>
        %mul3A_784 = arith.constant 8.000000e+00 : f32
        %mul3A_785 = vector.broadcast %mul3A_784 : f32 to vector<16xf32>
        %mul3A_786 = arith.mulf %get3A_783, %mul3A_785 : vector<16xf32>
        %swap3A_787 = arith.constant 0 : i32
        %swap3A_788 = arith.index_cast %swap3A_787 : i32 to index
        %swap3A_789 = arith.index_cast %scan3A_729 : i32 to index
        %swap3A_790 = arith.constant 48 : index
        %swap3A_791 = tpu.vector_load %arg7[%swap3A_788, %swap3A_789, %swap3A_790] {strides = array<i32>} : memref<4x128x64xf32, #tpu.memory_space<vmem>>, vector<1x1x16xf32>,
        %swap3A_792 = vector.shape_cast %swap3A_791 : vector<1x1x16xf32> to vector<16xf32>
        %swap3A_793 = vector.shape_cast %mul3A_786 : vector<16xf32> to vector<1x1x16xf32>
        tpu.vector_store %arg7[%swap3A_788, %swap3A_789, %swap3A_790], %swap3A_793 {strides = array<i32>} : memref<4x128x64xf32, #tpu.memory_space<vmem>>, vector<1x1x16xf32>,
        %scan3A_794 = arith.constant 7 : i32
        %scan3A_795 = arith.addi %scan3A_335, %scan3A_794 : i32
        %get3A_796 = arith.constant 0 : i32
        %get3A_797 = arith.index_cast %get3A_796 : i32 to index
        %get3A_798 = arith.index_cast %scan3A_795 : i32 to index
        %get3A_799 = arith.constant 0 : index
        %get3A_800 = tpu.vector_load %arg6[%get3A_797, %get3A_798, %get3A_799] {strides = array<i32>} : memref<4x128x64xf32, #tpu.memory_space<vmem>>, vector<1x1x16xf32>,
        %get3A_801 = vector.shape_cast %get3A_800 : vector<1x1x16xf32> to vector<16xf32>
        %mul3A_802 = arith.constant 8.000000e+00 : f32
        %mul3A_803 = vector.broadcast %mul3A_802 : f32 to vector<16xf32>
        %mul3A_804 = arith.mulf %get3A_801, %mul3A_803 : vector<16xf32>
        %swap3A_805 = arith.constant 0 : i32
        %swap3A_806 = arith.index_cast %swap3A_805 : i32 to index
        %swap3A_807 = arith.index_cast %scan3A_795 : i32 to index
        %swap3A_808 = arith.constant 0 : index
        %swap3A_809 = tpu.vector_load %arg7[%swap3A_806, %swap3A_807, %swap3A_808] {strides = array<i32>} : memref<4x128x64xf32, #tpu.memory_space<vmem>>, vector<1x1x16xf32>,
        %swap3A_810 = vector.shape_cast %swap3A_809 : vector<1x1x16xf32> to vector<16xf32>
        %swap3A_811 = vector.shape_cast %mul3A_804 : vector<16xf32> to vector<1x1x16xf32>
        tpu.vector_store %arg7[%swap3A_806, %swap3A_807, %swap3A_808], %swap3A_811 {strides = array<i32>} : memref<4x128x64xf32, #tpu.memory_space<vmem>>, vector<1x1x16xf32>,
        %get3A_812 = arith.constant 0 : i32
        %get3A_813 = arith.index_cast %get3A_812 : i32 to index
        %get3A_814 = arith.index_cast %scan3A_795 : i32 to index
        %get3A_815 = arith.constant 16 : index
        %get3A_816 = tpu.vector_load %arg6[%get3A_813, %get3A_814, %get3A_815] {strides = array<i32>} : memref<4x128x64xf32, #tpu.memory_space<vmem>>, vector<1x1x16xf32>,
        %get3A_817 = vector.shape_cast %get3A_816 : vector<1x1x16xf32> to vector<16xf32>
        %mul3A_818 = arith.constant 8.000000e+00 : f32
        %mul3A_819 = vector.broadcast %mul3A_818 : f32 to vector<16xf32>
        %mul3A_820 = arith.mulf %get3A_817, %mul3A_819 : vector<16xf32>
        %swap3A_821 = arith.constant 0 : i32
        %swap3A_822 = arith.index_cast %swap3A_821 : i32 to index
        %swap3A_823 = arith.index_cast %scan3A_795 : i32 to index
        %swap3A_824 = arith.constant 16 : index
        %swap3A_825 = tpu.vector_load %arg7[%swap3A_822, %swap3A_823, %swap3A_824] {strides = array<i32>} : memref<4x128x64xf32, #tpu.memory_space<vmem>>, vector<1x1x16xf32>,
        %swap3A_826 = vector.shape_cast %swap3A_825 : vector<1x1x16xf32> to vector<16xf32>
        %swap3A_827 = vector.shape_cast %mul3A_820 : vector<16xf32> to vector<1x1x16xf32>
        tpu.vector_store %arg7[%swap3A_822, %swap3A_823, %swap3A_824], %swap3A_827 {strides = array<i32>} : memref<4x128x64xf32, #tpu.memory_space<vmem>>, vector<1x1x16xf32>,
        %get3A_828 = arith.constant 0 : i32
        %get3A_829 = arith.index_cast %get3A_828 : i32 to index
        %get3A_830 = arith.index_cast %scan3A_795 : i32 to index
        %get3A_831 = arith.constant 32 : index
        %get3A_832 = tpu.vector_load %arg6[%get3A_829, %get3A_830, %get3A_831] {strides = array<i32>} : memref<4x128x64xf32, #tpu.memory_space<vmem>>, vector<1x1x16xf32>,
        %get3A_833 = vector.shape_cast %get3A_832 : vector<1x1x16xf32> to vector<16xf32>
        %mul3A_834 = arith.constant 8.000000e+00 : f32
        %mul3A_835 = vector.broadcast %mul3A_834 : f32 to vector<16xf32>
        %mul3A_836 = arith.mulf %get3A_833, %mul3A_835 : vector<16xf32>
        %swap3A_837 = arith.constant 0 : i32
        %swap3A_838 = arith.index_cast %swap3A_837 : i32 to index
        %swap3A_839 = arith.index_cast %scan3A_795 : i32 to index
        %swap3A_840 = arith.constant 32 : index
        %swap3A_841 = tpu.vector_load %arg7[%swap3A_838, %swap3A_839, %swap3A_840] {strides = array<i32>} : memref<4x128x64xf32, #tpu.memory_space<vmem>>, vector<1x1x16xf32>,
        %swap3A_842 = vector.shape_cast %swap3A_841 : vector<1x1x16xf32> to vector<16xf32>
        %swap3A_843 = vector.shape_cast %mul3A_836 : vector<16xf32> to vector<1x1x16xf32>
        tpu.vector_store %arg7[%swap3A_838, %swap3A_839, %swap3A_840], %swap3A_843 {strides = array<i32>} : memref<4x128x64xf32, #tpu.memory_space<vmem>>, vector<1x1x16xf32>,
        %get3A_844 = arith.constant 0 : i32
        %get3A_845 = arith.index_cast %get3A_844 : i32 to index
        %get3A_846 = arith.index_cast %scan3A_795 : i32 to index
        %get3A_847 = arith.constant 48 : index
        %get3A_848 = tpu.vector_load %arg6[%get3A_845, %get3A_846, %get3A_847] {strides = array<i32>} : memref<4x128x64xf32, #tpu.memory_space<vmem>>, vector<1x1x16xf32>,
        %get3A_849 = vector.shape_cast %get3A_848 : vector<1x1x16xf32> to vector<16xf32>
        %mul3A_850 = arith.constant 8.000000e+00 : f32
        %mul3A_851 = vector.broadcast %mul3A_850 : f32 to vector<16xf32>
        %mul3A_852 = arith.mulf %get3A_849, %mul3A_851 : vector<16xf32>
        %swap3A_853 = arith.constant 0 : i32
        %swap3A_854 = arith.index_cast %swap3A_853 : i32 to index
        %swap3A_855 = arith.index_cast %scan3A_795 : i32 to index
        %swap3A_856 = arith.constant 48 : index
        %swap3A_857 = tpu.vector_load %arg7[%swap3A_854, %swap3A_855, %swap3A_856] {strides = array<i32>} : memref<4x128x64xf32, #tpu.memory_space<vmem>>, vector<1x1x16xf32>,
        %swap3A_858 = vector.shape_cast %swap3A_857 : vector<1x1x16xf32> to vector<16xf32>
        %swap3A_859 = vector.shape_cast %mul3A_852 : vector<16xf32> to vector<1x1x16xf32>
        tpu.vector_store %arg7[%swap3A_854, %swap3A_855, %swap3A_856], %swap3A_859 {strides = array<i32>} : memref<4x128x64xf32, #tpu.memory_space<vmem>>, vector<1x1x16xf32>,
      }
      %scan3A_147 = arith.constant 128 : i32
      %add3A_148 = arith.constant 4 : i32
      %add3A_149 = arith.addi %add3A_126, %add3A_148 : i32
      %lt3A = arith.constant 200 : i32
      %lt3A_150 = arith.cmpi slt, %add3A_149, %lt3A : i32
      %convert_element_type3A_151 = arith.extui %lt3A_150 : i1 to i32
      %cond3A_152 = arith.constant 0 : i32
      %cond3A_153 = arith.cmpi ne, %convert_element_type3A_151, %cond3A_152 : i32
      scf.if %cond3A_153 {
        %add3A_335 = arith.constant 4 : i32
        %add3A_336 = arith.addi %add3A_126, %add3A_335 : i32
        %mul3A_337 = arith.constant 128 : i32
        %mul3A_338 = arith.muli %add3A_336, %mul3A_337 : i32
        %dma_start3A_339 = arith.constant 0 : i32
        %dma_start3A_340 = arith.constant 0 : i32
        %dma_start3A_341 = arith.constant 0 : i32
        %dma_start3A_342 = arith.constant 0 : i32
        %dma_start3A_343 = tpu.memref_slice %arg6[%dma_start3A_339, %dma_start3A_341, %dma_start3A_342] : memref<4x128x64xf32, #tpu.memory_space<vmem>> -> memref<1x128x64xf32, #tpu.memory_space<vmem>>
        %dma_start3A_344 = tpu.memref_squeeze %dma_start3A_343 : memref<1x128x64xf32, #tpu.memory_space<vmem>> -> memref<128x64xf32, #tpu.memory_space<vmem>>
        %dma_start3A_345 = tpu.memref_slice %arg5[%mul3A_338] : memref<25600xi32, #tpu.memory_space<vmem>> -> memref<128xi32, #tpu.memory_space<vmem>>
        %dma_start3A_346 = arith.constant 0 : i32
        %dma_start3A_347 = arith.constant 0 : i32
        %dma_start3A_348 = tpu.memref_slice %arg3[%dma_start3A_346, %dma_start3A_347] : memref<1000000x64xf32, #tpu.memory_space<hbm>> -> memref<1000000x64xf32, #tpu.memory_space<hbm>>
        %dma_start3A_349 = tpu.memref_slice %arg8[%dma_start3A_340] : memref<4x!tpu.dma_semaphore, #tpu.memory_space<semaphore_mem>> -> memref<1x!tpu.dma_semaphore, #tpu.memory_space<semaphore_mem>>
        %dma_start3A_350 = tpu.memref_squeeze %dma_start3A_349 : memref<1x!tpu.dma_semaphore, #tpu.memory_space<semaphore_mem>> -> memref<!tpu.dma_semaphore, #tpu.memory_space<semaphore_mem>>
        tpu.enqueue_indirect_dma source(%dma_start3A_348 : memref<1000000x64xf32, #tpu.memory_space<hbm>>) target(%dma_start3A_344 : memref<128x64xf32, #tpu.memory_space<vmem>>) offsets(%dma_start3A_345 : memref<128xi32, #tpu.memory_space<vmem>>) semaphore(%dma_start3A_350 : memref<!tpu.dma_semaphore, #tpu.memory_space<semaphore_mem>>)
      } else {
      }
      %mul3A_154 = arith.constant 128 : i32
      %mul3A_155 = arith.muli %add3A_126, %mul3A_154 : i32
      %add3A_156 = arith.addi %mul3A_2, %mul3A_155 : i32
      %dma_start3A_157 = arith.constant 0 : i32
      %dma_start3A_158 = arith.constant 0 : i32
      %dma_start3A_159 = arith.constant 0 : i32
      %dma_start3A_160 = arith.constant 0 : i32
      %dma_start3A_161 = tpu.memref_slice %arg7[%dma_start3A_157, %dma_start3A_159, %dma_start3A_160] : memref<4x128x64xf32, #tpu.memory_space<vmem>> -> memref<1x128x64xf32, #tpu.memory_space<vmem>>
      %dma_start3A_162 = tpu.memref_squeeze %dma_start3A_161 : memref<1x128x64xf32, #tpu.memory_space<vmem>> -> memref<128x64xf32, #tpu.memory_space<vmem>>
      %dma_start3A_163 = arith.constant 0 : i32
      %dma_start3A_164 = tpu.memref_slice %arg4[%add3A_156, %dma_start3A_163] : memref<819200x64xf32, #tpu.memory_space<hbm>> -> memref<128x64xf32, #tpu.memory_space<hbm>>
      %dma_start3A_165 = tpu.memref_slice %arg9[%dma_start3A_158] : memref<4x!tpu.dma_semaphore, #tpu.memory_space<semaphore_mem>> -> memref<1x!tpu.dma_semaphore, #tpu.memory_space<semaphore_mem>>
      %dma_start3A_166 = tpu.memref_squeeze %dma_start3A_165 : memref<1x!tpu.dma_semaphore, #tpu.memory_space<semaphore_mem>> -> memref<!tpu.dma_semaphore, #tpu.memory_space<semaphore_mem>>
      %dma_start3A_167 = arith.constant 0 : i32
      %dma_start3A_168 = tpu.memref_slice %arg4[%add3A_156, %dma_start3A_167] : memref<819200x64xf32, #tpu.memory_space<hbm>> -> memref<128x64xf32, #tpu.memory_space<hbm>>
      %dma_start3A_169 = arith.constant 0 : i32
      %dma_start3A_170 = arith.constant 0 : i32
      %dma_start3A_171 = tpu.memref_slice %arg7[%dma_start3A_157, %dma_start3A_169, %dma_start3A_170] : memref<4x128x64xf32, #tpu.memory_space<vmem>> -> memref<1x128x64xf32, #tpu.memory_space<vmem>>
      %dma_start3A_172 = tpu.memref_squeeze %dma_start3A_171 : memref<1x128x64xf32, #tpu.memory_space<vmem>> -> memref<128x64xf32, #tpu.memory_space<vmem>>
      tpu.enqueue_dma source(%dma_start3A_172 : memref<128x64xf32, #tpu.memory_space<vmem>>) target(%dma_start3A_168 : memref<128x64xf32, #tpu.memory_space<hbm>>) target_semaphore(%dma_start3A_166 : memref<!tpu.dma_semaphore, #tpu.memory_space<semaphore_mem>>)
      %mul3A_173 = arith.constant 4 : i32
      %mul3A_174 = arith.muli %scan3A_122, %mul3A_173 : i32
      %add3A_175 = arith.constant 1 : i32
      %add3A_176 = arith.addi %mul3A_174, %add3A_175 : i32
      %dma_wait3A_177 = arith.constant 1 : i32
      %dma_wait3A_178 = arith.constant 1 : i32
      %dma_wait3A_179 = arith.constant 0 : i32
      %dma_wait3A_180 = arith.constant 0 : i32
      %dma_wait3A_181 = tpu.memref_slice %arg6[%dma_wait3A_177, %dma_wait3A_179, %dma_wait3A_180] : memref<4x128x64xf32, #tpu.memory_space<vmem>> -> memref<1x128x64xf32, #tpu.memory_space<vmem>>
      %dma_wait3A_182 = tpu.memref_squeeze %dma_wait3A_181 : memref<1x128x64xf32, #tpu.memory_space<vmem>> -> memref<128x64xf32, #tpu.memory_space<vmem>>
      %dma_wait3A_183 = arith.constant 0 : i32
      %dma_wait3A_184 = tpu.memref_slice %arg5[%dma_wait3A_183] : memref<25600xi32, #tpu.memory_space<vmem>> -> memref<128xi32, #tpu.memory_space<vmem>>
      %dma_wait3A_185 = arith.constant 0 : i32
      %dma_wait3A_186 = arith.constant 0 : i32
      %dma_wait3A_187 = tpu.memref_slice %arg3[%dma_wait3A_185, %dma_wait3A_186] : memref<1000000x64xf32, #tpu.memory_space<hbm>> -> memref<1000000x64xf32, #tpu.memory_space<hbm>>
      %dma_wait3A_188 = tpu.memref_slice %arg8[%dma_wait3A_178] : memref<4x!tpu.dma_semaphore, #tpu.memory_space<semaphore_mem>> -> memref<1x!tpu.dma_semaphore, #tpu.memory_space<semaphore_mem>>
      %dma_wait3A_189 = tpu.memref_squeeze %dma_wait3A_188 : memref<1x!tpu.dma_semaphore, #tpu.memory_space<semaphore_mem>> -> memref<!tpu.dma_semaphore, #tpu.memory_space<semaphore_mem>>
      tpu.wait_indirect_dma semaphore(%dma_wait3A_189 : memref<!tpu.dma_semaphore, #tpu.memory_space<semaphore_mem>>) src(%dma_wait3A_187 : memref<1000000x64xf32, #tpu.memory_space<hbm>>) dst(%dma_wait3A_182 : memref<128x64xf32, #tpu.memory_space<vmem>>)
      %gt3A_190 = arith.constant 0 : i32
      %gt3A_191 = arith.cmpi sgt, %scan3A_122, %gt3A_190 : i32
      %convert_element_type3A_192 = arith.extui %gt3A_191 : i1 to i32
      %cond3A_193 = arith.constant 0 : i32
      %cond3A_194 = arith.cmpi ne, %convert_element_type3A_192, %cond3A_193 : i32
      scf.if %cond3A_194 {
        %dma_wait3A_335 = arith.constant 1 : i32
        %dma_wait3A_336 = arith.constant 1 : i32
        %dma_wait3A_337 = arith.constant 0 : i32
        %dma_wait3A_338 = arith.constant 0 : i32
        %dma_wait3A_339 = tpu.memref_slice %arg7[%dma_wait3A_335, %dma_wait3A_337, %dma_wait3A_338] : memref<4x128x64xf32, #tpu.memory_space<vmem>> -> memref<1x128x64xf32, #tpu.memory_space<vmem>>
        %dma_wait3A_340 = tpu.memref_squeeze %dma_wait3A_339 : memref<1x128x64xf32, #tpu.memory_space<vmem>> -> memref<128x64xf32, #tpu.memory_space<vmem>>
        %dma_wait3A_341 = arith.constant 0 : i32
        %dma_wait3A_342 = tpu.memref_slice %arg4[%mul3A_2, %dma_wait3A_341] : memref<819200x64xf32, #tpu.memory_space<hbm>> -> memref<128x64xf32, #tpu.memory_space<hbm>>
        %dma_wait3A_343 = tpu.memref_slice %arg9[%dma_wait3A_336] : memref<4x!tpu.dma_semaphore, #tpu.memory_space<semaphore_mem>> -> memref<1x!tpu.dma_semaphore, #tpu.memory_space<semaphore_mem>>
        %dma_wait3A_344 = tpu.memref_squeeze %dma_wait3A_343 : memref<1x!tpu.dma_semaphore, #tpu.memory_space<semaphore_mem>> -> memref<!tpu.dma_semaphore, #tpu.memory_space<semaphore_mem>>
        %dma_wait3A_345 = arith.constant 0 : i32
        %dma_wait3A_346 = tpu.memref_slice %arg4[%mul3A_2, %dma_wait3A_345] : memref<819200x64xf32, #tpu.memory_space<hbm>> -> memref<128x64xf32, #tpu.memory_space<hbm>>
        %dma_wait3A_347 = arith.constant 0 : i32
        %dma_wait3A_348 = arith.constant 0 : i32
        %dma_wait3A_349 = tpu.memref_slice %arg7[%dma_wait3A_335, %dma_wait3A_347, %dma_wait3A_348] : memref<4x128x64xf32, #tpu.memory_space<vmem>> -> memref<1x128x64xf32, #tpu.memory_space<vmem>>
        %dma_wait3A_350 = tpu.memref_squeeze %dma_wait3A_349 : memref<1x128x64xf32, #tpu.memory_space<vmem>> -> memref<128x64xf32, #tpu.memory_space<vmem>>
        tpu.wait_dma2 semaphore(%dma_wait3A_344 : memref<!tpu.dma_semaphore, #tpu.memory_space<semaphore_mem>>) src(%dma_wait3A_350 : memref<128x64xf32, #tpu.memory_space<vmem>>) dst(%dma_wait3A_346 : memref<128x64xf32, #tpu.memory_space<hbm>>)
      } else {
      }
      %scan3A_195 = arith.constant 0 : i32
      %scan3A_196 = arith.constant 0 : i32
      %scan3A_197 = arith.constant 128 : i32
      %scan3A_198 = arith.addi %scan3A_196, %scan3A_197 : i32
      %scan3A_199 = arith.constant 8 : i32
      scf.for %scan3A_335 = %scan3A_196 to %scan3A_198 step %scan3A_199  : i32 {
        %get3A = arith.constant 1 : i32
        %get3A_336 = arith.index_cast %get3A : i32 to index
        %get3A_337 = arith.index_cast %scan3A_335 : i32 to index
        %get3A_338 = arith.constant 0 : index
        %get3A_339 = tpu.vector_load %arg6[%get3A_336, %get3A_337, %get3A_338] {strides = array<i32>} : memref<4x128x64xf32, #tpu.memory_space<vmem>>, vector<1x1x16xf32>,
        %get3A_340 = vector.shape_cast %get3A_339 : vector<1x1x16xf32> to vector<16xf32>
        %mul3A_341 = arith.constant 8.000000e+00 : f32
        %mul3A_342 = vector.broadcast %mul3A_341 : f32 to vector<16xf32>
        %mul3A_343 = arith.mulf %get3A_340, %mul3A_342 : vector<16xf32>
        %swap3A = arith.constant 1 : i32
        %swap3A_344 = arith.index_cast %swap3A : i32 to index
        %swap3A_345 = arith.index_cast %scan3A_335 : i32 to index
        %swap3A_346 = arith.constant 0 : index
        %swap3A_347 = tpu.vector_load %arg7[%swap3A_344, %swap3A_345, %swap3A_346] {strides = array<i32>} : memref<4x128x64xf32, #tpu.memory_space<vmem>>, vector<1x1x16xf32>,
        %swap3A_348 = vector.shape_cast %swap3A_347 : vector<1x1x16xf32> to vector<16xf32>
        %swap3A_349 = vector.shape_cast %mul3A_343 : vector<16xf32> to vector<1x1x16xf32>
        tpu.vector_store %arg7[%swap3A_344, %swap3A_345, %swap3A_346], %swap3A_349 {strides = array<i32>} : memref<4x128x64xf32, #tpu.memory_space<vmem>>, vector<1x1x16xf32>,
        %get3A_350 = arith.constant 1 : i32
        %get3A_351 = arith.index_cast %get3A_350 : i32 to index
        %get3A_352 = arith.index_cast %scan3A_335 : i32 to index
        %get3A_353 = arith.constant 16 : index
        %get3A_354 = tpu.vector_load %arg6[%get3A_351, %get3A_352, %get3A_353] {strides = array<i32>} : memref<4x128x64xf32, #tpu.memory_space<vmem>>, vector<1x1x16xf32>,
        %get3A_355 = vector.shape_cast %get3A_354 : vector<1x1x16xf32> to vector<16xf32>
        %mul3A_356 = arith.constant 8.000000e+00 : f32
        %mul3A_357 = vector.broadcast %mul3A_356 : f32 to vector<16xf32>
        %mul3A_358 = arith.mulf %get3A_355, %mul3A_357 : vector<16xf32>
        %swap3A_359 = arith.constant 1 : i32
        %swap3A_360 = arith.index_cast %swap3A_359 : i32 to index
        %swap3A_361 = arith.index_cast %scan3A_335 : i32 to index
        %swap3A_362 = arith.constant 16 : index
        %swap3A_363 = tpu.vector_load %arg7[%swap3A_360, %swap3A_361, %swap3A_362] {strides = array<i32>} : memref<4x128x64xf32, #tpu.memory_space<vmem>>, vector<1x1x16xf32>,
        %swap3A_364 = vector.shape_cast %swap3A_363 : vector<1x1x16xf32> to vector<16xf32>
        %swap3A_365 = vector.shape_cast %mul3A_358 : vector<16xf32> to vector<1x1x16xf32>
        tpu.vector_store %arg7[%swap3A_360, %swap3A_361, %swap3A_362], %swap3A_365 {strides = array<i32>} : memref<4x128x64xf32, #tpu.memory_space<vmem>>, vector<1x1x16xf32>,
        %get3A_366 = arith.constant 1 : i32
        %get3A_367 = arith.index_cast %get3A_366 : i32 to index
        %get3A_368 = arith.index_cast %scan3A_335 : i32 to index
        %get3A_369 = arith.constant 32 : index
        %get3A_370 = tpu.vector_load %arg6[%get3A_367, %get3A_368, %get3A_369] {strides = array<i32>} : memref<4x128x64xf32, #tpu.memory_space<vmem>>, vector<1x1x16xf32>,
        %get3A_371 = vector.shape_cast %get3A_370 : vector<1x1x16xf32> to vector<16xf32>
        %mul3A_372 = arith.constant 8.000000e+00 : f32
        %mul3A_373 = vector.broadcast %mul3A_372 : f32 to vector<16xf32>
        %mul3A_374 = arith.mulf %get3A_371, %mul3A_373 : vector<16xf32>
        %swap3A_375 = arith.constant 1 : i32
        %swap3A_376 = arith.index_cast %swap3A_375 : i32 to index
        %swap3A_377 = arith.index_cast %scan3A_335 : i32 to index
        %swap3A_378 = arith.constant 32 : index
        %swap3A_379 = tpu.vector_load %arg7[%swap3A_376, %swap3A_377, %swap3A_378] {strides = array<i32>} : memref<4x128x64xf32, #tpu.memory_space<vmem>>, vector<1x1x16xf32>,
        %swap3A_380 = vector.shape_cast %swap3A_379 : vector<1x1x16xf32> to vector<16xf32>
        %swap3A_381 = vector.shape_cast %mul3A_374 : vector<16xf32> to vector<1x1x16xf32>
        tpu.vector_store %arg7[%swap3A_376, %swap3A_377, %swap3A_378], %swap3A_381 {strides = array<i32>} : memref<4x128x64xf32, #tpu.memory_space<vmem>>, vector<1x1x16xf32>,
        %get3A_382 = arith.constant 1 : i32
        %get3A_383 = arith.index_cast %get3A_382 : i32 to index
        %get3A_384 = arith.index_cast %scan3A_335 : i32 to index
        %get3A_385 = arith.constant 48 : index
        %get3A_386 = tpu.vector_load %arg6[%get3A_383, %get3A_384, %get3A_385] {strides = array<i32>} : memref<4x128x64xf32, #tpu.memory_space<vmem>>, vector<1x1x16xf32>,
        %get3A_387 = vector.shape_cast %get3A_386 : vector<1x1x16xf32> to vector<16xf32>
        %mul3A_388 = arith.constant 8.000000e+00 : f32
        %mul3A_389 = vector.broadcast %mul3A_388 : f32 to vector<16xf32>
        %mul3A_390 = arith.mulf %get3A_387, %mul3A_389 : vector<16xf32>
        %swap3A_391 = arith.constant 1 : i32
        %swap3A_392 = arith.index_cast %swap3A_391 : i32 to index
        %swap3A_393 = arith.index_cast %scan3A_335 : i32 to index
        %swap3A_394 = arith.constant 48 : index
        %swap3A_395 = tpu.vector_load %arg7[%swap3A_392, %swap3A_393, %swap3A_394] {strides = array<i32>} : memref<4x128x64xf32, #tpu.memory_space<vmem>>, vector<1x1x16xf32>,
        %swap3A_396 = vector.shape_cast %swap3A_395 : vector<1x1x16xf32> to vector<16xf32>
        %swap3A_397 = vector.shape_cast %mul3A_390 : vector<16xf32> to vector<1x1x16xf32>
        tpu.vector_store %arg7[%swap3A_392, %swap3A_393, %swap3A_394], %swap3A_397 {strides = array<i32>} : memref<4x128x64xf32, #tpu.memory_space<vmem>>, vector<1x1x16xf32>,
        %scan3A_398 = arith.constant 1 : i32
        %scan3A_399 = arith.addi %scan3A_335, %scan3A_398 : i32
        %get3A_400 = arith.constant 1 : i32
        %get3A_401 = arith.index_cast %get3A_400 : i32 to index
        %get3A_402 = arith.index_cast %scan3A_399 : i32 to index
        %get3A_403 = arith.constant 0 : index
        %get3A_404 = tpu.vector_load %arg6[%get3A_401, %get3A_402, %get3A_403] {strides = array<i32>} : memref<4x128x64xf32, #tpu.memory_space<vmem>>, vector<1x1x16xf32>,
        %get3A_405 = vector.shape_cast %get3A_404 : vector<1x1x16xf32> to vector<16xf32>
        %mul3A_406 = arith.constant 8.000000e+00 : f32
        %mul3A_407 = vector.broadcast %mul3A_406 : f32 to vector<16xf32>
        %mul3A_408 = arith.mulf %get3A_405, %mul3A_407 : vector<16xf32>
        %swap3A_409 = arith.constant 1 : i32
        %swap3A_410 = arith.index_cast %swap3A_409 : i32 to index
        %swap3A_411 = arith.index_cast %scan3A_399 : i32 to index
        %swap3A_412 = arith.constant 0 : index
        %swap3A_413 = tpu.vector_load %arg7[%swap3A_410, %swap3A_411, %swap3A_412] {strides = array<i32>} : memref<4x128x64xf32, #tpu.memory_space<vmem>>, vector<1x1x16xf32>,
        %swap3A_414 = vector.shape_cast %swap3A_413 : vector<1x1x16xf32> to vector<16xf32>
        %swap3A_415 = vector.shape_cast %mul3A_408 : vector<16xf32> to vector<1x1x16xf32>
        tpu.vector_store %arg7[%swap3A_410, %swap3A_411, %swap3A_412], %swap3A_415 {strides = array<i32>} : memref<4x128x64xf32, #tpu.memory_space<vmem>>, vector<1x1x16xf32>,
        %get3A_416 = arith.constant 1 : i32
        %get3A_417 = arith.index_cast %get3A_416 : i32 to index
        %get3A_418 = arith.index_cast %scan3A_399 : i32 to index
        %get3A_419 = arith.constant 16 : index
        %get3A_420 = tpu.vector_load %arg6[%get3A_417, %get3A_418, %get3A_419] {strides = array<i32>} : memref<4x128x64xf32, #tpu.memory_space<vmem>>, vector<1x1x16xf32>,
        %get3A_421 = vector.shape_cast %get3A_420 : vector<1x1x16xf32> to vector<16xf32>
        %mul3A_422 = arith.constant 8.000000e+00 : f32
        %mul3A_423 = vector.broadcast %mul3A_422 : f32 to vector<16xf32>
        %mul3A_424 = arith.mulf %get3A_421, %mul3A_423 : vector<16xf32>
        %swap3A_425 = arith.constant 1 : i32
        %swap3A_426 = arith.index_cast %swap3A_425 : i32 to index
        %swap3A_427 = arith.index_cast %scan3A_399 : i32 to index
        %swap3A_428 = arith.constant 16 : index
        %swap3A_429 = tpu.vector_load %arg7[%swap3A_426, %swap3A_427, %swap3A_428] {strides = array<i32>} : memref<4x128x64xf32, #tpu.memory_space<vmem>>, vector<1x1x16xf32>,
        %swap3A_430 = vector.shape_cast %swap3A_429 : vector<1x1x16xf32> to vector<16xf32>
        %swap3A_431 = vector.shape_cast %mul3A_424 : vector<16xf32> to vector<1x1x16xf32>
        tpu.vector_store %arg7[%swap3A_426, %swap3A_427, %swap3A_428], %swap3A_431 {strides = array<i32>} : memref<4x128x64xf32, #tpu.memory_space<vmem>>, vector<1x1x16xf32>,
        %get3A_432 = arith.constant 1 : i32
        %get3A_433 = arith.index_cast %get3A_432 : i32 to index
        %get3A_434 = arith.index_cast %scan3A_399 : i32 to index
        %get3A_435 = arith.constant 32 : index
        %get3A_436 = tpu.vector_load %arg6[%get3A_433, %get3A_434, %get3A_435] {strides = array<i32>} : memref<4x128x64xf32, #tpu.memory_space<vmem>>, vector<1x1x16xf32>,
        %get3A_437 = vector.shape_cast %get3A_436 : vector<1x1x16xf32> to vector<16xf32>
        %mul3A_438 = arith.constant 8.000000e+00 : f32
        %mul3A_439 = vector.broadcast %mul3A_438 : f32 to vector<16xf32>
        %mul3A_440 = arith.mulf %get3A_437, %mul3A_439 : vector<16xf32>
        %swap3A_441 = arith.constant 1 : i32
        %swap3A_442 = arith.index_cast %swap3A_441 : i32 to index
        %swap3A_443 = arith.index_cast %scan3A_399 : i32 to index
        %swap3A_444 = arith.constant 32 : index
        %swap3A_445 = tpu.vector_load %arg7[%swap3A_442, %swap3A_443, %swap3A_444] {strides = array<i32>} : memref<4x128x64xf32, #tpu.memory_space<vmem>>, vector<1x1x16xf32>,
        %swap3A_446 = vector.shape_cast %swap3A_445 : vector<1x1x16xf32> to vector<16xf32>
        %swap3A_447 = vector.shape_cast %mul3A_440 : vector<16xf32> to vector<1x1x16xf32>
        tpu.vector_store %arg7[%swap3A_442, %swap3A_443, %swap3A_444], %swap3A_447 {strides = array<i32>} : memref<4x128x64xf32, #tpu.memory_space<vmem>>, vector<1x1x16xf32>,
        %get3A_448 = arith.constant 1 : i32
        %get3A_449 = arith.index_cast %get3A_448 : i32 to index
        %get3A_450 = arith.index_cast %scan3A_399 : i32 to index
        %get3A_451 = arith.constant 48 : index
        %get3A_452 = tpu.vector_load %arg6[%get3A_449, %get3A_450, %get3A_451] {strides = array<i32>} : memref<4x128x64xf32, #tpu.memory_space<vmem>>, vector<1x1x16xf32>,
        %get3A_453 = vector.shape_cast %get3A_452 : vector<1x1x16xf32> to vector<16xf32>
        %mul3A_454 = arith.constant 8.000000e+00 : f32
        %mul3A_455 = vector.broadcast %mul3A_454 : f32 to vector<16xf32>
        %mul3A_456 = arith.mulf %get3A_453, %mul3A_455 : vector<16xf32>
        %swap3A_457 = arith.constant 1 : i32
        %swap3A_458 = arith.index_cast %swap3A_457 : i32 to index
        %swap3A_459 = arith.index_cast %scan3A_399 : i32 to index
        %swap3A_460 = arith.constant 48 : index
        %swap3A_461 = tpu.vector_load %arg7[%swap3A_458, %swap3A_459, %swap3A_460] {strides = array<i32>} : memref<4x128x64xf32, #tpu.memory_space<vmem>>, vector<1x1x16xf32>,
        %swap3A_462 = vector.shape_cast %swap3A_461 : vector<1x1x16xf32> to vector<16xf32>
        %swap3A_463 = vector.shape_cast %mul3A_456 : vector<16xf32> to vector<1x1x16xf32>
        tpu.vector_store %arg7[%swap3A_458, %swap3A_459, %swap3A_460], %swap3A_463 {strides = array<i32>} : memref<4x128x64xf32, #tpu.memory_space<vmem>>, vector<1x1x16xf32>,
        %scan3A_464 = arith.constant 2 : i32
        %scan3A_465 = arith.addi %scan3A_335, %scan3A_464 : i32
        %get3A_466 = arith.constant 1 : i32
        %get3A_467 = arith.index_cast %get3A_466 : i32 to index
        %get3A_468 = arith.index_cast %scan3A_465 : i32 to index
        %get3A_469 = arith.constant 0 : index
        %get3A_470 = tpu.vector_load %arg6[%get3A_467, %get3A_468, %get3A_469] {strides = array<i32>} : memref<4x128x64xf32, #tpu.memory_space<vmem>>, vector<1x1x16xf32>,
        %get3A_471 = vector.shape_cast %get3A_470 : vector<1x1x16xf32> to vector<16xf32>
        %mul3A_472 = arith.constant 8.000000e+00 : f32
        %mul3A_473 = vector.broadcast %mul3A_472 : f32 to vector<16xf32>
        %mul3A_474 = arith.mulf %get3A_471, %mul3A_473 : vector<16xf32>
        %swap3A_475 = arith.constant 1 : i32
        %swap3A_476 = arith.index_cast %swap3A_475 : i32 to index
        %swap3A_477 = arith.index_cast %scan3A_465 : i32 to index
        %swap3A_478 = arith.constant 0 : index
        %swap3A_479 = tpu.vector_load %arg7[%swap3A_476, %swap3A_477, %swap3A_478] {strides = array<i32>} : memref<4x128x64xf32, #tpu.memory_space<vmem>>, vector<1x1x16xf32>,
        %swap3A_480 = vector.shape_cast %swap3A_479 : vector<1x1x16xf32> to vector<16xf32>
        %swap3A_481 = vector.shape_cast %mul3A_474 : vector<16xf32> to vector<1x1x16xf32>
        tpu.vector_store %arg7[%swap3A_476, %swap3A_477, %swap3A_478], %swap3A_481 {strides = array<i32>} : memref<4x128x64xf32, #tpu.memory_space<vmem>>, vector<1x1x16xf32>,
        %get3A_482 = arith.constant 1 : i32
        %get3A_483 = arith.index_cast %get3A_482 : i32 to index
        %get3A_484 = arith.index_cast %scan3A_465 : i32 to index
        %get3A_485 = arith.constant 16 : index
        %get3A_486 = tpu.vector_load %arg6[%get3A_483, %get3A_484, %get3A_485] {strides = array<i32>} : memref<4x128x64xf32, #tpu.memory_space<vmem>>, vector<1x1x16xf32>,
        %get3A_487 = vector.shape_cast %get3A_486 : vector<1x1x16xf32> to vector<16xf32>
        %mul3A_488 = arith.constant 8.000000e+00 : f32
        %mul3A_489 = vector.broadcast %mul3A_488 : f32 to vector<16xf32>
        %mul3A_490 = arith.mulf %get3A_487, %mul3A_489 : vector<16xf32>
        %swap3A_491 = arith.constant 1 : i32
        %swap3A_492 = arith.index_cast %swap3A_491 : i32 to index
        %swap3A_493 = arith.index_cast %scan3A_465 : i32 to index
        %swap3A_494 = arith.constant 16 : index
        %swap3A_495 = tpu.vector_load %arg7[%swap3A_492, %swap3A_493, %swap3A_494] {strides = array<i32>} : memref<4x128x64xf32, #tpu.memory_space<vmem>>, vector<1x1x16xf32>,
        %swap3A_496 = vector.shape_cast %swap3A_495 : vector<1x1x16xf32> to vector<16xf32>
        %swap3A_497 = vector.shape_cast %mul3A_490 : vector<16xf32> to vector<1x1x16xf32>
        tpu.vector_store %arg7[%swap3A_492, %swap3A_493, %swap3A_494], %swap3A_497 {strides = array<i32>} : memref<4x128x64xf32, #tpu.memory_space<vmem>>, vector<1x1x16xf32>,
        %get3A_498 = arith.constant 1 : i32
        %get3A_499 = arith.index_cast %get3A_498 : i32 to index
        %get3A_500 = arith.index_cast %scan3A_465 : i32 to index
        %get3A_501 = arith.constant 32 : index
        %get3A_502 = tpu.vector_load %arg6[%get3A_499, %get3A_500, %get3A_501] {strides = array<i32>} : memref<4x128x64xf32, #tpu.memory_space<vmem>>, vector<1x1x16xf32>,
        %get3A_503 = vector.shape_cast %get3A_502 : vector<1x1x16xf32> to vector<16xf32>
        %mul3A_504 = arith.constant 8.000000e+00 : f32
        %mul3A_505 = vector.broadcast %mul3A_504 : f32 to vector<16xf32>
        %mul3A_506 = arith.mulf %get3A_503, %mul3A_505 : vector<16xf32>
        %swap3A_507 = arith.constant 1 : i32
        %swap3A_508 = arith.index_cast %swap3A_507 : i32 to index
        %swap3A_509 = arith.index_cast %scan3A_465 : i32 to index
        %swap3A_510 = arith.constant 32 : index
        %swap3A_511 = tpu.vector_load %arg7[%swap3A_508, %swap3A_509, %swap3A_510] {strides = array<i32>} : memref<4x128x64xf32, #tpu.memory_space<vmem>>, vector<1x1x16xf32>,
        %swap3A_512 = vector.shape_cast %swap3A_511 : vector<1x1x16xf32> to vector<16xf32>
        %swap3A_513 = vector.shape_cast %mul3A_506 : vector<16xf32> to vector<1x1x16xf32>
        tpu.vector_store %arg7[%swap3A_508, %swap3A_509, %swap3A_510], %swap3A_513 {strides = array<i32>} : memref<4x128x64xf32, #tpu.memory_space<vmem>>, vector<1x1x16xf32>,
        %get3A_514 = arith.constant 1 : i32
        %get3A_515 = arith.index_cast %get3A_514 : i32 to index
        %get3A_516 = arith.index_cast %scan3A_465 : i32 to index
        %get3A_517 = arith.constant 48 : index
        %get3A_518 = tpu.vector_load %arg6[%get3A_515, %get3A_516, %get3A_517] {strides = array<i32>} : memref<4x128x64xf32, #tpu.memory_space<vmem>>, vector<1x1x16xf32>,
        %get3A_519 = vector.shape_cast %get3A_518 : vector<1x1x16xf32> to vector<16xf32>
        %mul3A_520 = arith.constant 8.000000e+00 : f32
        %mul3A_521 = vector.broadcast %mul3A_520 : f32 to vector<16xf32>
        %mul3A_522 = arith.mulf %get3A_519, %mul3A_521 : vector<16xf32>
        %swap3A_523 = arith.constant 1 : i32
        %swap3A_524 = arith.index_cast %swap3A_523 : i32 to index
        %swap3A_525 = arith.index_cast %scan3A_465 : i32 to index
        %swap3A_526 = arith.constant 48 : index
        %swap3A_527 = tpu.vector_load %arg7[%swap3A_524, %swap3A_525, %swap3A_526] {strides = array<i32>} : memref<4x128x64xf32, #tpu.memory_space<vmem>>, vector<1x1x16xf32>,
        %swap3A_528 = vector.shape_cast %swap3A_527 : vector<1x1x16xf32> to vector<16xf32>
        %swap3A_529 = vector.shape_cast %mul3A_522 : vector<16xf32> to vector<1x1x16xf32>
        tpu.vector_store %arg7[%swap3A_524, %swap3A_525, %swap3A_526], %swap3A_529 {strides = array<i32>} : memref<4x128x64xf32, #tpu.memory_space<vmem>>, vector<1x1x16xf32>,
        %scan3A_530 = arith.constant 3 : i32
        %scan3A_531 = arith.addi %scan3A_335, %scan3A_530 : i32
        %get3A_532 = arith.constant 1 : i32
        %get3A_533 = arith.index_cast %get3A_532 : i32 to index
        %get3A_534 = arith.index_cast %scan3A_531 : i32 to index
        %get3A_535 = arith.constant 0 : index
        %get3A_536 = tpu.vector_load %arg6[%get3A_533, %get3A_534, %get3A_535] {strides = array<i32>} : memref<4x128x64xf32, #tpu.memory_space<vmem>>, vector<1x1x16xf32>,
        %get3A_537 = vector.shape_cast %get3A_536 : vector<1x1x16xf32> to vector<16xf32>
        %mul3A_538 = arith.constant 8.000000e+00 : f32
        %mul3A_539 = vector.broadcast %mul3A_538 : f32 to vector<16xf32>
        %mul3A_540 = arith.mulf %get3A_537, %mul3A_539 : vector<16xf32>
        %swap3A_541 = arith.constant 1 : i32
        %swap3A_542 = arith.index_cast %swap3A_541 : i32 to index
        %swap3A_543 = arith.index_cast %scan3A_531 : i32 to index
        %swap3A_544 = arith.constant 0 : index
        %swap3A_545 = tpu.vector_load %arg7[%swap3A_542, %swap3A_543, %swap3A_544] {strides = array<i32>} : memref<4x128x64xf32, #tpu.memory_space<vmem>>, vector<1x1x16xf32>,
        %swap3A_546 = vector.shape_cast %swap3A_545 : vector<1x1x16xf32> to vector<16xf32>
        %swap3A_547 = vector.shape_cast %mul3A_540 : vector<16xf32> to vector<1x1x16xf32>
        tpu.vector_store %arg7[%swap3A_542, %swap3A_543, %swap3A_544], %swap3A_547 {strides = array<i32>} : memref<4x128x64xf32, #tpu.memory_space<vmem>>, vector<1x1x16xf32>,
        %get3A_548 = arith.constant 1 : i32
        %get3A_549 = arith.index_cast %get3A_548 : i32 to index
        %get3A_550 = arith.index_cast %scan3A_531 : i32 to index
        %get3A_551 = arith.constant 16 : index
        %get3A_552 = tpu.vector_load %arg6[%get3A_549, %get3A_550, %get3A_551] {strides = array<i32>} : memref<4x128x64xf32, #tpu.memory_space<vmem>>, vector<1x1x16xf32>,
        %get3A_553 = vector.shape_cast %get3A_552 : vector<1x1x16xf32> to vector<16xf32>
        %mul3A_554 = arith.constant 8.000000e+00 : f32
        %mul3A_555 = vector.broadcast %mul3A_554 : f32 to vector<16xf32>
        %mul3A_556 = arith.mulf %get3A_553, %mul3A_555 : vector<16xf32>
        %swap3A_557 = arith.constant 1 : i32
        %swap3A_558 = arith.index_cast %swap3A_557 : i32 to index
        %swap3A_559 = arith.index_cast %scan3A_531 : i32 to index
        %swap3A_560 = arith.constant 16 : index
        %swap3A_561 = tpu.vector_load %arg7[%swap3A_558, %swap3A_559, %swap3A_560] {strides = array<i32>} : memref<4x128x64xf32, #tpu.memory_space<vmem>>, vector<1x1x16xf32>,
        %swap3A_562 = vector.shape_cast %swap3A_561 : vector<1x1x16xf32> to vector<16xf32>
        %swap3A_563 = vector.shape_cast %mul3A_556 : vector<16xf32> to vector<1x1x16xf32>
        tpu.vector_store %arg7[%swap3A_558, %swap3A_559, %swap3A_560], %swap3A_563 {strides = array<i32>} : memref<4x128x64xf32, #tpu.memory_space<vmem>>, vector<1x1x16xf32>,
        %get3A_564 = arith.constant 1 : i32
        %get3A_565 = arith.index_cast %get3A_564 : i32 to index
        %get3A_566 = arith.index_cast %scan3A_531 : i32 to index
        %get3A_567 = arith.constant 32 : index
        %get3A_568 = tpu.vector_load %arg6[%get3A_565, %get3A_566, %get3A_567] {strides = array<i32>} : memref<4x128x64xf32, #tpu.memory_space<vmem>>, vector<1x1x16xf32>,
        %get3A_569 = vector.shape_cast %get3A_568 : vector<1x1x16xf32> to vector<16xf32>
        %mul3A_570 = arith.constant 8.000000e+00 : f32
        %mul3A_571 = vector.broadcast %mul3A_570 : f32 to vector<16xf32>
        %mul3A_572 = arith.mulf %get3A_569, %mul3A_571 : vector<16xf32>
        %swap3A_573 = arith.constant 1 : i32
        %swap3A_574 = arith.index_cast %swap3A_573 : i32 to index
        %swap3A_575 = arith.index_cast %scan3A_531 : i32 to index
        %swap3A_576 = arith.constant 32 : index
        %swap3A_577 = tpu.vector_load %arg7[%swap3A_574, %swap3A_575, %swap3A_576] {strides = array<i32>} : memref<4x128x64xf32, #tpu.memory_space<vmem>>, vector<1x1x16xf32>,
        %swap3A_578 = vector.shape_cast %swap3A_577 : vector<1x1x16xf32> to vector<16xf32>
        %swap3A_579 = vector.shape_cast %mul3A_572 : vector<16xf32> to vector<1x1x16xf32>
        tpu.vector_store %arg7[%swap3A_574, %swap3A_575, %swap3A_576], %swap3A_579 {strides = array<i32>} : memref<4x128x64xf32, #tpu.memory_space<vmem>>, vector<1x1x16xf32>,
        %get3A_580 = arith.constant 1 : i32
        %get3A_581 = arith.index_cast %get3A_580 : i32 to index
        %get3A_582 = arith.index_cast %scan3A_531 : i32 to index
        %get3A_583 = arith.constant 48 : index
        %get3A_584 = tpu.vector_load %arg6[%get3A_581, %get3A_582, %get3A_583] {strides = array<i32>} : memref<4x128x64xf32, #tpu.memory_space<vmem>>, vector<1x1x16xf32>,
        %get3A_585 = vector.shape_cast %get3A_584 : vector<1x1x16xf32> to vector<16xf32>
        %mul3A_586 = arith.constant 8.000000e+00 : f32
        %mul3A_587 = vector.broadcast %mul3A_586 : f32 to vector<16xf32>
        %mul3A_588 = arith.mulf %get3A_585, %mul3A_587 : vector<16xf32>
        %swap3A_589 = arith.constant 1 : i32
        %swap3A_590 = arith.index_cast %swap3A_589 : i32 to index
        %swap3A_591 = arith.index_cast %scan3A_531 : i32 to index
        %swap3A_592 = arith.constant 48 : index
        %swap3A_593 = tpu.vector_load %arg7[%swap3A_590, %swap3A_591, %swap3A_592] {strides = array<i32>} : memref<4x128x64xf32, #tpu.memory_space<vmem>>, vector<1x1x16xf32>,
        %swap3A_594 = vector.shape_cast %swap3A_593 : vector<1x1x16xf32> to vector<16xf32>
        %swap3A_595 = vector.shape_cast %mul3A_588 : vector<16xf32> to vector<1x1x16xf32>
        tpu.vector_store %arg7[%swap3A_590, %swap3A_591, %swap3A_592], %swap3A_595 {strides = array<i32>} : memref<4x128x64xf32, #tpu.memory_space<vmem>>, vector<1x1x16xf32>,
        %scan3A_596 = arith.constant 4 : i32
        %scan3A_597 = arith.addi %scan3A_335, %scan3A_596 : i32
        %get3A_598 = arith.constant 1 : i32
        %get3A_599 = arith.index_cast %get3A_598 : i32 to index
        %get3A_600 = arith.index_cast %scan3A_597 : i32 to index
        %get3A_601 = arith.constant 0 : index
        %get3A_602 = tpu.vector_load %arg6[%get3A_599, %get3A_600, %get3A_601] {strides = array<i32>} : memref<4x128x64xf32, #tpu.memory_space<vmem>>, vector<1x1x16xf32>,
        %get3A_603 = vector.shape_cast %get3A_602 : vector<1x1x16xf32> to vector<16xf32>
        %mul3A_604 = arith.constant 8.000000e+00 : f32
        %mul3A_605 = vector.broadcast %mul3A_604 : f32 to vector<16xf32>
        %mul3A_606 = arith.mulf %get3A_603, %mul3A_605 : vector<16xf32>
        %swap3A_607 = arith.constant 1 : i32
        %swap3A_608 = arith.index_cast %swap3A_607 : i32 to index
        %swap3A_609 = arith.index_cast %scan3A_597 : i32 to index
        %swap3A_610 = arith.constant 0 : index
        %swap3A_611 = tpu.vector_load %arg7[%swap3A_608, %swap3A_609, %swap3A_610] {strides = array<i32>} : memref<4x128x64xf32, #tpu.memory_space<vmem>>, vector<1x1x16xf32>,
        %swap3A_612 = vector.shape_cast %swap3A_611 : vector<1x1x16xf32> to vector<16xf32>
        %swap3A_613 = vector.shape_cast %mul3A_606 : vector<16xf32> to vector<1x1x16xf32>
        tpu.vector_store %arg7[%swap3A_608, %swap3A_609, %swap3A_610], %swap3A_613 {strides = array<i32>} : memref<4x128x64xf32, #tpu.memory_space<vmem>>, vector<1x1x16xf32>,
        %get3A_614 = arith.constant 1 : i32
        %get3A_615 = arith.index_cast %get3A_614 : i32 to index
        %get3A_616 = arith.index_cast %scan3A_597 : i32 to index
        %get3A_617 = arith.constant 16 : index
        %get3A_618 = tpu.vector_load %arg6[%get3A_615, %get3A_616, %get3A_617] {strides = array<i32>} : memref<4x128x64xf32, #tpu.memory_space<vmem>>, vector<1x1x16xf32>,
        %get3A_619 = vector.shape_cast %get3A_618 : vector<1x1x16xf32> to vector<16xf32>
        %mul3A_620 = arith.constant 8.000000e+00 : f32
        %mul3A_621 = vector.broadcast %mul3A_620 : f32 to vector<16xf32>
        %mul3A_622 = arith.mulf %get3A_619, %mul3A_621 : vector<16xf32>
        %swap3A_623 = arith.constant 1 : i32
        %swap3A_624 = arith.index_cast %swap3A_623 : i32 to index
        %swap3A_625 = arith.index_cast %scan3A_597 : i32 to index
        %swap3A_626 = arith.constant 16 : index
        %swap3A_627 = tpu.vector_load %arg7[%swap3A_624, %swap3A_625, %swap3A_626] {strides = array<i32>} : memref<4x128x64xf32, #tpu.memory_space<vmem>>, vector<1x1x16xf32>,
        %swap3A_628 = vector.shape_cast %swap3A_627 : vector<1x1x16xf32> to vector<16xf32>
        %swap3A_629 = vector.shape_cast %mul3A_622 : vector<16xf32> to vector<1x1x16xf32>
        tpu.vector_store %arg7[%swap3A_624, %swap3A_625, %swap3A_626], %swap3A_629 {strides = array<i32>} : memref<4x128x64xf32, #tpu.memory_space<vmem>>, vector<1x1x16xf32>,
        %get3A_630 = arith.constant 1 : i32
        %get3A_631 = arith.index_cast %get3A_630 : i32 to index
        %get3A_632 = arith.index_cast %scan3A_597 : i32 to index
        %get3A_633 = arith.constant 32 : index
        %get3A_634 = tpu.vector_load %arg6[%get3A_631, %get3A_632, %get3A_633] {strides = array<i32>} : memref<4x128x64xf32, #tpu.memory_space<vmem>>, vector<1x1x16xf32>,
        %get3A_635 = vector.shape_cast %get3A_634 : vector<1x1x16xf32> to vector<16xf32>
        %mul3A_636 = arith.constant 8.000000e+00 : f32
        %mul3A_637 = vector.broadcast %mul3A_636 : f32 to vector<16xf32>
        %mul3A_638 = arith.mulf %get3A_635, %mul3A_637 : vector<16xf32>
        %swap3A_639 = arith.constant 1 : i32
        %swap3A_640 = arith.index_cast %swap3A_639 : i32 to index
        %swap3A_641 = arith.index_cast %scan3A_597 : i32 to index
        %swap3A_642 = arith.constant 32 : index
        %swap3A_643 = tpu.vector_load %arg7[%swap3A_640, %swap3A_641, %swap3A_642] {strides = array<i32>} : memref<4x128x64xf32, #tpu.memory_space<vmem>>, vector<1x1x16xf32>,
        %swap3A_644 = vector.shape_cast %swap3A_643 : vector<1x1x16xf32> to vector<16xf32>
        %swap3A_645 = vector.shape_cast %mul3A_638 : vector<16xf32> to vector<1x1x16xf32>
        tpu.vector_store %arg7[%swap3A_640, %swap3A_641, %swap3A_642], %swap3A_645 {strides = array<i32>} : memref<4x128x64xf32, #tpu.memory_space<vmem>>, vector<1x1x16xf32>,
        %get3A_646 = arith.constant 1 : i32
        %get3A_647 = arith.index_cast %get3A_646 : i32 to index
        %get3A_648 = arith.index_cast %scan3A_597 : i32 to index
        %get3A_649 = arith.constant 48 : index
        %get3A_650 = tpu.vector_load %arg6[%get3A_647, %get3A_648, %get3A_649] {strides = array<i32>} : memref<4x128x64xf32, #tpu.memory_space<vmem>>, vector<1x1x16xf32>,
        %get3A_651 = vector.shape_cast %get3A_650 : vector<1x1x16xf32> to vector<16xf32>
        %mul3A_652 = arith.constant 8.000000e+00 : f32
        %mul3A_653 = vector.broadcast %mul3A_652 : f32 to vector<16xf32>
        %mul3A_654 = arith.mulf %get3A_651, %mul3A_653 : vector<16xf32>
        %swap3A_655 = arith.constant 1 : i32
        %swap3A_656 = arith.index_cast %swap3A_655 : i32 to index
        %swap3A_657 = arith.index_cast %scan3A_597 : i32 to index
        %swap3A_658 = arith.constant 48 : index
        %swap3A_659 = tpu.vector_load %arg7[%swap3A_656, %swap3A_657, %swap3A_658] {strides = array<i32>} : memref<4x128x64xf32, #tpu.memory_space<vmem>>, vector<1x1x16xf32>,
        %swap3A_660 = vector.shape_cast %swap3A_659 : vector<1x1x16xf32> to vector<16xf32>
        %swap3A_661 = vector.shape_cast %mul3A_654 : vector<16xf32> to vector<1x1x16xf32>
        tpu.vector_store %arg7[%swap3A_656, %swap3A_657, %swap3A_658], %swap3A_661 {strides = array<i32>} : memref<4x128x64xf32, #tpu.memory_space<vmem>>, vector<1x1x16xf32>,
        %scan3A_662 = arith.constant 5 : i32
        %scan3A_663 = arith.addi %scan3A_335, %scan3A_662 : i32
        %get3A_664 = arith.constant 1 : i32
        %get3A_665 = arith.index_cast %get3A_664 : i32 to index
        %get3A_666 = arith.index_cast %scan3A_663 : i32 to index
        %get3A_667 = arith.constant 0 : index
        %get3A_668 = tpu.vector_load %arg6[%get3A_665, %get3A_666, %get3A_667] {strides = array<i32>} : memref<4x128x64xf32, #tpu.memory_space<vmem>>, vector<1x1x16xf32>,
        %get3A_669 = vector.shape_cast %get3A_668 : vector<1x1x16xf32> to vector<16xf32>
        %mul3A_670 = arith.constant 8.000000e+00 : f32
        %mul3A_671 = vector.broadcast %mul3A_670 : f32 to vector<16xf32>
        %mul3A_672 = arith.mulf %get3A_669, %mul3A_671 : vector<16xf32>
        %swap3A_673 = arith.constant 1 : i32
        %swap3A_674 = arith.index_cast %swap3A_673 : i32 to index
        %swap3A_675 = arith.index_cast %scan3A_663 : i32 to index
        %swap3A_676 = arith.constant 0 : index
        %swap3A_677 = tpu.vector_load %arg7[%swap3A_674, %swap3A_675, %swap3A_676] {strides = array<i32>} : memref<4x128x64xf32, #tpu.memory_space<vmem>>, vector<1x1x16xf32>,
        %swap3A_678 = vector.shape_cast %swap3A_677 : vector<1x1x16xf32> to vector<16xf32>
        %swap3A_679 = vector.shape_cast %mul3A_672 : vector<16xf32> to vector<1x1x16xf32>
        tpu.vector_store %arg7[%swap3A_674, %swap3A_675, %swap3A_676], %swap3A_679 {strides = array<i32>} : memref<4x128x64xf32, #tpu.memory_space<vmem>>, vector<1x1x16xf32>,
        %get3A_680 = arith.constant 1 : i32
        %get3A_681 = arith.index_cast %get3A_680 : i32 to index
        %get3A_682 = arith.index_cast %scan3A_663 : i32 to index
        %get3A_683 = arith.constant 16 : index
        %get3A_684 = tpu.vector_load %arg6[%get3A_681, %get3A_682, %get3A_683] {strides = array<i32>} : memref<4x128x64xf32, #tpu.memory_space<vmem>>, vector<1x1x16xf32>,
        %get3A_685 = vector.shape_cast %get3A_684 : vector<1x1x16xf32> to vector<16xf32>
        %mul3A_686 = arith.constant 8.000000e+00 : f32
        %mul3A_687 = vector.broadcast %mul3A_686 : f32 to vector<16xf32>
        %mul3A_688 = arith.mulf %get3A_685, %mul3A_687 : vector<16xf32>
        %swap3A_689 = arith.constant 1 : i32
        %swap3A_690 = arith.index_cast %swap3A_689 : i32 to index
        %swap3A_691 = arith.index_cast %scan3A_663 : i32 to index
        %swap3A_692 = arith.constant 16 : index
        %swap3A_693 = tpu.vector_load %arg7[%swap3A_690, %swap3A_691, %swap3A_692] {strides = array<i32>} : memref<4x128x64xf32, #tpu.memory_space<vmem>>, vector<1x1x16xf32>,
        %swap3A_694 = vector.shape_cast %swap3A_693 : vector<1x1x16xf32> to vector<16xf32>
        %swap3A_695 = vector.shape_cast %mul3A_688 : vector<16xf32> to vector<1x1x16xf32>
        tpu.vector_store %arg7[%swap3A_690, %swap3A_691, %swap3A_692], %swap3A_695 {strides = array<i32>} : memref<4x128x64xf32, #tpu.memory_space<vmem>>, vector<1x1x16xf32>,
        %get3A_696 = arith.constant 1 : i32
        %get3A_697 = arith.index_cast %get3A_696 : i32 to index
        %get3A_698 = arith.index_cast %scan3A_663 : i32 to index
        %get3A_699 = arith.constant 32 : index
        %get3A_700 = tpu.vector_load %arg6[%get3A_697, %get3A_698, %get3A_699] {strides = array<i32>} : memref<4x128x64xf32, #tpu.memory_space<vmem>>, vector<1x1x16xf32>,
        %get3A_701 = vector.shape_cast %get3A_700 : vector<1x1x16xf32> to vector<16xf32>
        %mul3A_702 = arith.constant 8.000000e+00 : f32
        %mul3A_703 = vector.broadcast %mul3A_702 : f32 to vector<16xf32>
        %mul3A_704 = arith.mulf %get3A_701, %mul3A_703 : vector<16xf32>
        %swap3A_705 = arith.constant 1 : i32
        %swap3A_706 = arith.index_cast %swap3A_705 : i32 to index
        %swap3A_707 = arith.index_cast %scan3A_663 : i32 to index
        %swap3A_708 = arith.constant 32 : index
        %swap3A_709 = tpu.vector_load %arg7[%swap3A_706, %swap3A_707, %swap3A_708] {strides = array<i32>} : memref<4x128x64xf32, #tpu.memory_space<vmem>>, vector<1x1x16xf32>,
        %swap3A_710 = vector.shape_cast %swap3A_709 : vector<1x1x16xf32> to vector<16xf32>
        %swap3A_711 = vector.shape_cast %mul3A_704 : vector<16xf32> to vector<1x1x16xf32>
        tpu.vector_store %arg7[%swap3A_706, %swap3A_707, %swap3A_708], %swap3A_711 {strides = array<i32>} : memref<4x128x64xf32, #tpu.memory_space<vmem>>, vector<1x1x16xf32>,
        %get3A_712 = arith.constant 1 : i32
        %get3A_713 = arith.index_cast %get3A_712 : i32 to index
        %get3A_714 = arith.index_cast %scan3A_663 : i32 to index
        %get3A_715 = arith.constant 48 : index
        %get3A_716 = tpu.vector_load %arg6[%get3A_713, %get3A_714, %get3A_715] {strides = array<i32>} : memref<4x128x64xf32, #tpu.memory_space<vmem>>, vector<1x1x16xf32>,
        %get3A_717 = vector.shape_cast %get3A_716 : vector<1x1x16xf32> to vector<16xf32>
        %mul3A_718 = arith.constant 8.000000e+00 : f32
        %mul3A_719 = vector.broadcast %mul3A_718 : f32 to vector<16xf32>
        %mul3A_720 = arith.mulf %get3A_717, %mul3A_719 : vector<16xf32>
        %swap3A_721 = arith.constant 1 : i32
        %swap3A_722 = arith.index_cast %swap3A_721 : i32 to index
        %swap3A_723 = arith.index_cast %scan3A_663 : i32 to index
        %swap3A_724 = arith.constant 48 : index
        %swap3A_725 = tpu.vector_load %arg7[%swap3A_722, %swap3A_723, %swap3A_724] {strides = array<i32>} : memref<4x128x64xf32, #tpu.memory_space<vmem>>, vector<1x1x16xf32>,
        %swap3A_726 = vector.shape_cast %swap3A_725 : vector<1x1x16xf32> to vector<16xf32>
        %swap3A_727 = vector.shape_cast %mul3A_720 : vector<16xf32> to vector<1x1x16xf32>
        tpu.vector_store %arg7[%swap3A_722, %swap3A_723, %swap3A_724], %swap3A_727 {strides = array<i32>} : memref<4x128x64xf32, #tpu.memory_space<vmem>>, vector<1x1x16xf32>,
        %scan3A_728 = arith.constant 6 : i32
        %scan3A_729 = arith.addi %scan3A_335, %scan3A_728 : i32
        %get3A_730 = arith.constant 1 : i32
        %get3A_731 = arith.index_cast %get3A_730 : i32 to index
        %get3A_732 = arith.index_cast %scan3A_729 : i32 to index
        %get3A_733 = arith.constant 0 : index
        %get3A_734 = tpu.vector_load %arg6[%get3A_731, %get3A_732, %get3A_733] {strides = array<i32>} : memref<4x128x64xf32, #tpu.memory_space<vmem>>, vector<1x1x16xf32>,
        %get3A_735 = vector.shape_cast %get3A_734 : vector<1x1x16xf32> to vector<16xf32>
        %mul3A_736 = arith.constant 8.000000e+00 : f32
        %mul3A_737 = vector.broadcast %mul3A_736 : f32 to vector<16xf32>
        %mul3A_738 = arith.mulf %get3A_735, %mul3A_737 : vector<16xf32>
        %swap3A_739 = arith.constant 1 : i32
        %swap3A_740 = arith.index_cast %swap3A_739 : i32 to index
        %swap3A_741 = arith.index_cast %scan3A_729 : i32 to index
        %swap3A_742 = arith.constant 0 : index
        %swap3A_743 = tpu.vector_load %arg7[%swap3A_740, %swap3A_741, %swap3A_742] {strides = array<i32>} : memref<4x128x64xf32, #tpu.memory_space<vmem>>, vector<1x1x16xf32>,
        %swap3A_744 = vector.shape_cast %swap3A_743 : vector<1x1x16xf32> to vector<16xf32>
        %swap3A_745 = vector.shape_cast %mul3A_738 : vector<16xf32> to vector<1x1x16xf32>
        tpu.vector_store %arg7[%swap3A_740, %swap3A_741, %swap3A_742], %swap3A_745 {strides = array<i32>} : memref<4x128x64xf32, #tpu.memory_space<vmem>>, vector<1x1x16xf32>,
        %get3A_746 = arith.constant 1 : i32
        %get3A_747 = arith.index_cast %get3A_746 : i32 to index
        %get3A_748 = arith.index_cast %scan3A_729 : i32 to index
        %get3A_749 = arith.constant 16 : index
        %get3A_750 = tpu.vector_load %arg6[%get3A_747, %get3A_748, %get3A_749] {strides = array<i32>} : memref<4x128x64xf32, #tpu.memory_space<vmem>>, vector<1x1x16xf32>,
        %get3A_751 = vector.shape_cast %get3A_750 : vector<1x1x16xf32> to vector<16xf32>
        %mul3A_752 = arith.constant 8.000000e+00 : f32
        %mul3A_753 = vector.broadcast %mul3A_752 : f32 to vector<16xf32>
        %mul3A_754 = arith.mulf %get3A_751, %mul3A_753 : vector<16xf32>
        %swap3A_755 = arith.constant 1 : i32
        %swap3A_756 = arith.index_cast %swap3A_755 : i32 to index
        %swap3A_757 = arith.index_cast %scan3A_729 : i32 to index
        %swap3A_758 = arith.constant 16 : index
        %swap3A_759 = tpu.vector_load %arg7[%swap3A_756, %swap3A_757, %swap3A_758] {strides = array<i32>} : memref<4x128x64xf32, #tpu.memory_space<vmem>>, vector<1x1x16xf32>,
        %swap3A_760 = vector.shape_cast %swap3A_759 : vector<1x1x16xf32> to vector<16xf32>
        %swap3A_761 = vector.shape_cast %mul3A_754 : vector<16xf32> to vector<1x1x16xf32>
        tpu.vector_store %arg7[%swap3A_756, %swap3A_757, %swap3A_758], %swap3A_761 {strides = array<i32>} : memref<4x128x64xf32, #tpu.memory_space<vmem>>, vector<1x1x16xf32>,
        %get3A_762 = arith.constant 1 : i32
        %get3A_763 = arith.index_cast %get3A_762 : i32 to index
        %get3A_764 = arith.index_cast %scan3A_729 : i32 to index
        %get3A_765 = arith.constant 32 : index
        %get3A_766 = tpu.vector_load %arg6[%get3A_763, %get3A_764, %get3A_765] {strides = array<i32>} : memref<4x128x64xf32, #tpu.memory_space<vmem>>, vector<1x1x16xf32>,
        %get3A_767 = vector.shape_cast %get3A_766 : vector<1x1x16xf32> to vector<16xf32>
        %mul3A_768 = arith.constant 8.000000e+00 : f32
        %mul3A_769 = vector.broadcast %mul3A_768 : f32 to vector<16xf32>
        %mul3A_770 = arith.mulf %get3A_767, %mul3A_769 : vector<16xf32>
        %swap3A_771 = arith.constant 1 : i32
        %swap3A_772 = arith.index_cast %swap3A_771 : i32 to index
        %swap3A_773 = arith.index_cast %scan3A_729 : i32 to index
        %swap3A_774 = arith.constant 32 : index
        %swap3A_775 = tpu.vector_load %arg7[%swap3A_772, %swap3A_773, %swap3A_774] {strides = array<i32>} : memref<4x128x64xf32, #tpu.memory_space<vmem>>, vector<1x1x16xf32>,
        %swap3A_776 = vector.shape_cast %swap3A_775 : vector<1x1x16xf32> to vector<16xf32>
        %swap3A_777 = vector.shape_cast %mul3A_770 : vector<16xf32> to vector<1x1x16xf32>
        tpu.vector_store %arg7[%swap3A_772, %swap3A_773, %swap3A_774], %swap3A_777 {strides = array<i32>} : memref<4x128x64xf32, #tpu.memory_space<vmem>>, vector<1x1x16xf32>,
        %get3A_778 = arith.constant 1 : i32
        %get3A_779 = arith.index_cast %get3A_778 : i32 to index
        %get3A_780 = arith.index_cast %scan3A_729 : i32 to index
        %get3A_781 = arith.constant 48 : index
        %get3A_782 = tpu.vector_load %arg6[%get3A_779, %get3A_780, %get3A_781] {strides = array<i32>} : memref<4x128x64xf32, #tpu.memory_space<vmem>>, vector<1x1x16xf32>,
        %get3A_783 = vector.shape_cast %get3A_782 : vector<1x1x16xf32> to vector<16xf32>
        %mul3A_784 = arith.constant 8.000000e+00 : f32
        %mul3A_785 = vector.broadcast %mul3A_784 : f32 to vector<16xf32>
        %mul3A_786 = arith.mulf %get3A_783, %mul3A_785 : vector<16xf32>
        %swap3A_787 = arith.constant 1 : i32
        %swap3A_788 = arith.index_cast %swap3A_787 : i32 to index
        %swap3A_789 = arith.index_cast %scan3A_729 : i32 to index
        %swap3A_790 = arith.constant 48 : index
        %swap3A_791 = tpu.vector_load %arg7[%swap3A_788, %swap3A_789, %swap3A_790] {strides = array<i32>} : memref<4x128x64xf32, #tpu.memory_space<vmem>>, vector<1x1x16xf32>,
        %swap3A_792 = vector.shape_cast %swap3A_791 : vector<1x1x16xf32> to vector<16xf32>
        %swap3A_793 = vector.shape_cast %mul3A_786 : vector<16xf32> to vector<1x1x16xf32>
        tpu.vector_store %arg7[%swap3A_788, %swap3A_789, %swap3A_790], %swap3A_793 {strides = array<i32>} : memref<4x128x64xf32, #tpu.memory_space<vmem>>, vector<1x1x16xf32>,
        %scan3A_794 = arith.constant 7 : i32
        %scan3A_795 = arith.addi %scan3A_335, %scan3A_794 : i32
        %get3A_796 = arith.constant 1 : i32
        %get3A_797 = arith.index_cast %get3A_796 : i32 to index
        %get3A_798 = arith.index_cast %scan3A_795 : i32 to index
        %get3A_799 = arith.constant 0 : index
        %get3A_800 = tpu.vector_load %arg6[%get3A_797, %get3A_798, %get3A_799] {strides = array<i32>} : memref<4x128x64xf32, #tpu.memory_space<vmem>>, vector<1x1x16xf32>,
        %get3A_801 = vector.shape_cast %get3A_800 : vector<1x1x16xf32> to vector<16xf32>
        %mul3A_802 = arith.constant 8.000000e+00 : f32
        %mul3A_803 = vector.broadcast %mul3A_802 : f32 to vector<16xf32>
        %mul3A_804 = arith.mulf %get3A_801, %mul3A_803 : vector<16xf32>
        %swap3A_805 = arith.constant 1 : i32
        %swap3A_806 = arith.index_cast %swap3A_805 : i32 to index
        %swap3A_807 = arith.index_cast %scan3A_795 : i32 to index
        %swap3A_808 = arith.constant 0 : index
        %swap3A_809 = tpu.vector_load %arg7[%swap3A_806, %swap3A_807, %swap3A_808] {strides = array<i32>} : memref<4x128x64xf32, #tpu.memory_space<vmem>>, vector<1x1x16xf32>,
        %swap3A_810 = vector.shape_cast %swap3A_809 : vector<1x1x16xf32> to vector<16xf32>
        %swap3A_811 = vector.shape_cast %mul3A_804 : vector<16xf32> to vector<1x1x16xf32>
        tpu.vector_store %arg7[%swap3A_806, %swap3A_807, %swap3A_808], %swap3A_811 {strides = array<i32>} : memref<4x128x64xf32, #tpu.memory_space<vmem>>, vector<1x1x16xf32>,
        %get3A_812 = arith.constant 1 : i32
        %get3A_813 = arith.index_cast %get3A_812 : i32 to index
        %get3A_814 = arith.index_cast %scan3A_795 : i32 to index
        %get3A_815 = arith.constant 16 : index
        %get3A_816 = tpu.vector_load %arg6[%get3A_813, %get3A_814, %get3A_815] {strides = array<i32>} : memref<4x128x64xf32, #tpu.memory_space<vmem>>, vector<1x1x16xf32>,
        %get3A_817 = vector.shape_cast %get3A_816 : vector<1x1x16xf32> to vector<16xf32>
        %mul3A_818 = arith.constant 8.000000e+00 : f32
        %mul3A_819 = vector.broadcast %mul3A_818 : f32 to vector<16xf32>
        %mul3A_820 = arith.mulf %get3A_817, %mul3A_819 : vector<16xf32>
        %swap3A_821 = arith.constant 1 : i32
        %swap3A_822 = arith.index_cast %swap3A_821 : i32 to index
        %swap3A_823 = arith.index_cast %scan3A_795 : i32 to index
        %swap3A_824 = arith.constant 16 : index
        %swap3A_825 = tpu.vector_load %arg7[%swap3A_822, %swap3A_823, %swap3A_824] {strides = array<i32>} : memref<4x128x64xf32, #tpu.memory_space<vmem>>, vector<1x1x16xf32>,
        %swap3A_826 = vector.shape_cast %swap3A_825 : vector<1x1x16xf32> to vector<16xf32>
        %swap3A_827 = vector.shape_cast %mul3A_820 : vector<16xf32> to vector<1x1x16xf32>
        tpu.vector_store %arg7[%swap3A_822, %swap3A_823, %swap3A_824], %swap3A_827 {strides = array<i32>} : memref<4x128x64xf32, #tpu.memory_space<vmem>>, vector<1x1x16xf32>,
        %get3A_828 = arith.constant 1 : i32
        %get3A_829 = arith.index_cast %get3A_828 : i32 to index
        %get3A_830 = arith.index_cast %scan3A_795 : i32 to index
        %get3A_831 = arith.constant 32 : index
        %get3A_832 = tpu.vector_load %arg6[%get3A_829, %get3A_830, %get3A_831] {strides = array<i32>} : memref<4x128x64xf32, #tpu.memory_space<vmem>>, vector<1x1x16xf32>,
        %get3A_833 = vector.shape_cast %get3A_832 : vector<1x1x16xf32> to vector<16xf32>
        %mul3A_834 = arith.constant 8.000000e+00 : f32
        %mul3A_835 = vector.broadcast %mul3A_834 : f32 to vector<16xf32>
        %mul3A_836 = arith.mulf %get3A_833, %mul3A_835 : vector<16xf32>
        %swap3A_837 = arith.constant 1 : i32
        %swap3A_838 = arith.index_cast %swap3A_837 : i32 to index
        %swap3A_839 = arith.index_cast %scan3A_795 : i32 to index
        %swap3A_840 = arith.constant 32 : index
        %swap3A_841 = tpu.vector_load %arg7[%swap3A_838, %swap3A_839, %swap3A_840] {strides = array<i32>} : memref<4x128x64xf32, #tpu.memory_space<vmem>>, vector<1x1x16xf32>,
        %swap3A_842 = vector.shape_cast %swap3A_841 : vector<1x1x16xf32> to vector<16xf32>
        %swap3A_843 = vector.shape_cast %mul3A_836 : vector<16xf32> to vector<1x1x16xf32>
        tpu.vector_store %arg7[%swap3A_838, %swap3A_839, %swap3A_840], %swap3A_843 {strides = array<i32>} : memref<4x128x64xf32, #tpu.memory_space<vmem>>, vector<1x1x16xf32>,
        %get3A_844 = arith.constant 1 : i32
        %get3A_845 = arith.index_cast %get3A_844 : i32 to index
        %get3A_846 = arith.index_cast %scan3A_795 : i32 to index
        %get3A_847 = arith.constant 48 : index
        %get3A_848 = tpu.vector_load %arg6[%get3A_845, %get3A_846, %get3A_847] {strides = array<i32>} : memref<4x128x64xf32, #tpu.memory_space<vmem>>, vector<1x1x16xf32>,
        %get3A_849 = vector.shape_cast %get3A_848 : vector<1x1x16xf32> to vector<16xf32>
        %mul3A_850 = arith.constant 8.000000e+00 : f32
        %mul3A_851 = vector.broadcast %mul3A_850 : f32 to vector<16xf32>
        %mul3A_852 = arith.mulf %get3A_849, %mul3A_851 : vector<16xf32>
        %swap3A_853 = arith.constant 1 : i32
        %swap3A_854 = arith.index_cast %swap3A_853 : i32 to index
        %swap3A_855 = arith.index_cast %scan3A_795 : i32 to index
        %swap3A_856 = arith.constant 48 : index
        %swap3A_857 = tpu.vector_load %arg7[%swap3A_854, %swap3A_855, %swap3A_856] {strides = array<i32>} : memref<4x128x64xf32, #tpu.memory_space<vmem>>, vector<1x1x16xf32>,
        %swap3A_858 = vector.shape_cast %swap3A_857 : vector<1x1x16xf32> to vector<16xf32>
        %swap3A_859 = vector.shape_cast %mul3A_852 : vector<16xf32> to vector<1x1x16xf32>
        tpu.vector_store %arg7[%swap3A_854, %swap3A_855, %swap3A_856], %swap3A_859 {strides = array<i32>} : memref<4x128x64xf32, #tpu.memory_space<vmem>>, vector<1x1x16xf32>,
      }
      %scan3A_200 = arith.constant 128 : i32
      %add3A_201 = arith.constant 4 : i32
      %add3A_202 = arith.addi %add3A_176, %add3A_201 : i32
      %lt3A_203 = arith.constant 200 : i32
      %lt3A_204 = arith.cmpi slt, %add3A_202, %lt3A_203 : i32
      %convert_element_type3A_205 = arith.extui %lt3A_204 : i1 to i32
      %cond3A_206 = arith.constant 0 : i32
      %cond3A_207 = arith.cmpi ne, %convert_element_type3A_205, %cond3A_206 : i32
      scf.if %cond3A_207 {
        %add3A_335 = arith.constant 4 : i32
        %add3A_336 = arith.addi %add3A_176, %add3A_335 : i32
        %mul3A_337 = arith.constant 128 : i32
        %mul3A_338 = arith.muli %add3A_336, %mul3A_337 : i32
        %dma_start3A_339 = arith.constant 1 : i32
        %dma_start3A_340 = arith.constant 1 : i32
        %dma_start3A_341 = arith.constant 0 : i32
        %dma_start3A_342 = arith.constant 0 : i32
        %dma_start3A_343 = tpu.memref_slice %arg6[%dma_start3A_339, %dma_start3A_341, %dma_start3A_342] : memref<4x128x64xf32, #tpu.memory_space<vmem>> -> memref<1x128x64xf32, #tpu.memory_space<vmem>>
        %dma_start3A_344 = tpu.memref_squeeze %dma_start3A_343 : memref<1x128x64xf32, #tpu.memory_space<vmem>> -> memref<128x64xf32, #tpu.memory_space<vmem>>
        %dma_start3A_345 = tpu.memref_slice %arg5[%mul3A_338] : memref<25600xi32, #tpu.memory_space<vmem>> -> memref<128xi32, #tpu.memory_space<vmem>>
        %dma_start3A_346 = arith.constant 0 : i32
        %dma_start3A_347 = arith.constant 0 : i32
        %dma_start3A_348 = tpu.memref_slice %arg3[%dma_start3A_346, %dma_start3A_347] : memref<1000000x64xf32, #tpu.memory_space<hbm>> -> memref<1000000x64xf32, #tpu.memory_space<hbm>>
        %dma_start3A_349 = tpu.memref_slice %arg8[%dma_start3A_340] : memref<4x!tpu.dma_semaphore, #tpu.memory_space<semaphore_mem>> -> memref<1x!tpu.dma_semaphore, #tpu.memory_space<semaphore_mem>>
        %dma_start3A_350 = tpu.memref_squeeze %dma_start3A_349 : memref<1x!tpu.dma_semaphore, #tpu.memory_space<semaphore_mem>> -> memref<!tpu.dma_semaphore, #tpu.memory_space<semaphore_mem>>
        tpu.enqueue_indirect_dma source(%dma_start3A_348 : memref<1000000x64xf32, #tpu.memory_space<hbm>>) target(%dma_start3A_344 : memref<128x64xf32, #tpu.memory_space<vmem>>) offsets(%dma_start3A_345 : memref<128xi32, #tpu.memory_space<vmem>>) semaphore(%dma_start3A_350 : memref<!tpu.dma_semaphore, #tpu.memory_space<semaphore_mem>>)
      } else {
      }
      %mul3A_208 = arith.constant 128 : i32
      %mul3A_209 = arith.muli %add3A_176, %mul3A_208 : i32
      %add3A_210 = arith.addi %mul3A_2, %mul3A_209 : i32
      %dma_start3A_211 = arith.constant 1 : i32
      %dma_start3A_212 = arith.constant 1 : i32
      %dma_start3A_213 = arith.constant 0 : i32
      %dma_start3A_214 = arith.constant 0 : i32
      %dma_start3A_215 = tpu.memref_slice %arg7[%dma_start3A_211, %dma_start3A_213, %dma_start3A_214] : memref<4x128x64xf32, #tpu.memory_space<vmem>> -> memref<1x128x64xf32, #tpu.memory_space<vmem>>
      %dma_start3A_216 = tpu.memref_squeeze %dma_start3A_215 : memref<1x128x64xf32, #tpu.memory_space<vmem>> -> memref<128x64xf32, #tpu.memory_space<vmem>>
      %dma_start3A_217 = arith.constant 0 : i32
      %dma_start3A_218 = tpu.memref_slice %arg4[%add3A_210, %dma_start3A_217] : memref<819200x64xf32, #tpu.memory_space<hbm>> -> memref<128x64xf32, #tpu.memory_space<hbm>>
      %dma_start3A_219 = tpu.memref_slice %arg9[%dma_start3A_212] : memref<4x!tpu.dma_semaphore, #tpu.memory_space<semaphore_mem>> -> memref<1x!tpu.dma_semaphore, #tpu.memory_space<semaphore_mem>>
      %dma_start3A_220 = tpu.memref_squeeze %dma_start3A_219 : memref<1x!tpu.dma_semaphore, #tpu.memory_space<semaphore_mem>> -> memref<!tpu.dma_semaphore, #tpu.memory_space<semaphore_mem>>
      %dma_start3A_221 = arith.constant 0 : i32
      %dma_start3A_222 = tpu.memref_slice %arg4[%add3A_210, %dma_start3A_221] : memref<819200x64xf32, #tpu.memory_space<hbm>> -> memref<128x64xf32, #tpu.memory_space<hbm>>
      %dma_start3A_223 = arith.constant 0 : i32
      %dma_start3A_224 = arith.constant 0 : i32
      %dma_start3A_225 = tpu.memref_slice %arg7[%dma_start3A_211, %dma_start3A_223, %dma_start3A_224] : memref<4x128x64xf32, #tpu.memory_space<vmem>> -> memref<1x128x64xf32, #tpu.memory_space<vmem>>
      %dma_start3A_226 = tpu.memref_squeeze %dma_start3A_225 : memref<1x128x64xf32, #tpu.memory_space<vmem>> -> memref<128x64xf32, #tpu.memory_space<vmem>>
      tpu.enqueue_dma source(%dma_start3A_226 : memref<128x64xf32, #tpu.memory_space<vmem>>) target(%dma_start3A_222 : memref<128x64xf32, #tpu.memory_space<hbm>>) target_semaphore(%dma_start3A_220 : memref<!tpu.dma_semaphore, #tpu.memory_space<semaphore_mem>>)
      %mul3A_227 = arith.constant 4 : i32
      %mul3A_228 = arith.muli %scan3A_122, %mul3A_227 : i32
      %add3A_229 = arith.constant 2 : i32
      %add3A_230 = arith.addi %mul3A_228, %add3A_229 : i32
      %dma_wait3A_231 = arith.constant 2 : i32
      %dma_wait3A_232 = arith.constant 2 : i32
      %dma_wait3A_233 = arith.constant 0 : i32
      %dma_wait3A_234 = arith.constant 0 : i32
      %dma_wait3A_235 = tpu.memref_slice %arg6[%dma_wait3A_231, %dma_wait3A_233, %dma_wait3A_234] : memref<4x128x64xf32, #tpu.memory_space<vmem>> -> memref<1x128x64xf32, #tpu.memory_space<vmem>>
      %dma_wait3A_236 = tpu.memref_squeeze %dma_wait3A_235 : memref<1x128x64xf32, #tpu.memory_space<vmem>> -> memref<128x64xf32, #tpu.memory_space<vmem>>
      %dma_wait3A_237 = arith.constant 0 : i32
      %dma_wait3A_238 = tpu.memref_slice %arg5[%dma_wait3A_237] : memref<25600xi32, #tpu.memory_space<vmem>> -> memref<128xi32, #tpu.memory_space<vmem>>
      %dma_wait3A_239 = arith.constant 0 : i32
      %dma_wait3A_240 = arith.constant 0 : i32
      %dma_wait3A_241 = tpu.memref_slice %arg3[%dma_wait3A_239, %dma_wait3A_240] : memref<1000000x64xf32, #tpu.memory_space<hbm>> -> memref<1000000x64xf32, #tpu.memory_space<hbm>>
      %dma_wait3A_242 = tpu.memref_slice %arg8[%dma_wait3A_232] : memref<4x!tpu.dma_semaphore, #tpu.memory_space<semaphore_mem>> -> memref<1x!tpu.dma_semaphore, #tpu.memory_space<semaphore_mem>>
      %dma_wait3A_243 = tpu.memref_squeeze %dma_wait3A_242 : memref<1x!tpu.dma_semaphore, #tpu.memory_space<semaphore_mem>> -> memref<!tpu.dma_semaphore, #tpu.memory_space<semaphore_mem>>
      tpu.wait_indirect_dma semaphore(%dma_wait3A_243 : memref<!tpu.dma_semaphore, #tpu.memory_space<semaphore_mem>>) src(%dma_wait3A_241 : memref<1000000x64xf32, #tpu.memory_space<hbm>>) dst(%dma_wait3A_236 : memref<128x64xf32, #tpu.memory_space<vmem>>)
      %gt3A_244 = arith.constant 0 : i32
      %gt3A_245 = arith.cmpi sgt, %scan3A_122, %gt3A_244 : i32
      %convert_element_type3A_246 = arith.extui %gt3A_245 : i1 to i32
      %cond3A_247 = arith.constant 0 : i32
      %cond3A_248 = arith.cmpi ne, %convert_element_type3A_246, %cond3A_247 : i32
      scf.if %cond3A_248 {
        %dma_wait3A_335 = arith.constant 2 : i32
        %dma_wait3A_336 = arith.constant 2 : i32
        %dma_wait3A_337 = arith.constant 0 : i32
        %dma_wait3A_338 = arith.constant 0 : i32
        %dma_wait3A_339 = tpu.memref_slice %arg7[%dma_wait3A_335, %dma_wait3A_337, %dma_wait3A_338] : memref<4x128x64xf32, #tpu.memory_space<vmem>> -> memref<1x128x64xf32, #tpu.memory_space<vmem>>
        %dma_wait3A_340 = tpu.memref_squeeze %dma_wait3A_339 : memref<1x128x64xf32, #tpu.memory_space<vmem>> -> memref<128x64xf32, #tpu.memory_space<vmem>>
        %dma_wait3A_341 = arith.constant 0 : i32
        %dma_wait3A_342 = tpu.memref_slice %arg4[%mul3A_2, %dma_wait3A_341] : memref<819200x64xf32, #tpu.memory_space<hbm>> -> memref<128x64xf32, #tpu.memory_space<hbm>>
        %dma_wait3A_343 = tpu.memref_slice %arg9[%dma_wait3A_336] : memref<4x!tpu.dma_semaphore, #tpu.memory_space<semaphore_mem>> -> memref<1x!tpu.dma_semaphore, #tpu.memory_space<semaphore_mem>>
        %dma_wait3A_344 = tpu.memref_squeeze %dma_wait3A_343 : memref<1x!tpu.dma_semaphore, #tpu.memory_space<semaphore_mem>> -> memref<!tpu.dma_semaphore, #tpu.memory_space<semaphore_mem>>
        %dma_wait3A_345 = arith.constant 0 : i32
        %dma_wait3A_346 = tpu.memref_slice %arg4[%mul3A_2, %dma_wait3A_345] : memref<819200x64xf32, #tpu.memory_space<hbm>> -> memref<128x64xf32, #tpu.memory_space<hbm>>
        %dma_wait3A_347 = arith.constant 0 : i32
        %dma_wait3A_348 = arith.constant 0 : i32
        %dma_wait3A_349 = tpu.memref_slice %arg7[%dma_wait3A_335, %dma_wait3A_347, %dma_wait3A_348] : memref<4x128x64xf32, #tpu.memory_space<vmem>> -> memref<1x128x64xf32, #tpu.memory_space<vmem>>
        %dma_wait3A_350 = tpu.memref_squeeze %dma_wait3A_349 : memref<1x128x64xf32, #tpu.memory_space<vmem>> -> memref<128x64xf32, #tpu.memory_space<vmem>>
        tpu.wait_dma2 semaphore(%dma_wait3A_344 : memref<!tpu.dma_semaphore, #tpu.memory_space<semaphore_mem>>) src(%dma_wait3A_350 : memref<128x64xf32, #tpu.memory_space<vmem>>) dst(%dma_wait3A_346 : memref<128x64xf32, #tpu.memory_space<hbm>>)
      } else {
      }
      %scan3A_249 = arith.constant 0 : i32
      %scan3A_250 = arith.constant 0 : i32
      %scan3A_251 = arith.constant 128 : i32
      %scan3A_252 = arith.addi %scan3A_250, %scan3A_251 : i32
      %scan3A_253 = arith.constant 8 : i32
      scf.for %scan3A_335 = %scan3A_250 to %scan3A_252 step %scan3A_253  : i32 {
        %get3A = arith.constant 2 : i32
        %get3A_336 = arith.index_cast %get3A : i32 to index
        %get3A_337 = arith.index_cast %scan3A_335 : i32 to index
        %get3A_338 = arith.constant 0 : index
        %get3A_339 = tpu.vector_load %arg6[%get3A_336, %get3A_337, %get3A_338] {strides = array<i32>} : memref<4x128x64xf32, #tpu.memory_space<vmem>>, vector<1x1x16xf32>,
        %get3A_340 = vector.shape_cast %get3A_339 : vector<1x1x16xf32> to vector<16xf32>
        %mul3A_341 = arith.constant 8.000000e+00 : f32
        %mul3A_342 = vector.broadcast %mul3A_341 : f32 to vector<16xf32>
        %mul3A_343 = arith.mulf %get3A_340, %mul3A_342 : vector<16xf32>
        %swap3A = arith.constant 2 : i32
        %swap3A_344 = arith.index_cast %swap3A : i32 to index
        %swap3A_345 = arith.index_cast %scan3A_335 : i32 to index
        %swap3A_346 = arith.constant 0 : index
        %swap3A_347 = tpu.vector_load %arg7[%swap3A_344, %swap3A_345, %swap3A_346] {strides = array<i32>} : memref<4x128x64xf32, #tpu.memory_space<vmem>>, vector<1x1x16xf32>,
        %swap3A_348 = vector.shape_cast %swap3A_347 : vector<1x1x16xf32> to vector<16xf32>
        %swap3A_349 = vector.shape_cast %mul3A_343 : vector<16xf32> to vector<1x1x16xf32>
        tpu.vector_store %arg7[%swap3A_344, %swap3A_345, %swap3A_346], %swap3A_349 {strides = array<i32>} : memref<4x128x64xf32, #tpu.memory_space<vmem>>, vector<1x1x16xf32>,
        %get3A_350 = arith.constant 2 : i32
        %get3A_351 = arith.index_cast %get3A_350 : i32 to index
        %get3A_352 = arith.index_cast %scan3A_335 : i32 to index
        %get3A_353 = arith.constant 16 : index
        %get3A_354 = tpu.vector_load %arg6[%get3A_351, %get3A_352, %get3A_353] {strides = array<i32>} : memref<4x128x64xf32, #tpu.memory_space<vmem>>, vector<1x1x16xf32>,
        %get3A_355 = vector.shape_cast %get3A_354 : vector<1x1x16xf32> to vector<16xf32>
        %mul3A_356 = arith.constant 8.000000e+00 : f32
        %mul3A_357 = vector.broadcast %mul3A_356 : f32 to vector<16xf32>
        %mul3A_358 = arith.mulf %get3A_355, %mul3A_357 : vector<16xf32>
        %swap3A_359 = arith.constant 2 : i32
        %swap3A_360 = arith.index_cast %swap3A_359 : i32 to index
        %swap3A_361 = arith.index_cast %scan3A_335 : i32 to index
        %swap3A_362 = arith.constant 16 : index
        %swap3A_363 = tpu.vector_load %arg7[%swap3A_360, %swap3A_361, %swap3A_362] {strides = array<i32>} : memref<4x128x64xf32, #tpu.memory_space<vmem>>, vector<1x1x16xf32>,
        %swap3A_364 = vector.shape_cast %swap3A_363 : vector<1x1x16xf32> to vector<16xf32>
        %swap3A_365 = vector.shape_cast %mul3A_358 : vector<16xf32> to vector<1x1x16xf32>
        tpu.vector_store %arg7[%swap3A_360, %swap3A_361, %swap3A_362], %swap3A_365 {strides = array<i32>} : memref<4x128x64xf32, #tpu.memory_space<vmem>>, vector<1x1x16xf32>,
        %get3A_366 = arith.constant 2 : i32
        %get3A_367 = arith.index_cast %get3A_366 : i32 to index
        %get3A_368 = arith.index_cast %scan3A_335 : i32 to index
        %get3A_369 = arith.constant 32 : index
        %get3A_370 = tpu.vector_load %arg6[%get3A_367, %get3A_368, %get3A_369] {strides = array<i32>} : memref<4x128x64xf32, #tpu.memory_space<vmem>>, vector<1x1x16xf32>,
        %get3A_371 = vector.shape_cast %get3A_370 : vector<1x1x16xf32> to vector<16xf32>
        %mul3A_372 = arith.constant 8.000000e+00 : f32
        %mul3A_373 = vector.broadcast %mul3A_372 : f32 to vector<16xf32>
        %mul3A_374 = arith.mulf %get3A_371, %mul3A_373 : vector<16xf32>
        %swap3A_375 = arith.constant 2 : i32
        %swap3A_376 = arith.index_cast %swap3A_375 : i32 to index
        %swap3A_377 = arith.index_cast %scan3A_335 : i32 to index
        %swap3A_378 = arith.constant 32 : index
        %swap3A_379 = tpu.vector_load %arg7[%swap3A_376, %swap3A_377, %swap3A_378] {strides = array<i32>} : memref<4x128x64xf32, #tpu.memory_space<vmem>>, vector<1x1x16xf32>,
        %swap3A_380 = vector.shape_cast %swap3A_379 : vector<1x1x16xf32> to vector<16xf32>
        %swap3A_381 = vector.shape_cast %mul3A_374 : vector<16xf32> to vector<1x1x16xf32>
        tpu.vector_store %arg7[%swap3A_376, %swap3A_377, %swap3A_378], %swap3A_381 {strides = array<i32>} : memref<4x128x64xf32, #tpu.memory_space<vmem>>, vector<1x1x16xf32>,
        %get3A_382 = arith.constant 2 : i32
        %get3A_383 = arith.index_cast %get3A_382 : i32 to index
        %get3A_384 = arith.index_cast %scan3A_335 : i32 to index
        %get3A_385 = arith.constant 48 : index
        %get3A_386 = tpu.vector_load %arg6[%get3A_383, %get3A_384, %get3A_385] {strides = array<i32>} : memref<4x128x64xf32, #tpu.memory_space<vmem>>, vector<1x1x16xf32>,
        %get3A_387 = vector.shape_cast %get3A_386 : vector<1x1x16xf32> to vector<16xf32>
        %mul3A_388 = arith.constant 8.000000e+00 : f32
        %mul3A_389 = vector.broadcast %mul3A_388 : f32 to vector<16xf32>
        %mul3A_390 = arith.mulf %get3A_387, %mul3A_389 : vector<16xf32>
        %swap3A_391 = arith.constant 2 : i32
        %swap3A_392 = arith.index_cast %swap3A_391 : i32 to index
        %swap3A_393 = arith.index_cast %scan3A_335 : i32 to index
        %swap3A_394 = arith.constant 48 : index
        %swap3A_395 = tpu.vector_load %arg7[%swap3A_392, %swap3A_393, %swap3A_394] {strides = array<i32>} : memref<4x128x64xf32, #tpu.memory_space<vmem>>, vector<1x1x16xf32>,
        %swap3A_396 = vector.shape_cast %swap3A_395 : vector<1x1x16xf32> to vector<16xf32>
        %swap3A_397 = vector.shape_cast %mul3A_390 : vector<16xf32> to vector<1x1x16xf32>
        tpu.vector_store %arg7[%swap3A_392, %swap3A_393, %swap3A_394], %swap3A_397 {strides = array<i32>} : memref<4x128x64xf32, #tpu.memory_space<vmem>>, vector<1x1x16xf32>,
        %scan3A_398 = arith.constant 1 : i32
        %scan3A_399 = arith.addi %scan3A_335, %scan3A_398 : i32
        %get3A_400 = arith.constant 2 : i32
        %get3A_401 = arith.index_cast %get3A_400 : i32 to index
        %get3A_402 = arith.index_cast %scan3A_399 : i32 to index
        %get3A_403 = arith.constant 0 : index
        %get3A_404 = tpu.vector_load %arg6[%get3A_401, %get3A_402, %get3A_403] {strides = array<i32>} : memref<4x128x64xf32, #tpu.memory_space<vmem>>, vector<1x1x16xf32>,
        %get3A_405 = vector.shape_cast %get3A_404 : vector<1x1x16xf32> to vector<16xf32>
        %mul3A_406 = arith.constant 8.000000e+00 : f32
        %mul3A_407 = vector.broadcast %mul3A_406 : f32 to vector<16xf32>
        %mul3A_408 = arith.mulf %get3A_405, %mul3A_407 : vector<16xf32>
        %swap3A_409 = arith.constant 2 : i32
        %swap3A_410 = arith.index_cast %swap3A_409 : i32 to index
        %swap3A_411 = arith.index_cast %scan3A_399 : i32 to index
        %swap3A_412 = arith.constant 0 : index
        %swap3A_413 = tpu.vector_load %arg7[%swap3A_410, %swap3A_411, %swap3A_412] {strides = array<i32>} : memref<4x128x64xf32, #tpu.memory_space<vmem>>, vector<1x1x16xf32>,
        %swap3A_414 = vector.shape_cast %swap3A_413 : vector<1x1x16xf32> to vector<16xf32>
        %swap3A_415 = vector.shape_cast %mul3A_408 : vector<16xf32> to vector<1x1x16xf32>
        tpu.vector_store %arg7[%swap3A_410, %swap3A_411, %swap3A_412], %swap3A_415 {strides = array<i32>} : memref<4x128x64xf32, #tpu.memory_space<vmem>>, vector<1x1x16xf32>,
        %get3A_416 = arith.constant 2 : i32
        %get3A_417 = arith.index_cast %get3A_416 : i32 to index
        %get3A_418 = arith.index_cast %scan3A_399 : i32 to index
        %get3A_419 = arith.constant 16 : index
        %get3A_420 = tpu.vector_load %arg6[%get3A_417, %get3A_418, %get3A_419] {strides = array<i32>} : memref<4x128x64xf32, #tpu.memory_space<vmem>>, vector<1x1x16xf32>,
        %get3A_421 = vector.shape_cast %get3A_420 : vector<1x1x16xf32> to vector<16xf32>
        %mul3A_422 = arith.constant 8.000000e+00 : f32
        %mul3A_423 = vector.broadcast %mul3A_422 : f32 to vector<16xf32>
        %mul3A_424 = arith.mulf %get3A_421, %mul3A_423 : vector<16xf32>
        %swap3A_425 = arith.constant 2 : i32
        %swap3A_426 = arith.index_cast %swap3A_425 : i32 to index
        %swap3A_427 = arith.index_cast %scan3A_399 : i32 to index
        %swap3A_428 = arith.constant 16 : index
        %swap3A_429 = tpu.vector_load %arg7[%swap3A_426, %swap3A_427, %swap3A_428] {strides = array<i32>} : memref<4x128x64xf32, #tpu.memory_space<vmem>>, vector<1x1x16xf32>,
        %swap3A_430 = vector.shape_cast %swap3A_429 : vector<1x1x16xf32> to vector<16xf32>
        %swap3A_431 = vector.shape_cast %mul3A_424 : vector<16xf32> to vector<1x1x16xf32>
        tpu.vector_store %arg7[%swap3A_426, %swap3A_427, %swap3A_428], %swap3A_431 {strides = array<i32>} : memref<4x128x64xf32, #tpu.memory_space<vmem>>, vector<1x1x16xf32>,
        %get3A_432 = arith.constant 2 : i32
        %get3A_433 = arith.index_cast %get3A_432 : i32 to index
        %get3A_434 = arith.index_cast %scan3A_399 : i32 to index
        %get3A_435 = arith.constant 32 : index
        %get3A_436 = tpu.vector_load %arg6[%get3A_433, %get3A_434, %get3A_435] {strides = array<i32>} : memref<4x128x64xf32, #tpu.memory_space<vmem>>, vector<1x1x16xf32>,
        %get3A_437 = vector.shape_cast %get3A_436 : vector<1x1x16xf32> to vector<16xf32>
        %mul3A_438 = arith.constant 8.000000e+00 : f32
        %mul3A_439 = vector.broadcast %mul3A_438 : f32 to vector<16xf32>
        %mul3A_440 = arith.mulf %get3A_437, %mul3A_439 : vector<16xf32>
        %swap3A_441 = arith.constant 2 : i32
        %swap3A_442 = arith.index_cast %swap3A_441 : i32 to index
        %swap3A_443 = arith.index_cast %scan3A_399 : i32 to index
        %swap3A_444 = arith.constant 32 : index
        %swap3A_445 = tpu.vector_load %arg7[%swap3A_442, %swap3A_443, %swap3A_444] {strides = array<i32>} : memref<4x128x64xf32, #tpu.memory_space<vmem>>, vector<1x1x16xf32>,
        %swap3A_446 = vector.shape_cast %swap3A_445 : vector<1x1x16xf32> to vector<16xf32>
        %swap3A_447 = vector.shape_cast %mul3A_440 : vector<16xf32> to vector<1x1x16xf32>
        tpu.vector_store %arg7[%swap3A_442, %swap3A_443, %swap3A_444], %swap3A_447 {strides = array<i32>} : memref<4x128x64xf32, #tpu.memory_space<vmem>>, vector<1x1x16xf32>,
        %get3A_448 = arith.constant 2 : i32
        %get3A_449 = arith.index_cast %get3A_448 : i32 to index
        %get3A_450 = arith.index_cast %scan3A_399 : i32 to index
        %get3A_451 = arith.constant 48 : index
        %get3A_452 = tpu.vector_load %arg6[%get3A_449, %get3A_450, %get3A_451] {strides = array<i32>} : memref<4x128x64xf32, #tpu.memory_space<vmem>>, vector<1x1x16xf32>,
        %get3A_453 = vector.shape_cast %get3A_452 : vector<1x1x16xf32> to vector<16xf32>
        %mul3A_454 = arith.constant 8.000000e+00 : f32
        %mul3A_455 = vector.broadcast %mul3A_454 : f32 to vector<16xf32>
        %mul3A_456 = arith.mulf %get3A_453, %mul3A_455 : vector<16xf32>
        %swap3A_457 = arith.constant 2 : i32
        %swap3A_458 = arith.index_cast %swap3A_457 : i32 to index
        %swap3A_459 = arith.index_cast %scan3A_399 : i32 to index
        %swap3A_460 = arith.constant 48 : index
        %swap3A_461 = tpu.vector_load %arg7[%swap3A_458, %swap3A_459, %swap3A_460] {strides = array<i32>} : memref<4x128x64xf32, #tpu.memory_space<vmem>>, vector<1x1x16xf32>,
        %swap3A_462 = vector.shape_cast %swap3A_461 : vector<1x1x16xf32> to vector<16xf32>
        %swap3A_463 = vector.shape_cast %mul3A_456 : vector<16xf32> to vector<1x1x16xf32>
        tpu.vector_store %arg7[%swap3A_458, %swap3A_459, %swap3A_460], %swap3A_463 {strides = array<i32>} : memref<4x128x64xf32, #tpu.memory_space<vmem>>, vector<1x1x16xf32>,
        %scan3A_464 = arith.constant 2 : i32
        %scan3A_465 = arith.addi %scan3A_335, %scan3A_464 : i32
        %get3A_466 = arith.constant 2 : i32
        %get3A_467 = arith.index_cast %get3A_466 : i32 to index
        %get3A_468 = arith.index_cast %scan3A_465 : i32 to index
        %get3A_469 = arith.constant 0 : index
        %get3A_470 = tpu.vector_load %arg6[%get3A_467, %get3A_468, %get3A_469] {strides = array<i32>} : memref<4x128x64xf32, #tpu.memory_space<vmem>>, vector<1x1x16xf32>,
        %get3A_471 = vector.shape_cast %get3A_470 : vector<1x1x16xf32> to vector<16xf32>
        %mul3A_472 = arith.constant 8.000000e+00 : f32
        %mul3A_473 = vector.broadcast %mul3A_472 : f32 to vector<16xf32>
        %mul3A_474 = arith.mulf %get3A_471, %mul3A_473 : vector<16xf32>
        %swap3A_475 = arith.constant 2 : i32
        %swap3A_476 = arith.index_cast %swap3A_475 : i32 to index
        %swap3A_477 = arith.index_cast %scan3A_465 : i32 to index
        %swap3A_478 = arith.constant 0 : index
        %swap3A_479 = tpu.vector_load %arg7[%swap3A_476, %swap3A_477, %swap3A_478] {strides = array<i32>} : memref<4x128x64xf32, #tpu.memory_space<vmem>>, vector<1x1x16xf32>,
        %swap3A_480 = vector.shape_cast %swap3A_479 : vector<1x1x16xf32> to vector<16xf32>
        %swap3A_481 = vector.shape_cast %mul3A_474 : vector<16xf32> to vector<1x1x16xf32>
        tpu.vector_store %arg7[%swap3A_476, %swap3A_477, %swap3A_478], %swap3A_481 {strides = array<i32>} : memref<4x128x64xf32, #tpu.memory_space<vmem>>, vector<1x1x16xf32>,
        %get3A_482 = arith.constant 2 : i32
        %get3A_483 = arith.index_cast %get3A_482 : i32 to index
        %get3A_484 = arith.index_cast %scan3A_465 : i32 to index
        %get3A_485 = arith.constant 16 : index
        %get3A_486 = tpu.vector_load %arg6[%get3A_483, %get3A_484, %get3A_485] {strides = array<i32>} : memref<4x128x64xf32, #tpu.memory_space<vmem>>, vector<1x1x16xf32>,
        %get3A_487 = vector.shape_cast %get3A_486 : vector<1x1x16xf32> to vector<16xf32>
        %mul3A_488 = arith.constant 8.000000e+00 : f32
        %mul3A_489 = vector.broadcast %mul3A_488 : f32 to vector<16xf32>
        %mul3A_490 = arith.mulf %get3A_487, %mul3A_489 : vector<16xf32>
        %swap3A_491 = arith.constant 2 : i32
        %swap3A_492 = arith.index_cast %swap3A_491 : i32 to index
        %swap3A_493 = arith.index_cast %scan3A_465 : i32 to index
        %swap3A_494 = arith.constant 16 : index
        %swap3A_495 = tpu.vector_load %arg7[%swap3A_492, %swap3A_493, %swap3A_494] {strides = array<i32>} : memref<4x128x64xf32, #tpu.memory_space<vmem>>, vector<1x1x16xf32>,
        %swap3A_496 = vector.shape_cast %swap3A_495 : vector<1x1x16xf32> to vector<16xf32>
        %swap3A_497 = vector.shape_cast %mul3A_490 : vector<16xf32> to vector<1x1x16xf32>
        tpu.vector_store %arg7[%swap3A_492, %swap3A_493, %swap3A_494], %swap3A_497 {strides = array<i32>} : memref<4x128x64xf32, #tpu.memory_space<vmem>>, vector<1x1x16xf32>,
        %get3A_498 = arith.constant 2 : i32
        %get3A_499 = arith.index_cast %get3A_498 : i32 to index
        %get3A_500 = arith.index_cast %scan3A_465 : i32 to index
        %get3A_501 = arith.constant 32 : index
        %get3A_502 = tpu.vector_load %arg6[%get3A_499, %get3A_500, %get3A_501] {strides = array<i32>} : memref<4x128x64xf32, #tpu.memory_space<vmem>>, vector<1x1x16xf32>,
        %get3A_503 = vector.shape_cast %get3A_502 : vector<1x1x16xf32> to vector<16xf32>
        %mul3A_504 = arith.constant 8.000000e+00 : f32
        %mul3A_505 = vector.broadcast %mul3A_504 : f32 to vector<16xf32>
        %mul3A_506 = arith.mulf %get3A_503, %mul3A_505 : vector<16xf32>
        %swap3A_507 = arith.constant 2 : i32
        %swap3A_508 = arith.index_cast %swap3A_507 : i32 to index
        %swap3A_509 = arith.index_cast %scan3A_465 : i32 to index
        %swap3A_510 = arith.constant 32 : index
        %swap3A_511 = tpu.vector_load %arg7[%swap3A_508, %swap3A_509, %swap3A_510] {strides = array<i32>} : memref<4x128x64xf32, #tpu.memory_space<vmem>>, vector<1x1x16xf32>,
        %swap3A_512 = vector.shape_cast %swap3A_511 : vector<1x1x16xf32> to vector<16xf32>
        %swap3A_513 = vector.shape_cast %mul3A_506 : vector<16xf32> to vector<1x1x16xf32>
        tpu.vector_store %arg7[%swap3A_508, %swap3A_509, %swap3A_510], %swap3A_513 {strides = array<i32>} : memref<4x128x64xf32, #tpu.memory_space<vmem>>, vector<1x1x16xf32>,
        %get3A_514 = arith.constant 2 : i32
        %get3A_515 = arith.index_cast %get3A_514 : i32 to index
        %get3A_516 = arith.index_cast %scan3A_465 : i32 to index
        %get3A_517 = arith.constant 48 : index
        %get3A_518 = tpu.vector_load %arg6[%get3A_515, %get3A_516, %get3A_517] {strides = array<i32>} : memref<4x128x64xf32, #tpu.memory_space<vmem>>, vector<1x1x16xf32>,
        %get3A_519 = vector.shape_cast %get3A_518 : vector<1x1x16xf32> to vector<16xf32>
        %mul3A_520 = arith.constant 8.000000e+00 : f32
        %mul3A_521 = vector.broadcast %mul3A_520 : f32 to vector<16xf32>
        %mul3A_522 = arith.mulf %get3A_519, %mul3A_521 : vector<16xf32>
        %swap3A_523 = arith.constant 2 : i32
        %swap3A_524 = arith.index_cast %swap3A_523 : i32 to index
        %swap3A_525 = arith.index_cast %scan3A_465 : i32 to index
        %swap3A_526 = arith.constant 48 : index
        %swap3A_527 = tpu.vector_load %arg7[%swap3A_524, %swap3A_525, %swap3A_526] {strides = array<i32>} : memref<4x128x64xf32, #tpu.memory_space<vmem>>, vector<1x1x16xf32>,
        %swap3A_528 = vector.shape_cast %swap3A_527 : vector<1x1x16xf32> to vector<16xf32>
        %swap3A_529 = vector.shape_cast %mul3A_522 : vector<16xf32> to vector<1x1x16xf32>
        tpu.vector_store %arg7[%swap3A_524, %swap3A_525, %swap3A_526], %swap3A_529 {strides = array<i32>} : memref<4x128x64xf32, #tpu.memory_space<vmem>>, vector<1x1x16xf32>,
        %scan3A_530 = arith.constant 3 : i32
        %scan3A_531 = arith.addi %scan3A_335, %scan3A_530 : i32
        %get3A_532 = arith.constant 2 : i32
        %get3A_533 = arith.index_cast %get3A_532 : i32 to index
        %get3A_534 = arith.index_cast %scan3A_531 : i32 to index
        %get3A_535 = arith.constant 0 : index
        %get3A_536 = tpu.vector_load %arg6[%get3A_533, %get3A_534, %get3A_535] {strides = array<i32>} : memref<4x128x64xf32, #tpu.memory_space<vmem>>, vector<1x1x16xf32>,
        %get3A_537 = vector.shape_cast %get3A_536 : vector<1x1x16xf32> to vector<16xf32>
        %mul3A_538 = arith.constant 8.000000e+00 : f32
        %mul3A_539 = vector.broadcast %mul3A_538 : f32 to vector<16xf32>
        %mul3A_540 = arith.mulf %get3A_537, %mul3A_539 : vector<16xf32>
        %swap3A_541 = arith.constant 2 : i32
        %swap3A_542 = arith.index_cast %swap3A_541 : i32 to index
        %swap3A_543 = arith.index_cast %scan3A_531 : i32 to index
        %swap3A_544 = arith.constant 0 : index
        %swap3A_545 = tpu.vector_load %arg7[%swap3A_542, %swap3A_543, %swap3A_544] {strides = array<i32>} : memref<4x128x64xf32, #tpu.memory_space<vmem>>, vector<1x1x16xf32>,
        %swap3A_546 = vector.shape_cast %swap3A_545 : vector<1x1x16xf32> to vector<16xf32>
        %swap3A_547 = vector.shape_cast %mul3A_540 : vector<16xf32> to vector<1x1x16xf32>
        tpu.vector_store %arg7[%swap3A_542, %swap3A_543, %swap3A_544], %swap3A_547 {strides = array<i32>} : memref<4x128x64xf32, #tpu.memory_space<vmem>>, vector<1x1x16xf32>,
        %get3A_548 = arith.constant 2 : i32
        %get3A_549 = arith.index_cast %get3A_548 : i32 to index
        %get3A_550 = arith.index_cast %scan3A_531 : i32 to index
        %get3A_551 = arith.constant 16 : index
        %get3A_552 = tpu.vector_load %arg6[%get3A_549, %get3A_550, %get3A_551] {strides = array<i32>} : memref<4x128x64xf32, #tpu.memory_space<vmem>>, vector<1x1x16xf32>,
        %get3A_553 = vector.shape_cast %get3A_552 : vector<1x1x16xf32> to vector<16xf32>
        %mul3A_554 = arith.constant 8.000000e+00 : f32
        %mul3A_555 = vector.broadcast %mul3A_554 : f32 to vector<16xf32>
        %mul3A_556 = arith.mulf %get3A_553, %mul3A_555 : vector<16xf32>
        %swap3A_557 = arith.constant 2 : i32
        %swap3A_558 = arith.index_cast %swap3A_557 : i32 to index
        %swap3A_559 = arith.index_cast %scan3A_531 : i32 to index
        %swap3A_560 = arith.constant 16 : index
        %swap3A_561 = tpu.vector_load %arg7[%swap3A_558, %swap3A_559, %swap3A_560] {strides = array<i32>} : memref<4x128x64xf32, #tpu.memory_space<vmem>>, vector<1x1x16xf32>,
        %swap3A_562 = vector.shape_cast %swap3A_561 : vector<1x1x16xf32> to vector<16xf32>
        %swap3A_563 = vector.shape_cast %mul3A_556 : vector<16xf32> to vector<1x1x16xf32>
        tpu.vector_store %arg7[%swap3A_558, %swap3A_559, %swap3A_560], %swap3A_563 {strides = array<i32>} : memref<4x128x64xf32, #tpu.memory_space<vmem>>, vector<1x1x16xf32>,
        %get3A_564 = arith.constant 2 : i32
        %get3A_565 = arith.index_cast %get3A_564 : i32 to index
        %get3A_566 = arith.index_cast %scan3A_531 : i32 to index
        %get3A_567 = arith.constant 32 : index
        %get3A_568 = tpu.vector_load %arg6[%get3A_565, %get3A_566, %get3A_567] {strides = array<i32>} : memref<4x128x64xf32, #tpu.memory_space<vmem>>, vector<1x1x16xf32>,
        %get3A_569 = vector.shape_cast %get3A_568 : vector<1x1x16xf32> to vector<16xf32>
        %mul3A_570 = arith.constant 8.000000e+00 : f32
        %mul3A_571 = vector.broadcast %mul3A_570 : f32 to vector<16xf32>
        %mul3A_572 = arith.mulf %get3A_569, %mul3A_571 : vector<16xf32>
        %swap3A_573 = arith.constant 2 : i32
        %swap3A_574 = arith.index_cast %swap3A_573 : i32 to index
        %swap3A_575 = arith.index_cast %scan3A_531 : i32 to index
        %swap3A_576 = arith.constant 32 : index
        %swap3A_577 = tpu.vector_load %arg7[%swap3A_574, %swap3A_575, %swap3A_576] {strides = array<i32>} : memref<4x128x64xf32, #tpu.memory_space<vmem>>, vector<1x1x16xf32>,
        %swap3A_578 = vector.shape_cast %swap3A_577 : vector<1x1x16xf32> to vector<16xf32>
        %swap3A_579 = vector.shape_cast %mul3A_572 : vector<16xf32> to vector<1x1x16xf32>
        tpu.vector_store %arg7[%swap3A_574, %swap3A_575, %swap3A_576], %swap3A_579 {strides = array<i32>} : memref<4x128x64xf32, #tpu.memory_space<vmem>>, vector<1x1x16xf32>,
        %get3A_580 = arith.constant 2 : i32
        %get3A_581 = arith.index_cast %get3A_580 : i32 to index
        %get3A_582 = arith.index_cast %scan3A_531 : i32 to index
        %get3A_583 = arith.constant 48 : index
        %get3A_584 = tpu.vector_load %arg6[%get3A_581, %get3A_582, %get3A_583] {strides = array<i32>} : memref<4x128x64xf32, #tpu.memory_space<vmem>>, vector<1x1x16xf32>,
        %get3A_585 = vector.shape_cast %get3A_584 : vector<1x1x16xf32> to vector<16xf32>
        %mul3A_586 = arith.constant 8.000000e+00 : f32
        %mul3A_587 = vector.broadcast %mul3A_586 : f32 to vector<16xf32>
        %mul3A_588 = arith.mulf %get3A_585, %mul3A_587 : vector<16xf32>
        %swap3A_589 = arith.constant 2 : i32
        %swap3A_590 = arith.index_cast %swap3A_589 : i32 to index
        %swap3A_591 = arith.index_cast %scan3A_531 : i32 to index
        %swap3A_592 = arith.constant 48 : index
        %swap3A_593 = tpu.vector_load %arg7[%swap3A_590, %swap3A_591, %swap3A_592] {strides = array<i32>} : memref<4x128x64xf32, #tpu.memory_space<vmem>>, vector<1x1x16xf32>,
        %swap3A_594 = vector.shape_cast %swap3A_593 : vector<1x1x16xf32> to vector<16xf32>
        %swap3A_595 = vector.shape_cast %mul3A_588 : vector<16xf32> to vector<1x1x16xf32>
        tpu.vector_store %arg7[%swap3A_590, %swap3A_591, %swap3A_592], %swap3A_595 {strides = array<i32>} : memref<4x128x64xf32, #tpu.memory_space<vmem>>, vector<1x1x16xf32>,
        %scan3A_596 = arith.constant 4 : i32
        %scan3A_597 = arith.addi %scan3A_335, %scan3A_596 : i32
        %get3A_598 = arith.constant 2 : i32
        %get3A_599 = arith.index_cast %get3A_598 : i32 to index
        %get3A_600 = arith.index_cast %scan3A_597 : i32 to index
        %get3A_601 = arith.constant 0 : index
        %get3A_602 = tpu.vector_load %arg6[%get3A_599, %get3A_600, %get3A_601] {strides = array<i32>} : memref<4x128x64xf32, #tpu.memory_space<vmem>>, vector<1x1x16xf32>,
        %get3A_603 = vector.shape_cast %get3A_602 : vector<1x1x16xf32> to vector<16xf32>
        %mul3A_604 = arith.constant 8.000000e+00 : f32
        %mul3A_605 = vector.broadcast %mul3A_604 : f32 to vector<16xf32>
        %mul3A_606 = arith.mulf %get3A_603, %mul3A_605 : vector<16xf32>
        %swap3A_607 = arith.constant 2 : i32
        %swap3A_608 = arith.index_cast %swap3A_607 : i32 to index
        %swap3A_609 = arith.index_cast %scan3A_597 : i32 to index
        %swap3A_610 = arith.constant 0 : index
        %swap3A_611 = tpu.vector_load %arg7[%swap3A_608, %swap3A_609, %swap3A_610] {strides = array<i32>} : memref<4x128x64xf32, #tpu.memory_space<vmem>>, vector<1x1x16xf32>,
        %swap3A_612 = vector.shape_cast %swap3A_611 : vector<1x1x16xf32> to vector<16xf32>
        %swap3A_613 = vector.shape_cast %mul3A_606 : vector<16xf32> to vector<1x1x16xf32>
        tpu.vector_store %arg7[%swap3A_608, %swap3A_609, %swap3A_610], %swap3A_613 {strides = array<i32>} : memref<4x128x64xf32, #tpu.memory_space<vmem>>, vector<1x1x16xf32>,
        %get3A_614 = arith.constant 2 : i32
        %get3A_615 = arith.index_cast %get3A_614 : i32 to index
        %get3A_616 = arith.index_cast %scan3A_597 : i32 to index
        %get3A_617 = arith.constant 16 : index
        %get3A_618 = tpu.vector_load %arg6[%get3A_615, %get3A_616, %get3A_617] {strides = array<i32>} : memref<4x128x64xf32, #tpu.memory_space<vmem>>, vector<1x1x16xf32>,
        %get3A_619 = vector.shape_cast %get3A_618 : vector<1x1x16xf32> to vector<16xf32>
        %mul3A_620 = arith.constant 8.000000e+00 : f32
        %mul3A_621 = vector.broadcast %mul3A_620 : f32 to vector<16xf32>
        %mul3A_622 = arith.mulf %get3A_619, %mul3A_621 : vector<16xf32>
        %swap3A_623 = arith.constant 2 : i32
        %swap3A_624 = arith.index_cast %swap3A_623 : i32 to index
        %swap3A_625 = arith.index_cast %scan3A_597 : i32 to index
        %swap3A_626 = arith.constant 16 : index
        %swap3A_627 = tpu.vector_load %arg7[%swap3A_624, %swap3A_625, %swap3A_626] {strides = array<i32>} : memref<4x128x64xf32, #tpu.memory_space<vmem>>, vector<1x1x16xf32>,
        %swap3A_628 = vector.shape_cast %swap3A_627 : vector<1x1x16xf32> to vector<16xf32>
        %swap3A_629 = vector.shape_cast %mul3A_622 : vector<16xf32> to vector<1x1x16xf32>
        tpu.vector_store %arg7[%swap3A_624, %swap3A_625, %swap3A_626], %swap3A_629 {strides = array<i32>} : memref<4x128x64xf32, #tpu.memory_space<vmem>>, vector<1x1x16xf32>,
        %get3A_630 = arith.constant 2 : i32
        %get3A_631 = arith.index_cast %get3A_630 : i32 to index
        %get3A_632 = arith.index_cast %scan3A_597 : i32 to index
        %get3A_633 = arith.constant 32 : index
        %get3A_634 = tpu.vector_load %arg6[%get3A_631, %get3A_632, %get3A_633] {strides = array<i32>} : memref<4x128x64xf32, #tpu.memory_space<vmem>>, vector<1x1x16xf32>,
        %get3A_635 = vector.shape_cast %get3A_634 : vector<1x1x16xf32> to vector<16xf32>
        %mul3A_636 = arith.constant 8.000000e+00 : f32
        %mul3A_637 = vector.broadcast %mul3A_636 : f32 to vector<16xf32>
        %mul3A_638 = arith.mulf %get3A_635, %mul3A_637 : vector<16xf32>
        %swap3A_639 = arith.constant 2 : i32
        %swap3A_640 = arith.index_cast %swap3A_639 : i32 to index
        %swap3A_641 = arith.index_cast %scan3A_597 : i32 to index
        %swap3A_642 = arith.constant 32 : index
        %swap3A_643 = tpu.vector_load %arg7[%swap3A_640, %swap3A_641, %swap3A_642] {strides = array<i32>} : memref<4x128x64xf32, #tpu.memory_space<vmem>>, vector<1x1x16xf32>,
        %swap3A_644 = vector.shape_cast %swap3A_643 : vector<1x1x16xf32> to vector<16xf32>
        %swap3A_645 = vector.shape_cast %mul3A_638 : vector<16xf32> to vector<1x1x16xf32>
        tpu.vector_store %arg7[%swap3A_640, %swap3A_641, %swap3A_642], %swap3A_645 {strides = array<i32>} : memref<4x128x64xf32, #tpu.memory_space<vmem>>, vector<1x1x16xf32>,
        %get3A_646 = arith.constant 2 : i32
        %get3A_647 = arith.index_cast %get3A_646 : i32 to index
        %get3A_648 = arith.index_cast %scan3A_597 : i32 to index
        %get3A_649 = arith.constant 48 : index
        %get3A_650 = tpu.vector_load %arg6[%get3A_647, %get3A_648, %get3A_649] {strides = array<i32>} : memref<4x128x64xf32, #tpu.memory_space<vmem>>, vector<1x1x16xf32>,
        %get3A_651 = vector.shape_cast %get3A_650 : vector<1x1x16xf32> to vector<16xf32>
        %mul3A_652 = arith.constant 8.000000e+00 : f32
        %mul3A_653 = vector.broadcast %mul3A_652 : f32 to vector<16xf32>
        %mul3A_654 = arith.mulf %get3A_651, %mul3A_653 : vector<16xf32>
        %swap3A_655 = arith.constant 2 : i32
        %swap3A_656 = arith.index_cast %swap3A_655 : i32 to index
        %swap3A_657 = arith.index_cast %scan3A_597 : i32 to index
        %swap3A_658 = arith.constant 48 : index
        %swap3A_659 = tpu.vector_load %arg7[%swap3A_656, %swap3A_657, %swap3A_658] {strides = array<i32>} : memref<4x128x64xf32, #tpu.memory_space<vmem>>, vector<1x1x16xf32>,
        %swap3A_660 = vector.shape_cast %swap3A_659 : vector<1x1x16xf32> to vector<16xf32>
        %swap3A_661 = vector.shape_cast %mul3A_654 : vector<16xf32> to vector<1x1x16xf32>
        tpu.vector_store %arg7[%swap3A_656, %swap3A_657, %swap3A_658], %swap3A_661 {strides = array<i32>} : memref<4x128x64xf32, #tpu.memory_space<vmem>>, vector<1x1x16xf32>,
        %scan3A_662 = arith.constant 5 : i32
        %scan3A_663 = arith.addi %scan3A_335, %scan3A_662 : i32
        %get3A_664 = arith.constant 2 : i32
        %get3A_665 = arith.index_cast %get3A_664 : i32 to index
        %get3A_666 = arith.index_cast %scan3A_663 : i32 to index
        %get3A_667 = arith.constant 0 : index
        %get3A_668 = tpu.vector_load %arg6[%get3A_665, %get3A_666, %get3A_667] {strides = array<i32>} : memref<4x128x64xf32, #tpu.memory_space<vmem>>, vector<1x1x16xf32>,
        %get3A_669 = vector.shape_cast %get3A_668 : vector<1x1x16xf32> to vector<16xf32>
        %mul3A_670 = arith.constant 8.000000e+00 : f32
        %mul3A_671 = vector.broadcast %mul3A_670 : f32 to vector<16xf32>
        %mul3A_672 = arith.mulf %get3A_669, %mul3A_671 : vector<16xf32>
        %swap3A_673 = arith.constant 2 : i32
        %swap3A_674 = arith.index_cast %swap3A_673 : i32 to index
        %swap3A_675 = arith.index_cast %scan3A_663 : i32 to index
        %swap3A_676 = arith.constant 0 : index
        %swap3A_677 = tpu.vector_load %arg7[%swap3A_674, %swap3A_675, %swap3A_676] {strides = array<i32>} : memref<4x128x64xf32, #tpu.memory_space<vmem>>, vector<1x1x16xf32>,
        %swap3A_678 = vector.shape_cast %swap3A_677 : vector<1x1x16xf32> to vector<16xf32>
        %swap3A_679 = vector.shape_cast %mul3A_672 : vector<16xf32> to vector<1x1x16xf32>
        tpu.vector_store %arg7[%swap3A_674, %swap3A_675, %swap3A_676], %swap3A_679 {strides = array<i32>} : memref<4x128x64xf32, #tpu.memory_space<vmem>>, vector<1x1x16xf32>,
        %get3A_680 = arith.constant 2 : i32
        %get3A_681 = arith.index_cast %get3A_680 : i32 to index
        %get3A_682 = arith.index_cast %scan3A_663 : i32 to index
        %get3A_683 = arith.constant 16 : index
        %get3A_684 = tpu.vector_load %arg6[%get3A_681, %get3A_682, %get3A_683] {strides = array<i32>} : memref<4x128x64xf32, #tpu.memory_space<vmem>>, vector<1x1x16xf32>,
        %get3A_685 = vector.shape_cast %get3A_684 : vector<1x1x16xf32> to vector<16xf32>
        %mul3A_686 = arith.constant 8.000000e+00 : f32
        %mul3A_687 = vector.broadcast %mul3A_686 : f32 to vector<16xf32>
        %mul3A_688 = arith.mulf %get3A_685, %mul3A_687 : vector<16xf32>
        %swap3A_689 = arith.constant 2 : i32
        %swap3A_690 = arith.index_cast %swap3A_689 : i32 to index
        %swap3A_691 = arith.index_cast %scan3A_663 : i32 to index
        %swap3A_692 = arith.constant 16 : index
        %swap3A_693 = tpu.vector_load %arg7[%swap3A_690, %swap3A_691, %swap3A_692] {strides = array<i32>} : memref<4x128x64xf32, #tpu.memory_space<vmem>>, vector<1x1x16xf32>,
        %swap3A_694 = vector.shape_cast %swap3A_693 : vector<1x1x16xf32> to vector<16xf32>
        %swap3A_695 = vector.shape_cast %mul3A_688 : vector<16xf32> to vector<1x1x16xf32>
        tpu.vector_store %arg7[%swap3A_690, %swap3A_691, %swap3A_692], %swap3A_695 {strides = array<i32>} : memref<4x128x64xf32, #tpu.memory_space<vmem>>, vector<1x1x16xf32>,
        %get3A_696 = arith.constant 2 : i32
        %get3A_697 = arith.index_cast %get3A_696 : i32 to index
        %get3A_698 = arith.index_cast %scan3A_663 : i32 to index
        %get3A_699 = arith.constant 32 : index
        %get3A_700 = tpu.vector_load %arg6[%get3A_697, %get3A_698, %get3A_699] {strides = array<i32>} : memref<4x128x64xf32, #tpu.memory_space<vmem>>, vector<1x1x16xf32>,
        %get3A_701 = vector.shape_cast %get3A_700 : vector<1x1x16xf32> to vector<16xf32>
        %mul3A_702 = arith.constant 8.000000e+00 : f32
        %mul3A_703 = vector.broadcast %mul3A_702 : f32 to vector<16xf32>
        %mul3A_704 = arith.mulf %get3A_701, %mul3A_703 : vector<16xf32>
        %swap3A_705 = arith.constant 2 : i32
        %swap3A_706 = arith.index_cast %swap3A_705 : i32 to index
        %swap3A_707 = arith.index_cast %scan3A_663 : i32 to index
        %swap3A_708 = arith.constant 32 : index
        %swap3A_709 = tpu.vector_load %arg7[%swap3A_706, %swap3A_707, %swap3A_708] {strides = array<i32>} : memref<4x128x64xf32, #tpu.memory_space<vmem>>, vector<1x1x16xf32>,
        %swap3A_710 = vector.shape_cast %swap3A_709 : vector<1x1x16xf32> to vector<16xf32>
        %swap3A_711 = vector.shape_cast %mul3A_704 : vector<16xf32> to vector<1x1x16xf32>
        tpu.vector_store %arg7[%swap3A_706, %swap3A_707, %swap3A_708], %swap3A_711 {strides = array<i32>} : memref<4x128x64xf32, #tpu.memory_space<vmem>>, vector<1x1x16xf32>,
        %get3A_712 = arith.constant 2 : i32
        %get3A_713 = arith.index_cast %get3A_712 : i32 to index
        %get3A_714 = arith.index_cast %scan3A_663 : i32 to index
        %get3A_715 = arith.constant 48 : index
        %get3A_716 = tpu.vector_load %arg6[%get3A_713, %get3A_714, %get3A_715] {strides = array<i32>} : memref<4x128x64xf32, #tpu.memory_space<vmem>>, vector<1x1x16xf32>,
        %get3A_717 = vector.shape_cast %get3A_716 : vector<1x1x16xf32> to vector<16xf32>
        %mul3A_718 = arith.constant 8.000000e+00 : f32
        %mul3A_719 = vector.broadcast %mul3A_718 : f32 to vector<16xf32>
        %mul3A_720 = arith.mulf %get3A_717, %mul3A_719 : vector<16xf32>
        %swap3A_721 = arith.constant 2 : i32
        %swap3A_722 = arith.index_cast %swap3A_721 : i32 to index
        %swap3A_723 = arith.index_cast %scan3A_663 : i32 to index
        %swap3A_724 = arith.constant 48 : index
        %swap3A_725 = tpu.vector_load %arg7[%swap3A_722, %swap3A_723, %swap3A_724] {strides = array<i32>} : memref<4x128x64xf32, #tpu.memory_space<vmem>>, vector<1x1x16xf32>,
        %swap3A_726 = vector.shape_cast %swap3A_725 : vector<1x1x16xf32> to vector<16xf32>
        %swap3A_727 = vector.shape_cast %mul3A_720 : vector<16xf32> to vector<1x1x16xf32>
        tpu.vector_store %arg7[%swap3A_722, %swap3A_723, %swap3A_724], %swap3A_727 {strides = array<i32>} : memref<4x128x64xf32, #tpu.memory_space<vmem>>, vector<1x1x16xf32>,
        %scan3A_728 = arith.constant 6 : i32
        %scan3A_729 = arith.addi %scan3A_335, %scan3A_728 : i32
        %get3A_730 = arith.constant 2 : i32
        %get3A_731 = arith.index_cast %get3A_730 : i32 to index
        %get3A_732 = arith.index_cast %scan3A_729 : i32 to index
        %get3A_733 = arith.constant 0 : index
        %get3A_734 = tpu.vector_load %arg6[%get3A_731, %get3A_732, %get3A_733] {strides = array<i32>} : memref<4x128x64xf32, #tpu.memory_space<vmem>>, vector<1x1x16xf32>,
        %get3A_735 = vector.shape_cast %get3A_734 : vector<1x1x16xf32> to vector<16xf32>
        %mul3A_736 = arith.constant 8.000000e+00 : f32
        %mul3A_737 = vector.broadcast %mul3A_736 : f32 to vector<16xf32>
        %mul3A_738 = arith.mulf %get3A_735, %mul3A_737 : vector<16xf32>
        %swap3A_739 = arith.constant 2 : i32
        %swap3A_740 = arith.index_cast %swap3A_739 : i32 to index
        %swap3A_741 = arith.index_cast %scan3A_729 : i32 to index
        %swap3A_742 = arith.constant 0 : index
        %swap3A_743 = tpu.vector_load %arg7[%swap3A_740, %swap3A_741, %swap3A_742] {strides = array<i32>} : memref<4x128x64xf32, #tpu.memory_space<vmem>>, vector<1x1x16xf32>,
        %swap3A_744 = vector.shape_cast %swap3A_743 : vector<1x1x16xf32> to vector<16xf32>
        %swap3A_745 = vector.shape_cast %mul3A_738 : vector<16xf32> to vector<1x1x16xf32>
        tpu.vector_store %arg7[%swap3A_740, %swap3A_741, %swap3A_742], %swap3A_745 {strides = array<i32>} : memref<4x128x64xf32, #tpu.memory_space<vmem>>, vector<1x1x16xf32>,
        %get3A_746 = arith.constant 2 : i32
        %get3A_747 = arith.index_cast %get3A_746 : i32 to index
        %get3A_748 = arith.index_cast %scan3A_729 : i32 to index
        %get3A_749 = arith.constant 16 : index
        %get3A_750 = tpu.vector_load %arg6[%get3A_747, %get3A_748, %get3A_749] {strides = array<i32>} : memref<4x128x64xf32, #tpu.memory_space<vmem>>, vector<1x1x16xf32>,
        %get3A_751 = vector.shape_cast %get3A_750 : vector<1x1x16xf32> to vector<16xf32>
        %mul3A_752 = arith.constant 8.000000e+00 : f32
        %mul3A_753 = vector.broadcast %mul3A_752 : f32 to vector<16xf32>
        %mul3A_754 = arith.mulf %get3A_751, %mul3A_753 : vector<16xf32>
        %swap3A_755 = arith.constant 2 : i32
        %swap3A_756 = arith.index_cast %swap3A_755 : i32 to index
        %swap3A_757 = arith.index_cast %scan3A_729 : i32 to index
        %swap3A_758 = arith.constant 16 : index
        %swap3A_759 = tpu.vector_load %arg7[%swap3A_756, %swap3A_757, %swap3A_758] {strides = array<i32>} : memref<4x128x64xf32, #tpu.memory_space<vmem>>, vector<1x1x16xf32>,
        %swap3A_760 = vector.shape_cast %swap3A_759 : vector<1x1x16xf32> to vector<16xf32>
        %swap3A_761 = vector.shape_cast %mul3A_754 : vector<16xf32> to vector<1x1x16xf32>
        tpu.vector_store %arg7[%swap3A_756, %swap3A_757, %swap3A_758], %swap3A_761 {strides = array<i32>} : memref<4x128x64xf32, #tpu.memory_space<vmem>>, vector<1x1x16xf32>,
        %get3A_762 = arith.constant 2 : i32
        %get3A_763 = arith.index_cast %get3A_762 : i32 to index
        %get3A_764 = arith.index_cast %scan3A_729 : i32 to index
        %get3A_765 = arith.constant 32 : index
        %get3A_766 = tpu.vector_load %arg6[%get3A_763, %get3A_764, %get3A_765] {strides = array<i32>} : memref<4x128x64xf32, #tpu.memory_space<vmem>>, vector<1x1x16xf32>,
        %get3A_767 = vector.shape_cast %get3A_766 : vector<1x1x16xf32> to vector<16xf32>
        %mul3A_768 = arith.constant 8.000000e+00 : f32
        %mul3A_769 = vector.broadcast %mul3A_768 : f32 to vector<16xf32>
        %mul3A_770 = arith.mulf %get3A_767, %mul3A_769 : vector<16xf32>
        %swap3A_771 = arith.constant 2 : i32
        %swap3A_772 = arith.index_cast %swap3A_771 : i32 to index
        %swap3A_773 = arith.index_cast %scan3A_729 : i32 to index
        %swap3A_774 = arith.constant 32 : index
        %swap3A_775 = tpu.vector_load %arg7[%swap3A_772, %swap3A_773, %swap3A_774] {strides = array<i32>} : memref<4x128x64xf32, #tpu.memory_space<vmem>>, vector<1x1x16xf32>,
        %swap3A_776 = vector.shape_cast %swap3A_775 : vector<1x1x16xf32> to vector<16xf32>
        %swap3A_777 = vector.shape_cast %mul3A_770 : vector<16xf32> to vector<1x1x16xf32>
        tpu.vector_store %arg7[%swap3A_772, %swap3A_773, %swap3A_774], %swap3A_777 {strides = array<i32>} : memref<4x128x64xf32, #tpu.memory_space<vmem>>, vector<1x1x16xf32>,
        %get3A_778 = arith.constant 2 : i32
        %get3A_779 = arith.index_cast %get3A_778 : i32 to index
        %get3A_780 = arith.index_cast %scan3A_729 : i32 to index
        %get3A_781 = arith.constant 48 : index
        %get3A_782 = tpu.vector_load %arg6[%get3A_779, %get3A_780, %get3A_781] {strides = array<i32>} : memref<4x128x64xf32, #tpu.memory_space<vmem>>, vector<1x1x16xf32>,
        %get3A_783 = vector.shape_cast %get3A_782 : vector<1x1x16xf32> to vector<16xf32>
        %mul3A_784 = arith.constant 8.000000e+00 : f32
        %mul3A_785 = vector.broadcast %mul3A_784 : f32 to vector<16xf32>
        %mul3A_786 = arith.mulf %get3A_783, %mul3A_785 : vector<16xf32>
        %swap3A_787 = arith.constant 2 : i32
        %swap3A_788 = arith.index_cast %swap3A_787 : i32 to index
        %swap3A_789 = arith.index_cast %scan3A_729 : i32 to index
        %swap3A_790 = arith.constant 48 : index
        %swap3A_791 = tpu.vector_load %arg7[%swap3A_788, %swap3A_789, %swap3A_790] {strides = array<i32>} : memref<4x128x64xf32, #tpu.memory_space<vmem>>, vector<1x1x16xf32>,
        %swap3A_792 = vector.shape_cast %swap3A_791 : vector<1x1x16xf32> to vector<16xf32>
        %swap3A_793 = vector.shape_cast %mul3A_786 : vector<16xf32> to vector<1x1x16xf32>
        tpu.vector_store %arg7[%swap3A_788, %swap3A_789, %swap3A_790], %swap3A_793 {strides = array<i32>} : memref<4x128x64xf32, #tpu.memory_space<vmem>>, vector<1x1x16xf32>,
        %scan3A_794 = arith.constant 7 : i32
        %scan3A_795 = arith.addi %scan3A_335, %scan3A_794 : i32
        %get3A_796 = arith.constant 2 : i32
        %get3A_797 = arith.index_cast %get3A_796 : i32 to index
        %get3A_798 = arith.index_cast %scan3A_795 : i32 to index
        %get3A_799 = arith.constant 0 : index
        %get3A_800 = tpu.vector_load %arg6[%get3A_797, %get3A_798, %get3A_799] {strides = array<i32>} : memref<4x128x64xf32, #tpu.memory_space<vmem>>, vector<1x1x16xf32>,
        %get3A_801 = vector.shape_cast %get3A_800 : vector<1x1x16xf32> to vector<16xf32>
        %mul3A_802 = arith.constant 8.000000e+00 : f32
        %mul3A_803 = vector.broadcast %mul3A_802 : f32 to vector<16xf32>
        %mul3A_804 = arith.mulf %get3A_801, %mul3A_803 : vector<16xf32>
        %swap3A_805 = arith.constant 2 : i32
        %swap3A_806 = arith.index_cast %swap3A_805 : i32 to index
        %swap3A_807 = arith.index_cast %scan3A_795 : i32 to index
        %swap3A_808 = arith.constant 0 : index
        %swap3A_809 = tpu.vector_load %arg7[%swap3A_806, %swap3A_807, %swap3A_808] {strides = array<i32>} : memref<4x128x64xf32, #tpu.memory_space<vmem>>, vector<1x1x16xf32>,
        %swap3A_810 = vector.shape_cast %swap3A_809 : vector<1x1x16xf32> to vector<16xf32>
        %swap3A_811 = vector.shape_cast %mul3A_804 : vector<16xf32> to vector<1x1x16xf32>
        tpu.vector_store %arg7[%swap3A_806, %swap3A_807, %swap3A_808], %swap3A_811 {strides = array<i32>} : memref<4x128x64xf32, #tpu.memory_space<vmem>>, vector<1x1x16xf32>,
        %get3A_812 = arith.constant 2 : i32
        %get3A_813 = arith.index_cast %get3A_812 : i32 to index
        %get3A_814 = arith.index_cast %scan3A_795 : i32 to index
        %get3A_815 = arith.constant 16 : index
        %get3A_816 = tpu.vector_load %arg6[%get3A_813, %get3A_814, %get3A_815] {strides = array<i32>} : memref<4x128x64xf32, #tpu.memory_space<vmem>>, vector<1x1x16xf32>,
        %get3A_817 = vector.shape_cast %get3A_816 : vector<1x1x16xf32> to vector<16xf32>
        %mul3A_818 = arith.constant 8.000000e+00 : f32
        %mul3A_819 = vector.broadcast %mul3A_818 : f32 to vector<16xf32>
        %mul3A_820 = arith.mulf %get3A_817, %mul3A_819 : vector<16xf32>
        %swap3A_821 = arith.constant 2 : i32
        %swap3A_822 = arith.index_cast %swap3A_821 : i32 to index
        %swap3A_823 = arith.index_cast %scan3A_795 : i32 to index
        %swap3A_824 = arith.constant 16 : index
        %swap3A_825 = tpu.vector_load %arg7[%swap3A_822, %swap3A_823, %swap3A_824] {strides = array<i32>} : memref<4x128x64xf32, #tpu.memory_space<vmem>>, vector<1x1x16xf32>,
        %swap3A_826 = vector.shape_cast %swap3A_825 : vector<1x1x16xf32> to vector<16xf32>
        %swap3A_827 = vector.shape_cast %mul3A_820 : vector<16xf32> to vector<1x1x16xf32>
        tpu.vector_store %arg7[%swap3A_822, %swap3A_823, %swap3A_824], %swap3A_827 {strides = array<i32>} : memref<4x128x64xf32, #tpu.memory_space<vmem>>, vector<1x1x16xf32>,
        %get3A_828 = arith.constant 2 : i32
        %get3A_829 = arith.index_cast %get3A_828 : i32 to index
        %get3A_830 = arith.index_cast %scan3A_795 : i32 to index
        %get3A_831 = arith.constant 32 : index
        %get3A_832 = tpu.vector_load %arg6[%get3A_829, %get3A_830, %get3A_831] {strides = array<i32>} : memref<4x128x64xf32, #tpu.memory_space<vmem>>, vector<1x1x16xf32>,
        %get3A_833 = vector.shape_cast %get3A_832 : vector<1x1x16xf32> to vector<16xf32>
        %mul3A_834 = arith.constant 8.000000e+00 : f32
        %mul3A_835 = vector.broadcast %mul3A_834 : f32 to vector<16xf32>
        %mul3A_836 = arith.mulf %get3A_833, %mul3A_835 : vector<16xf32>
        %swap3A_837 = arith.constant 2 : i32
        %swap3A_838 = arith.index_cast %swap3A_837 : i32 to index
        %swap3A_839 = arith.index_cast %scan3A_795 : i32 to index
        %swap3A_840 = arith.constant 32 : index
        %swap3A_841 = tpu.vector_load %arg7[%swap3A_838, %swap3A_839, %swap3A_840] {strides = array<i32>} : memref<4x128x64xf32, #tpu.memory_space<vmem>>, vector<1x1x16xf32>,
        %swap3A_842 = vector.shape_cast %swap3A_841 : vector<1x1x16xf32> to vector<16xf32>
        %swap3A_843 = vector.shape_cast %mul3A_836 : vector<16xf32> to vector<1x1x16xf32>
        tpu.vector_store %arg7[%swap3A_838, %swap3A_839, %swap3A_840], %swap3A_843 {strides = array<i32>} : memref<4x128x64xf32, #tpu.memory_space<vmem>>, vector<1x1x16xf32>,
        %get3A_844 = arith.constant 2 : i32
        %get3A_845 = arith.index_cast %get3A_844 : i32 to index
        %get3A_846 = arith.index_cast %scan3A_795 : i32 to index
        %get3A_847 = arith.constant 48 : index
        %get3A_848 = tpu.vector_load %arg6[%get3A_845, %get3A_846, %get3A_847] {strides = array<i32>} : memref<4x128x64xf32, #tpu.memory_space<vmem>>, vector<1x1x16xf32>,
        %get3A_849 = vector.shape_cast %get3A_848 : vector<1x1x16xf32> to vector<16xf32>
        %mul3A_850 = arith.constant 8.000000e+00 : f32
        %mul3A_851 = vector.broadcast %mul3A_850 : f32 to vector<16xf32>
        %mul3A_852 = arith.mulf %get3A_849, %mul3A_851 : vector<16xf32>
        %swap3A_853 = arith.constant 2 : i32
        %swap3A_854 = arith.index_cast %swap3A_853 : i32 to index
        %swap3A_855 = arith.index_cast %scan3A_795 : i32 to index
        %swap3A_856 = arith.constant 48 : index
        %swap3A_857 = tpu.vector_load %arg7[%swap3A_854, %swap3A_855, %swap3A_856] {strides = array<i32>} : memref<4x128x64xf32, #tpu.memory_space<vmem>>, vector<1x1x16xf32>,
        %swap3A_858 = vector.shape_cast %swap3A_857 : vector<1x1x16xf32> to vector<16xf32>
        %swap3A_859 = vector.shape_cast %mul3A_852 : vector<16xf32> to vector<1x1x16xf32>
        tpu.vector_store %arg7[%swap3A_854, %swap3A_855, %swap3A_856], %swap3A_859 {strides = array<i32>} : memref<4x128x64xf32, #tpu.memory_space<vmem>>, vector<1x1x16xf32>,
      }
      %scan3A_254 = arith.constant 128 : i32
      %add3A_255 = arith.constant 4 : i32
      %add3A_256 = arith.addi %add3A_230, %add3A_255 : i32
      %lt3A_257 = arith.constant 200 : i32
      %lt3A_258 = arith.cmpi slt, %add3A_256, %lt3A_257 : i32
      %convert_element_type3A_259 = arith.extui %lt3A_258 : i1 to i32
      %cond3A_260 = arith.constant 0 : i32
      %cond3A_261 = arith.cmpi ne, %convert_element_type3A_259, %cond3A_260 : i32
      scf.if %cond3A_261 {
        %add3A_335 = arith.constant 4 : i32
        %add3A_336 = arith.addi %add3A_230, %add3A_335 : i32
        %mul3A_337 = arith.constant 128 : i32
        %mul3A_338 = arith.muli %add3A_336, %mul3A_337 : i32
        %dma_start3A_339 = arith.constant 2 : i32
        %dma_start3A_340 = arith.constant 2 : i32
        %dma_start3A_341 = arith.constant 0 : i32
        %dma_start3A_342 = arith.constant 0 : i32
        %dma_start3A_343 = tpu.memref_slice %arg6[%dma_start3A_339, %dma_start3A_341, %dma_start3A_342] : memref<4x128x64xf32, #tpu.memory_space<vmem>> -> memref<1x128x64xf32, #tpu.memory_space<vmem>>
        %dma_start3A_344 = tpu.memref_squeeze %dma_start3A_343 : memref<1x128x64xf32, #tpu.memory_space<vmem>> -> memref<128x64xf32, #tpu.memory_space<vmem>>
        %dma_start3A_345 = tpu.memref_slice %arg5[%mul3A_338] : memref<25600xi32, #tpu.memory_space<vmem>> -> memref<128xi32, #tpu.memory_space<vmem>>
        %dma_start3A_346 = arith.constant 0 : i32
        %dma_start3A_347 = arith.constant 0 : i32
        %dma_start3A_348 = tpu.memref_slice %arg3[%dma_start3A_346, %dma_start3A_347] : memref<1000000x64xf32, #tpu.memory_space<hbm>> -> memref<1000000x64xf32, #tpu.memory_space<hbm>>
        %dma_start3A_349 = tpu.memref_slice %arg8[%dma_start3A_340] : memref<4x!tpu.dma_semaphore, #tpu.memory_space<semaphore_mem>> -> memref<1x!tpu.dma_semaphore, #tpu.memory_space<semaphore_mem>>
        %dma_start3A_350 = tpu.memref_squeeze %dma_start3A_349 : memref<1x!tpu.dma_semaphore, #tpu.memory_space<semaphore_mem>> -> memref<!tpu.dma_semaphore, #tpu.memory_space<semaphore_mem>>
        tpu.enqueue_indirect_dma source(%dma_start3A_348 : memref<1000000x64xf32, #tpu.memory_space<hbm>>) target(%dma_start3A_344 : memref<128x64xf32, #tpu.memory_space<vmem>>) offsets(%dma_start3A_345 : memref<128xi32, #tpu.memory_space<vmem>>) semaphore(%dma_start3A_350 : memref<!tpu.dma_semaphore, #tpu.memory_space<semaphore_mem>>)
      } else {
      }
      %mul3A_262 = arith.constant 128 : i32
      %mul3A_263 = arith.muli %add3A_230, %mul3A_262 : i32
      %add3A_264 = arith.addi %mul3A_2, %mul3A_263 : i32
      %dma_start3A_265 = arith.constant 2 : i32
      %dma_start3A_266 = arith.constant 2 : i32
      %dma_start3A_267 = arith.constant 0 : i32
      %dma_start3A_268 = arith.constant 0 : i32
      %dma_start3A_269 = tpu.memref_slice %arg7[%dma_start3A_265, %dma_start3A_267, %dma_start3A_268] : memref<4x128x64xf32, #tpu.memory_space<vmem>> -> memref<1x128x64xf32, #tpu.memory_space<vmem>>
      %dma_start3A_270 = tpu.memref_squeeze %dma_start3A_269 : memref<1x128x64xf32, #tpu.memory_space<vmem>> -> memref<128x64xf32, #tpu.memory_space<vmem>>
      %dma_start3A_271 = arith.constant 0 : i32
      %dma_start3A_272 = tpu.memref_slice %arg4[%add3A_264, %dma_start3A_271] : memref<819200x64xf32, #tpu.memory_space<hbm>> -> memref<128x64xf32, #tpu.memory_space<hbm>>
      %dma_start3A_273 = tpu.memref_slice %arg9[%dma_start3A_266] : memref<4x!tpu.dma_semaphore, #tpu.memory_space<semaphore_mem>> -> memref<1x!tpu.dma_semaphore, #tpu.memory_space<semaphore_mem>>
      %dma_start3A_274 = tpu.memref_squeeze %dma_start3A_273 : memref<1x!tpu.dma_semaphore, #tpu.memory_space<semaphore_mem>> -> memref<!tpu.dma_semaphore, #tpu.memory_space<semaphore_mem>>
      %dma_start3A_275 = arith.constant 0 : i32
      %dma_start3A_276 = tpu.memref_slice %arg4[%add3A_264, %dma_start3A_275] : memref<819200x64xf32, #tpu.memory_space<hbm>> -> memref<128x64xf32, #tpu.memory_space<hbm>>
      %dma_start3A_277 = arith.constant 0 : i32
      %dma_start3A_278 = arith.constant 0 : i32
      %dma_start3A_279 = tpu.memref_slice %arg7[%dma_start3A_265, %dma_start3A_277, %dma_start3A_278] : memref<4x128x64xf32, #tpu.memory_space<vmem>> -> memref<1x128x64xf32, #tpu.memory_space<vmem>>
      %dma_start3A_280 = tpu.memref_squeeze %dma_start3A_279 : memref<1x128x64xf32, #tpu.memory_space<vmem>> -> memref<128x64xf32, #tpu.memory_space<vmem>>
      tpu.enqueue_dma source(%dma_start3A_280 : memref<128x64xf32, #tpu.memory_space<vmem>>) target(%dma_start3A_276 : memref<128x64xf32, #tpu.memory_space<hbm>>) target_semaphore(%dma_start3A_274 : memref<!tpu.dma_semaphore, #tpu.memory_space<semaphore_mem>>)
      %mul3A_281 = arith.constant 4 : i32
      %mul3A_282 = arith.muli %scan3A_122, %mul3A_281 : i32
      %add3A_283 = arith.constant 3 : i32
      %add3A_284 = arith.addi %mul3A_282, %add3A_283 : i32
      %dma_wait3A_285 = arith.constant 3 : i32
      %dma_wait3A_286 = arith.constant 3 : i32
      %dma_wait3A_287 = arith.constant 0 : i32
      %dma_wait3A_288 = arith.constant 0 : i32
      %dma_wait3A_289 = tpu.memref_slice %arg6[%dma_wait3A_285, %dma_wait3A_287, %dma_wait3A_288] : memref<4x128x64xf32, #tpu.memory_space<vmem>> -> memref<1x128x64xf32, #tpu.memory_space<vmem>>
      %dma_wait3A_290 = tpu.memref_squeeze %dma_wait3A_289 : memref<1x128x64xf32, #tpu.memory_space<vmem>> -> memref<128x64xf32, #tpu.memory_space<vmem>>
      %dma_wait3A_291 = arith.constant 0 : i32
      %dma_wait3A_292 = tpu.memref_slice %arg5[%dma_wait3A_291] : memref<25600xi32, #tpu.memory_space<vmem>> -> memref<128xi32, #tpu.memory_space<vmem>>
      %dma_wait3A_293 = arith.constant 0 : i32
      %dma_wait3A_294 = arith.constant 0 : i32
      %dma_wait3A_295 = tpu.memref_slice %arg3[%dma_wait3A_293, %dma_wait3A_294] : memref<1000000x64xf32, #tpu.memory_space<hbm>> -> memref<1000000x64xf32, #tpu.memory_space<hbm>>
      %dma_wait3A_296 = tpu.memref_slice %arg8[%dma_wait3A_286] : memref<4x!tpu.dma_semaphore, #tpu.memory_space<semaphore_mem>> -> memref<1x!tpu.dma_semaphore, #tpu.memory_space<semaphore_mem>>
      %dma_wait3A_297 = tpu.memref_squeeze %dma_wait3A_296 : memref<1x!tpu.dma_semaphore, #tpu.memory_space<semaphore_mem>> -> memref<!tpu.dma_semaphore, #tpu.memory_space<semaphore_mem>>
      tpu.wait_indirect_dma semaphore(%dma_wait3A_297 : memref<!tpu.dma_semaphore, #tpu.memory_space<semaphore_mem>>) src(%dma_wait3A_295 : memref<1000000x64xf32, #tpu.memory_space<hbm>>) dst(%dma_wait3A_290 : memref<128x64xf32, #tpu.memory_space<vmem>>)
      %gt3A_298 = arith.constant 0 : i32
      %gt3A_299 = arith.cmpi sgt, %scan3A_122, %gt3A_298 : i32
      %convert_element_type3A_300 = arith.extui %gt3A_299 : i1 to i32
      %cond3A_301 = arith.constant 0 : i32
      %cond3A_302 = arith.cmpi ne, %convert_element_type3A_300, %cond3A_301 : i32
      scf.if %cond3A_302 {
        %dma_wait3A_335 = arith.constant 3 : i32
        %dma_wait3A_336 = arith.constant 3 : i32
        %dma_wait3A_337 = arith.constant 0 : i32
        %dma_wait3A_338 = arith.constant 0 : i32
        %dma_wait3A_339 = tpu.memref_slice %arg7[%dma_wait3A_335, %dma_wait3A_337, %dma_wait3A_338] : memref<4x128x64xf32, #tpu.memory_space<vmem>> -> memref<1x128x64xf32, #tpu.memory_space<vmem>>
        %dma_wait3A_340 = tpu.memref_squeeze %dma_wait3A_339 : memref<1x128x64xf32, #tpu.memory_space<vmem>> -> memref<128x64xf32, #tpu.memory_space<vmem>>
        %dma_wait3A_341 = arith.constant 0 : i32
        %dma_wait3A_342 = tpu.memref_slice %arg4[%mul3A_2, %dma_wait3A_341] : memref<819200x64xf32, #tpu.memory_space<hbm>> -> memref<128x64xf32, #tpu.memory_space<hbm>>
        %dma_wait3A_343 = tpu.memref_slice %arg9[%dma_wait3A_336] : memref<4x!tpu.dma_semaphore, #tpu.memory_space<semaphore_mem>> -> memref<1x!tpu.dma_semaphore, #tpu.memory_space<semaphore_mem>>
        %dma_wait3A_344 = tpu.memref_squeeze %dma_wait3A_343 : memref<1x!tpu.dma_semaphore, #tpu.memory_space<semaphore_mem>> -> memref<!tpu.dma_semaphore, #tpu.memory_space<semaphore_mem>>
        %dma_wait3A_345 = arith.constant 0 : i32
        %dma_wait3A_346 = tpu.memref_slice %arg4[%mul3A_2, %dma_wait3A_345] : memref<819200x64xf32, #tpu.memory_space<hbm>> -> memref<128x64xf32, #tpu.memory_space<hbm>>
        %dma_wait3A_347 = arith.constant 0 : i32
        %dma_wait3A_348 = arith.constant 0 : i32
        %dma_wait3A_349 = tpu.memref_slice %arg7[%dma_wait3A_335, %dma_wait3A_347, %dma_wait3A_348] : memref<4x128x64xf32, #tpu.memory_space<vmem>> -> memref<1x128x64xf32, #tpu.memory_space<vmem>>
        %dma_wait3A_350 = tpu.memref_squeeze %dma_wait3A_349 : memref<1x128x64xf32, #tpu.memory_space<vmem>> -> memref<128x64xf32, #tpu.memory_space<vmem>>
        tpu.wait_dma2 semaphore(%dma_wait3A_344 : memref<!tpu.dma_semaphore, #tpu.memory_space<semaphore_mem>>) src(%dma_wait3A_350 : memref<128x64xf32, #tpu.memory_space<vmem>>) dst(%dma_wait3A_346 : memref<128x64xf32, #tpu.memory_space<hbm>>)
      } else {
      }
      %scan3A_303 = arith.constant 0 : i32
      %scan3A_304 = arith.constant 0 : i32
      %scan3A_305 = arith.constant 128 : i32
      %scan3A_306 = arith.addi %scan3A_304, %scan3A_305 : i32
      %scan3A_307 = arith.constant 8 : i32
      scf.for %scan3A_335 = %scan3A_304 to %scan3A_306 step %scan3A_307  : i32 {
        %get3A = arith.constant 3 : i32
        %get3A_336 = arith.index_cast %get3A : i32 to index
        %get3A_337 = arith.index_cast %scan3A_335 : i32 to index
        %get3A_338 = arith.constant 0 : index
        %get3A_339 = tpu.vector_load %arg6[%get3A_336, %get3A_337, %get3A_338] {strides = array<i32>} : memref<4x128x64xf32, #tpu.memory_space<vmem>>, vector<1x1x16xf32>,
        %get3A_340 = vector.shape_cast %get3A_339 : vector<1x1x16xf32> to vector<16xf32>
        %mul3A_341 = arith.constant 8.000000e+00 : f32
        %mul3A_342 = vector.broadcast %mul3A_341 : f32 to vector<16xf32>
        %mul3A_343 = arith.mulf %get3A_340, %mul3A_342 : vector<16xf32>
        %swap3A = arith.constant 3 : i32
        %swap3A_344 = arith.index_cast %swap3A : i32 to index
        %swap3A_345 = arith.index_cast %scan3A_335 : i32 to index
        %swap3A_346 = arith.constant 0 : index
        %swap3A_347 = tpu.vector_load %arg7[%swap3A_344, %swap3A_345, %swap3A_346] {strides = array<i32>} : memref<4x128x64xf32, #tpu.memory_space<vmem>>, vector<1x1x16xf32>,
        %swap3A_348 = vector.shape_cast %swap3A_347 : vector<1x1x16xf32> to vector<16xf32>
        %swap3A_349 = vector.shape_cast %mul3A_343 : vector<16xf32> to vector<1x1x16xf32>
        tpu.vector_store %arg7[%swap3A_344, %swap3A_345, %swap3A_346], %swap3A_349 {strides = array<i32>} : memref<4x128x64xf32, #tpu.memory_space<vmem>>, vector<1x1x16xf32>,
        %get3A_350 = arith.constant 3 : i32
        %get3A_351 = arith.index_cast %get3A_350 : i32 to index
        %get3A_352 = arith.index_cast %scan3A_335 : i32 to index
        %get3A_353 = arith.constant 16 : index
        %get3A_354 = tpu.vector_load %arg6[%get3A_351, %get3A_352, %get3A_353] {strides = array<i32>} : memref<4x128x64xf32, #tpu.memory_space<vmem>>, vector<1x1x16xf32>,
        %get3A_355 = vector.shape_cast %get3A_354 : vector<1x1x16xf32> to vector<16xf32>
        %mul3A_356 = arith.constant 8.000000e+00 : f32
        %mul3A_357 = vector.broadcast %mul3A_356 : f32 to vector<16xf32>
        %mul3A_358 = arith.mulf %get3A_355, %mul3A_357 : vector<16xf32>
        %swap3A_359 = arith.constant 3 : i32
        %swap3A_360 = arith.index_cast %swap3A_359 : i32 to index
        %swap3A_361 = arith.index_cast %scan3A_335 : i32 to index
        %swap3A_362 = arith.constant 16 : index
        %swap3A_363 = tpu.vector_load %arg7[%swap3A_360, %swap3A_361, %swap3A_362] {strides = array<i32>} : memref<4x128x64xf32, #tpu.memory_space<vmem>>, vector<1x1x16xf32>,
        %swap3A_364 = vector.shape_cast %swap3A_363 : vector<1x1x16xf32> to vector<16xf32>
        %swap3A_365 = vector.shape_cast %mul3A_358 : vector<16xf32> to vector<1x1x16xf32>
        tpu.vector_store %arg7[%swap3A_360, %swap3A_361, %swap3A_362], %swap3A_365 {strides = array<i32>} : memref<4x128x64xf32, #tpu.memory_space<vmem>>, vector<1x1x16xf32>,
        %get3A_366 = arith.constant 3 : i32
        %get3A_367 = arith.index_cast %get3A_366 : i32 to index
        %get3A_368 = arith.index_cast %scan3A_335 : i32 to index
        %get3A_369 = arith.constant 32 : index
        %get3A_370 = tpu.vector_load %arg6[%get3A_367, %get3A_368, %get3A_369] {strides = array<i32>} : memref<4x128x64xf32, #tpu.memory_space<vmem>>, vector<1x1x16xf32>,
        %get3A_371 = vector.shape_cast %get3A_370 : vector<1x1x16xf32> to vector<16xf32>
        %mul3A_372 = arith.constant 8.000000e+00 : f32
        %mul3A_373 = vector.broadcast %mul3A_372 : f32 to vector<16xf32>
        %mul3A_374 = arith.mulf %get3A_371, %mul3A_373 : vector<16xf32>
        %swap3A_375 = arith.constant 3 : i32
        %swap3A_376 = arith.index_cast %swap3A_375 : i32 to index
        %swap3A_377 = arith.index_cast %scan3A_335 : i32 to index
        %swap3A_378 = arith.constant 32 : index
        %swap3A_379 = tpu.vector_load %arg7[%swap3A_376, %swap3A_377, %swap3A_378] {strides = array<i32>} : memref<4x128x64xf32, #tpu.memory_space<vmem>>, vector<1x1x16xf32>,
        %swap3A_380 = vector.shape_cast %swap3A_379 : vector<1x1x16xf32> to vector<16xf32>
        %swap3A_381 = vector.shape_cast %mul3A_374 : vector<16xf32> to vector<1x1x16xf32>
        tpu.vector_store %arg7[%swap3A_376, %swap3A_377, %swap3A_378], %swap3A_381 {strides = array<i32>} : memref<4x128x64xf32, #tpu.memory_space<vmem>>, vector<1x1x16xf32>,
        %get3A_382 = arith.constant 3 : i32
        %get3A_383 = arith.index_cast %get3A_382 : i32 to index
        %get3A_384 = arith.index_cast %scan3A_335 : i32 to index
        %get3A_385 = arith.constant 48 : index
        %get3A_386 = tpu.vector_load %arg6[%get3A_383, %get3A_384, %get3A_385] {strides = array<i32>} : memref<4x128x64xf32, #tpu.memory_space<vmem>>, vector<1x1x16xf32>,
        %get3A_387 = vector.shape_cast %get3A_386 : vector<1x1x16xf32> to vector<16xf32>
        %mul3A_388 = arith.constant 8.000000e+00 : f32
        %mul3A_389 = vector.broadcast %mul3A_388 : f32 to vector<16xf32>
        %mul3A_390 = arith.mulf %get3A_387, %mul3A_389 : vector<16xf32>
        %swap3A_391 = arith.constant 3 : i32
        %swap3A_392 = arith.index_cast %swap3A_391 : i32 to index
        %swap3A_393 = arith.index_cast %scan3A_335 : i32 to index
        %swap3A_394 = arith.constant 48 : index
        %swap3A_395 = tpu.vector_load %arg7[%swap3A_392, %swap3A_393, %swap3A_394] {strides = array<i32>} : memref<4x128x64xf32, #tpu.memory_space<vmem>>, vector<1x1x16xf32>,
        %swap3A_396 = vector.shape_cast %swap3A_395 : vector<1x1x16xf32> to vector<16xf32>
        %swap3A_397 = vector.shape_cast %mul3A_390 : vector<16xf32> to vector<1x1x16xf32>
        tpu.vector_store %arg7[%swap3A_392, %swap3A_393, %swap3A_394], %swap3A_397 {strides = array<i32>} : memref<4x128x64xf32, #tpu.memory_space<vmem>>, vector<1x1x16xf32>,
        %scan3A_398 = arith.constant 1 : i32
        %scan3A_399 = arith.addi %scan3A_335, %scan3A_398 : i32
        %get3A_400 = arith.constant 3 : i32
        %get3A_401 = arith.index_cast %get3A_400 : i32 to index
        %get3A_402 = arith.index_cast %scan3A_399 : i32 to index
        %get3A_403 = arith.constant 0 : index
        %get3A_404 = tpu.vector_load %arg6[%get3A_401, %get3A_402, %get3A_403] {strides = array<i32>} : memref<4x128x64xf32, #tpu.memory_space<vmem>>, vector<1x1x16xf32>,
        %get3A_405 = vector.shape_cast %get3A_404 : vector<1x1x16xf32> to vector<16xf32>
        %mul3A_406 = arith.constant 8.000000e+00 : f32
        %mul3A_407 = vector.broadcast %mul3A_406 : f32 to vector<16xf32>
        %mul3A_408 = arith.mulf %get3A_405, %mul3A_407 : vector<16xf32>
        %swap3A_409 = arith.constant 3 : i32
        %swap3A_410 = arith.index_cast %swap3A_409 : i32 to index
        %swap3A_411 = arith.index_cast %scan3A_399 : i32 to index
        %swap3A_412 = arith.constant 0 : index
        %swap3A_413 = tpu.vector_load %arg7[%swap3A_410, %swap3A_411, %swap3A_412] {strides = array<i32>} : memref<4x128x64xf32, #tpu.memory_space<vmem>>, vector<1x1x16xf32>,
        %swap3A_414 = vector.shape_cast %swap3A_413 : vector<1x1x16xf32> to vector<16xf32>
        %swap3A_415 = vector.shape_cast %mul3A_408 : vector<16xf32> to vector<1x1x16xf32>
        tpu.vector_store %arg7[%swap3A_410, %swap3A_411, %swap3A_412], %swap3A_415 {strides = array<i32>} : memref<4x128x64xf32, #tpu.memory_space<vmem>>, vector<1x1x16xf32>,
        %get3A_416 = arith.constant 3 : i32
        %get3A_417 = arith.index_cast %get3A_416 : i32 to index
        %get3A_418 = arith.index_cast %scan3A_399 : i32 to index
        %get3A_419 = arith.constant 16 : index
        %get3A_420 = tpu.vector_load %arg6[%get3A_417, %get3A_418, %get3A_419] {strides = array<i32>} : memref<4x128x64xf32, #tpu.memory_space<vmem>>, vector<1x1x16xf32>,
        %get3A_421 = vector.shape_cast %get3A_420 : vector<1x1x16xf32> to vector<16xf32>
        %mul3A_422 = arith.constant 8.000000e+00 : f32
        %mul3A_423 = vector.broadcast %mul3A_422 : f32 to vector<16xf32>
        %mul3A_424 = arith.mulf %get3A_421, %mul3A_423 : vector<16xf32>
        %swap3A_425 = arith.constant 3 : i32
        %swap3A_426 = arith.index_cast %swap3A_425 : i32 to index
        %swap3A_427 = arith.index_cast %scan3A_399 : i32 to index
        %swap3A_428 = arith.constant 16 : index
        %swap3A_429 = tpu.vector_load %arg7[%swap3A_426, %swap3A_427, %swap3A_428] {strides = array<i32>} : memref<4x128x64xf32, #tpu.memory_space<vmem>>, vector<1x1x16xf32>,
        %swap3A_430 = vector.shape_cast %swap3A_429 : vector<1x1x16xf32> to vector<16xf32>
        %swap3A_431 = vector.shape_cast %mul3A_424 : vector<16xf32> to vector<1x1x16xf32>
        tpu.vector_store %arg7[%swap3A_426, %swap3A_427, %swap3A_428], %swap3A_431 {strides = array<i32>} : memref<4x128x64xf32, #tpu.memory_space<vmem>>, vector<1x1x16xf32>,
        %get3A_432 = arith.constant 3 : i32
        %get3A_433 = arith.index_cast %get3A_432 : i32 to index
        %get3A_434 = arith.index_cast %scan3A_399 : i32 to index
        %get3A_435 = arith.constant 32 : index
        %get3A_436 = tpu.vector_load %arg6[%get3A_433, %get3A_434, %get3A_435] {strides = array<i32>} : memref<4x128x64xf32, #tpu.memory_space<vmem>>, vector<1x1x16xf32>,
        %get3A_437 = vector.shape_cast %get3A_436 : vector<1x1x16xf32> to vector<16xf32>
        %mul3A_438 = arith.constant 8.000000e+00 : f32
        %mul3A_439 = vector.broadcast %mul3A_438 : f32 to vector<16xf32>
        %mul3A_440 = arith.mulf %get3A_437, %mul3A_439 : vector<16xf32>
        %swap3A_441 = arith.constant 3 : i32
        %swap3A_442 = arith.index_cast %swap3A_441 : i32 to index
        %swap3A_443 = arith.index_cast %scan3A_399 : i32 to index
        %swap3A_444 = arith.constant 32 : index
        %swap3A_445 = tpu.vector_load %arg7[%swap3A_442, %swap3A_443, %swap3A_444] {strides = array<i32>} : memref<4x128x64xf32, #tpu.memory_space<vmem>>, vector<1x1x16xf32>,
        %swap3A_446 = vector.shape_cast %swap3A_445 : vector<1x1x16xf32> to vector<16xf32>
        %swap3A_447 = vector.shape_cast %mul3A_440 : vector<16xf32> to vector<1x1x16xf32>
        tpu.vector_store %arg7[%swap3A_442, %swap3A_443, %swap3A_444], %swap3A_447 {strides = array<i32>} : memref<4x128x64xf32, #tpu.memory_space<vmem>>, vector<1x1x16xf32>,
        %get3A_448 = arith.constant 3 : i32
        %get3A_449 = arith.index_cast %get3A_448 : i32 to index
        %get3A_450 = arith.index_cast %scan3A_399 : i32 to index
        %get3A_451 = arith.constant 48 : index
        %get3A_452 = tpu.vector_load %arg6[%get3A_449, %get3A_450, %get3A_451] {strides = array<i32>} : memref<4x128x64xf32, #tpu.memory_space<vmem>>, vector<1x1x16xf32>,
        %get3A_453 = vector.shape_cast %get3A_452 : vector<1x1x16xf32> to vector<16xf32>
        %mul3A_454 = arith.constant 8.000000e+00 : f32
        %mul3A_455 = vector.broadcast %mul3A_454 : f32 to vector<16xf32>
        %mul3A_456 = arith.mulf %get3A_453, %mul3A_455 : vector<16xf32>
        %swap3A_457 = arith.constant 3 : i32
        %swap3A_458 = arith.index_cast %swap3A_457 : i32 to index
        %swap3A_459 = arith.index_cast %scan3A_399 : i32 to index
        %swap3A_460 = arith.constant 48 : index
        %swap3A_461 = tpu.vector_load %arg7[%swap3A_458, %swap3A_459, %swap3A_460] {strides = array<i32>} : memref<4x128x64xf32, #tpu.memory_space<vmem>>, vector<1x1x16xf32>,
        %swap3A_462 = vector.shape_cast %swap3A_461 : vector<1x1x16xf32> to vector<16xf32>
        %swap3A_463 = vector.shape_cast %mul3A_456 : vector<16xf32> to vector<1x1x16xf32>
        tpu.vector_store %arg7[%swap3A_458, %swap3A_459, %swap3A_460], %swap3A_463 {strides = array<i32>} : memref<4x128x64xf32, #tpu.memory_space<vmem>>, vector<1x1x16xf32>,
        %scan3A_464 = arith.constant 2 : i32
        %scan3A_465 = arith.addi %scan3A_335, %scan3A_464 : i32
        %get3A_466 = arith.constant 3 : i32
        %get3A_467 = arith.index_cast %get3A_466 : i32 to index
        %get3A_468 = arith.index_cast %scan3A_465 : i32 to index
        %get3A_469 = arith.constant 0 : index
        %get3A_470 = tpu.vector_load %arg6[%get3A_467, %get3A_468, %get3A_469] {strides = array<i32>} : memref<4x128x64xf32, #tpu.memory_space<vmem>>, vector<1x1x16xf32>,
        %get3A_471 = vector.shape_cast %get3A_470 : vector<1x1x16xf32> to vector<16xf32>
        %mul3A_472 = arith.constant 8.000000e+00 : f32
        %mul3A_473 = vector.broadcast %mul3A_472 : f32 to vector<16xf32>
        %mul3A_474 = arith.mulf %get3A_471, %mul3A_473 : vector<16xf32>
        %swap3A_475 = arith.constant 3 : i32
        %swap3A_476 = arith.index_cast %swap3A_475 : i32 to index
        %swap3A_477 = arith.index_cast %scan3A_465 : i32 to index
        %swap3A_478 = arith.constant 0 : index
        %swap3A_479 = tpu.vector_load %arg7[%swap3A_476, %swap3A_477, %swap3A_478] {strides = array<i32>} : memref<4x128x64xf32, #tpu.memory_space<vmem>>, vector<1x1x16xf32>,
        %swap3A_480 = vector.shape_cast %swap3A_479 : vector<1x1x16xf32> to vector<16xf32>
        %swap3A_481 = vector.shape_cast %mul3A_474 : vector<16xf32> to vector<1x1x16xf32>
        tpu.vector_store %arg7[%swap3A_476, %swap3A_477, %swap3A_478], %swap3A_481 {strides = array<i32>} : memref<4x128x64xf32, #tpu.memory_space<vmem>>, vector<1x1x16xf32>,
        %get3A_482 = arith.constant 3 : i32
        %get3A_483 = arith.index_cast %get3A_482 : i32 to index
        %get3A_484 = arith.index_cast %scan3A_465 : i32 to index
        %get3A_485 = arith.constant 16 : index
        %get3A_486 = tpu.vector_load %arg6[%get3A_483, %get3A_484, %get3A_485] {strides = array<i32>} : memref<4x128x64xf32, #tpu.memory_space<vmem>>, vector<1x1x16xf32>,
        %get3A_487 = vector.shape_cast %get3A_486 : vector<1x1x16xf32> to vector<16xf32>
        %mul3A_488 = arith.constant 8.000000e+00 : f32
        %mul3A_489 = vector.broadcast %mul3A_488 : f32 to vector<16xf32>
        %mul3A_490 = arith.mulf %get3A_487, %mul3A_489 : vector<16xf32>
        %swap3A_491 = arith.constant 3 : i32
        %swap3A_492 = arith.index_cast %swap3A_491 : i32 to index
        %swap3A_493 = arith.index_cast %scan3A_465 : i32 to index
        %swap3A_494 = arith.constant 16 : index
        %swap3A_495 = tpu.vector_load %arg7[%swap3A_492, %swap3A_493, %swap3A_494] {strides = array<i32>} : memref<4x128x64xf32, #tpu.memory_space<vmem>>, vector<1x1x16xf32>,
        %swap3A_496 = vector.shape_cast %swap3A_495 : vector<1x1x16xf32> to vector<16xf32>
        %swap3A_497 = vector.shape_cast %mul3A_490 : vector<16xf32> to vector<1x1x16xf32>
        tpu.vector_store %arg7[%swap3A_492, %swap3A_493, %swap3A_494], %swap3A_497 {strides = array<i32>} : memref<4x128x64xf32, #tpu.memory_space<vmem>>, vector<1x1x16xf32>,
        %get3A_498 = arith.constant 3 : i32
        %get3A_499 = arith.index_cast %get3A_498 : i32 to index
        %get3A_500 = arith.index_cast %scan3A_465 : i32 to index
        %get3A_501 = arith.constant 32 : index
        %get3A_502 = tpu.vector_load %arg6[%get3A_499, %get3A_500, %get3A_501] {strides = array<i32>} : memref<4x128x64xf32, #tpu.memory_space<vmem>>, vector<1x1x16xf32>,
        %get3A_503 = vector.shape_cast %get3A_502 : vector<1x1x16xf32> to vector<16xf32>
        %mul3A_504 = arith.constant 8.000000e+00 : f32
        %mul3A_505 = vector.broadcast %mul3A_504 : f32 to vector<16xf32>
        %mul3A_506 = arith.mulf %get3A_503, %mul3A_505 : vector<16xf32>
        %swap3A_507 = arith.constant 3 : i32
        %swap3A_508 = arith.index_cast %swap3A_507 : i32 to index
        %swap3A_509 = arith.index_cast %scan3A_465 : i32 to index
        %swap3A_510 = arith.constant 32 : index
        %swap3A_511 = tpu.vector_load %arg7[%swap3A_508, %swap3A_509, %swap3A_510] {strides = array<i32>} : memref<4x128x64xf32, #tpu.memory_space<vmem>>, vector<1x1x16xf32>,
        %swap3A_512 = vector.shape_cast %swap3A_511 : vector<1x1x16xf32> to vector<16xf32>
        %swap3A_513 = vector.shape_cast %mul3A_506 : vector<16xf32> to vector<1x1x16xf32>
        tpu.vector_store %arg7[%swap3A_508, %swap3A_509, %swap3A_510], %swap3A_513 {strides = array<i32>} : memref<4x128x64xf32, #tpu.memory_space<vmem>>, vector<1x1x16xf32>,
        %get3A_514 = arith.constant 3 : i32
        %get3A_515 = arith.index_cast %get3A_514 : i32 to index
        %get3A_516 = arith.index_cast %scan3A_465 : i32 to index
        %get3A_517 = arith.constant 48 : index
        %get3A_518 = tpu.vector_load %arg6[%get3A_515, %get3A_516, %get3A_517] {strides = array<i32>} : memref<4x128x64xf32, #tpu.memory_space<vmem>>, vector<1x1x16xf32>,
        %get3A_519 = vector.shape_cast %get3A_518 : vector<1x1x16xf32> to vector<16xf32>
        %mul3A_520 = arith.constant 8.000000e+00 : f32
        %mul3A_521 = vector.broadcast %mul3A_520 : f32 to vector<16xf32>
        %mul3A_522 = arith.mulf %get3A_519, %mul3A_521 : vector<16xf32>
        %swap3A_523 = arith.constant 3 : i32
        %swap3A_524 = arith.index_cast %swap3A_523 : i32 to index
        %swap3A_525 = arith.index_cast %scan3A_465 : i32 to index
        %swap3A_526 = arith.constant 48 : index
        %swap3A_527 = tpu.vector_load %arg7[%swap3A_524, %swap3A_525, %swap3A_526] {strides = array<i32>} : memref<4x128x64xf32, #tpu.memory_space<vmem>>, vector<1x1x16xf32>,
        %swap3A_528 = vector.shape_cast %swap3A_527 : vector<1x1x16xf32> to vector<16xf32>
        %swap3A_529 = vector.shape_cast %mul3A_522 : vector<16xf32> to vector<1x1x16xf32>
        tpu.vector_store %arg7[%swap3A_524, %swap3A_525, %swap3A_526], %swap3A_529 {strides = array<i32>} : memref<4x128x64xf32, #tpu.memory_space<vmem>>, vector<1x1x16xf32>,
        %scan3A_530 = arith.constant 3 : i32
        %scan3A_531 = arith.addi %scan3A_335, %scan3A_530 : i32
        %get3A_532 = arith.constant 3 : i32
        %get3A_533 = arith.index_cast %get3A_532 : i32 to index
        %get3A_534 = arith.index_cast %scan3A_531 : i32 to index
        %get3A_535 = arith.constant 0 : index
        %get3A_536 = tpu.vector_load %arg6[%get3A_533, %get3A_534, %get3A_535] {strides = array<i32>} : memref<4x128x64xf32, #tpu.memory_space<vmem>>, vector<1x1x16xf32>,
        %get3A_537 = vector.shape_cast %get3A_536 : vector<1x1x16xf32> to vector<16xf32>
        %mul3A_538 = arith.constant 8.000000e+00 : f32
        %mul3A_539 = vector.broadcast %mul3A_538 : f32 to vector<16xf32>
        %mul3A_540 = arith.mulf %get3A_537, %mul3A_539 : vector<16xf32>
        %swap3A_541 = arith.constant 3 : i32
        %swap3A_542 = arith.index_cast %swap3A_541 : i32 to index
        %swap3A_543 = arith.index_cast %scan3A_531 : i32 to index
        %swap3A_544 = arith.constant 0 : index
        %swap3A_545 = tpu.vector_load %arg7[%swap3A_542, %swap3A_543, %swap3A_544] {strides = array<i32>} : memref<4x128x64xf32, #tpu.memory_space<vmem>>, vector<1x1x16xf32>,
        %swap3A_546 = vector.shape_cast %swap3A_545 : vector<1x1x16xf32> to vector<16xf32>
        %swap3A_547 = vector.shape_cast %mul3A_540 : vector<16xf32> to vector<1x1x16xf32>
        tpu.vector_store %arg7[%swap3A_542, %swap3A_543, %swap3A_544], %swap3A_547 {strides = array<i32>} : memref<4x128x64xf32, #tpu.memory_space<vmem>>, vector<1x1x16xf32>,
        %get3A_548 = arith.constant 3 : i32
        %get3A_549 = arith.index_cast %get3A_548 : i32 to index
        %get3A_550 = arith.index_cast %scan3A_531 : i32 to index
        %get3A_551 = arith.constant 16 : index
        %get3A_552 = tpu.vector_load %arg6[%get3A_549, %get3A_550, %get3A_551] {strides = array<i32>} : memref<4x128x64xf32, #tpu.memory_space<vmem>>, vector<1x1x16xf32>,
        %get3A_553 = vector.shape_cast %get3A_552 : vector<1x1x16xf32> to vector<16xf32>
        %mul3A_554 = arith.constant 8.000000e+00 : f32
        %mul3A_555 = vector.broadcast %mul3A_554 : f32 to vector<16xf32>
        %mul3A_556 = arith.mulf %get3A_553, %mul3A_555 : vector<16xf32>
        %swap3A_557 = arith.constant 3 : i32
        %swap3A_558 = arith.index_cast %swap3A_557 : i32 to index
        %swap3A_559 = arith.index_cast %scan3A_531 : i32 to index
        %swap3A_560 = arith.constant 16 : index
        %swap3A_561 = tpu.vector_load %arg7[%swap3A_558, %swap3A_559, %swap3A_560] {strides = array<i32>} : memref<4x128x64xf32, #tpu.memory_space<vmem>>, vector<1x1x16xf32>,
        %swap3A_562 = vector.shape_cast %swap3A_561 : vector<1x1x16xf32> to vector<16xf32>
        %swap3A_563 = vector.shape_cast %mul3A_556 : vector<16xf32> to vector<1x1x16xf32>
        tpu.vector_store %arg7[%swap3A_558, %swap3A_559, %swap3A_560], %swap3A_563 {strides = array<i32>} : memref<4x128x64xf32, #tpu.memory_space<vmem>>, vector<1x1x16xf32>,
        %get3A_564 = arith.constant 3 : i32
        %get3A_565 = arith.index_cast %get3A_564 : i32 to index
        %get3A_566 = arith.index_cast %scan3A_531 : i32 to index
        %get3A_567 = arith.constant 32 : index
        %get3A_568 = tpu.vector_load %arg6[%get3A_565, %get3A_566, %get3A_567] {strides = array<i32>} : memref<4x128x64xf32, #tpu.memory_space<vmem>>, vector<1x1x16xf32>,
        %get3A_569 = vector.shape_cast %get3A_568 : vector<1x1x16xf32> to vector<16xf32>
        %mul3A_570 = arith.constant 8.000000e+00 : f32
        %mul3A_571 = vector.broadcast %mul3A_570 : f32 to vector<16xf32>
        %mul3A_572 = arith.mulf %get3A_569, %mul3A_571 : vector<16xf32>
        %swap3A_573 = arith.constant 3 : i32
        %swap3A_574 = arith.index_cast %swap3A_573 : i32 to index
        %swap3A_575 = arith.index_cast %scan3A_531 : i32 to index
        %swap3A_576 = arith.constant 32 : index
        %swap3A_577 = tpu.vector_load %arg7[%swap3A_574, %swap3A_575, %swap3A_576] {strides = array<i32>} : memref<4x128x64xf32, #tpu.memory_space<vmem>>, vector<1x1x16xf32>,
        %swap3A_578 = vector.shape_cast %swap3A_577 : vector<1x1x16xf32> to vector<16xf32>
        %swap3A_579 = vector.shape_cast %mul3A_572 : vector<16xf32> to vector<1x1x16xf32>
        tpu.vector_store %arg7[%swap3A_574, %swap3A_575, %swap3A_576], %swap3A_579 {strides = array<i32>} : memref<4x128x64xf32, #tpu.memory_space<vmem>>, vector<1x1x16xf32>,
        %get3A_580 = arith.constant 3 : i32
        %get3A_581 = arith.index_cast %get3A_580 : i32 to index
        %get3A_582 = arith.index_cast %scan3A_531 : i32 to index
        %get3A_583 = arith.constant 48 : index
        %get3A_584 = tpu.vector_load %arg6[%get3A_581, %get3A_582, %get3A_583] {strides = array<i32>} : memref<4x128x64xf32, #tpu.memory_space<vmem>>, vector<1x1x16xf32>,
        %get3A_585 = vector.shape_cast %get3A_584 : vector<1x1x16xf32> to vector<16xf32>
        %mul3A_586 = arith.constant 8.000000e+00 : f32
        %mul3A_587 = vector.broadcast %mul3A_586 : f32 to vector<16xf32>
        %mul3A_588 = arith.mulf %get3A_585, %mul3A_587 : vector<16xf32>
        %swap3A_589 = arith.constant 3 : i32
        %swap3A_590 = arith.index_cast %swap3A_589 : i32 to index
        %swap3A_591 = arith.index_cast %scan3A_531 : i32 to index
        %swap3A_592 = arith.constant 48 : index
        %swap3A_593 = tpu.vector_load %arg7[%swap3A_590, %swap3A_591, %swap3A_592] {strides = array<i32>} : memref<4x128x64xf32, #tpu.memory_space<vmem>>, vector<1x1x16xf32>,
        %swap3A_594 = vector.shape_cast %swap3A_593 : vector<1x1x16xf32> to vector<16xf32>
        %swap3A_595 = vector.shape_cast %mul3A_588 : vector<16xf32> to vector<1x1x16xf32>
        tpu.vector_store %arg7[%swap3A_590, %swap3A_591, %swap3A_592], %swap3A_595 {strides = array<i32>} : memref<4x128x64xf32, #tpu.memory_space<vmem>>, vector<1x1x16xf32>,
        %scan3A_596 = arith.constant 4 : i32
        %scan3A_597 = arith.addi %scan3A_335, %scan3A_596 : i32
        %get3A_598 = arith.constant 3 : i32
        %get3A_599 = arith.index_cast %get3A_598 : i32 to index
        %get3A_600 = arith.index_cast %scan3A_597 : i32 to index
        %get3A_601 = arith.constant 0 : index
        %get3A_602 = tpu.vector_load %arg6[%get3A_599, %get3A_600, %get3A_601] {strides = array<i32>} : memref<4x128x64xf32, #tpu.memory_space<vmem>>, vector<1x1x16xf32>,
        %get3A_603 = vector.shape_cast %get3A_602 : vector<1x1x16xf32> to vector<16xf32>
        %mul3A_604 = arith.constant 8.000000e+00 : f32
        %mul3A_605 = vector.broadcast %mul3A_604 : f32 to vector<16xf32>
        %mul3A_606 = arith.mulf %get3A_603, %mul3A_605 : vector<16xf32>
        %swap3A_607 = arith.constant 3 : i32
        %swap3A_608 = arith.index_cast %swap3A_607 : i32 to index
        %swap3A_609 = arith.index_cast %scan3A_597 : i32 to index
        %swap3A_610 = arith.constant 0 : index
        %swap3A_611 = tpu.vector_load %arg7[%swap3A_608, %swap3A_609, %swap3A_610] {strides = array<i32>} : memref<4x128x64xf32, #tpu.memory_space<vmem>>, vector<1x1x16xf32>,
        %swap3A_612 = vector.shape_cast %swap3A_611 : vector<1x1x16xf32> to vector<16xf32>
        %swap3A_613 = vector.shape_cast %mul3A_606 : vector<16xf32> to vector<1x1x16xf32>
        tpu.vector_store %arg7[%swap3A_608, %swap3A_609, %swap3A_610], %swap3A_613 {strides = array<i32>} : memref<4x128x64xf32, #tpu.memory_space<vmem>>, vector<1x1x16xf32>,
        %get3A_614 = arith.constant 3 : i32
        %get3A_615 = arith.index_cast %get3A_614 : i32 to index
        %get3A_616 = arith.index_cast %scan3A_597 : i32 to index
        %get3A_617 = arith.constant 16 : index
        %get3A_618 = tpu.vector_load %arg6[%get3A_615, %get3A_616, %get3A_617] {strides = array<i32>} : memref<4x128x64xf32, #tpu.memory_space<vmem>>, vector<1x1x16xf32>,
        %get3A_619 = vector.shape_cast %get3A_618 : vector<1x1x16xf32> to vector<16xf32>
        %mul3A_620 = arith.constant 8.000000e+00 : f32
        %mul3A_621 = vector.broadcast %mul3A_620 : f32 to vector<16xf32>
        %mul3A_622 = arith.mulf %get3A_619, %mul3A_621 : vector<16xf32>
        %swap3A_623 = arith.constant 3 : i32
        %swap3A_624 = arith.index_cast %swap3A_623 : i32 to index
        %swap3A_625 = arith.index_cast %scan3A_597 : i32 to index
        %swap3A_626 = arith.constant 16 : index
        %swap3A_627 = tpu.vector_load %arg7[%swap3A_624, %swap3A_625, %swap3A_626] {strides = array<i32>} : memref<4x128x64xf32, #tpu.memory_space<vmem>>, vector<1x1x16xf32>,
        %swap3A_628 = vector.shape_cast %swap3A_627 : vector<1x1x16xf32> to vector<16xf32>
        %swap3A_629 = vector.shape_cast %mul3A_622 : vector<16xf32> to vector<1x1x16xf32>
        tpu.vector_store %arg7[%swap3A_624, %swap3A_625, %swap3A_626], %swap3A_629 {strides = array<i32>} : memref<4x128x64xf32, #tpu.memory_space<vmem>>, vector<1x1x16xf32>,
        %get3A_630 = arith.constant 3 : i32
        %get3A_631 = arith.index_cast %get3A_630 : i32 to index
        %get3A_632 = arith.index_cast %scan3A_597 : i32 to index
        %get3A_633 = arith.constant 32 : index
        %get3A_634 = tpu.vector_load %arg6[%get3A_631, %get3A_632, %get3A_633] {strides = array<i32>} : memref<4x128x64xf32, #tpu.memory_space<vmem>>, vector<1x1x16xf32>,
        %get3A_635 = vector.shape_cast %get3A_634 : vector<1x1x16xf32> to vector<16xf32>
        %mul3A_636 = arith.constant 8.000000e+00 : f32
        %mul3A_637 = vector.broadcast %mul3A_636 : f32 to vector<16xf32>
        %mul3A_638 = arith.mulf %get3A_635, %mul3A_637 : vector<16xf32>
        %swap3A_639 = arith.constant 3 : i32
        %swap3A_640 = arith.index_cast %swap3A_639 : i32 to index
        %swap3A_641 = arith.index_cast %scan3A_597 : i32 to index
        %swap3A_642 = arith.constant 32 : index
        %swap3A_643 = tpu.vector_load %arg7[%swap3A_640, %swap3A_641, %swap3A_642] {strides = array<i32>} : memref<4x128x64xf32, #tpu.memory_space<vmem>>, vector<1x1x16xf32>,
        %swap3A_644 = vector.shape_cast %swap3A_643 : vector<1x1x16xf32> to vector<16xf32>
        %swap3A_645 = vector.shape_cast %mul3A_638 : vector<16xf32> to vector<1x1x16xf32>
        tpu.vector_store %arg7[%swap3A_640, %swap3A_641, %swap3A_642], %swap3A_645 {strides = array<i32>} : memref<4x128x64xf32, #tpu.memory_space<vmem>>, vector<1x1x16xf32>,
        %get3A_646 = arith.constant 3 : i32
        %get3A_647 = arith.index_cast %get3A_646 : i32 to index
        %get3A_648 = arith.index_cast %scan3A_597 : i32 to index
        %get3A_649 = arith.constant 48 : index
        %get3A_650 = tpu.vector_load %arg6[%get3A_647, %get3A_648, %get3A_649] {strides = array<i32>} : memref<4x128x64xf32, #tpu.memory_space<vmem>>, vector<1x1x16xf32>,
        %get3A_651 = vector.shape_cast %get3A_650 : vector<1x1x16xf32> to vector<16xf32>
        %mul3A_652 = arith.constant 8.000000e+00 : f32
        %mul3A_653 = vector.broadcast %mul3A_652 : f32 to vector<16xf32>
        %mul3A_654 = arith.mulf %get3A_651, %mul3A_653 : vector<16xf32>
        %swap3A_655 = arith.constant 3 : i32
        %swap3A_656 = arith.index_cast %swap3A_655 : i32 to index
        %swap3A_657 = arith.index_cast %scan3A_597 : i32 to index
        %swap3A_658 = arith.constant 48 : index
        %swap3A_659 = tpu.vector_load %arg7[%swap3A_656, %swap3A_657, %swap3A_658] {strides = array<i32>} : memref<4x128x64xf32, #tpu.memory_space<vmem>>, vector<1x1x16xf32>,
        %swap3A_660 = vector.shape_cast %swap3A_659 : vector<1x1x16xf32> to vector<16xf32>
        %swap3A_661 = vector.shape_cast %mul3A_654 : vector<16xf32> to vector<1x1x16xf32>
        tpu.vector_store %arg7[%swap3A_656, %swap3A_657, %swap3A_658], %swap3A_661 {strides = array<i32>} : memref<4x128x64xf32, #tpu.memory_space<vmem>>, vector<1x1x16xf32>,
        %scan3A_662 = arith.constant 5 : i32
        %scan3A_663 = arith.addi %scan3A_335, %scan3A_662 : i32
        %get3A_664 = arith.constant 3 : i32
        %get3A_665 = arith.index_cast %get3A_664 : i32 to index
        %get3A_666 = arith.index_cast %scan3A_663 : i32 to index
        %get3A_667 = arith.constant 0 : index
        %get3A_668 = tpu.vector_load %arg6[%get3A_665, %get3A_666, %get3A_667] {strides = array<i32>} : memref<4x128x64xf32, #tpu.memory_space<vmem>>, vector<1x1x16xf32>,
        %get3A_669 = vector.shape_cast %get3A_668 : vector<1x1x16xf32> to vector<16xf32>
        %mul3A_670 = arith.constant 8.000000e+00 : f32
        %mul3A_671 = vector.broadcast %mul3A_670 : f32 to vector<16xf32>
        %mul3A_672 = arith.mulf %get3A_669, %mul3A_671 : vector<16xf32>
        %swap3A_673 = arith.constant 3 : i32
        %swap3A_674 = arith.index_cast %swap3A_673 : i32 to index
        %swap3A_675 = arith.index_cast %scan3A_663 : i32 to index
        %swap3A_676 = arith.constant 0 : index
        %swap3A_677 = tpu.vector_load %arg7[%swap3A_674, %swap3A_675, %swap3A_676] {strides = array<i32>} : memref<4x128x64xf32, #tpu.memory_space<vmem>>, vector<1x1x16xf32>,
        %swap3A_678 = vector.shape_cast %swap3A_677 : vector<1x1x16xf32> to vector<16xf32>
        %swap3A_679 = vector.shape_cast %mul3A_672 : vector<16xf32> to vector<1x1x16xf32>
        tpu.vector_store %arg7[%swap3A_674, %swap3A_675, %swap3A_676], %swap3A_679 {strides = array<i32>} : memref<4x128x64xf32, #tpu.memory_space<vmem>>, vector<1x1x16xf32>,
        %get3A_680 = arith.constant 3 : i32
        %get3A_681 = arith.index_cast %get3A_680 : i32 to index
        %get3A_682 = arith.index_cast %scan3A_663 : i32 to index
        %get3A_683 = arith.constant 16 : index
        %get3A_684 = tpu.vector_load %arg6[%get3A_681, %get3A_682, %get3A_683] {strides = array<i32>} : memref<4x128x64xf32, #tpu.memory_space<vmem>>, vector<1x1x16xf32>,
        %get3A_685 = vector.shape_cast %get3A_684 : vector<1x1x16xf32> to vector<16xf32>
        %mul3A_686 = arith.constant 8.000000e+00 : f32
        %mul3A_687 = vector.broadcast %mul3A_686 : f32 to vector<16xf32>
        %mul3A_688 = arith.mulf %get3A_685, %mul3A_687 : vector<16xf32>
        %swap3A_689 = arith.constant 3 : i32
        %swap3A_690 = arith.index_cast %swap3A_689 : i32 to index
        %swap3A_691 = arith.index_cast %scan3A_663 : i32 to index
        %swap3A_692 = arith.constant 16 : index
        %swap3A_693 = tpu.vector_load %arg7[%swap3A_690, %swap3A_691, %swap3A_692] {strides = array<i32>} : memref<4x128x64xf32, #tpu.memory_space<vmem>>, vector<1x1x16xf32>,
        %swap3A_694 = vector.shape_cast %swap3A_693 : vector<1x1x16xf32> to vector<16xf32>
        %swap3A_695 = vector.shape_cast %mul3A_688 : vector<16xf32> to vector<1x1x16xf32>
        tpu.vector_store %arg7[%swap3A_690, %swap3A_691, %swap3A_692], %swap3A_695 {strides = array<i32>} : memref<4x128x64xf32, #tpu.memory_space<vmem>>, vector<1x1x16xf32>,
        %get3A_696 = arith.constant 3 : i32
        %get3A_697 = arith.index_cast %get3A_696 : i32 to index
        %get3A_698 = arith.index_cast %scan3A_663 : i32 to index
        %get3A_699 = arith.constant 32 : index
        %get3A_700 = tpu.vector_load %arg6[%get3A_697, %get3A_698, %get3A_699] {strides = array<i32>} : memref<4x128x64xf32, #tpu.memory_space<vmem>>, vector<1x1x16xf32>,
        %get3A_701 = vector.shape_cast %get3A_700 : vector<1x1x16xf32> to vector<16xf32>
        %mul3A_702 = arith.constant 8.000000e+00 : f32
        %mul3A_703 = vector.broadcast %mul3A_702 : f32 to vector<16xf32>
        %mul3A_704 = arith.mulf %get3A_701, %mul3A_703 : vector<16xf32>
        %swap3A_705 = arith.constant 3 : i32
        %swap3A_706 = arith.index_cast %swap3A_705 : i32 to index
        %swap3A_707 = arith.index_cast %scan3A_663 : i32 to index
        %swap3A_708 = arith.constant 32 : index
        %swap3A_709 = tpu.vector_load %arg7[%swap3A_706, %swap3A_707, %swap3A_708] {strides = array<i32>} : memref<4x128x64xf32, #tpu.memory_space<vmem>>, vector<1x1x16xf32>,
        %swap3A_710 = vector.shape_cast %swap3A_709 : vector<1x1x16xf32> to vector<16xf32>
        %swap3A_711 = vector.shape_cast %mul3A_704 : vector<16xf32> to vector<1x1x16xf32>
        tpu.vector_store %arg7[%swap3A_706, %swap3A_707, %swap3A_708], %swap3A_711 {strides = array<i32>} : memref<4x128x64xf32, #tpu.memory_space<vmem>>, vector<1x1x16xf32>,
        %get3A_712 = arith.constant 3 : i32
        %get3A_713 = arith.index_cast %get3A_712 : i32 to index
        %get3A_714 = arith.index_cast %scan3A_663 : i32 to index
        %get3A_715 = arith.constant 48 : index
        %get3A_716 = tpu.vector_load %arg6[%get3A_713, %get3A_714, %get3A_715] {strides = array<i32>} : memref<4x128x64xf32, #tpu.memory_space<vmem>>, vector<1x1x16xf32>,
        %get3A_717 = vector.shape_cast %get3A_716 : vector<1x1x16xf32> to vector<16xf32>
        %mul3A_718 = arith.constant 8.000000e+00 : f32
        %mul3A_719 = vector.broadcast %mul3A_718 : f32 to vector<16xf32>
        %mul3A_720 = arith.mulf %get3A_717, %mul3A_719 : vector<16xf32>
        %swap3A_721 = arith.constant 3 : i32
        %swap3A_722 = arith.index_cast %swap3A_721 : i32 to index
        %swap3A_723 = arith.index_cast %scan3A_663 : i32 to index
        %swap3A_724 = arith.constant 48 : index
        %swap3A_725 = tpu.vector_load %arg7[%swap3A_722, %swap3A_723, %swap3A_724] {strides = array<i32>} : memref<4x128x64xf32, #tpu.memory_space<vmem>>, vector<1x1x16xf32>,
        %swap3A_726 = vector.shape_cast %swap3A_725 : vector<1x1x16xf32> to vector<16xf32>
        %swap3A_727 = vector.shape_cast %mul3A_720 : vector<16xf32> to vector<1x1x16xf32>
        tpu.vector_store %arg7[%swap3A_722, %swap3A_723, %swap3A_724], %swap3A_727 {strides = array<i32>} : memref<4x128x64xf32, #tpu.memory_space<vmem>>, vector<1x1x16xf32>,
        %scan3A_728 = arith.constant 6 : i32
        %scan3A_729 = arith.addi %scan3A_335, %scan3A_728 : i32
        %get3A_730 = arith.constant 3 : i32
        %get3A_731 = arith.index_cast %get3A_730 : i32 to index
        %get3A_732 = arith.index_cast %scan3A_729 : i32 to index
        %get3A_733 = arith.constant 0 : index
        %get3A_734 = tpu.vector_load %arg6[%get3A_731, %get3A_732, %get3A_733] {strides = array<i32>} : memref<4x128x64xf32, #tpu.memory_space<vmem>>, vector<1x1x16xf32>,
        %get3A_735 = vector.shape_cast %get3A_734 : vector<1x1x16xf32> to vector<16xf32>
        %mul3A_736 = arith.constant 8.000000e+00 : f32
        %mul3A_737 = vector.broadcast %mul3A_736 : f32 to vector<16xf32>
        %mul3A_738 = arith.mulf %get3A_735, %mul3A_737 : vector<16xf32>
        %swap3A_739 = arith.constant 3 : i32
        %swap3A_740 = arith.index_cast %swap3A_739 : i32 to index
        %swap3A_741 = arith.index_cast %scan3A_729 : i32 to index
        %swap3A_742 = arith.constant 0 : index
        %swap3A_743 = tpu.vector_load %arg7[%swap3A_740, %swap3A_741, %swap3A_742] {strides = array<i32>} : memref<4x128x64xf32, #tpu.memory_space<vmem>>, vector<1x1x16xf32>,
        %swap3A_744 = vector.shape_cast %swap3A_743 : vector<1x1x16xf32> to vector<16xf32>
        %swap3A_745 = vector.shape_cast %mul3A_738 : vector<16xf32> to vector<1x1x16xf32>
        tpu.vector_store %arg7[%swap3A_740, %swap3A_741, %swap3A_742], %swap3A_745 {strides = array<i32>} : memref<4x128x64xf32, #tpu.memory_space<vmem>>, vector<1x1x16xf32>,
        %get3A_746 = arith.constant 3 : i32
        %get3A_747 = arith.index_cast %get3A_746 : i32 to index
        %get3A_748 = arith.index_cast %scan3A_729 : i32 to index
        %get3A_749 = arith.constant 16 : index
        %get3A_750 = tpu.vector_load %arg6[%get3A_747, %get3A_748, %get3A_749] {strides = array<i32>} : memref<4x128x64xf32, #tpu.memory_space<vmem>>, vector<1x1x16xf32>,
        %get3A_751 = vector.shape_cast %get3A_750 : vector<1x1x16xf32> to vector<16xf32>
        %mul3A_752 = arith.constant 8.000000e+00 : f32
        %mul3A_753 = vector.broadcast %mul3A_752 : f32 to vector<16xf32>
        %mul3A_754 = arith.mulf %get3A_751, %mul3A_753 : vector<16xf32>
        %swap3A_755 = arith.constant 3 : i32
        %swap3A_756 = arith.index_cast %swap3A_755 : i32 to index
        %swap3A_757 = arith.index_cast %scan3A_729 : i32 to index
        %swap3A_758 = arith.constant 16 : index
        %swap3A_759 = tpu.vector_load %arg7[%swap3A_756, %swap3A_757, %swap3A_758] {strides = array<i32>} : memref<4x128x64xf32, #tpu.memory_space<vmem>>, vector<1x1x16xf32>,
        %swap3A_760 = vector.shape_cast %swap3A_759 : vector<1x1x16xf32> to vector<16xf32>
        %swap3A_761 = vector.shape_cast %mul3A_754 : vector<16xf32> to vector<1x1x16xf32>
        tpu.vector_store %arg7[%swap3A_756, %swap3A_757, %swap3A_758], %swap3A_761 {strides = array<i32>} : memref<4x128x64xf32, #tpu.memory_space<vmem>>, vector<1x1x16xf32>,
        %get3A_762 = arith.constant 3 : i32
        %get3A_763 = arith.index_cast %get3A_762 : i32 to index
        %get3A_764 = arith.index_cast %scan3A_729 : i32 to index
        %get3A_765 = arith.constant 32 : index
        %get3A_766 = tpu.vector_load %arg6[%get3A_763, %get3A_764, %get3A_765] {strides = array<i32>} : memref<4x128x64xf32, #tpu.memory_space<vmem>>, vector<1x1x16xf32>,
        %get3A_767 = vector.shape_cast %get3A_766 : vector<1x1x16xf32> to vector<16xf32>
        %mul3A_768 = arith.constant 8.000000e+00 : f32
        %mul3A_769 = vector.broadcast %mul3A_768 : f32 to vector<16xf32>
        %mul3A_770 = arith.mulf %get3A_767, %mul3A_769 : vector<16xf32>
        %swap3A_771 = arith.constant 3 : i32
        %swap3A_772 = arith.index_cast %swap3A_771 : i32 to index
        %swap3A_773 = arith.index_cast %scan3A_729 : i32 to index
        %swap3A_774 = arith.constant 32 : index
        %swap3A_775 = tpu.vector_load %arg7[%swap3A_772, %swap3A_773, %swap3A_774] {strides = array<i32>} : memref<4x128x64xf32, #tpu.memory_space<vmem>>, vector<1x1x16xf32>,
        %swap3A_776 = vector.shape_cast %swap3A_775 : vector<1x1x16xf32> to vector<16xf32>
        %swap3A_777 = vector.shape_cast %mul3A_770 : vector<16xf32> to vector<1x1x16xf32>
        tpu.vector_store %arg7[%swap3A_772, %swap3A_773, %swap3A_774], %swap3A_777 {strides = array<i32>} : memref<4x128x64xf32, #tpu.memory_space<vmem>>, vector<1x1x16xf32>,
        %get3A_778 = arith.constant 3 : i32
        %get3A_779 = arith.index_cast %get3A_778 : i32 to index
        %get3A_780 = arith.index_cast %scan3A_729 : i32 to index
        %get3A_781 = arith.constant 48 : index
        %get3A_782 = tpu.vector_load %arg6[%get3A_779, %get3A_780, %get3A_781] {strides = array<i32>} : memref<4x128x64xf32, #tpu.memory_space<vmem>>, vector<1x1x16xf32>,
        %get3A_783 = vector.shape_cast %get3A_782 : vector<1x1x16xf32> to vector<16xf32>
        %mul3A_784 = arith.constant 8.000000e+00 : f32
        %mul3A_785 = vector.broadcast %mul3A_784 : f32 to vector<16xf32>
        %mul3A_786 = arith.mulf %get3A_783, %mul3A_785 : vector<16xf32>
        %swap3A_787 = arith.constant 3 : i32
        %swap3A_788 = arith.index_cast %swap3A_787 : i32 to index
        %swap3A_789 = arith.index_cast %scan3A_729 : i32 to index
        %swap3A_790 = arith.constant 48 : index
        %swap3A_791 = tpu.vector_load %arg7[%swap3A_788, %swap3A_789, %swap3A_790] {strides = array<i32>} : memref<4x128x64xf32, #tpu.memory_space<vmem>>, vector<1x1x16xf32>,
        %swap3A_792 = vector.shape_cast %swap3A_791 : vector<1x1x16xf32> to vector<16xf32>
        %swap3A_793 = vector.shape_cast %mul3A_786 : vector<16xf32> to vector<1x1x16xf32>
        tpu.vector_store %arg7[%swap3A_788, %swap3A_789, %swap3A_790], %swap3A_793 {strides = array<i32>} : memref<4x128x64xf32, #tpu.memory_space<vmem>>, vector<1x1x16xf32>,
        %scan3A_794 = arith.constant 7 : i32
        %scan3A_795 = arith.addi %scan3A_335, %scan3A_794 : i32
        %get3A_796 = arith.constant 3 : i32
        %get3A_797 = arith.index_cast %get3A_796 : i32 to index
        %get3A_798 = arith.index_cast %scan3A_795 : i32 to index
        %get3A_799 = arith.constant 0 : index
        %get3A_800 = tpu.vector_load %arg6[%get3A_797, %get3A_798, %get3A_799] {strides = array<i32>} : memref<4x128x64xf32, #tpu.memory_space<vmem>>, vector<1x1x16xf32>,
        %get3A_801 = vector.shape_cast %get3A_800 : vector<1x1x16xf32> to vector<16xf32>
        %mul3A_802 = arith.constant 8.000000e+00 : f32
        %mul3A_803 = vector.broadcast %mul3A_802 : f32 to vector<16xf32>
        %mul3A_804 = arith.mulf %get3A_801, %mul3A_803 : vector<16xf32>
        %swap3A_805 = arith.constant 3 : i32
        %swap3A_806 = arith.index_cast %swap3A_805 : i32 to index
        %swap3A_807 = arith.index_cast %scan3A_795 : i32 to index
        %swap3A_808 = arith.constant 0 : index
        %swap3A_809 = tpu.vector_load %arg7[%swap3A_806, %swap3A_807, %swap3A_808] {strides = array<i32>} : memref<4x128x64xf32, #tpu.memory_space<vmem>>, vector<1x1x16xf32>,
        %swap3A_810 = vector.shape_cast %swap3A_809 : vector<1x1x16xf32> to vector<16xf32>
        %swap3A_811 = vector.shape_cast %mul3A_804 : vector<16xf32> to vector<1x1x16xf32>
        tpu.vector_store %arg7[%swap3A_806, %swap3A_807, %swap3A_808], %swap3A_811 {strides = array<i32>} : memref<4x128x64xf32, #tpu.memory_space<vmem>>, vector<1x1x16xf32>,
        %get3A_812 = arith.constant 3 : i32
        %get3A_813 = arith.index_cast %get3A_812 : i32 to index
        %get3A_814 = arith.index_cast %scan3A_795 : i32 to index
        %get3A_815 = arith.constant 16 : index
        %get3A_816 = tpu.vector_load %arg6[%get3A_813, %get3A_814, %get3A_815] {strides = array<i32>} : memref<4x128x64xf32, #tpu.memory_space<vmem>>, vector<1x1x16xf32>,
        %get3A_817 = vector.shape_cast %get3A_816 : vector<1x1x16xf32> to vector<16xf32>
        %mul3A_818 = arith.constant 8.000000e+00 : f32
        %mul3A_819 = vector.broadcast %mul3A_818 : f32 to vector<16xf32>
        %mul3A_820 = arith.mulf %get3A_817, %mul3A_819 : vector<16xf32>
        %swap3A_821 = arith.constant 3 : i32
        %swap3A_822 = arith.index_cast %swap3A_821 : i32 to index
        %swap3A_823 = arith.index_cast %scan3A_795 : i32 to index
        %swap3A_824 = arith.constant 16 : index
        %swap3A_825 = tpu.vector_load %arg7[%swap3A_822, %swap3A_823, %swap3A_824] {strides = array<i32>} : memref<4x128x64xf32, #tpu.memory_space<vmem>>, vector<1x1x16xf32>,
        %swap3A_826 = vector.shape_cast %swap3A_825 : vector<1x1x16xf32> to vector<16xf32>
        %swap3A_827 = vector.shape_cast %mul3A_820 : vector<16xf32> to vector<1x1x16xf32>
        tpu.vector_store %arg7[%swap3A_822, %swap3A_823, %swap3A_824], %swap3A_827 {strides = array<i32>} : memref<4x128x64xf32, #tpu.memory_space<vmem>>, vector<1x1x16xf32>,
        %get3A_828 = arith.constant 3 : i32
        %get3A_829 = arith.index_cast %get3A_828 : i32 to index
        %get3A_830 = arith.index_cast %scan3A_795 : i32 to index
        %get3A_831 = arith.constant 32 : index
        %get3A_832 = tpu.vector_load %arg6[%get3A_829, %get3A_830, %get3A_831] {strides = array<i32>} : memref<4x128x64xf32, #tpu.memory_space<vmem>>, vector<1x1x16xf32>,
        %get3A_833 = vector.shape_cast %get3A_832 : vector<1x1x16xf32> to vector<16xf32>
        %mul3A_834 = arith.constant 8.000000e+00 : f32
        %mul3A_835 = vector.broadcast %mul3A_834 : f32 to vector<16xf32>
        %mul3A_836 = arith.mulf %get3A_833, %mul3A_835 : vector<16xf32>
        %swap3A_837 = arith.constant 3 : i32
        %swap3A_838 = arith.index_cast %swap3A_837 : i32 to index
        %swap3A_839 = arith.index_cast %scan3A_795 : i32 to index
        %swap3A_840 = arith.constant 32 : index
        %swap3A_841 = tpu.vector_load %arg7[%swap3A_838, %swap3A_839, %swap3A_840] {strides = array<i32>} : memref<4x128x64xf32, #tpu.memory_space<vmem>>, vector<1x1x16xf32>,
        %swap3A_842 = vector.shape_cast %swap3A_841 : vector<1x1x16xf32> to vector<16xf32>
        %swap3A_843 = vector.shape_cast %mul3A_836 : vector<16xf32> to vector<1x1x16xf32>
        tpu.vector_store %arg7[%swap3A_838, %swap3A_839, %swap3A_840], %swap3A_843 {strides = array<i32>} : memref<4x128x64xf32, #tpu.memory_space<vmem>>, vector<1x1x16xf32>,
        %get3A_844 = arith.constant 3 : i32
        %get3A_845 = arith.index_cast %get3A_844 : i32 to index
        %get3A_846 = arith.index_cast %scan3A_795 : i32 to index
        %get3A_847 = arith.constant 48 : index
        %get3A_848 = tpu.vector_load %arg6[%get3A_845, %get3A_846, %get3A_847] {strides = array<i32>} : memref<4x128x64xf32, #tpu.memory_space<vmem>>, vector<1x1x16xf32>,
        %get3A_849 = vector.shape_cast %get3A_848 : vector<1x1x16xf32> to vector<16xf32>
        %mul3A_850 = arith.constant 8.000000e+00 : f32
        %mul3A_851 = vector.broadcast %mul3A_850 : f32 to vector<16xf32>
        %mul3A_852 = arith.mulf %get3A_849, %mul3A_851 : vector<16xf32>
        %swap3A_853 = arith.constant 3 : i32
        %swap3A_854 = arith.index_cast %swap3A_853 : i32 to index
        %swap3A_855 = arith.index_cast %scan3A_795 : i32 to index
        %swap3A_856 = arith.constant 48 : index
        %swap3A_857 = tpu.vector_load %arg7[%swap3A_854, %swap3A_855, %swap3A_856] {strides = array<i32>} : memref<4x128x64xf32, #tpu.memory_space<vmem>>, vector<1x1x16xf32>,
        %swap3A_858 = vector.shape_cast %swap3A_857 : vector<1x1x16xf32> to vector<16xf32>
        %swap3A_859 = vector.shape_cast %mul3A_852 : vector<16xf32> to vector<1x1x16xf32>
        tpu.vector_store %arg7[%swap3A_854, %swap3A_855, %swap3A_856], %swap3A_859 {strides = array<i32>} : memref<4x128x64xf32, #tpu.memory_space<vmem>>, vector<1x1x16xf32>,
      }
      %scan3A_308 = arith.constant 128 : i32
      %add3A_309 = arith.constant 4 : i32
      %add3A_310 = arith.addi %add3A_284, %add3A_309 : i32
      %lt3A_311 = arith.constant 200 : i32
      %lt3A_312 = arith.cmpi slt, %add3A_310, %lt3A_311 : i32
      %convert_element_type3A_313 = arith.extui %lt3A_312 : i1 to i32
      %cond3A_314 = arith.constant 0 : i32
      %cond3A_315 = arith.cmpi ne, %convert_element_type3A_313, %cond3A_314 : i32
      scf.if %cond3A_315 {
        %add3A_335 = arith.constant 4 : i32
        %add3A_336 = arith.addi %add3A_284, %add3A_335 : i32
        %mul3A_337 = arith.constant 128 : i32
        %mul3A_338 = arith.muli %add3A_336, %mul3A_337 : i32
        %dma_start3A_339 = arith.constant 3 : i32
        %dma_start3A_340 = arith.constant 3 : i32
        %dma_start3A_341 = arith.constant 0 : i32
        %dma_start3A_342 = arith.constant 0 : i32
        %dma_start3A_343 = tpu.memref_slice %arg6[%dma_start3A_339, %dma_start3A_341, %dma_start3A_342] : memref<4x128x64xf32, #tpu.memory_space<vmem>> -> memref<1x128x64xf32, #tpu.memory_space<vmem>>
        %dma_start3A_344 = tpu.memref_squeeze %dma_start3A_343 : memref<1x128x64xf32, #tpu.memory_space<vmem>> -> memref<128x64xf32, #tpu.memory_space<vmem>>
        %dma_start3A_345 = tpu.memref_slice %arg5[%mul3A_338] : memref<25600xi32, #tpu.memory_space<vmem>> -> memref<128xi32, #tpu.memory_space<vmem>>
        %dma_start3A_346 = arith.constant 0 : i32
        %dma_start3A_347 = arith.constant 0 : i32
        %dma_start3A_348 = tpu.memref_slice %arg3[%dma_start3A_346, %dma_start3A_347] : memref<1000000x64xf32, #tpu.memory_space<hbm>> -> memref<1000000x64xf32, #tpu.memory_space<hbm>>
        %dma_start3A_349 = tpu.memref_slice %arg8[%dma_start3A_340] : memref<4x!tpu.dma_semaphore, #tpu.memory_space<semaphore_mem>> -> memref<1x!tpu.dma_semaphore, #tpu.memory_space<semaphore_mem>>
        %dma_start3A_350 = tpu.memref_squeeze %dma_start3A_349 : memref<1x!tpu.dma_semaphore, #tpu.memory_space<semaphore_mem>> -> memref<!tpu.dma_semaphore, #tpu.memory_space<semaphore_mem>>
        tpu.enqueue_indirect_dma source(%dma_start3A_348 : memref<1000000x64xf32, #tpu.memory_space<hbm>>) target(%dma_start3A_344 : memref<128x64xf32, #tpu.memory_space<vmem>>) offsets(%dma_start3A_345 : memref<128xi32, #tpu.memory_space<vmem>>) semaphore(%dma_start3A_350 : memref<!tpu.dma_semaphore, #tpu.memory_space<semaphore_mem>>)
      } else {
      }
      %mul3A_316 = arith.constant 128 : i32
      %mul3A_317 = arith.muli %add3A_284, %mul3A_316 : i32
      %add3A_318 = arith.addi %mul3A_2, %mul3A_317 : i32
      %dma_start3A_319 = arith.constant 3 : i32
      %dma_start3A_320 = arith.constant 3 : i32
      %dma_start3A_321 = arith.constant 0 : i32
      %dma_start3A_322 = arith.constant 0 : i32
      %dma_start3A_323 = tpu.memref_slice %arg7[%dma_start3A_319, %dma_start3A_321, %dma_start3A_322] : memref<4x128x64xf32, #tpu.memory_space<vmem>> -> memref<1x128x64xf32, #tpu.memory_space<vmem>>
      %dma_start3A_324 = tpu.memref_squeeze %dma_start3A_323 : memref<1x128x64xf32, #tpu.memory_space<vmem>> -> memref<128x64xf32, #tpu.memory_space<vmem>>
      %dma_start3A_325 = arith.constant 0 : i32
      %dma_start3A_326 = tpu.memref_slice %arg4[%add3A_318, %dma_start3A_325] : memref<819200x64xf32, #tpu.memory_space<hbm>> -> memref<128x64xf32, #tpu.memory_space<hbm>>
      %dma_start3A_327 = tpu.memref_slice %arg9[%dma_start3A_320] : memref<4x!tpu.dma_semaphore, #tpu.memory_space<semaphore_mem>> -> memref<1x!tpu.dma_semaphore, #tpu.memory_space<semaphore_mem>>
      %dma_start3A_328 = tpu.memref_squeeze %dma_start3A_327 : memref<1x!tpu.dma_semaphore, #tpu.memory_space<semaphore_mem>> -> memref<!tpu.dma_semaphore, #tpu.memory_space<semaphore_mem>>
      %dma_start3A_329 = arith.constant 0 : i32
      %dma_start3A_330 = tpu.memref_slice %arg4[%add3A_318, %dma_start3A_329] : memref<819200x64xf32, #tpu.memory_space<hbm>> -> memref<128x64xf32, #tpu.memory_space<hbm>>
      %dma_start3A_331 = arith.constant 0 : i32
      %dma_start3A_332 = arith.constant 0 : i32
      %dma_start3A_333 = tpu.memref_slice %arg7[%dma_start3A_319, %dma_start3A_331, %dma_start3A_332] : memref<4x128x64xf32, #tpu.memory_space<vmem>> -> memref<1x128x64xf32, #tpu.memory_space<vmem>>
      %dma_start3A_334 = tpu.memref_squeeze %dma_start3A_333 : memref<1x128x64xf32, #tpu.memory_space<vmem>> -> memref<128x64xf32, #tpu.memory_space<vmem>>
      tpu.enqueue_dma source(%dma_start3A_334 : memref<128x64xf32, #tpu.memory_space<vmem>>) target(%dma_start3A_330 : memref<128x64xf32, #tpu.memory_space<hbm>>) target_semaphore(%dma_start3A_328 : memref<!tpu.dma_semaphore, #tpu.memory_space<semaphore_mem>>)
    }
    %scan3A_58 = arith.constant 50 : i32
    %dma_wait3A = arith.constant 0 : i32
    %dma_wait3A_59 = arith.constant 0 : i32
    %dma_wait3A_60 = arith.constant 0 : i32
    %dma_wait3A_61 = arith.constant 0 : i32
    %dma_wait3A_62 = tpu.memref_slice %arg7[%dma_wait3A, %dma_wait3A_60, %dma_wait3A_61] : memref<4x128x64xf32, #tpu.memory_space<vmem>> -> memref<1x128x64xf32, #tpu.memory_space<vmem>>
    %dma_wait3A_63 = tpu.memref_squeeze %dma_wait3A_62 : memref<1x128x64xf32, #tpu.memory_space<vmem>> -> memref<128x64xf32, #tpu.memory_space<vmem>>
    %dma_wait3A_64 = arith.constant 0 : i32
    %dma_wait3A_65 = tpu.memref_slice %arg4[%mul3A_2, %dma_wait3A_64] : memref<819200x64xf32, #tpu.memory_space<hbm>> -> memref<128x64xf32, #tpu.memory_space<hbm>>
    %dma_wait3A_66 = tpu.memref_slice %arg9[%dma_wait3A_59] : memref<4x!tpu.dma_semaphore, #tpu.memory_space<semaphore_mem>> -> memref<1x!tpu.dma_semaphore, #tpu.memory_space<semaphore_mem>>
    %dma_wait3A_67 = tpu.memref_squeeze %dma_wait3A_66 : memref<1x!tpu.dma_semaphore, #tpu.memory_space<semaphore_mem>> -> memref<!tpu.dma_semaphore, #tpu.memory_space<semaphore_mem>>
    %dma_wait3A_68 = arith.constant 0 : i32
    %dma_wait3A_69 = tpu.memref_slice %arg4[%mul3A_2, %dma_wait3A_68] : memref<819200x64xf32, #tpu.memory_space<hbm>> -> memref<128x64xf32, #tpu.memory_space<hbm>>
    %dma_wait3A_70 = arith.constant 0 : i32
    %dma_wait3A_71 = arith.constant 0 : i32
    %dma_wait3A_72 = tpu.memref_slice %arg7[%dma_wait3A, %dma_wait3A_70, %dma_wait3A_71] : memref<4x128x64xf32, #tpu.memory_space<vmem>> -> memref<1x128x64xf32, #tpu.memory_space<vmem>>
    %dma_wait3A_73 = tpu.memref_squeeze %dma_wait3A_72 : memref<1x128x64xf32, #tpu.memory_space<vmem>> -> memref<128x64xf32, #tpu.memory_space<vmem>>
    tpu.wait_dma2 semaphore(%dma_wait3A_67 : memref<!tpu.dma_semaphore, #tpu.memory_space<semaphore_mem>>) src(%dma_wait3A_73 : memref<128x64xf32, #tpu.memory_space<vmem>>) dst(%dma_wait3A_69 : memref<128x64xf32, #tpu.memory_space<hbm>>)
    %dma_wait3A_74 = arith.constant 1 : i32
    %dma_wait3A_75 = arith.constant 1 : i32
    %dma_wait3A_76 = arith.constant 0 : i32
    %dma_wait3A_77 = arith.constant 0 : i32
    %dma_wait3A_78 = tpu.memref_slice %arg7[%dma_wait3A_74, %dma_wait3A_76, %dma_wait3A_77] : memref<4x128x64xf32, #tpu.memory_space<vmem>> -> memref<1x128x64xf32, #tpu.memory_space<vmem>>
    %dma_wait3A_79 = tpu.memref_squeeze %dma_wait3A_78 : memref<1x128x64xf32, #tpu.memory_space<vmem>> -> memref<128x64xf32, #tpu.memory_space<vmem>>
    %dma_wait3A_80 = arith.constant 0 : i32
    %dma_wait3A_81 = tpu.memref_slice %arg4[%mul3A_2, %dma_wait3A_80] : memref<819200x64xf32, #tpu.memory_space<hbm>> -> memref<128x64xf32, #tpu.memory_space<hbm>>
    %dma_wait3A_82 = tpu.memref_slice %arg9[%dma_wait3A_75] : memref<4x!tpu.dma_semaphore, #tpu.memory_space<semaphore_mem>> -> memref<1x!tpu.dma_semaphore, #tpu.memory_space<semaphore_mem>>
    %dma_wait3A_83 = tpu.memref_squeeze %dma_wait3A_82 : memref<1x!tpu.dma_semaphore, #tpu.memory_space<semaphore_mem>> -> memref<!tpu.dma_semaphore, #tpu.memory_space<semaphore_mem>>
    %dma_wait3A_84 = arith.constant 0 : i32
    %dma_wait3A_85 = tpu.memref_slice %arg4[%mul3A_2, %dma_wait3A_84] : memref<819200x64xf32, #tpu.memory_space<hbm>> -> memref<128x64xf32, #tpu.memory_space<hbm>>
    %dma_wait3A_86 = arith.constant 0 : i32
    %dma_wait3A_87 = arith.constant 0 : i32
    %dma_wait3A_88 = tpu.memref_slice %arg7[%dma_wait3A_74, %dma_wait3A_86, %dma_wait3A_87] : memref<4x128x64xf32, #tpu.memory_space<vmem>> -> memref<1x128x64xf32, #tpu.memory_space<vmem>>
    %dma_wait3A_89 = tpu.memref_squeeze %dma_wait3A_88 : memref<1x128x64xf32, #tpu.memory_space<vmem>> -> memref<128x64xf32, #tpu.memory_space<vmem>>
    tpu.wait_dma2 semaphore(%dma_wait3A_83 : memref<!tpu.dma_semaphore, #tpu.memory_space<semaphore_mem>>) src(%dma_wait3A_89 : memref<128x64xf32, #tpu.memory_space<vmem>>) dst(%dma_wait3A_85 : memref<128x64xf32, #tpu.memory_space<hbm>>)
    %dma_wait3A_90 = arith.constant 2 : i32
    %dma_wait3A_91 = arith.constant 2 : i32
    %dma_wait3A_92 = arith.constant 0 : i32
    %dma_wait3A_93 = arith.constant 0 : i32
    %dma_wait3A_94 = tpu.memref_slice %arg7[%dma_wait3A_90, %dma_wait3A_92, %dma_wait3A_93] : memref<4x128x64xf32, #tpu.memory_space<vmem>> -> memref<1x128x64xf32, #tpu.memory_space<vmem>>
    %dma_wait3A_95 = tpu.memref_squeeze %dma_wait3A_94 : memref<1x128x64xf32, #tpu.memory_space<vmem>> -> memref<128x64xf32, #tpu.memory_space<vmem>>
    %dma_wait3A_96 = arith.constant 0 : i32
    %dma_wait3A_97 = tpu.memref_slice %arg4[%mul3A_2, %dma_wait3A_96] : memref<819200x64xf32, #tpu.memory_space<hbm>> -> memref<128x64xf32, #tpu.memory_space<hbm>>
    %dma_wait3A_98 = tpu.memref_slice %arg9[%dma_wait3A_91] : memref<4x!tpu.dma_semaphore, #tpu.memory_space<semaphore_mem>> -> memref<1x!tpu.dma_semaphore, #tpu.memory_space<semaphore_mem>>
    %dma_wait3A_99 = tpu.memref_squeeze %dma_wait3A_98 : memref<1x!tpu.dma_semaphore, #tpu.memory_space<semaphore_mem>> -> memref<!tpu.dma_semaphore, #tpu.memory_space<semaphore_mem>>
    %dma_wait3A_100 = arith.constant 0 : i32
    %dma_wait3A_101 = tpu.memref_slice %arg4[%mul3A_2, %dma_wait3A_100] : memref<819200x64xf32, #tpu.memory_space<hbm>> -> memref<128x64xf32, #tpu.memory_space<hbm>>
    %dma_wait3A_102 = arith.constant 0 : i32
    %dma_wait3A_103 = arith.constant 0 : i32
    %dma_wait3A_104 = tpu.memref_slice %arg7[%dma_wait3A_90, %dma_wait3A_102, %dma_wait3A_103] : memref<4x128x64xf32, #tpu.memory_space<vmem>> -> memref<1x128x64xf32, #tpu.memory_space<vmem>>
    %dma_wait3A_105 = tpu.memref_squeeze %dma_wait3A_104 : memref<1x128x64xf32, #tpu.memory_space<vmem>> -> memref<128x64xf32, #tpu.memory_space<vmem>>
    tpu.wait_dma2 semaphore(%dma_wait3A_99 : memref<!tpu.dma_semaphore, #tpu.memory_space<semaphore_mem>>) src(%dma_wait3A_105 : memref<128x64xf32, #tpu.memory_space<vmem>>) dst(%dma_wait3A_101 : memref<128x64xf32, #tpu.memory_space<hbm>>)
    %dma_wait3A_106 = arith.constant 3 : i32
    %dma_wait3A_107 = arith.constant 3 : i32
    %dma_wait3A_108 = arith.constant 0 : i32
    %dma_wait3A_109 = arith.constant 0 : i32
    %dma_wait3A_110 = tpu.memref_slice %arg7[%dma_wait3A_106, %dma_wait3A_108, %dma_wait3A_109] : memref<4x128x64xf32, #tpu.memory_space<vmem>> -> memref<1x128x64xf32, #tpu.memory_space<vmem>>
    %dma_wait3A_111 = tpu.memref_squeeze %dma_wait3A_110 : memref<1x128x64xf32, #tpu.memory_space<vmem>> -> memref<128x64xf32, #tpu.memory_space<vmem>>
    %dma_wait3A_112 = arith.constant 0 : i32
    %dma_wait3A_113 = tpu.memref_slice %arg4[%mul3A_2, %dma_wait3A_112] : memref<819200x64xf32, #tpu.memory_space<hbm>> -> memref<128x64xf32, #tpu.memory_space<hbm>>
    %dma_wait3A_114 = tpu.memref_slice %arg9[%dma_wait3A_107] : memref<4x!tpu.dma_semaphore, #tpu.memory_space<semaphore_mem>> -> memref<1x!tpu.dma_semaphore, #tpu.memory_space<semaphore_mem>>
    %dma_wait3A_115 = tpu.memref_squeeze %dma_wait3A_114 : memref<1x!tpu.dma_semaphore, #tpu.memory_space<semaphore_mem>> -> memref<!tpu.dma_semaphore, #tpu.memory_space<semaphore_mem>>
    %dma_wait3A_116 = arith.constant 0 : i32
    %dma_wait3A_117 = tpu.memref_slice %arg4[%mul3A_2, %dma_wait3A_116] : memref<819200x64xf32, #tpu.memory_space<hbm>> -> memref<128x64xf32, #tpu.memory_space<hbm>>
    %dma_wait3A_118 = arith.constant 0 : i32
    %dma_wait3A_119 = arith.constant 0 : i32
    %dma_wait3A_120 = tpu.memref_slice %arg7[%dma_wait3A_106, %dma_wait3A_118, %dma_wait3A_119] : memref<4x128x64xf32, #tpu.memory_space<vmem>> -> memref<1x128x64xf32, #tpu.memory_space<vmem>>
    %dma_wait3A_121 = tpu.memref_squeeze %dma_wait3A_120 : memref<1x128x64xf32, #tpu.memory_space<vmem>> -> memref<128x64xf32, #tpu.memory_space<vmem>>
    tpu.wait_dma2 semaphore(%dma_wait3A_115 : memref<!tpu.dma_semaphore, #tpu.memory_space<semaphore_mem>>) src(%dma_wait3A_121 : memref<128x64xf32, #tpu.memory_space<vmem>>) dst(%dma_wait3A_117 : memref<128x64xf32, #tpu.memory_space<hbm>>)
    return
  }
}

</mosaic_0001>

<sc_bundles>
// kernel: kernel.4.cloned.1.call-start
scs
__scs_entry_jumppad:
0x0: {  	(pc) =	sbr.rel $0x88, $3  }
0x1: {  	(tag) =	ssettag $0x0;
	lr =	simm.s32 $0x1  }
0x2: {  	[smem:$0x3F9F] =	sst lr;
	_ =	strace $0xD0000000  }
0x3: {  	_ = 	snop  }
0x4: {  	_ = 	snop  }
0x5: {  	_ = 	snop  }
0x6: {  	_ = 	snop  }
0x7: {  	_ = 	snop  }
__scs_overlays_trampoline_lowered:
0x8: {  	[smem:$0x3FAE] =	sst s0  }
0x9: {  	[smem:$0x3FAF] =	sst s1  }
0xa: {  	[smem:$0x3FB0] =	sst s2  }
0xb: {  	[smem:$0x3FB1] =	sst s3  }
0xc: {  	[smem:$0x3FB2] =	sst s4  }
0xd: {  	[smem:$0x3FB3] =	sst s5  }
0xe: {  	[smem:$0x3FB4] =	sst s6  }
0xf: {  	[smem:$0x3FB5] =	sst s7  }
0x10: {  	[smem:$0x3FB6] =	sst s8  }
0x11: {  	[smem:$0x3FB7] =	sst s9;
	s0 =	simm.s32 @!p0 $0x0  }
0x12: {  	s1 =	sld [smem:$0x3F9D];
	s0 =	simm.s32 @p0 $0x1  }
0x13: {  	[smem:$0x3FB8] =	sst s0;
	s0 =	simm.s32 @!p1 $0x0  }
0x14: {  	s2 =	sld [smem:$0x3F9C];
	s0 =	simm.s32 @p1 $0x1  }
0x15: {  	[smem:$0x3FB9] =	sst s0;
	s0 =	simm.s32 @!p2 $0x0  }
0x16: {  	s3 =	sld [smem:$0x3FDB];
	s0 =	simm.s32 @p2 $0x1  }
0x17: {  	s4 =	simm.s32 $0x1BF5;
	[smem:$0x3FBB] =	sst s0  }
0x18: {  	s0 =	sld [smem:$0x3F9E];
	_ =	swait.ge [sflag:s4], $0x0  }
0x19: {  	s7 =	sld [smem:$0x3F9F]  }
0x1a: {  	s8 =	sadd.s32 $0xFFFFE003, lr  }
0x1b: {  	s9 =	sadd.s32 $0xFFFFFEF7, lr;
	s5 =	simm.s32 $0xFFFFFFFF;
	p2 =	slt.u32 s8, $0xFFFFF086  }
0x1c: {  	p1 =	slt.u32 s9, $0xF7A;
	s5 =	simm.s32 @!p2 $0x0  }
0x1d: {  	s5 =	simm.s32 @p1 $0x1;
	p0 =	seq.s32 s7, s2  }
0x1e: {  	s7 =	smul.u32 @!p0 $0xF7A, s2;
	p2 =	seq.s32 @!p0 s5, $0x0  }
0x1f: {  	s9 =	smul.u32 $0xF7A, s1;
	s8 =	simm.s32 @!p0 $0x1BF5;
	p2 =	por !p2, p0  }
0x20: {  	[sflag:s8] =	ssyncset.s32 @!p0 $0xFFFFF086;
	s6 =	sadd.s32 @!p0 s3, s7;
	s7 =	simm.s32 @!p0 $0x108  }
0x21: {  	s3 =	sadd.s32 s3, s9;
	s6 =	sadd.s32 @!p0 $0x88, s6;
	s7 =	simm.s32 @p2 $0x1082  }
0x22: {  	[simem:s7], [sflag:s8] =	dma.local @!p0 [hbm:s6], $0xF7A  }
0x23: {  	s9 =	sor.u32 $0xD0000000, s2;
	s6 =	simm.s32 $0x108;
	_ =	swait.ge @!p0 [sflag:s8], $0x0  }
0x24: {  	s3 =	sadd.s32 $0x88, s3;
	s6 =	simm.s32 @!p1 $0x1082;
	[sflag:s4] =	ssyncset.s32 $0xFFFFF086  }
0x25: {  	[simem:s6], [sflag:s4] =	dma.local [hbm:s3], $0xF7A  }
0x26: {  	[smem:$0x3F9F] =	sst s1;
	(tag) =	ssettag s2;
	_ =	strace s9  }
0x27: {  	s1 =	sld [smem:$0x3FAF]  }
0x28: {  	s2 =	sld [smem:$0x3FB0]  }
0x29: {  	s4 =	sld [smem:$0x3FB2]  }
0x2a: {  	p0 =	seq.s32 s5, $0x0;
	s5 =	sld [smem:$0x3FB3]  }
0x2b: {  	s6 =	sld [smem:$0x3FB4]  }
0x2c: {  	s7 =	sld [smem:$0x3FB5]  }
0x2d: {  	s3 =	simm.s32 $0x108;
	s8 =	sld [smem:$0x3FB6]  }
0x2e: {  	s3 =	simm.s32 @!p0 $0x1082;
	s9 =	sld [smem:$0x3FB7]  }
0x2f: {  	lr =	sadd.s32 s0, s3;
	s0 =	sld [smem:$0x3FAE]  }
0x30: {  	s3 =	sld [smem:$0x3FB1]  }
0x31: {  	[smem:$0x3FBA] =	sst s10  }
0x32: {  	s10 =	sld [smem:$0x3FB8];
	_ =	sdelay $0x3  }
0x33: {  	p0 =	seq.s32 s10, $0x1;
	s10 =	sld [smem:$0x3FBA];
	_ =	sdelay $0x3  }
0x34: {  	[smem:$0x3FBA] =	sst s10  }
0x35: {  	s10 =	sld [smem:$0x3FB9];
	_ =	sdelay $0x3  }
0x36: {  	p1 =	seq.s32 s10, $0x1;
	s10 =	sld [smem:$0x3FBA];
	_ =	sdelay $0x3  }
0x37: {  	[smem:$0x3FBA] =	sst s10  }
0x38: {  	s10 =	sld [smem:$0x3FBB]  }
0x39: {  	_ = 	snop;
	(pc) =	sbr.ind lr, $3  }
0x3a: {  	_ = 	snop  }
0x3b: {  	_ = 	snop  }
0x3c: {  	p2 =	seq.s32 s10, $0x1;
	s10 =	sld [smem:$0x3FBA]  }
0x3d: {  	_ =	shalt  }
0x3e: {  	_ =	shalt  }
0x3f: {  	_ =	shalt  }
0x40: {  	_ =	shalt  }
0x41: {  	_ =	shalt  }
0x42: {  	_ =	shalt  }
0x43: {  	_ =	shalt  }
0x44: {  	_ =	shalt  }
0x45: {  	_ =	shalt  }
0x46: {  	_ =	shalt  }
0x47: {  	_ =	shalt  }
0x48: {  	_ =	shalt  }
0x49: {  	_ =	shalt  }
0x4a: {  	_ =	shalt  }
0x4b: {  	_ =	shalt  }
0x4c: {  	_ =	shalt  }
0x4d: {  	_ =	shalt  }
0x4e: {  	_ =	shalt  }
0x4f: {  	_ =	shalt  }
0x50: {  	_ =	shalt  }
0x51: {  	_ =	shalt  }
0x52: {  	_ =	shalt  }
0x53: {  	_ =	shalt  }
0x54: {  	_ =	shalt  }
0x55: {  	_ =	shalt  }
0x56: {  	_ =	shalt  }
0x57: {  	_ =	shalt  }
0x58: {  	_ =	shalt  }
0x59: {  	_ =	shalt  }
0x5a: {  	_ =	shalt  }
0x5b: {  	_ =	shalt  }
0x5c: {  	_ =	shalt  }
0x5d: {  	_ =	shalt  }
0x5e: {  	_ =	shalt  }
0x5f: {  	_ =	shalt  }
0x60: {  	_ =	shalt  }
0x61: {  	_ =	shalt  }
0x62: {  	_ =	shalt  }
0x63: {  	_ =	shalt  }
0x64: {  	_ =	shalt  }
0x65: {  	_ =	shalt  }
0x66: {  	_ =	shalt  }
0x67: {  	_ =	shalt  }
0x68: {  	_ =	shalt  }
0x69: {  	_ =	shalt  }
0x6a: {  	_ =	shalt  }
0x6b: {  	_ =	shalt  }
0x6c: {  	_ =	shalt  }
0x6d: {  	_ =	shalt  }
0x6e: {  	_ =	shalt  }
0x6f: {  	_ =	shalt  }
0x70: {  	_ =	shalt  }
0x71: {  	_ =	shalt  }
0x72: {  	_ =	shalt  }
0x73: {  	_ =	shalt  }
0x74: {  	_ =	shalt  }
0x75: {  	_ =	shalt  }
0x76: {  	_ =	shalt  }
0x77: {  	_ =	shalt  }
0x78: {  	_ =	shalt  }
0x79: {  	_ =	shalt  }
0x7a: {  	_ =	shalt  }
0x7b: {  	_ =	shalt  }
0x7c: {  	_ =	shalt  }
0x7d: {  	_ =	shalt  }
0x7e: {  	_ =	shalt  }
0x7f: {  	_ =	shalt  }
0x80: {  	_ =	shalt  }
0x81: {  	_ =	shalt  }
0x82: {  	_ =	shalt  }
0x83: {  	_ =	shalt  }
0x84: {  	_ =	shalt  }
0x85: {  	_ =	shalt  }
0x86: {  	_ =	shalt  }
0x87: {  	_ =	shalt  }
.Lfunc_end0:
.L_simem_size_0:
called_computation_lowered:
.L_overlay_start_0:
0x88: {  	s2 =	sld [smem:$0x3FD9]  }
0x89: {  	s3 =	sld [smem:$0x3FFE];
	_ =	sdelay $0x1  }
0x8a: {  	s1 =	srdreg.scid  }
0x8b: {  	s0 =	sand.u32 $0x1, s1  }
0x8c: {  	s16 =	sshll.u32 s0, $0xA;
	s2 =	sadd.s32 s3, s2  }
0x8d: {  	s2 =	sadd.s32 s2, s16  }
0x8e: {  	[smem:$0x3FC6] =	sst s2  }
0x8f: {  	_ = 	snop  }
0x90: {  	(tm) =	ssettm $0x1  }
0x91: {  	s17 =	sld [smem:$0x3FFB];
	_ =	sdelay $0x3  }
0x92: {  	_ =	strace s17  }
0x93: {  	s2 =	sld [smem:$0x3FFC];
	_ =	sdelay $0x3  }
0x94: {  	_ =	strace s2  }
0x95: {  	s2 =	sld [smem:$0x3FFD];
	_ =	sdelay $0x3  }
0x96: {  	_ =	strace s2  }
0x97: {  	_ =	strace $0x8FFFFFFF  }
0x98: {  	s18 =	sld [smem:$0x3FDB];
	_ =	sdelay $0x1  }
0x99: {  	s19 =	simm.s32 $_scs_section_size  }
0x9a: {  	s4 =	simm.s32 $_size__tile_overlayer_lowered;
	s5 =	simm.s32 $_tile_overlayer_lowered  }
0x9b: {  	s22 =	simm.s32 $0x1BFF;
	s21 =	sshll.u32 s5, $0x1;
	s2 =	sadd.s32 s19, s18  }
0x9c: {  	s6 =	simm.s32 $0x0;
	s20 =	sshll.u32 s4, $0x1;
	s4 =	sadd.s32 s21, s2  }
0x9d: {  	[timem:s6], [sflag:s22] =	dma.local [hbm:s4], s20  }
0x9e: {  	_ =	swait.ge [sflag:s22], s20  }
0x9f: {  	s3 =	ssub.s32 $0x0, s20;
	[sflag:s22] =	ssyncset.done $0x0  }
0xa0: {  	[sflag:s22] =	ssyncadd.s32 s3;
	_ =	sdelay $0x1  }
0xa1: {  	s23 =	simm.s32 $0x1B8B  }
0xa2: {  	_ =	swait.ge [sflag:s23], $0x1  }
0xa3: {  	[sflag:s23] =	ssyncset.done $0x0  }
0xa4: {  	s25 =	simm.s32 $0x1B8E;
	s24 =	sld [smem:$0x3FFE];
	[sflag:s23] =	ssyncadd.s32 $0xFFFFFFFF  }
0xa5: {  	s26 =	simm.s32 $execute0_lowered;
	[smem:$0x3FD2] =	sst s25  }
0xa6: {  	s4 =	sshll.u32 s26, $0x1;
	_ =	strace $0x80000046;
	[dreg:$0x1] =	wrdreg $0xFFFFFFFF  }
0xa7: {  	s28 =	simm.s32 $_size_execute0_lowered;
	s2 =	sadd.s32 s2, s4;
	[dreg:$0x0] =	wrdreg $0x0  }
0xa8: {  	s4 =	sshll.u32 s28, $0x1;
	[dreg:$0x2] =	wrdreg s2  }
0xa9: {  	[dreg:$0x3] =	wrdreg s4  }
0xaa: {  	[dreg:$0x4] =	wrdreg $0xC0  }
0xab: {  	_ =	task [dreg:s6], $0x5FFFF  }
0xac: {  	[dreg:$0x1] =	wrdreg $0xFFFFFFFF  }
0xad: {  	[dreg:$0x0] =	wrdreg $0x60  }
0xae: {  	[dreg:$0x2] =	wrdreg s24  }
0xaf: {  	[dreg:$0x3] =	wrdreg $0x9  }
0xb0: {  	_ =	task.clear_ibuf [dreg:s6], $0x4FFFF;
	_ =	strace $0x90000046  }
0xb1: {  	s29 =	simm.s32 $0x9;
	_ =	strace $0x80000048  }
0xb2: {  	_ =	swait.ge [sflag:s29], $0x1  }
0xb3: {  	[sflag:s29] =	ssyncadd.s32 $0xFFFFFFFF  }
0xb4: {  	_ =	strace $0x90000048  }
0xb5: {  	_ =	sfence  }
0xb6: {  	s30 =	sld [smem:$0x0];
	_ =	sdelay $0x2  }
0xb7: {  	s31 =	sshll.u32 s1, $0xD;
	s1 =	sshrl.u32 s1, $0x2  }
0xb8: {  	s3 =	sand.u32 $0x4000, s31;
	s1 =	sadd.s32 s1, s30  }
0xb9: {  	s0 =	sor.u32 s3, s0;
	s1 =	sshll.u32 s1, $0x11  }
0xba: {  	s0 =	sor.u32 s1, s0  }
0xbb: {  	s0 =	sadd.s32 $0x8F2B, s0  }
0xbc: {  	[sflag:s0] =	ssyncadd.remote.s32 $0x1  }
0xbd: {  	_ =	sfence.sel $0xFFFF  }
0xbe: {  	[dreg:$0x0] =	wrdreg $0xFFFFFFFF;
	(pc) =	sbr.abs _section_cstart, $3  }
0xbf: {  	[dreg:$0x1] =	wrdreg $0xFFFFFFFF  }
0xc0: {  	_ =	task.clear_ibuf [dreg:s6], $0x2FFFF;
	_ =	strace $0x9FFFFFFF  }
0xc1: {  	(tm) =	ssettm $0x7FFFFFFF  }
tec
execute0_lowered:
.L_overlay_start_1:
0x0: {  	(tag) =	ssettag $0x1  }
0x1: {  	s1 =	srdreg.scid;
	s0 =	stileid.u32  }
0x2: {  	s5 =	rddreg [dreg:$0x0];
	s2 =	simm.s32 $0x0;
	s13 =	simm.s32 $0x1  }
0x3: {  	s14 =	simm.s32 $0x14000;
	s4 =	sand.u32 $0x1, s1;
	s3 =	sshll.u32 s0, $0x1  }
0x4: {  	s15 =	simm.s32 $0x2;
	s16 =	simm.s32 $0x19000;
	s17 =	sor.u32 s4, s3  }
0x5: {  	s18 =	simm.s32 $0x4;
	s1 =	rddreg [dreg:$0x1];
	s3 =	smul.u32 $0x61, s17  }
0x6: {  	s19 =	simm.s32 $0x0;
	[smem:$0x7FF] =	sst s2;
	s7 =	smul.u32 $0x79400, s17  }
0x7: {  	_ =	strace $0x80000047;
	s6 =	ssub.s32 $0x2, s4;
	s9 =	smul.u32 $0xA000, s17  }
0x8: {  	s4 =	sadd.s32 $0xA00, s5;
	s8 =	sshrl.u32 s6, $0x1;
	s30 =	smul.u32 $0x1E5000, s17  }
0x9: {  	p0 =	slt.u32 s17, $0x15;
	s11 =	ssub.s32 s6, s8;
	s6 =	simm.s32 $0x62  }
0xa: {  	s5 =	sadd.s32 $0xF42E00, s5;
	s10 =	smul.u32 $0x5000, s17;
	s6 =	simm.s32 @!p0 $0x61  }
.Ltmp0:
0xb: {  	s7 =	sadd.s32 s4, s7;
	s9 =	sshrl.u32 s9, $0x3;
	(pc) =	sbr.rel .LBB2_1-.Ltmp0, $4  }
0xc: {  	s12 =	sshrl.u32 s30, $0x3;
	s10 =	sshrl.u32 s10, $0x3;
	s11 =	smax.u32 s11, $0x1  }
0xd: {  	p0 =	sgt.u32 s17, $0x14;
	s17 =	simm.s32 $0x3;
	s9 =	sadd.s32 s4, s9  }
0xe: {  	s31 =	sadd.s32 s5, s12;
	s10 =	sadd.s32 s5, s10;
	s12 =	simm.s32 $0xA000  }
0xf: {  	s8 =	sadd.s32 $0xF28000, s9;
	s9 =	sadd.s32 $0x3C000, s31;
	s10 =	sadd.s32 $0x794000, s10  }
.LBB2_13:
0x10: {  	s19 =	sadd.s32 $0x1, s19  }
0x11: {  	_ =	swait.ge [sflag:s17], $0x5000;
	p1 =	sne.s32 s19, s11  }
.Ltmp1:
0x12: {  	[sflag:s17] =	ssyncset.done $0x0;
	(pc) =	sbr.rel @!p1 .LBB2_14-.Ltmp1, $4  }
0x13: {  	[sflag:s17] =	ssyncadd.s32 $0xFFFFB000  }
0x14: {  	_ =	swait.ge [sflag:s18], $0x5000  }
0x15: {  	[sflag:s18] =	ssyncset.done $0x0  }
0x16: {  	[sflag:s18] =	ssyncadd.s32 $0xFFFFB000  }
.LBB2_1:
0x17: {  	[tilespmem:s2], [sflag:$0x1] =	stream.linear.gather [hbm4b:s7+s2], $0xA000, $0x38;
	[tilespmem:$0x1E000] =	vst v63  }
0x18: {  	s20 =	simm.s32 $0x0  }
.LBB2_2:
0x19: {  	s22 =	sshll.u32 s20, $0x1  }
0x1a: {  	s21 =	sadd.s32 s22, s3  }
0x1b: {  	s21 =	sadd.s32 $0x1, s21  }
0x1c: {  	s23 =	smul.u32 $0x1400, s21;
	_ =	sdelay $0x1  }
0x1d: {  	s23 =	sadd.s32 s4, s23  }
0x1e: {  	[tilespmem:s12], [sflag:$0x2] =	stream.linear.gather [hbm4b:s23+s2], $0xA000, $0x38;
	[tilespmem:$0x1E000] =	vst v63  }
0x1f: {  	_ =	swait.ge [sflag:s13], $0xA000  }
0x20: {  	p1 =	seq.s32 s20, $0x0;
	[sflag:s13] =	ssyncset.done $0x0  }
0x21: {  	s23 =	simm.s32 @!p1 $0x3;
	[sflag:s13] =	ssyncadd.s32 $0xFFFF6000  }
0x22: {  	_ =	swait.ge @!p1 [sflag:s23], $0x5000  }
0x23: {  	[sflag:s23] =	ssyncset.done @!p1 $0x0  }
0x24: {  	s26 =	simm.s32 $0x200;
	[sflag:s23] =	ssyncadd.s32 @!p1 $0xFFFFB000  }
0x25: {  	v0 =	vld [tilespmem:s26+$0x100]  }
0x26: {  	v2 =	vld [tilespmem:s26+$0x0]  }
0x27: {  	v1 =	vld [tilespmem:s26+$0xFFFFFF00]  }
0x28: {  	v3 =	vld [tilespmem:s26+$0xFFFFFE00]  }
0x29: {  	s23 =	simm.s32 $0x14100  }
0x2a: {  	[tilespmem:s23+$0x80] =	vst v0  }
0x2b: {  	[tilespmem:s23+$0x0] =	vst v2;
	v0 =	vld [tilespmem:s26+$0x110]  }
0x2c: {  	[tilespmem:s23+$0xFFFFFF80] =	vst v1;
	v2 =	vld [tilespmem:s26+$0x10]  }
0x2d: {  	[tilespmem:s23+$0xFFFFFF00] =	vst v3;
	v1 =	vld [tilespmem:s26+$0xFFFFFF10]  }
0x2e: {  	v3 =	vld [tilespmem:s26+$0xFFFFFE10];
	_ =	sdelay $0x1  }
0x2f: {  	[tilespmem:s23+$0x90] =	vst v0  }
0x30: {  	[tilespmem:s23+$0x10] =	vst v2;
	v0 =	vld [tilespmem:s26+$0x120]  }
0x31: {  	[tilespmem:s23+$0xFFFFFF90] =	vst v1;
	v2 =	vld [tilespmem:s26+$0x20]  }
0x32: {  	[tilespmem:s23+$0xFFFFFF10] =	vst v3;
	v1 =	vld [tilespmem:s26+$0xFFFFFF20]  }
0x33: {  	v3 =	vld [tilespmem:s26+$0xFFFFFE20];
	_ =	sdelay $0x1  }
0x34: {  	[tilespmem:s23+$0xA0] =	vst v0  }
0x35: {  	[tilespmem:s23+$0x20] =	vst v2;
	v0 =	vld [tilespmem:s26+$0x130]  }
0x36: {  	[tilespmem:s23+$0xFFFFFFA0] =	vst v1;
	v2 =	vld [tilespmem:s26+$0x30]  }
0x37: {  	[tilespmem:s23+$0xFFFFFF20] =	vst v3;
	v1 =	vld [tilespmem:s26+$0xFFFFFF30]  }
0x38: {  	v3 =	vld [tilespmem:s26+$0xFFFFFE30];
	_ =	sdelay $0x1  }
0x39: {  	[tilespmem:s23+$0xB0] =	vst v0  }
0x3a: {  	[tilespmem:s23+$0x30] =	vst v2;
	v0 =	vld [tilespmem:s26+$0x180]  }
0x3b: {  	[tilespmem:s23+$0xFFFFFFB0] =	vst v1;
	v2 =	vld [tilespmem:s26+$0x80]  }
0x3c: {  	[tilespmem:s23+$0xFFFFFF30] =	vst v3;
	v1 =	vld [tilespmem:s26+$0xFFFFFF80]  }
0x3d: {  	v3 =	vld [tilespmem:s26+$0xFFFFFE80]  }
0x3e: {  	s25 =	simm.s32 $0x600  }
0x3f: {  	v4 =	vld [tilespmem:s25+$0x100];
	[tilespmem:s23+$0xC0] =	vst v0  }
0x40: {  	[tilespmem:s23+$0x40] =	vst v2;
	v2 =	vld [tilespmem:s25+$0xFFFFFF00]  }
0x41: {  	[tilespmem:s23+$0xFFFFFFC0] =	vst v1;
	v0 =	vld [tilespmem:s26+$0x190]  }
0x42: {  	[tilespmem:s23+$0xFFFFFF40] =	vst v3;
	v3 =	vld [tilespmem:s25+$0x0]  }
0x43: {  	s24 =	simm.s32 $0x14300;
	v1 =	vld [tilespmem:s26+$0xFFFFFF90]  }
0x44: {  	v5 =	vld [tilespmem:s25+$0xFFFFFE00];
	[tilespmem:s24+$0x80] =	vst v4  }
0x45: {  	[tilespmem:s24+$0xFFFFFF80] =	vst v2;
	v2 =	vld [tilespmem:s25+$0x110]  }
0x46: {  	[tilespmem:s23+$0xD0] =	vst v0;
	v4 =	vld [tilespmem:s25+$0xFFFFFF10]  }
0x47: {  	[tilespmem:s24+$0x0] =	vst v3;
	v0 =	vld [tilespmem:s26+$0x1A0]  }
0x48: {  	[tilespmem:s23+$0xFFFFFFD0] =	vst v1;
	v1 =	vld [tilespmem:s26+$0xFFFFFE90]  }
0x49: {  	[tilespmem:s24+$0xFFFFFF00] =	vst v5;
	v3 =	vld [tilespmem:s25+$0x10]  }
0x4a: {  	v5 =	vld [tilespmem:s25+$0xFFFFFE10];
	[tilespmem:s24+$0x90] =	vst v2  }
0x4b: {  	[tilespmem:s24+$0xFFFFFF90] =	vst v4;
	v2 =	vld [tilespmem:s25+$0x120]  }
0x4c: {  	[tilespmem:s23+$0xE0] =	vst v0;
	v4 =	vld [tilespmem:s25+$0xFFFFFF20]  }
0x4d: {  	[tilespmem:s23+$0xFFFFFF50] =	vst v1;
	v0 =	vld [tilespmem:s26+$0x1B0]  }
0x4e: {  	v1 =	vld [tilespmem:s26+$0x90];
	[tilespmem:s24+$0x10] =	vst v3  }
0x4f: {  	[tilespmem:s24+$0xFFFFFF10] =	vst v5;
	v3 =	vld [tilespmem:s25+$0x20]  }
0x50: {  	v5 =	vld [tilespmem:s25+$0xFFFFFE20];
	[tilespmem:s24+$0xA0] =	vst v2  }
0x51: {  	[tilespmem:s24+$0xFFFFFFA0] =	vst v4;
	v2 =	vld [tilespmem:s25+$0x130]  }
0x52: {  	[tilespmem:s23+$0xF0] =	vst v0;
	v0 =	vld [tilespmem:s26+$0xFFFFFEA0]  }
0x53: {  	[tilespmem:s23+$0x50] =	vst v1;
	v4 =	vld [tilespmem:s25+$0xFFFFFF30]  }
0x54: {  	v1 =	vld [tilespmem:s26+$0xFFFFFFA0];
	[tilespmem:s24+$0x20] =	vst v3  }
0x55: {  	[tilespmem:s24+$0xFFFFFF20] =	vst v5;
	v3 =	vld [tilespmem:s25+$0x30]  }
0x56: {  	v5 =	vld [tilespmem:s25+$0xFFFFFE30];
	[tilespmem:s24+$0xB0] =	vst v2  }
0x57: {  	[tilespmem:s23+$0xFFFFFF60] =	vst v0;
	v0 =	vld [tilespmem:s26+$0xA0]  }
0x58: {  	[tilespmem:s24+$0xFFFFFFB0] =	vst v4;
	v4 =	vld [tilespmem:s25+$0x180]  }
0x59: {  	[tilespmem:s23+$0xFFFFFFE0] =	vst v1;
	v1 =	vld [tilespmem:s26+$0xFFFFFEB0]  }
0x5a: {  	[tilespmem:s24+$0x30] =	vst v3;
	v6 =	vld [tilespmem:s25+$0xFFFFFF80]  }
0x5b: {  	[tilespmem:s24+$0xFFFFFF30] =	vst v5;
	v5 =	vld [tilespmem:s25+$0x80]  }
0x5c: {  	v2 =	vld [tilespmem:s25+$0xFFFFFE80];
	[tilespmem:s23+$0x60] =	vst v0  }
0x5d: {  	v0 =	vld [tilespmem:s26+$0xFFFFFFB0];
	[tilespmem:s24+$0xC0] =	vst v4  }
0x5e: {  	[tilespmem:s23+$0xFFFFFF70] =	vst v1;
	v1 =	vld [tilespmem:s26+$0xB0]  }
0x5f: {  	[tilespmem:s24+$0xFFFFFFC0] =	vst v6;
	v4 =	vld [tilespmem:s25+$0x190]  }
0x60: {  	s28 =	simm.s32 $0xA00;
	s26 =	simm.s32 $0x4;
	[tilespmem:s24+$0x40] =	vst v5;
	v3 =	vld [tilespmem:s25+$0xFFFFFF90]  }
.LBB2_3:
0x61: {  	v5 =	vld [tilespmem:s28+$0x100];
	s26 =	sadd.s32 $0x4, s26;
	[tilespmem:s24+$0xFFFFFF40] =	vst v2  }
0x62: {  	v2 =	vld [tilespmem:s28+$0xFFFFFF00];
	p2 =	slt.u32 s26, $0x9C;
	[tilespmem:s23+$0xFFFFFFF0] =	vst v0  }
0x63: {  	v0 =	vld [tilespmem:s28+$0x0];
	[tilespmem:s23+$0x70] =	vst v1;
	s23 =	smov.u32 s24  }
0x64: {  	v1 =	vld [tilespmem:s28+$0xFFFFFE00];
	[tilespmem:s24+$0xD0] =	vst v4  }
0x65: {  	s24 =	sadd.s32 $0x200, s24;
	[tilespmem:s23+$0xFFFFFFD0] =	vst v3;
	v3 =	vld [tilespmem:s25+$0x1A0]  }
0x66: {  	[tilespmem:s24+$0x80] =	vst v5;
	v4 =	vld [tilespmem:s25+$0xFFFFFE90]  }
0x67: {  	[tilespmem:s24+$0xFFFFFF80] =	vst v2;
	v2 =	vld [tilespmem:s28+$0x110]  }
0x68: {  	v5 =	vld [tilespmem:s28+$0xFFFFFF10];
	[tilespmem:s24+$0x0] =	vst v0  }
0x69: {  	[tilespmem:s24+$0xFFFFFF00] =	vst v1;
	v0 =	vld [tilespmem:s28+$0x10]  }
0x6a: {  	v1 =	vld [tilespmem:s28+$0xFFFFFE10];
	[tilespmem:s23+$0xE0] =	vst v3  }
0x6b: {  	[tilespmem:s23+$0xFFFFFF50] =	vst v4;
	v3 =	vld [tilespmem:s25+$0x1B0]  }
0x6c: {  	[tilespmem:s24+$0x90] =	vst v2;
	v2 =	vld [tilespmem:s25+$0x90]  }
0x6d: {  	[tilespmem:s24+$0xFFFFFF90] =	vst v5;
	v4 =	vld [tilespmem:s28+$0x120]  }
0x6e: {  	v5 =	vld [tilespmem:s28+$0xFFFFFF20];
	[tilespmem:s24+$0x10] =	vst v0  }
0x6f: {  	[tilespmem:s24+$0xFFFFFF10] =	vst v1;
	v0 =	vld [tilespmem:s28+$0x20]  }
0x70: {  	v1 =	vld [tilespmem:s28+$0xFFFFFE20];
	[tilespmem:s23+$0xF0] =	vst v3  }
0x71: {  	v3 =	vld [tilespmem:s25+$0xFFFFFEA0];
	[tilespmem:s23+$0x50] =	vst v2  }
0x72: {  	[tilespmem:s24+$0xA0] =	vst v4;
	v2 =	vld [tilespmem:s25+$0xFFFFFFA0]  }
0x73: {  	[tilespmem:s24+$0xFFFFFFA0] =	vst v5;
	v4 =	vld [tilespmem:s28+$0x130]  }
0x74: {  	v5 =	vld [tilespmem:s28+$0xFFFFFF30];
	[tilespmem:s24+$0x20] =	vst v0  }
0x75: {  	[tilespmem:s24+$0xFFFFFF20] =	vst v1;
	v0 =	vld [tilespmem:s28+$0x30]  }
0x76: {  	v1 =	vld [tilespmem:s28+$0xFFFFFE30];
	[tilespmem:s23+$0xFFFFFF60] =	vst v3  }
0x77: {  	[tilespmem:s23+$0xFFFFFFE0] =	vst v2;
	v3 =	vld [tilespmem:s25+$0xA0]  }
0x78: {  	[tilespmem:s24+$0xB0] =	vst v4;
	v4 =	vld [tilespmem:s25+$0xFFFFFEB0]  }
0x79: {  	[tilespmem:s24+$0xFFFFFFB0] =	vst v5;
	v5 =	vld [tilespmem:s28+$0x180]  }
0x7a: {  	v6 =	vld [tilespmem:s28+$0xFFFFFF80];
	[tilespmem:s24+$0x30] =	vst v0  }
0x7b: {  	[tilespmem:s24+$0xFFFFFF30] =	vst v1;
	v7 =	vld [tilespmem:s28+$0x80]  }
.Ltmp2:
0x7c: {  	v2 =	vld [tilespmem:s28+$0xFFFFFE80];
	[tilespmem:s23+$0x60] =	vst v3;
	(pc) =	sbr.rel @p2 .LBB2_3-.Ltmp2, $4  }
0x7d: {  	[tilespmem:s23+$0xFFFFFF70] =	vst v4;
	v0 =	vld [tilespmem:s25+$0xFFFFFFB0]  }
0x7e: {  	[tilespmem:s24+$0xC0] =	vst v5;
	v1 =	vld [tilespmem:s25+$0xB0];
	s25 =	smov.u32 s28  }
0x7f: {  	[tilespmem:s24+$0xFFFFFFC0] =	vst v6;
	v4 =	vld [tilespmem:s28+$0x190]  }
0x80: {  	s28 =	sadd.s32 $0x400, s28;
	v3 =	vld [tilespmem:s25+$0xFFFFFF90];
	[tilespmem:s24+$0x40] =	vst v7  }
0x81: {  	[tilespmem:s24+$0xFFFFFF40] =	vst v2;
	v5 =	vld [tilespmem:s25+$0x90]  }
0x82: {  	v2 =	vld [tilespmem:s25+$0xFFFFFE90];
	_ =	sdelay $0x1  }
0x83: {  	[tilespmem:s24+$0xD0] =	vst v4  }
0x84: {  	v4 =	vld [tilespmem:s25+$0x1A0];
	[tilespmem:s24+$0xFFFFFFD0] =	vst v3  }
0x85: {  	[tilespmem:s24+$0x50] =	vst v5;
	v3 =	vld [tilespmem:s25+$0xFFFFFFA0]  }
0x86: {  	[tilespmem:s24+$0xFFFFFF50] =	vst v2;
	v5 =	vld [tilespmem:s25+$0xA0]  }
0x87: {  	v2 =	vld [tilespmem:s25+$0xFFFFFEA0]  }
0x88: {  	[tilespmem:s23+$0xFFFFFFF0] =	vst v0  }
0x89: {  	[tilespmem:s24+$0xE0] =	vst v4  }
0x8a: {  	v4 =	vld [tilespmem:s25+$0x1B0];
	[tilespmem:s24+$0xFFFFFFE0] =	vst v3  }
0x8b: {  	[tilespmem:s24+$0x60] =	vst v5;
	v3 =	vld [tilespmem:s25+$0xFFFFFFB0]  }
0x8c: {  	[tilespmem:s24+$0xFFFFFF60] =	vst v2;
	v0 =	vld [tilespmem:s25+$0xB0]  }
0x8d: {  	v2 =	vld [tilespmem:s25+$0xFFFFFEB0]  }
0x8e: {  	[tilespmem:s23+$0x70] =	vst v1  }
0x8f: {  	s30 =	sadd.s32 s3, s22;
	s22 =	sadd.s32 $0x2, s22;
	[tilespmem:s24+$0xF0] =	vst v4  }
0x90: {  	p2 =	sge.u32 s22, s6;
	s23 =	smul.u32 $0xA00, s30;
	[tilespmem:s24+$0xFFFFFFF0] =	vst v3  }
0x91: {  	s22 =	sadd.s32 @!p2 s3, s22;
	[tilespmem:s24+$0x70] =	vst v0  }
0x92: {  	s22 =	smul.u32 @!p2 $0x1400, s22;
	s23 =	sadd.s32 s5, s23;
	[tilespmem:s24+$0xFFFFFF70] =	vst v2  }
0x93: {  	[hbm4b:s23+s2] =	stream.linear.scatter [tilespmem:s14], [sflag:$0x3], $0x5000, $0x38;
	[tilespmem:$0x1E000] =	vst v63  }
0x94: {  	s22 =	sadd.s32 @!p2 s4, s22;
	s23 =	simm.s32 @!p2 $0x0  }
0x95: {  	[tilespmem:s23], [sflag:$0x1] =	stream.linear.gather @!p2 [hbm4b:s22+s23], $0xA000, $0x38;
	[tilespmem:$0x1E000] =	vst v63  }
0x96: {  	_ =	swait.ge [sflag:s15], $0xA000  }
0x97: {  	[sflag:s15] =	ssyncset.done $0x0  }
0x98: {  	s22 =	simm.s32 @!p1 $0x4;
	[sflag:s15] =	ssyncadd.s32 $0xFFFF6000  }
0x99: {  	_ =	swait.ge @!p1 [sflag:s22], $0x5000  }
0x9a: {  	[sflag:s22] =	ssyncset.done @!p1 $0x0  }
0x9b: {  	s31 =	simm.s32 $0xA3B0;
	[sflag:s22] =	ssyncadd.s32 @!p1 $0xFFFFB000  }
0x9c: {  	v0 =	vld [tilespmem:s31+$0xFFFFFF50]  }
0x9d: {  	v2 =	vld [tilespmem:s31+$0xFFFFFE50]  }
0x9e: {  	v1 =	vld [tilespmem:s31+$0xFFFFFD50]  }
0x9f: {  	v3 =	vld [tilespmem:s31+$0xFFFFFC50]  }
0xa0: {  	s22 =	simm.s32 $0x191F0  }
0xa1: {  	[tilespmem:s22+$0xFFFFFF90] =	vst v0  }
0xa2: {  	[tilespmem:s22+$0xFFFFFF10] =	vst v2;
	v0 =	vld [tilespmem:s31+$0xFFFFFF60]  }
0xa3: {  	[tilespmem:s22+$0xFFFFFE90] =	vst v1;
	v2 =	vld [tilespmem:s31+$0xFFFFFE60]  }
0xa4: {  	[tilespmem:s22+$0xFFFFFE10] =	vst v3;
	v1 =	vld [tilespmem:s31+$0xFFFFFD60]  }
0xa5: {  	v3 =	vld [tilespmem:s31+$0xFFFFFC60];
	_ =	sdelay $0x1  }
0xa6: {  	[tilespmem:s22+$0xFFFFFFA0] =	vst v0  }
0xa7: {  	[tilespmem:s22+$0xFFFFFF20] =	vst v2;
	v0 =	vld [tilespmem:s31+$0xFFFFFF70]  }
0xa8: {  	[tilespmem:s22+$0xFFFFFEA0] =	vst v1;
	v2 =	vld [tilespmem:s31+$0xFFFFFE70]  }
0xa9: {  	[tilespmem:s22+$0xFFFFFE20] =	vst v3;
	v1 =	vld [tilespmem:s31+$0xFFFFFD70]  }
0xaa: {  	v3 =	vld [tilespmem:s31+$0xFFFFFC70];
	_ =	sdelay $0x1  }
0xab: {  	[tilespmem:s22+$0xFFFFFFB0] =	vst v0  }
0xac: {  	[tilespmem:s22+$0xFFFFFF30] =	vst v2;
	v0 =	vld [tilespmem:s31+$0xFFFFFF80]  }
0xad: {  	[tilespmem:s22+$0xFFFFFEB0] =	vst v1;
	v2 =	vld [tilespmem:s31+$0xFFFFFE80]  }
0xae: {  	[tilespmem:s22+$0xFFFFFE30] =	vst v3;
	v1 =	vld [tilespmem:s31+$0xFFFFFD80]  }
0xaf: {  	v3 =	vld [tilespmem:s31+$0xFFFFFC80];
	_ =	sdelay $0x1  }
0xb0: {  	[tilespmem:s22+$0xFFFFFFC0] =	vst v0  }
0xb1: {  	[tilespmem:s22+$0xFFFFFF40] =	vst v2;
	v0 =	vld [tilespmem:s31+$0xFFFFFFD0]  }
0xb2: {  	[tilespmem:s22+$0xFFFFFEC0] =	vst v1;
	v2 =	vld [tilespmem:s31+$0xFFFFFED0]  }
0xb3: {  	[tilespmem:s22+$0xFFFFFE40] =	vst v3;
	v1 =	vld [tilespmem:s31+$0xFFFFFDD0]  }
0xb4: {  	v3 =	vld [tilespmem:s31+$0xFFFFFCD0]  }
0xb5: {  	s23 =	simm.s32 $0xA7B0  }
0xb6: {  	v4 =	vld [tilespmem:s23+$0xFFFFFF50];
	[tilespmem:s22+$0xFFFFFFD0] =	vst v0  }
0xb7: {  	[tilespmem:s22+$0xFFFFFF50] =	vst v2;
	v2 =	vld [tilespmem:s23+$0xFFFFFD50]  }
0xb8: {  	[tilespmem:s22+$0xFFFFFED0] =	vst v1;
	v0 =	vld [tilespmem:s31+$0xFFFFFFE0]  }
0xb9: {  	[tilespmem:s22+$0xFFFFFE50] =	vst v3;
	v3 =	vld [tilespmem:s23+$0xFFFFFE50]  }
0xba: {  	s24 =	simm.s32 $0x193F0;
	v1 =	vld [tilespmem:s31+$0xFFFFFDE0]  }
0xbb: {  	v5 =	vld [tilespmem:s23+$0xFFFFFC50];
	[tilespmem:s24+$0xFFFFFF90] =	vst v4  }
0xbc: {  	[tilespmem:s24+$0xFFFFFE90] =	vst v2;
	v2 =	vld [tilespmem:s23+$0xFFFFFF60]  }
0xbd: {  	[tilespmem:s22+$0xFFFFFFE0] =	vst v0;
	v4 =	vld [tilespmem:s23+$0xFFFFFD60]  }
0xbe: {  	[tilespmem:s24+$0xFFFFFF10] =	vst v3;
	v0 =	vld [tilespmem:s31+$0xFFFFFFF0]  }
0xbf: {  	[tilespmem:s22+$0xFFFFFEE0] =	vst v1;
	v1 =	vld [tilespmem:s31+$0xFFFFFCE0]  }
0xc0: {  	[tilespmem:s24+$0xFFFFFE10] =	vst v5;
	v3 =	vld [tilespmem:s23+$0xFFFFFE60]  }
0xc1: {  	v5 =	vld [tilespmem:s23+$0xFFFFFC60];
	[tilespmem:s24+$0xFFFFFFA0] =	vst v2  }
0xc2: {  	[tilespmem:s24+$0xFFFFFEA0] =	vst v4;
	v2 =	vld [tilespmem:s23+$0xFFFFFF70]  }
0xc3: {  	[tilespmem:s22+$0xFFFFFFF0] =	vst v0;
	v4 =	vld [tilespmem:s23+$0xFFFFFD70]  }
0xc4: {  	[tilespmem:s22+$0xFFFFFE60] =	vst v1;
	v0 =	vld [tilespmem:s31+$0x0]  }
0xc5: {  	v1 =	vld [tilespmem:s31+$0xFFFFFEE0];
	[tilespmem:s24+$0xFFFFFF20] =	vst v3  }
0xc6: {  	[tilespmem:s24+$0xFFFFFE20] =	vst v5;
	v3 =	vld [tilespmem:s23+$0xFFFFFE70]  }
0xc7: {  	v5 =	vld [tilespmem:s23+$0xFFFFFC70];
	[tilespmem:s24+$0xFFFFFFB0] =	vst v2  }
0xc8: {  	[tilespmem:s24+$0xFFFFFEB0] =	vst v4;
	v2 =	vld [tilespmem:s23+$0xFFFFFF80]  }
0xc9: {  	[tilespmem:s22+$0x0] =	vst v0;
	v0 =	vld [tilespmem:s31+$0xFFFFFCF0]  }
0xca: {  	[tilespmem:s22+$0xFFFFFF60] =	vst v1;
	v4 =	vld [tilespmem:s23+$0xFFFFFD80]  }
0xcb: {  	v1 =	vld [tilespmem:s31+$0xFFFFFDF0];
	[tilespmem:s24+$0xFFFFFF30] =	vst v3  }
0xcc: {  	[tilespmem:s24+$0xFFFFFE30] =	vst v5;
	v3 =	vld [tilespmem:s23+$0xFFFFFE80]  }
0xcd: {  	v5 =	vld [tilespmem:s23+$0xFFFFFC80];
	[tilespmem:s24+$0xFFFFFFC0] =	vst v2  }
0xce: {  	[tilespmem:s22+$0xFFFFFE70] =	vst v0;
	v0 =	vld [tilespmem:s31+$0xFFFFFEF0]  }
0xcf: {  	[tilespmem:s24+$0xFFFFFEC0] =	vst v4;
	v4 =	vld [tilespmem:s23+$0xFFFFFFD0]  }
0xd0: {  	[tilespmem:s22+$0xFFFFFEF0] =	vst v1;
	v1 =	vld [tilespmem:s31+$0xFFFFFD00]  }
0xd1: {  	[tilespmem:s24+$0xFFFFFF40] =	vst v3;
	v6 =	vld [tilespmem:s23+$0xFFFFFDD0]  }
0xd2: {  	[tilespmem:s24+$0xFFFFFE40] =	vst v5;
	v5 =	vld [tilespmem:s23+$0xFFFFFED0]  }
0xd3: {  	v2 =	vld [tilespmem:s23+$0xFFFFFCD0];
	[tilespmem:s22+$0xFFFFFF70] =	vst v0  }
0xd4: {  	v0 =	vld [tilespmem:s31+$0xFFFFFE00];
	[tilespmem:s24+$0xFFFFFFD0] =	vst v4  }
0xd5: {  	[tilespmem:s22+$0xFFFFFE80] =	vst v1;
	v1 =	vld [tilespmem:s31+$0xFFFFFF00]  }
0xd6: {  	[tilespmem:s24+$0xFFFFFED0] =	vst v6;
	v4 =	vld [tilespmem:s23+$0xFFFFFFE0]  }
0xd7: {  	s26 =	simm.s32 $0xABB0;
	s25 =	simm.s32 $0x4;
	[tilespmem:s24+$0xFFFFFF50] =	vst v5;
	v3 =	vld [tilespmem:s23+$0xFFFFFDE0]  }
.LBB2_5:
0xd8: {  	v5 =	vld [tilespmem:s26+$0xFFFFFF50];
	s25 =	sadd.s32 $0x4, s25;
	[tilespmem:s24+$0xFFFFFE50] =	vst v2  }
0xd9: {  	v2 =	vld [tilespmem:s26+$0xFFFFFD50];
	p1 =	slt.u32 s25, $0x9C;
	[tilespmem:s22+$0xFFFFFF00] =	vst v0  }
0xda: {  	v0 =	vld [tilespmem:s26+$0xFFFFFE50];
	[tilespmem:s22+$0xFFFFFF80] =	vst v1;
	s22 =	smov.u32 s24  }
0xdb: {  	v1 =	vld [tilespmem:s26+$0xFFFFFC50];
	[tilespmem:s24+$0xFFFFFFE0] =	vst v4  }
0xdc: {  	s24 =	sadd.s32 $0x200, s24;
	[tilespmem:s22+$0xFFFFFEE0] =	vst v3;
	v3 =	vld [tilespmem:s23+$0xFFFFFFF0]  }
0xdd: {  	[tilespmem:s24+$0xFFFFFF90] =	vst v5;
	v4 =	vld [tilespmem:s23+$0xFFFFFCE0]  }
0xde: {  	[tilespmem:s24+$0xFFFFFE90] =	vst v2;
	v2 =	vld [tilespmem:s26+$0xFFFFFF60]  }
0xdf: {  	v5 =	vld [tilespmem:s26+$0xFFFFFD60];
	[tilespmem:s24+$0xFFFFFF10] =	vst v0  }
0xe0: {  	[tilespmem:s24+$0xFFFFFE10] =	vst v1;
	v0 =	vld [tilespmem:s26+$0xFFFFFE60]  }
0xe1: {  	v1 =	vld [tilespmem:s26+$0xFFFFFC60];
	[tilespmem:s22+$0xFFFFFFF0] =	vst v3  }
0xe2: {  	[tilespmem:s22+$0xFFFFFE60] =	vst v4;
	v3 =	vld [tilespmem:s23+$0x0]  }
0xe3: {  	[tilespmem:s24+$0xFFFFFFA0] =	vst v2;
	v2 =	vld [tilespmem:s23+$0xFFFFFEE0]  }
0xe4: {  	[tilespmem:s24+$0xFFFFFEA0] =	vst v5;
	v4 =	vld [tilespmem:s26+$0xFFFFFF70]  }
0xe5: {  	v5 =	vld [tilespmem:s26+$0xFFFFFD70];
	[tilespmem:s24+$0xFFFFFF20] =	vst v0  }
0xe6: {  	[tilespmem:s24+$0xFFFFFE20] =	vst v1;
	v0 =	vld [tilespmem:s26+$0xFFFFFE70]  }
0xe7: {  	v1 =	vld [tilespmem:s26+$0xFFFFFC70];
	[tilespmem:s22+$0x0] =	vst v3  }
0xe8: {  	v3 =	vld [tilespmem:s23+$0xFFFFFCF0];
	[tilespmem:s22+$0xFFFFFF60] =	vst v2  }
0xe9: {  	[tilespmem:s24+$0xFFFFFFB0] =	vst v4;
	v2 =	vld [tilespmem:s23+$0xFFFFFDF0]  }
0xea: {  	[tilespmem:s24+$0xFFFFFEB0] =	vst v5;
	v4 =	vld [tilespmem:s26+$0xFFFFFF80]  }
0xeb: {  	v5 =	vld [tilespmem:s26+$0xFFFFFD80];
	[tilespmem:s24+$0xFFFFFF30] =	vst v0  }
0xec: {  	[tilespmem:s24+$0xFFFFFE30] =	vst v1;
	v0 =	vld [tilespmem:s26+$0xFFFFFE80]  }
0xed: {  	v1 =	vld [tilespmem:s26+$0xFFFFFC80];
	[tilespmem:s22+$0xFFFFFE70] =	vst v3  }
0xee: {  	[tilespmem:s22+$0xFFFFFEF0] =	vst v2;
	v3 =	vld [tilespmem:s23+$0xFFFFFEF0]  }
0xef: {  	[tilespmem:s24+$0xFFFFFFC0] =	vst v4;
	v4 =	vld [tilespmem:s23+$0xFFFFFD00]  }
0xf0: {  	[tilespmem:s24+$0xFFFFFEC0] =	vst v5;
	v5 =	vld [tilespmem:s26+$0xFFFFFFD0]  }
0xf1: {  	v6 =	vld [tilespmem:s26+$0xFFFFFDD0];
	[tilespmem:s24+$0xFFFFFF40] =	vst v0  }
0xf2: {  	[tilespmem:s24+$0xFFFFFE40] =	vst v1;
	v7 =	vld [tilespmem:s26+$0xFFFFFED0]  }
.Ltmp3:
0xf3: {  	v2 =	vld [tilespmem:s26+$0xFFFFFCD0];
	[tilespmem:s22+$0xFFFFFF70] =	vst v3;
	(pc) =	sbr.rel @p1 .LBB2_5-.Ltmp3, $4  }
0xf4: {  	[tilespmem:s22+$0xFFFFFE80] =	vst v4;
	v0 =	vld [tilespmem:s23+$0xFFFFFE00]  }
0xf5: {  	[tilespmem:s24+$0xFFFFFFD0] =	vst v5;
	v1 =	vld [tilespmem:s23+$0xFFFFFF00];
	s23 =	smov.u32 s26  }
0xf6: {  	[tilespmem:s24+$0xFFFFFED0] =	vst v6;
	v4 =	vld [tilespmem:s26+$0xFFFFFFE0]  }
0xf7: {  	s26 =	sadd.s32 $0x400, s26;
	v3 =	vld [tilespmem:s23+$0xFFFFFDE0];
	[tilespmem:s24+$0xFFFFFF50] =	vst v7  }
0xf8: {  	[tilespmem:s24+$0xFFFFFE50] =	vst v2;
	v5 =	vld [tilespmem:s23+$0xFFFFFEE0]  }
0xf9: {  	v2 =	vld [tilespmem:s23+$0xFFFFFCE0];
	_ =	sdelay $0x1  }
0xfa: {  	[tilespmem:s24+$0xFFFFFFE0] =	vst v4  }
0xfb: {  	v4 =	vld [tilespmem:s23+$0xFFFFFFF0];
	[tilespmem:s24+$0xFFFFFEE0] =	vst v3  }
0xfc: {  	[tilespmem:s24+$0xFFFFFF60] =	vst v5;
	v3 =	vld [tilespmem:s23+$0xFFFFFDF0]  }
0xfd: {  	[tilespmem:s24+$0xFFFFFE60] =	vst v2;
	v5 =	vld [tilespmem:s23+$0xFFFFFEF0]  }
0xfe: {  	v2 =	vld [tilespmem:s23+$0xFFFFFCF0];
	_ =	sdelay $0x1  }
0xff: {  	[tilespmem:s24+$0xFFFFFFF0] =	vst v4  }
0x100: {  	v60 =	vld [tilespmem:s23+$0x0];
	[tilespmem:s24+$0xFFFFFEF0] =	vst v3  }
0x101: {  	[tilespmem:s24+$0xFFFFFF70] =	vst v5;
	v62 =	vld [tilespmem:s23+$0xFFFFFE00]  }
0x102: {  	[tilespmem:s24+$0xFFFFFE70] =	vst v2;
	v63 =	vld [tilespmem:s23+$0xFFFFFF00]  }
0x103: {  	s20 =	sadd.s32 $0x1, s20;
	[tilespmem:s22+$0xFFFFFF00] =	vst v0;
	v61 =	vld [tilespmem:s23+$0xFFFFFD00]  }
0x104: {  	p1 =	sne.s32 s20, $0x30;
	[tilespmem:s22+$0xFFFFFF80] =	vst v1  }
.Ltmp4:
0x105: {  	[tilespmem:s24+$0x0] =	vst v60;
	(pc) =	sbr.rel @p1 .LBB2_2-.Ltmp4, $4  }
0x106: {  	s21 =	smul.u32 $0xA00, s21;
	[tilespmem:s24+$0xFFFFFF00] =	vst v62  }
0x107: {  	[tilespmem:s24+$0xFFFFFF80] =	vst v63  }
0x108: {  	s21 =	sadd.s32 s5, s21;
	[tilespmem:s24+$0xFFFFFE80] =	vst v61  }
0x109: {  	[hbm4b:s21+s2] =	stream.linear.scatter [tilespmem:s16], [sflag:$0x4], $0x5000, $0x38;
	[tilespmem:$0x1E000] =	vst v63  }
0x10a: {  	s20 =	simm.s32 @!p0 $0x0;
	s21 =	simm.s32 @!p0 $0xA000  }
0x10b: {  	[tilespmem:s21], [sflag:$0x2] =	stream.linear.gather @!p0 [hbm4b:s8+s20], $0xA000, $0x38;
	[tilespmem:$0x1E000] =	vst v63  }
0x10c: {  	_ =	swait.ge [sflag:s13], $0xA000  }
0x10d: {  	[sflag:s13] =	ssyncset.done $0x0  }
0x10e: {  	[sflag:s13] =	ssyncadd.s32 $0xFFFF6000  }
0x10f: {  	_ =	swait.ge [sflag:s17], $0x5000  }
0x110: {  	[sflag:s17] =	ssyncset.done $0x0  }
0x111: {  	s23 =	simm.s32 $0x200;
	[sflag:s17] =	ssyncadd.s32 $0xFFFFB000  }
0x112: {  	v0 =	vld [tilespmem:s23+$0x100]  }
0x113: {  	v2 =	vld [tilespmem:s23+$0x0]  }
0x114: {  	v1 =	vld [tilespmem:s23+$0xFFFFFF00]  }
0x115: {  	v3 =	vld [tilespmem:s23+$0xFFFFFE00]  }
0x116: {  	s20 =	simm.s32 $0x14100  }
0x117: {  	[tilespmem:s20+$0x80] =	vst v0  }
0x118: {  	[tilespmem:s20+$0x0] =	vst v2;
	v0 =	vld [tilespmem:s23+$0x110]  }
0x119: {  	[tilespmem:s20+$0xFFFFFF80] =	vst v1;
	v2 =	vld [tilespmem:s23+$0x10]  }
0x11a: {  	[tilespmem:s20+$0xFFFFFF00] =	vst v3;
	v1 =	vld [tilespmem:s23+$0xFFFFFF10]  }
0x11b: {  	v3 =	vld [tilespmem:s23+$0xFFFFFE10];
	_ =	sdelay $0x1  }
0x11c: {  	[tilespmem:s20+$0x90] =	vst v0  }
0x11d: {  	[tilespmem:s20+$0x10] =	vst v2;
	v0 =	vld [tilespmem:s23+$0x120]  }
0x11e: {  	[tilespmem:s20+$0xFFFFFF90] =	vst v1;
	v2 =	vld [tilespmem:s23+$0x20]  }
0x11f: {  	[tilespmem:s20+$0xFFFFFF10] =	vst v3;
	v1 =	vld [tilespmem:s23+$0xFFFFFF20]  }
0x120: {  	v3 =	vld [tilespmem:s23+$0xFFFFFE20];
	_ =	sdelay $0x1  }
0x121: {  	[tilespmem:s20+$0xA0] =	vst v0  }
0x122: {  	[tilespmem:s20+$0x20] =	vst v2;
	v0 =	vld [tilespmem:s23+$0x130]  }
0x123: {  	[tilespmem:s20+$0xFFFFFFA0] =	vst v1;
	v2 =	vld [tilespmem:s23+$0x30]  }
0x124: {  	[tilespmem:s20+$0xFFFFFF20] =	vst v3;
	v1 =	vld [tilespmem:s23+$0xFFFFFF30]  }
0x125: {  	v3 =	vld [tilespmem:s23+$0xFFFFFE30];
	_ =	sdelay $0x1  }
0x126: {  	[tilespmem:s20+$0xB0] =	vst v0  }
0x127: {  	[tilespmem:s20+$0x30] =	vst v2;
	v0 =	vld [tilespmem:s23+$0x180]  }
0x128: {  	[tilespmem:s20+$0xFFFFFFB0] =	vst v1;
	v2 =	vld [tilespmem:s23+$0x80]  }
0x129: {  	[tilespmem:s20+$0xFFFFFF30] =	vst v3;
	v1 =	vld [tilespmem:s23+$0xFFFFFF80]  }
0x12a: {  	v3 =	vld [tilespmem:s23+$0xFFFFFE80]  }
0x12b: {  	s21 =	simm.s32 $0x600  }
0x12c: {  	v4 =	vld [tilespmem:s21+$0x100];
	[tilespmem:s20+$0xC0] =	vst v0  }
0x12d: {  	[tilespmem:s20+$0x40] =	vst v2;
	v2 =	vld [tilespmem:s21+$0xFFFFFF00]  }
0x12e: {  	[tilespmem:s20+$0xFFFFFFC0] =	vst v1;
	v0 =	vld [tilespmem:s23+$0x190]  }
0x12f: {  	[tilespmem:s20+$0xFFFFFF40] =	vst v3;
	v3 =	vld [tilespmem:s21+$0x0]  }
0x130: {  	s22 =	simm.s32 $0x14300;
	v1 =	vld [tilespmem:s23+$0xFFFFFF90]  }
0x131: {  	v5 =	vld [tilespmem:s21+$0xFFFFFE00];
	[tilespmem:s22+$0x80] =	vst v4  }
0x132: {  	[tilespmem:s22+$0xFFFFFF80] =	vst v2;
	v2 =	vld [tilespmem:s21+$0x110]  }
0x133: {  	[tilespmem:s20+$0xD0] =	vst v0;
	v4 =	vld [tilespmem:s21+$0xFFFFFF10]  }
0x134: {  	[tilespmem:s22+$0x0] =	vst v3;
	v0 =	vld [tilespmem:s23+$0x1A0]  }
0x135: {  	[tilespmem:s20+$0xFFFFFFD0] =	vst v1;
	v1 =	vld [tilespmem:s23+$0xFFFFFE90]  }
0x136: {  	[tilespmem:s22+$0xFFFFFF00] =	vst v5;
	v3 =	vld [tilespmem:s21+$0x10]  }
0x137: {  	v5 =	vld [tilespmem:s21+$0xFFFFFE10];
	[tilespmem:s22+$0x90] =	vst v2  }
0x138: {  	[tilespmem:s22+$0xFFFFFF90] =	vst v4;
	v2 =	vld [tilespmem:s21+$0x120]  }
0x139: {  	[tilespmem:s20+$0xE0] =	vst v0;
	v4 =	vld [tilespmem:s21+$0xFFFFFF20]  }
0x13a: {  	[tilespmem:s20+$0xFFFFFF50] =	vst v1;
	v0 =	vld [tilespmem:s23+$0x1B0]  }
0x13b: {  	v1 =	vld [tilespmem:s23+$0x90];
	[tilespmem:s22+$0x10] =	vst v3  }
0x13c: {  	[tilespmem:s22+$0xFFFFFF10] =	vst v5;
	v3 =	vld [tilespmem:s21+$0x20]  }
0x13d: {  	v5 =	vld [tilespmem:s21+$0xFFFFFE20];
	[tilespmem:s22+$0xA0] =	vst v2  }
0x13e: {  	[tilespmem:s22+$0xFFFFFFA0] =	vst v4;
	v2 =	vld [tilespmem:s21+$0x130]  }
0x13f: {  	[tilespmem:s20+$0xF0] =	vst v0;
	v0 =	vld [tilespmem:s23+$0xFFFFFEA0]  }
0x140: {  	[tilespmem:s20+$0x50] =	vst v1;
	v4 =	vld [tilespmem:s21+$0xFFFFFF30]  }
0x141: {  	v1 =	vld [tilespmem:s23+$0xFFFFFFA0];
	[tilespmem:s22+$0x20] =	vst v3  }
0x142: {  	[tilespmem:s22+$0xFFFFFF20] =	vst v5;
	v3 =	vld [tilespmem:s21+$0x30]  }
0x143: {  	v5 =	vld [tilespmem:s21+$0xFFFFFE30];
	[tilespmem:s22+$0xB0] =	vst v2  }
0x144: {  	[tilespmem:s20+$0xFFFFFF60] =	vst v0;
	v0 =	vld [tilespmem:s23+$0xA0]  }
0x145: {  	[tilespmem:s22+$0xFFFFFFB0] =	vst v4;
	v4 =	vld [tilespmem:s21+$0x180]  }
0x146: {  	[tilespmem:s20+$0xFFFFFFE0] =	vst v1;
	v1 =	vld [tilespmem:s23+$0xFFFFFEB0]  }
0x147: {  	[tilespmem:s22+$0x30] =	vst v3;
	v6 =	vld [tilespmem:s21+$0xFFFFFF80]  }
0x148: {  	[tilespmem:s22+$0xFFFFFF30] =	vst v5;
	v5 =	vld [tilespmem:s21+$0x80]  }
0x149: {  	v2 =	vld [tilespmem:s21+$0xFFFFFE80];
	[tilespmem:s20+$0x60] =	vst v0  }
0x14a: {  	v0 =	vld [tilespmem:s23+$0xFFFFFFB0];
	[tilespmem:s22+$0xC0] =	vst v4  }
0x14b: {  	[tilespmem:s20+$0xFFFFFF70] =	vst v1;
	v1 =	vld [tilespmem:s23+$0xB0]  }
0x14c: {  	[tilespmem:s22+$0xFFFFFFC0] =	vst v6;
	v4 =	vld [tilespmem:s21+$0x190]  }
0x14d: {  	s24 =	simm.s32 $0xA00;
	s23 =	simm.s32 $0x4;
	[tilespmem:s22+$0x40] =	vst v5;
	v3 =	vld [tilespmem:s21+$0xFFFFFF90]  }
.LBB2_8:
0x14e: {  	v5 =	vld [tilespmem:s24+$0x100];
	s23 =	sadd.s32 $0x4, s23;
	[tilespmem:s22+$0xFFFFFF40] =	vst v2  }
0x14f: {  	v2 =	vld [tilespmem:s24+$0xFFFFFF00];
	p1 =	slt.u32 s23, $0x9C;
	[tilespmem:s20+$0xFFFFFFF0] =	vst v0  }
0x150: {  	v0 =	vld [tilespmem:s24+$0x0];
	[tilespmem:s20+$0x70] =	vst v1;
	s20 =	smov.u32 s22  }
0x151: {  	v1 =	vld [tilespmem:s24+$0xFFFFFE00];
	[tilespmem:s22+$0xD0] =	vst v4  }
0x152: {  	s22 =	sadd.s32 $0x200, s22;
	[tilespmem:s20+$0xFFFFFFD0] =	vst v3;
	v3 =	vld [tilespmem:s21+$0x1A0]  }
0x153: {  	[tilespmem:s22+$0x80] =	vst v5;
	v4 =	vld [tilespmem:s21+$0xFFFFFE90]  }
0x154: {  	[tilespmem:s22+$0xFFFFFF80] =	vst v2;
	v2 =	vld [tilespmem:s24+$0x110]  }
0x155: {  	v5 =	vld [tilespmem:s24+$0xFFFFFF10];
	[tilespmem:s22+$0x0] =	vst v0  }
0x156: {  	[tilespmem:s22+$0xFFFFFF00] =	vst v1;
	v0 =	vld [tilespmem:s24+$0x10]  }
0x157: {  	v1 =	vld [tilespmem:s24+$0xFFFFFE10];
	[tilespmem:s20+$0xE0] =	vst v3  }
0x158: {  	[tilespmem:s20+$0xFFFFFF50] =	vst v4;
	v3 =	vld [tilespmem:s21+$0x1B0]  }
0x159: {  	[tilespmem:s22+$0x90] =	vst v2;
	v2 =	vld [tilespmem:s21+$0x90]  }
0x15a: {  	[tilespmem:s22+$0xFFFFFF90] =	vst v5;
	v4 =	vld [tilespmem:s24+$0x120]  }
0x15b: {  	v5 =	vld [tilespmem:s24+$0xFFFFFF20];
	[tilespmem:s22+$0x10] =	vst v0  }
0x15c: {  	[tilespmem:s22+$0xFFFFFF10] =	vst v1;
	v0 =	vld [tilespmem:s24+$0x20]  }
0x15d: {  	v1 =	vld [tilespmem:s24+$0xFFFFFE20];
	[tilespmem:s20+$0xF0] =	vst v3  }
0x15e: {  	v3 =	vld [tilespmem:s21+$0xFFFFFEA0];
	[tilespmem:s20+$0x50] =	vst v2  }
0x15f: {  	[tilespmem:s22+$0xA0] =	vst v4;
	v2 =	vld [tilespmem:s21+$0xFFFFFFA0]  }
0x160: {  	[tilespmem:s22+$0xFFFFFFA0] =	vst v5;
	v4 =	vld [tilespmem:s24+$0x130]  }
0x161: {  	v5 =	vld [tilespmem:s24+$0xFFFFFF30];
	[tilespmem:s22+$0x20] =	vst v0  }
0x162: {  	[tilespmem:s22+$0xFFFFFF20] =	vst v1;
	v0 =	vld [tilespmem:s24+$0x30]  }
0x163: {  	v1 =	vld [tilespmem:s24+$0xFFFFFE30];
	[tilespmem:s20+$0xFFFFFF60] =	vst v3  }
0x164: {  	[tilespmem:s20+$0xFFFFFFE0] =	vst v2;
	v3 =	vld [tilespmem:s21+$0xA0]  }
0x165: {  	[tilespmem:s22+$0xB0] =	vst v4;
	v4 =	vld [tilespmem:s21+$0xFFFFFEB0]  }
0x166: {  	[tilespmem:s22+$0xFFFFFFB0] =	vst v5;
	v5 =	vld [tilespmem:s24+$0x180]  }
0x167: {  	v6 =	vld [tilespmem:s24+$0xFFFFFF80];
	[tilespmem:s22+$0x30] =	vst v0  }
0x168: {  	[tilespmem:s22+$0xFFFFFF30] =	vst v1;
	v7 =	vld [tilespmem:s24+$0x80]  }
.Ltmp5:
0x169: {  	v2 =	vld [tilespmem:s24+$0xFFFFFE80];
	[tilespmem:s20+$0x60] =	vst v3;
	(pc) =	sbr.rel @p1 .LBB2_8-.Ltmp5, $4  }
0x16a: {  	[tilespmem:s20+$0xFFFFFF70] =	vst v4;
	v0 =	vld [tilespmem:s21+$0xFFFFFFB0]  }
0x16b: {  	[tilespmem:s22+$0xC0] =	vst v5;
	v1 =	vld [tilespmem:s21+$0xB0];
	s21 =	smov.u32 s24  }
0x16c: {  	[tilespmem:s22+$0xFFFFFFC0] =	vst v6;
	v4 =	vld [tilespmem:s24+$0x190]  }
0x16d: {  	s24 =	sadd.s32 $0x400, s24;
	v3 =	vld [tilespmem:s21+$0xFFFFFF90];
	[tilespmem:s22+$0x40] =	vst v7  }
0x16e: {  	[tilespmem:s22+$0xFFFFFF40] =	vst v2;
	v5 =	vld [tilespmem:s21+$0x90]  }
0x16f: {  	v2 =	vld [tilespmem:s21+$0xFFFFFE90];
	_ =	sdelay $0x1  }
0x170: {  	[tilespmem:s22+$0xD0] =	vst v4  }
0x171: {  	v4 =	vld [tilespmem:s21+$0x1A0];
	[tilespmem:s22+$0xFFFFFFD0] =	vst v3  }
0x172: {  	[tilespmem:s22+$0x50] =	vst v5;
	v3 =	vld [tilespmem:s21+$0xFFFFFFA0]  }
0x173: {  	[tilespmem:s22+$0xFFFFFF50] =	vst v2;
	v5 =	vld [tilespmem:s21+$0xA0]  }
0x174: {  	v2 =	vld [tilespmem:s21+$0xFFFFFEA0];
	_ =	sdelay $0x1  }
0x175: {  	[tilespmem:s22+$0xE0] =	vst v4  }
0x176: {  	v60 =	vld [tilespmem:s21+$0x1B0];
	[tilespmem:s22+$0xFFFFFFE0] =	vst v3  }
0x177: {  	[tilespmem:s22+$0x60] =	vst v5;
	v62 =	vld [tilespmem:s21+$0xFFFFFFB0]  }
0x178: {  	[tilespmem:s22+$0xFFFFFF60] =	vst v2;
	v63 =	vld [tilespmem:s21+$0xB0]  }
0x179: {  	[tilespmem:s20+$0xFFFFFFF0] =	vst v0;
	v61 =	vld [tilespmem:s21+$0xFFFFFEB0]  }
0x17a: {  	[tilespmem:s20+$0x70] =	vst v1  }
.Ltmp6:
0x17b: {  	[tilespmem:s22+$0xF0] =	vst v60;
	(pc) =	sbr.rel @p0 .LBB2_13-.Ltmp6, $4  }
0x17c: {  	[tilespmem:s22+$0xFFFFFFF0] =	vst v62  }
0x17d: {  	[tilespmem:s22+$0x70] =	vst v63  }
0x17e: {  	[tilespmem:s22+$0xFFFFFF70] =	vst v61  }
0x17f: {  	[hbm4b:s9+s2] =	stream.linear.scatter [tilespmem:s14], [sflag:$0x3], $0x5000, $0x38;
	[tilespmem:$0x1E000] =	vst v63  }
0x180: {  	_ =	swait.ge [sflag:s15], $0xA000  }
0x181: {  	[sflag:s15] =	ssyncset.done $0x0  }
0x182: {  	[sflag:s15] =	ssyncadd.s32 $0xFFFF6000  }
0x183: {  	_ =	swait.ge [sflag:s18], $0x5000  }
0x184: {  	[sflag:s18] =	ssyncset.done $0x0  }
0x185: {  	s23 =	simm.s32 $0xA3B0;
	[sflag:s18] =	ssyncadd.s32 $0xFFFFB000  }
0x186: {  	v0 =	vld [tilespmem:s23+$0xFFFFFF50]  }
0x187: {  	v2 =	vld [tilespmem:s23+$0xFFFFFE50]  }
0x188: {  	v1 =	vld [tilespmem:s23+$0xFFFFFD50]  }
0x189: {  	v3 =	vld [tilespmem:s23+$0xFFFFFC50]  }
0x18a: {  	s20 =	simm.s32 $0x191F0  }
0x18b: {  	[tilespmem:s20+$0xFFFFFF90] =	vst v0  }
0x18c: {  	[tilespmem:s20+$0xFFFFFF10] =	vst v2;
	v0 =	vld [tilespmem:s23+$0xFFFFFF60]  }
0x18d: {  	[tilespmem:s20+$0xFFFFFE90] =	vst v1;
	v2 =	vld [tilespmem:s23+$0xFFFFFE60]  }
0x18e: {  	[tilespmem:s20+$0xFFFFFE10] =	vst v3;
	v1 =	vld [tilespmem:s23+$0xFFFFFD60]  }
0x18f: {  	v3 =	vld [tilespmem:s23+$0xFFFFFC60];
	_ =	sdelay $0x1  }
0x190: {  	[tilespmem:s20+$0xFFFFFFA0] =	vst v0  }
0x191: {  	[tilespmem:s20+$0xFFFFFF20] =	vst v2;
	v0 =	vld [tilespmem:s23+$0xFFFFFF70]  }
0x192: {  	[tilespmem:s20+$0xFFFFFEA0] =	vst v1;
	v2 =	vld [tilespmem:s23+$0xFFFFFE70]  }
0x193: {  	[tilespmem:s20+$0xFFFFFE20] =	vst v3;
	v1 =	vld [tilespmem:s23+$0xFFFFFD70]  }
0x194: {  	v3 =	vld [tilespmem:s23+$0xFFFFFC70];
	_ =	sdelay $0x1  }
0x195: {  	[tilespmem:s20+$0xFFFFFFB0] =	vst v0  }
0x196: {  	[tilespmem:s20+$0xFFFFFF30] =	vst v2;
	v0 =	vld [tilespmem:s23+$0xFFFFFF80]  }
0x197: {  	[tilespmem:s20+$0xFFFFFEB0] =	vst v1;
	v2 =	vld [tilespmem:s23+$0xFFFFFE80]  }
0x198: {  	[tilespmem:s20+$0xFFFFFE30] =	vst v3;
	v1 =	vld [tilespmem:s23+$0xFFFFFD80]  }
0x199: {  	v3 =	vld [tilespmem:s23+$0xFFFFFC80];
	_ =	sdelay $0x1  }
0x19a: {  	[tilespmem:s20+$0xFFFFFFC0] =	vst v0  }
0x19b: {  	[tilespmem:s20+$0xFFFFFF40] =	vst v2;
	v0 =	vld [tilespmem:s23+$0xFFFFFFD0]  }
0x19c: {  	[tilespmem:s20+$0xFFFFFEC0] =	vst v1;
	v2 =	vld [tilespmem:s23+$0xFFFFFED0]  }
0x19d: {  	[tilespmem:s20+$0xFFFFFE40] =	vst v3;
	v1 =	vld [tilespmem:s23+$0xFFFFFDD0]  }
0x19e: {  	v3 =	vld [tilespmem:s23+$0xFFFFFCD0]  }
0x19f: {  	s21 =	simm.s32 $0xA7B0  }
0x1a0: {  	v4 =	vld [tilespmem:s21+$0xFFFFFF50];
	[tilespmem:s20+$0xFFFFFFD0] =	vst v0  }
0x1a1: {  	[tilespmem:s20+$0xFFFFFF50] =	vst v2;
	v2 =	vld [tilespmem:s21+$0xFFFFFD50]  }
0x1a2: {  	[tilespmem:s20+$0xFFFFFED0] =	vst v1;
	v0 =	vld [tilespmem:s23+$0xFFFFFFE0]  }
0x1a3: {  	[tilespmem:s20+$0xFFFFFE50] =	vst v3;
	v3 =	vld [tilespmem:s21+$0xFFFFFE50]  }
0x1a4: {  	s22 =	simm.s32 $0x193F0;
	v1 =	vld [tilespmem:s23+$0xFFFFFDE0]  }
0x1a5: {  	v5 =	vld [tilespmem:s21+$0xFFFFFC50];
	[tilespmem:s22+$0xFFFFFF90] =	vst v4  }
0x1a6: {  	[tilespmem:s22+$0xFFFFFE90] =	vst v2;
	v2 =	vld [tilespmem:s21+$0xFFFFFF60]  }
0x1a7: {  	[tilespmem:s20+$0xFFFFFFE0] =	vst v0;
	v4 =	vld [tilespmem:s21+$0xFFFFFD60]  }
0x1a8: {  	[tilespmem:s22+$0xFFFFFF10] =	vst v3;
	v0 =	vld [tilespmem:s23+$0xFFFFFFF0]  }
0x1a9: {  	[tilespmem:s20+$0xFFFFFEE0] =	vst v1;
	v1 =	vld [tilespmem:s23+$0xFFFFFCE0]  }
0x1aa: {  	[tilespmem:s22+$0xFFFFFE10] =	vst v5;
	v3 =	vld [tilespmem:s21+$0xFFFFFE60]  }
0x1ab: {  	v5 =	vld [tilespmem:s21+$0xFFFFFC60];
	[tilespmem:s22+$0xFFFFFFA0] =	vst v2  }
0x1ac: {  	[tilespmem:s22+$0xFFFFFEA0] =	vst v4;
	v2 =	vld [tilespmem:s21+$0xFFFFFF70]  }
0x1ad: {  	[tilespmem:s20+$0xFFFFFFF0] =	vst v0;
	v4 =	vld [tilespmem:s21+$0xFFFFFD70]  }
0x1ae: {  	[tilespmem:s20+$0xFFFFFE60] =	vst v1;
	v0 =	vld [tilespmem:s23+$0x0]  }
0x1af: {  	v1 =	vld [tilespmem:s23+$0xFFFFFEE0];
	[tilespmem:s22+$0xFFFFFF20] =	vst v3  }
0x1b0: {  	[tilespmem:s22+$0xFFFFFE20] =	vst v5;
	v3 =	vld [tilespmem:s21+$0xFFFFFE70]  }
0x1b1: {  	v5 =	vld [tilespmem:s21+$0xFFFFFC70];
	[tilespmem:s22+$0xFFFFFFB0] =	vst v2  }
0x1b2: {  	[tilespmem:s22+$0xFFFFFEB0] =	vst v4;
	v2 =	vld [tilespmem:s21+$0xFFFFFF80]  }
0x1b3: {  	[tilespmem:s20+$0x0] =	vst v0;
	v0 =	vld [tilespmem:s23+$0xFFFFFCF0]  }
0x1b4: {  	[tilespmem:s20+$0xFFFFFF60] =	vst v1;
	v4 =	vld [tilespmem:s21+$0xFFFFFD80]  }
0x1b5: {  	v1 =	vld [tilespmem:s23+$0xFFFFFDF0];
	[tilespmem:s22+$0xFFFFFF30] =	vst v3  }
0x1b6: {  	[tilespmem:s22+$0xFFFFFE30] =	vst v5;
	v3 =	vld [tilespmem:s21+$0xFFFFFE80]  }
0x1b7: {  	v5 =	vld [tilespmem:s21+$0xFFFFFC80];
	[tilespmem:s22+$0xFFFFFFC0] =	vst v2  }
0x1b8: {  	[tilespmem:s20+$0xFFFFFE70] =	vst v0;
	v0 =	vld [tilespmem:s23+$0xFFFFFEF0]  }
0x1b9: {  	[tilespmem:s22+$0xFFFFFEC0] =	vst v4;
	v4 =	vld [tilespmem:s21+$0xFFFFFFD0]  }
0x1ba: {  	[tilespmem:s20+$0xFFFFFEF0] =	vst v1;
	v1 =	vld [tilespmem:s23+$0xFFFFFD00]  }
0x1bb: {  	[tilespmem:s22+$0xFFFFFF40] =	vst v3;
	v6 =	vld [tilespmem:s21+$0xFFFFFDD0]  }
0x1bc: {  	[tilespmem:s22+$0xFFFFFE40] =	vst v5;
	v5 =	vld [tilespmem:s21+$0xFFFFFED0]  }
0x1bd: {  	v2 =	vld [tilespmem:s21+$0xFFFFFCD0];
	[tilespmem:s20+$0xFFFFFF70] =	vst v0  }
0x1be: {  	v0 =	vld [tilespmem:s23+$0xFFFFFE00];
	[tilespmem:s22+$0xFFFFFFD0] =	vst v4  }
0x1bf: {  	[tilespmem:s20+$0xFFFFFE80] =	vst v1;
	v1 =	vld [tilespmem:s23+$0xFFFFFF00]  }
0x1c0: {  	[tilespmem:s22+$0xFFFFFED0] =	vst v6;
	v4 =	vld [tilespmem:s21+$0xFFFFFFE0]  }
0x1c1: {  	s24 =	simm.s32 $0xABB0;
	s23 =	simm.s32 $0x4;
	[tilespmem:s22+$0xFFFFFF50] =	vst v5;
	v3 =	vld [tilespmem:s21+$0xFFFFFDE0]  }
.LBB2_11:
0x1c2: {  	v5 =	vld [tilespmem:s24+$0xFFFFFF50];
	s23 =	sadd.s32 $0x4, s23;
	[tilespmem:s22+$0xFFFFFE50] =	vst v2  }
0x1c3: {  	v2 =	vld [tilespmem:s24+$0xFFFFFD50];
	p1 =	slt.u32 s23, $0x9C;
	[tilespmem:s20+$0xFFFFFF00] =	vst v0  }
0x1c4: {  	v0 =	vld [tilespmem:s24+$0xFFFFFE50];
	[tilespmem:s20+$0xFFFFFF80] =	vst v1;
	s20 =	smov.u32 s22  }
0x1c5: {  	v1 =	vld [tilespmem:s24+$0xFFFFFC50];
	[tilespmem:s22+$0xFFFFFFE0] =	vst v4  }
0x1c6: {  	s22 =	sadd.s32 $0x200, s22;
	[tilespmem:s20+$0xFFFFFEE0] =	vst v3;
	v3 =	vld [tilespmem:s21+$0xFFFFFFF0]  }
0x1c7: {  	[tilespmem:s22+$0xFFFFFF90] =	vst v5;
	v4 =	vld [tilespmem:s21+$0xFFFFFCE0]  }
0x1c8: {  	[tilespmem:s22+$0xFFFFFE90] =	vst v2;
	v2 =	vld [tilespmem:s24+$0xFFFFFF60]  }
0x1c9: {  	v5 =	vld [tilespmem:s24+$0xFFFFFD60];
	[tilespmem:s22+$0xFFFFFF10] =	vst v0  }
0x1ca: {  	[tilespmem:s22+$0xFFFFFE10] =	vst v1;
	v0 =	vld [tilespmem:s24+$0xFFFFFE60]  }
0x1cb: {  	v1 =	vld [tilespmem:s24+$0xFFFFFC60];
	[tilespmem:s20+$0xFFFFFFF0] =	vst v3  }
0x1cc: {  	[tilespmem:s20+$0xFFFFFE60] =	vst v4;
	v3 =	vld [tilespmem:s21+$0x0]  }
0x1cd: {  	[tilespmem:s22+$0xFFFFFFA0] =	vst v2;
	v2 =	vld [tilespmem:s21+$0xFFFFFEE0]  }
0x1ce: {  	[tilespmem:s22+$0xFFFFFEA0] =	vst v5;
	v4 =	vld [tilespmem:s24+$0xFFFFFF70]  }
0x1cf: {  	v5 =	vld [tilespmem:s24+$0xFFFFFD70];
	[tilespmem:s22+$0xFFFFFF20] =	vst v0  }
0x1d0: {  	[tilespmem:s22+$0xFFFFFE20] =	vst v1;
	v0 =	vld [tilespmem:s24+$0xFFFFFE70]  }
0x1d1: {  	v1 =	vld [tilespmem:s24+$0xFFFFFC70];
	[tilespmem:s20+$0x0] =	vst v3  }
0x1d2: {  	v3 =	vld [tilespmem:s21+$0xFFFFFCF0];
	[tilespmem:s20+$0xFFFFFF60] =	vst v2  }
0x1d3: {  	[tilespmem:s22+$0xFFFFFFB0] =	vst v4;
	v2 =	vld [tilespmem:s21+$0xFFFFFDF0]  }
0x1d4: {  	[tilespmem:s22+$0xFFFFFEB0] =	vst v5;
	v4 =	vld [tilespmem:s24+$0xFFFFFF80]  }
0x1d5: {  	v5 =	vld [tilespmem:s24+$0xFFFFFD80];
	[tilespmem:s22+$0xFFFFFF30] =	vst v0  }
0x1d6: {  	[tilespmem:s22+$0xFFFFFE30] =	vst v1;
	v0 =	vld [tilespmem:s24+$0xFFFFFE80]  }
0x1d7: {  	v1 =	vld [tilespmem:s24+$0xFFFFFC80];
	[tilespmem:s20+$0xFFFFFE70] =	vst v3  }
0x1d8: {  	[tilespmem:s20+$0xFFFFFEF0] =	vst v2;
	v3 =	vld [tilespmem:s21+$0xFFFFFEF0]  }
0x1d9: {  	[tilespmem:s22+$0xFFFFFFC0] =	vst v4;
	v4 =	vld [tilespmem:s21+$0xFFFFFD00]  }
0x1da: {  	[tilespmem:s22+$0xFFFFFEC0] =	vst v5;
	v5 =	vld [tilespmem:s24+$0xFFFFFFD0]  }
0x1db: {  	v6 =	vld [tilespmem:s24+$0xFFFFFDD0];
	[tilespmem:s22+$0xFFFFFF40] =	vst v0  }
0x1dc: {  	[tilespmem:s22+$0xFFFFFE40] =	vst v1;
	v7 =	vld [tilespmem:s24+$0xFFFFFED0]  }
.Ltmp7:
0x1dd: {  	v2 =	vld [tilespmem:s24+$0xFFFFFCD0];
	[tilespmem:s20+$0xFFFFFF70] =	vst v3;
	(pc) =	sbr.rel @p1 .LBB2_11-.Ltmp7, $4  }
0x1de: {  	[tilespmem:s20+$0xFFFFFE80] =	vst v4;
	v0 =	vld [tilespmem:s21+$0xFFFFFE00]  }
0x1df: {  	[tilespmem:s22+$0xFFFFFFD0] =	vst v5;
	v1 =	vld [tilespmem:s21+$0xFFFFFF00];
	s21 =	smov.u32 s24  }
0x1e0: {  	[tilespmem:s22+$0xFFFFFED0] =	vst v6;
	v4 =	vld [tilespmem:s24+$0xFFFFFFE0]  }
0x1e1: {  	s24 =	sadd.s32 $0x400, s24;
	v3 =	vld [tilespmem:s21+$0xFFFFFDE0];
	[tilespmem:s22+$0xFFFFFF50] =	vst v7  }
0x1e2: {  	[tilespmem:s22+$0xFFFFFE50] =	vst v2;
	v5 =	vld [tilespmem:s21+$0xFFFFFEE0]  }
0x1e3: {  	v2 =	vld [tilespmem:s21+$0xFFFFFCE0];
	_ =	sdelay $0x1  }
0x1e4: {  	[tilespmem:s22+$0xFFFFFFE0] =	vst v4  }
0x1e5: {  	v4 =	vld [tilespmem:s21+$0xFFFFFFF0];
	[tilespmem:s22+$0xFFFFFEE0] =	vst v3  }
0x1e6: {  	[tilespmem:s22+$0xFFFFFF60] =	vst v5;
	v3 =	vld [tilespmem:s21+$0xFFFFFDF0]  }
0x1e7: {  	[tilespmem:s22+$0xFFFFFE60] =	vst v2;
	v5 =	vld [tilespmem:s21+$0xFFFFFEF0]  }
0x1e8: {  	v2 =	vld [tilespmem:s21+$0xFFFFFCF0];
	_ =	sdelay $0x1  }
0x1e9: {  	[tilespmem:s22+$0xFFFFFFF0] =	vst v4  }
0x1ea: {  	v60 =	vld [tilespmem:s21+$0x0];
	[tilespmem:s22+$0xFFFFFEF0] =	vst v3  }
0x1eb: {  	[tilespmem:s22+$0xFFFFFF70] =	vst v5;
	v62 =	vld [tilespmem:s21+$0xFFFFFE00]  }
0x1ec: {  	[tilespmem:s22+$0xFFFFFE70] =	vst v2;
	v63 =	vld [tilespmem:s21+$0xFFFFFF00]  }
0x1ed: {  	[tilespmem:s20+$0xFFFFFF00] =	vst v0;
	v61 =	vld [tilespmem:s21+$0xFFFFFD00]  }
0x1ee: {  	[tilespmem:s20+$0xFFFFFF80] =	vst v1  }
.Ltmp8:
0x1ef: {  	[tilespmem:s22+$0x0] =	vst v60;
	(pc) =	sbr.rel .LBB2_13-.Ltmp8, $4  }
0x1f0: {  	[tilespmem:s22+$0xFFFFFF00] =	vst v62  }
0x1f1: {  	[tilespmem:s22+$0xFFFFFF80] =	vst v63  }
0x1f2: {  	[tilespmem:s22+$0xFFFFFE80] =	vst v61  }
0x1f3: {  	[hbm4b:s10+s2] =	stream.linear.scatter [tilespmem:s16], [sflag:$0x4], $0x5000, $0x38;
	[tilespmem:$0x1E000] =	vst v63  }
.LBB2_14:
0x1f4: {  	_ =	sfence.sel $0x180000  }
0x1f5: {  	[bflag:$0x0] =	sbarrier.arrive $0xFFFF  }
0x1f6: {  	p0 =	sne.s32 s0, $0x0;
	_ =	strace $0x90000047  }
0x1f7: {  	s0 =	sadd.s32 @!p0 $0x100000, s1;
	[bflag:$0x2] =	sbarrier.arrive $0xFFFF  }
0x1f8: {  	[sflag:s0] =	ssyncadd.tile.s32 @!p0 $0x1;
	_ =	shalt  }
.Lfunc_end2:
_tile_overlayer_lowered:
.L_overlay_start_2:
0x1f9: {  	(tag) =	ssettag $0x2  }
0x1fa: {  	s0 =	rddreg [dreg:$0x0];
	s2 =	stileid.u32  }
0x1fb: {  	s1 =	rddreg [dreg:$0x1];
	p0 =	sne.s32 s2, $0x0  }
0x1fc: {  	s3 =	rddreg [dreg:$0x2];
	[bflag:$0x3] =	sbarrier.arrive $0xFFFF;
	s2 =	simm.s32 @!p0 $0x1C05  }
0x1fd: {  	[timem:s3], [sflag:s2] =	dma.local @!p0 [hbm:s0], s1  }
0x1fe: {  	s0 =	simm.s32 @!p0 $0x5  }
0x1ff: {  	_ =	swait.ge @!p0 [sflag:s0], s1  }
0x200: {  	s1 =	ssub.s32 @!p0 $0x0, s1;
	[sflag:s0] =	ssyncset.done @!p0 $0x0  }
0x201: {  	[sflag:s0] =	ssyncadd.s32 @!p0 s1  }
0x202: {  	[bflag:$0x3] =	sbarrier.arrive $0xFFFF  }
0x203: {  	_ =	shalt  }

// kernel: kernel.7.cloned.1.call-start
scs
__scs_entry_jumppad:
0x0: {  	(pc) =	sbr.rel $0x88, $3  }
0x1: {  	(tag) =	ssettag $0x0;
	lr =	simm.s32 $0x1  }
0x2: {  	[smem:$0x3F9F] =	sst lr;
	_ =	strace $0xD0000000  }
0x3: {  	_ = 	snop  }
0x4: {  	_ = 	snop  }
0x5: {  	_ = 	snop  }
0x6: {  	_ = 	snop  }
0x7: {  	_ = 	snop  }
__scs_overlays_trampoline_lowered:
0x8: {  	[smem:$0x3FAE] =	sst s0  }
0x9: {  	[smem:$0x3FAF] =	sst s1  }
0xa: {  	[smem:$0x3FB0] =	sst s2  }
0xb: {  	[smem:$0x3FB1] =	sst s3  }
0xc: {  	[smem:$0x3FB2] =	sst s4  }
0xd: {  	[smem:$0x3FB3] =	sst s5  }
0xe: {  	[smem:$0x3FB4] =	sst s6  }
0xf: {  	[smem:$0x3FB5] =	sst s7  }
0x10: {  	[smem:$0x3FB6] =	sst s8  }
0x11: {  	[smem:$0x3FB7] =	sst s9;
	s0 =	simm.s32 @!p0 $0x0  }
0x12: {  	s1 =	sld [smem:$0x3F9D];
	s0 =	simm.s32 @p0 $0x1  }
0x13: {  	[smem:$0x3FB8] =	sst s0;
	s0 =	simm.s32 @!p1 $0x0  }
0x14: {  	s2 =	sld [smem:$0x3F9C];
	s0 =	simm.s32 @p1 $0x1  }
0x15: {  	[smem:$0x3FB9] =	sst s0;
	s0 =	simm.s32 @!p2 $0x0  }
0x16: {  	s3 =	sld [smem:$0x3FDB];
	s0 =	simm.s32 @p2 $0x1  }
0x17: {  	s4 =	simm.s32 $0x1BF5;
	[smem:$0x3FBB] =	sst s0  }
0x18: {  	s0 =	sld [smem:$0x3F9E];
	_ =	swait.ge [sflag:s4], $0x0  }
0x19: {  	s7 =	sld [smem:$0x3F9F]  }
0x1a: {  	s8 =	sadd.s32 $0xFFFFE003, lr  }
0x1b: {  	s9 =	sadd.s32 $0xFFFFFEF7, lr;
	s5 =	simm.s32 $0xFFFFFFFF;
	p2 =	slt.u32 s8, $0xFFFFF086  }
0x1c: {  	p1 =	slt.u32 s9, $0xF7A;
	s5 =	simm.s32 @!p2 $0x0  }
0x1d: {  	s5 =	simm.s32 @p1 $0x1;
	p0 =	seq.s32 s7, s2  }
0x1e: {  	s7 =	smul.u32 @!p0 $0xF7A, s2;
	p2 =	seq.s32 @!p0 s5, $0x0  }
0x1f: {  	s9 =	smul.u32 $0xF7A, s1;
	s8 =	simm.s32 @!p0 $0x1BF5;
	p2 =	por !p2, p0  }
0x20: {  	[sflag:s8] =	ssyncset.s32 @!p0 $0xFFFFF086;
	s6 =	sadd.s32 @!p0 s3, s7;
	s7 =	simm.s32 @!p0 $0x108  }
0x21: {  	s3 =	sadd.s32 s3, s9;
	s6 =	sadd.s32 @!p0 $0x88, s6;
	s7 =	simm.s32 @p2 $0x1082  }
0x22: {  	[simem:s7], [sflag:s8] =	dma.local @!p0 [hbm:s6], $0xF7A  }
0x23: {  	s9 =	sor.u32 $0xD0000000, s2;
	s6 =	simm.s32 $0x108;
	_ =	swait.ge @!p0 [sflag:s8], $0x0  }
0x24: {  	s3 =	sadd.s32 $0x88, s3;
	s6 =	simm.s32 @!p1 $0x1082;
	[sflag:s4] =	ssyncset.s32 $0xFFFFF086  }
0x25: {  	[simem:s6], [sflag:s4] =	dma.local [hbm:s3], $0xF7A  }
0x26: {  	[smem:$0x3F9F] =	sst s1;
	(tag) =	ssettag s2;
	_ =	strace s9  }
0x27: {  	s1 =	sld [smem:$0x3FAF]  }
0x28: {  	s2 =	sld [smem:$0x3FB0]  }
0x29: {  	s4 =	sld [smem:$0x3FB2]  }
0x2a: {  	p0 =	seq.s32 s5, $0x0;
	s5 =	sld [smem:$0x3FB3]  }
0x2b: {  	s6 =	sld [smem:$0x3FB4]  }
0x2c: {  	s7 =	sld [smem:$0x3FB5]  }
0x2d: {  	s3 =	simm.s32 $0x108;
	s8 =	sld [smem:$0x3FB6]  }
0x2e: {  	s3 =	simm.s32 @!p0 $0x1082;
	s9 =	sld [smem:$0x3FB7]  }
0x2f: {  	lr =	sadd.s32 s0, s3;
	s0 =	sld [smem:$0x3FAE]  }
0x30: {  	s3 =	sld [smem:$0x3FB1]  }
0x31: {  	[smem:$0x3FBA] =	sst s10  }
0x32: {  	s10 =	sld [smem:$0x3FB8];
	_ =	sdelay $0x3  }
0x33: {  	p0 =	seq.s32 s10, $0x1;
	s10 =	sld [smem:$0x3FBA];
	_ =	sdelay $0x3  }
0x34: {  	[smem:$0x3FBA] =	sst s10  }
0x35: {  	s10 =	sld [smem:$0x3FB9];
	_ =	sdelay $0x3  }
0x36: {  	p1 =	seq.s32 s10, $0x1;
	s10 =	sld [smem:$0x3FBA];
	_ =	sdelay $0x3  }
0x37: {  	[smem:$0x3FBA] =	sst s10  }
0x38: {  	s10 =	sld [smem:$0x3FBB]  }
0x39: {  	_ = 	snop;
	(pc) =	sbr.ind lr, $3  }
0x3a: {  	_ = 	snop  }
0x3b: {  	_ = 	snop  }
0x3c: {  	p2 =	seq.s32 s10, $0x1;
	s10 =	sld [smem:$0x3FBA]  }
0x3d: {  	_ =	shalt  }
0x3e: {  	_ =	shalt  }
0x3f: {  	_ =	shalt  }
0x40: {  	_ =	shalt  }
0x41: {  	_ =	shalt  }
0x42: {  	_ =	shalt  }
0x43: {  	_ =	shalt  }
0x44: {  	_ =	shalt  }
0x45: {  	_ =	shalt  }
0x46: {  	_ =	shalt  }
0x47: {  	_ =	shalt  }
0x48: {  	_ =	shalt  }
0x49: {  	_ =	shalt  }
0x4a: {  	_ =	shalt  }
0x4b: {  	_ =	shalt  }
0x4c: {  	_ =	shalt  }
0x4d: {  	_ =	shalt  }
0x4e: {  	_ =	shalt  }
0x4f: {  	_ =	shalt  }
0x50: {  	_ =	shalt  }
0x51: {  	_ =	shalt  }
0x52: {  	_ =	shalt  }
0x53: {  	_ =	shalt  }
0x54: {  	_ =	shalt  }
0x55: {  	_ =	shalt  }
0x56: {  	_ =	shalt  }
0x57: {  	_ =	shalt  }
0x58: {  	_ =	shalt  }
0x59: {  	_ =	shalt  }
0x5a: {  	_ =	shalt  }
0x5b: {  	_ =	shalt  }
0x5c: {  	_ =	shalt  }
0x5d: {  	_ =	shalt  }
0x5e: {  	_ =	shalt  }
0x5f: {  	_ =	shalt  }
0x60: {  	_ =	shalt  }
0x61: {  	_ =	shalt  }
0x62: {  	_ =	shalt  }
0x63: {  	_ =	shalt  }
0x64: {  	_ =	shalt  }
0x65: {  	_ =	shalt  }
0x66: {  	_ =	shalt  }
0x67: {  	_ =	shalt  }
0x68: {  	_ =	shalt  }
0x69: {  	_ =	shalt  }
0x6a: {  	_ =	shalt  }
0x6b: {  	_ =	shalt  }
0x6c: {  	_ =	shalt  }
0x6d: {  	_ =	shalt  }
0x6e: {  	_ =	shalt  }
0x6f: {  	_ =	shalt  }
0x70: {  	_ =	shalt  }
0x71: {  	_ =	shalt  }
0x72: {  	_ =	shalt  }
0x73: {  	_ =	shalt  }
0x74: {  	_ =	shalt  }
0x75: {  	_ =	shalt  }
0x76: {  	_ =	shalt  }
0x77: {  	_ =	shalt  }
0x78: {  	_ =	shalt  }
0x79: {  	_ =	shalt  }
0x7a: {  	_ =	shalt  }
0x7b: {  	_ =	shalt  }
0x7c: {  	_ =	shalt  }
0x7d: {  	_ =	shalt  }
0x7e: {  	_ =	shalt  }
0x7f: {  	_ =	shalt  }
0x80: {  	_ =	shalt  }
0x81: {  	_ =	shalt  }
0x82: {  	_ =	shalt  }
0x83: {  	_ =	shalt  }
0x84: {  	_ =	shalt  }
0x85: {  	_ =	shalt  }
0x86: {  	_ =	shalt  }
0x87: {  	_ =	shalt  }
.Lfunc_end0:
.L_simem_size_0:
called_computation.1_lowered:
.L_overlay_start_0:
0x88: {  	s2 =	sld [smem:$0x3FD9]  }
0x89: {  	s3 =	sld [smem:$0x3FFE];
	_ =	sdelay $0x1  }
0x8a: {  	s1 =	srdreg.scid  }
0x8b: {  	s0 =	sand.u32 $0x1, s1  }
0x8c: {  	s16 =	sshll.u32 s0, $0xA;
	s2 =	sadd.s32 s3, s2  }
0x8d: {  	s2 =	sadd.s32 s2, s16  }
0x8e: {  	[smem:$0x3FC6] =	sst s2  }
0x8f: {  	_ = 	snop  }
0x90: {  	(tm) =	ssettm $0x1  }
0x91: {  	s17 =	sld [smem:$0x3FFB];
	_ =	sdelay $0x3  }
0x92: {  	_ =	strace s17  }
0x93: {  	s2 =	sld [smem:$0x3FFC];
	_ =	sdelay $0x3  }
0x94: {  	_ =	strace s2  }
0x95: {  	s2 =	sld [smem:$0x3FFD];
	_ =	sdelay $0x3  }
0x96: {  	_ =	strace s2  }
0x97: {  	_ =	strace $0x8FFFFFFF  }
0x98: {  	s18 =	sld [smem:$0x3FDB];
	_ =	sdelay $0x1  }
0x99: {  	s19 =	simm.s32 $_scs_section_size  }
0x9a: {  	s4 =	simm.s32 $_size__tile_overlayer_lowered;
	s5 =	simm.s32 $_tile_overlayer_lowered  }
0x9b: {  	s22 =	simm.s32 $0x1BFF;
	s21 =	sshll.u32 s5, $0x1;
	s2 =	sadd.s32 s19, s18  }
0x9c: {  	s6 =	simm.s32 $0x0;
	s20 =	sshll.u32 s4, $0x1;
	s4 =	sadd.s32 s21, s2  }
0x9d: {  	[timem:s6], [sflag:s22] =	dma.local [hbm:s4], s20  }
0x9e: {  	_ =	swait.ge [sflag:s22], s20  }
0x9f: {  	s3 =	ssub.s32 $0x0, s20;
	[sflag:s22] =	ssyncset.done $0x0  }
0xa0: {  	[sflag:s22] =	ssyncadd.s32 s3;
	_ =	sdelay $0x1  }
0xa1: {  	s23 =	simm.s32 $0x1B8B  }
0xa2: {  	_ =	swait.ge [sflag:s23], $0x1  }
0xa3: {  	[sflag:s23] =	ssyncset.done $0x0  }
0xa4: {  	s25 =	simm.s32 $0x1B8E;
	s24 =	sld [smem:$0x3FFE];
	[sflag:s23] =	ssyncadd.s32 $0xFFFFFFFF  }
0xa5: {  	s26 =	simm.s32 $execute0_lowered;
	[smem:$0x3FD2] =	sst s25  }
0xa6: {  	s4 =	sshll.u32 s26, $0x1;
	_ =	strace $0x80000049;
	[dreg:$0x1] =	wrdreg $0xFFFFFFFF  }
0xa7: {  	s28 =	simm.s32 $_size_execute0_lowered;
	s2 =	sadd.s32 s2, s4;
	[dreg:$0x0] =	wrdreg $0x0  }
0xa8: {  	s4 =	sshll.u32 s28, $0x1;
	[dreg:$0x2] =	wrdreg s2  }
0xa9: {  	[dreg:$0x3] =	wrdreg s4  }
0xaa: {  	[dreg:$0x4] =	wrdreg $0xC0  }
0xab: {  	_ =	task [dreg:s6], $0x5FFFF  }
0xac: {  	[dreg:$0x1] =	wrdreg $0xFFFFFFFF  }
0xad: {  	[dreg:$0x0] =	wrdreg $0x60  }
0xae: {  	[dreg:$0x2] =	wrdreg s24  }
0xaf: {  	[dreg:$0x3] =	wrdreg $0x9  }
0xb0: {  	_ =	task.clear_ibuf [dreg:s6], $0x4FFFF;
	_ =	strace $0x90000049  }
0xb1: {  	s29 =	simm.s32 $0x9;
	_ =	strace $0x8000004B  }
0xb2: {  	_ =	swait.ge [sflag:s29], $0x1  }
0xb3: {  	[sflag:s29] =	ssyncadd.s32 $0xFFFFFFFF  }
0xb4: {  	_ =	strace $0x9000004B  }
0xb5: {  	_ =	sfence  }
0xb6: {  	s30 =	sld [smem:$0x0];
	_ =	sdelay $0x2  }
0xb7: {  	s31 =	sshll.u32 s1, $0xD;
	s1 =	sshrl.u32 s1, $0x2  }
0xb8: {  	s3 =	sand.u32 $0x4000, s31;
	s1 =	sadd.s32 s1, s30  }
0xb9: {  	s0 =	sor.u32 s3, s0;
	s1 =	sshll.u32 s1, $0x11  }
0xba: {  	s0 =	sor.u32 s1, s0  }
0xbb: {  	s0 =	sadd.s32 $0x8F2B, s0  }
0xbc: {  	[sflag:s0] =	ssyncadd.remote.s32 $0x1  }
0xbd: {  	_ =	sfence.sel $0xFFFF  }
0xbe: {  	[dreg:$0x0] =	wrdreg $0xFFFFFFFF;
	(pc) =	sbr.abs _section_cstart, $3  }
0xbf: {  	[dreg:$0x1] =	wrdreg $0xFFFFFFFF  }
0xc0: {  	_ =	task.clear_ibuf [dreg:s6], $0x2FFFF;
	_ =	strace $0x9FFFFFFF  }
0xc1: {  	(tm) =	ssettm $0x7FFFFFFF  }
tec
execute0_lowered:
.L_overlay_start_1:
0x0: {  	(tag) =	ssettag $0x1  }
0x1: {  	s0 =	srdreg.scid;
	s1 =	stileid.u32  }
0x2: {  	s4 =	rddreg [dreg:$0x0];
	s2 =	simm.s32 $0x0;
	s11 =	simm.s32 $0x9  }
0x3: {  	s12 =	simm.s32 $0x80;
	s19 =	simm.s32 $0x1;
	s20 =	simm.s32 $0xE400  }
0x4: {  	s21 =	simm.s32 $0x2;
	s22 =	simm.s32 $0x10400;
	s23 =	simm.s32 $0x3  }
0x5: {  	s24 =	simm.s32 $0x12400;
	s25 =	simm.s32 $0x4;
	s26 =	simm.s32 $0x14400  }
0x6: {  	s28 =	simm.s32 $0x5;
	s29 =	simm.s32 $0x6;
	s30 =	simm.s32 $0x7  }
0x7: {  	s31 =	simm.s32 $0x8;
	s0 =	sand.u32 $0x1, s0;
	s1 =	sshll.u32 s1, $0x1  }
0x8: {  	[smem:$0x7FF] =	sst s2;
	s1 =	sor.u32 s0, s1;
	s0 =	ssub.s32 $0x2, s0  }
0x9: {  	_ =	strace $0x8000004A;
	s9 =	smul.u32 $0x6400, s1;
	s6 =	sshrl.u32 s0, $0x1  }
0xa: {  	s0 =	ssub.s32 s0, s6;
	s6 =	smul.u32 $0x190000, s1;
	s1 =	simm.s32 $0x0  }
0xb: {  	s3 =	sshrl.u32 s9, $0x3;
	s7 =	sor.u32 $0x80, s9;
	s8 =	sor.u32 $0x100, s9  }
0xc: {  	s9 =	sor.u32 $0x180, s9;
	s10 =	smax.u32 s0, $0x1;
	s5 =	sadd.s32 s3, s4  }
0xd: {  	s3 =	sadd.s32 $0xF42E00, s4;
	s4 =	sadd.s32 $0xA00, s4;
	s5 =	sadd.s32 $0x16E4000, s5  }
.LBB2_1:
0xe: {  	[tilespmem:s2], [sflag:$0x9] =	stream.linear.gather [hbm4b:s5+s2], $0x6400, $0x38;
	[tilespmem:$0x16400] =	vst v63  }
0xf: {  	_ =	swait.ge [sflag:s11], $0x6400  }
0x10: {  	[sflag:s11] =	ssyncset.done $0x0  }
0x11: {  	s0 =	simm.s32 $0x6400;
	[sflag:s11] =	ssyncadd.s32 $0xFFFF9C00  }
0x12: {  	[tilespmem:s0], [sflag:$0x1] =	stream.indirect.gather [hbm4b:s3+s12], $0x40, s2, s12, $0xb8;
	[tilespmem:$0x16400] =	vst v63  }
0x13: {  	s15 =	simm.s32 $0x8400  }
0x14: {  	[tilespmem:s15], [sflag:$0x2] =	stream.indirect.gather [hbm4b:s3+s12], $0x40, s12, s12, $0xb8;
	[tilespmem:$0x16400] =	vst v63  }
0x15: {  	s16 =	simm.s32 $0x100;
	s13 =	simm.s32 $0xA400  }
0x16: {  	[tilespmem:s13], [sflag:$0x3] =	stream.indirect.gather [hbm4b:s3+s12], $0x40, s16, s12, $0xb8;
	[tilespmem:$0x16400] =	vst v63  }
0x17: {  	s17 =	simm.s32 $0x180;
	s18 =	simm.s32 $0xC400;
	s0 =	simm.s32 $0x0  }
0x18: {  	[tilespmem:s18], [sflag:$0x4] =	stream.indirect.gather [hbm4b:s3+s12], $0x40, s17, s12, $0xb8;
	[tilespmem:$0x16400] =	vst v63  }
.LBB2_2:
0x19: {  	_ =	swait.ge [sflag:s19], $0x2000  }
0x1a: {  	p0 =	seq.s32 s0, $0x0;
	[sflag:s19] =	ssyncset.done $0x0  }
0x1b: {  	s13 =	simm.s32 @!p0 $0x5;
	[sflag:s19] =	ssyncadd.s32 $0xFFFFE000  }
0x1c: {  	_ =	swait.ge @!p0 [sflag:s13], $0x2000  }
0x1d: {  	[sflag:s13] =	ssyncset.done @!p0 $0x0  }
0x1e: {  	s14 =	simm.s32 $0x6500;
	[sflag:s13] =	ssyncadd.s32 @!p0 $0xFFFFE000  }
0x1f: {  	v0 =	vld [tilespmem:s14+$0xFFFFFF00];
	_ =	sdelay $0x4  }
0x20: {  	v0 =	vmul.f32 $8.000000000e+00, v0  }
0x21: {  	s13 =	simm.s32 $0xE500  }
0x22: {  	[tilespmem:s13+$0xFFFFFF00] =	vst v0  }
0x23: {  	v0 =	vld [tilespmem:s14+$0xFFFFFF10];
	_ =	sdelay $0x4  }
0x24: {  	v0 =	vmul.f32 $8.000000000e+00, v0;
	_ =	sdelay $0x1  }
0x25: {  	[tilespmem:s13+$0xFFFFFF10] =	vst v0  }
0x26: {  	v0 =	vld [tilespmem:s14+$0xFFFFFF20];
	_ =	sdelay $0x4  }
0x27: {  	v0 =	vmul.f32 $8.000000000e+00, v0;
	_ =	sdelay $0x1  }
0x28: {  	[tilespmem:s13+$0xFFFFFF20] =	vst v0  }
0x29: {  	v0 =	vld [tilespmem:s14+$0xFFFFFF30];
	_ =	sdelay $0x4  }
0x2a: {  	v0 =	vmul.f32 $8.000000000e+00, v0;
	_ =	sdelay $0x1  }
0x2b: {  	[tilespmem:s13+$0xFFFFFF30] =	vst v0  }
0x2c: {  	v0 =	vld [tilespmem:s14+$0xFFFFFF40];
	_ =	sdelay $0x4  }
0x2d: {  	v0 =	vmul.f32 $8.000000000e+00, v0;
	_ =	sdelay $0x1  }
0x2e: {  	[tilespmem:s13+$0xFFFFFF40] =	vst v0  }
0x2f: {  	v0 =	vld [tilespmem:s14+$0xFFFFFF50];
	_ =	sdelay $0x4  }
0x30: {  	v0 =	vmul.f32 $8.000000000e+00, v0;
	_ =	sdelay $0x1  }
0x31: {  	[tilespmem:s13+$0xFFFFFF50] =	vst v0  }
0x32: {  	v0 =	vld [tilespmem:s14+$0xFFFFFF60];
	_ =	sdelay $0x4  }
0x33: {  	v0 =	vmul.f32 $8.000000000e+00, v0;
	_ =	sdelay $0x1  }
0x34: {  	[tilespmem:s13+$0xFFFFFF60] =	vst v0  }
0x35: {  	v0 =	vld [tilespmem:s14+$0xFFFFFF70];
	_ =	sdelay $0x4  }
0x36: {  	v0 =	vmul.f32 $8.000000000e+00, v0;
	_ =	sdelay $0x1  }
0x37: {  	[tilespmem:s13+$0xFFFFFF70] =	vst v0  }
0x38: {  	v0 =	vld [tilespmem:s14+$0xFFFFFF80];
	_ =	sdelay $0x4  }
0x39: {  	v0 =	vmul.f32 $8.000000000e+00, v0;
	_ =	sdelay $0x1  }
0x3a: {  	[tilespmem:s13+$0xFFFFFF80] =	vst v0  }
0x3b: {  	v0 =	vld [tilespmem:s14+$0xFFFFFF90];
	_ =	sdelay $0x4  }
0x3c: {  	v0 =	vmul.f32 $8.000000000e+00, v0;
	_ =	sdelay $0x1  }
0x3d: {  	[tilespmem:s13+$0xFFFFFF90] =	vst v0  }
0x3e: {  	v0 =	vld [tilespmem:s14+$0xFFFFFFA0];
	_ =	sdelay $0x4  }
0x3f: {  	v0 =	vmul.f32 $8.000000000e+00, v0;
	_ =	sdelay $0x1  }
0x40: {  	[tilespmem:s13+$0xFFFFFFA0] =	vst v0  }
0x41: {  	v0 =	vld [tilespmem:s14+$0xFFFFFFB0];
	_ =	sdelay $0x4  }
0x42: {  	v0 =	vmul.f32 $8.000000000e+00, v0;
	_ =	sdelay $0x1  }
0x43: {  	[tilespmem:s13+$0xFFFFFFB0] =	vst v0  }
0x44: {  	v0 =	vld [tilespmem:s14+$0xFFFFFFC0];
	_ =	sdelay $0x4  }
0x45: {  	v0 =	vmul.f32 $8.000000000e+00, v0;
	_ =	sdelay $0x1  }
0x46: {  	[tilespmem:s13+$0xFFFFFFC0] =	vst v0  }
0x47: {  	v0 =	vld [tilespmem:s14+$0xFFFFFFD0];
	_ =	sdelay $0x4  }
0x48: {  	v0 =	vmul.f32 $8.000000000e+00, v0;
	_ =	sdelay $0x1  }
0x49: {  	[tilespmem:s13+$0xFFFFFFD0] =	vst v0  }
0x4a: {  	v0 =	vld [tilespmem:s14+$0xFFFFFFE0];
	_ =	sdelay $0x4  }
0x4b: {  	v0 =	vmul.f32 $8.000000000e+00, v0;
	_ =	sdelay $0x1  }
0x4c: {  	[tilespmem:s13+$0xFFFFFFE0] =	vst v0  }
0x4d: {  	v0 =	vld [tilespmem:s14+$0xFFFFFFF0];
	_ =	sdelay $0x4  }
0x4e: {  	v0 =	vmul.f32 $8.000000000e+00, v0;
	_ =	sdelay $0x1  }
0x4f: {  	[tilespmem:s13+$0xFFFFFFF0] =	vst v0  }
0x50: {  	v0 =	vld [tilespmem:s14+$0x0];
	_ =	sdelay $0x4  }
0x51: {  	v0 =	vmul.f32 $8.000000000e+00, v0;
	_ =	sdelay $0x1  }
0x52: {  	[tilespmem:s13+$0x0] =	vst v0  }
0x53: {  	v0 =	vld [tilespmem:s14+$0x10];
	_ =	sdelay $0x4  }
0x54: {  	v0 =	vmul.f32 $8.000000000e+00, v0;
	_ =	sdelay $0x1  }
0x55: {  	[tilespmem:s13+$0x10] =	vst v0  }
0x56: {  	v0 =	vld [tilespmem:s14+$0x20];
	_ =	sdelay $0x4  }
0x57: {  	v0 =	vmul.f32 $8.000000000e+00, v0;
	_ =	sdelay $0x1  }
0x58: {  	[tilespmem:s13+$0x20] =	vst v0  }
0x59: {  	v0 =	vld [tilespmem:s14+$0x30];
	_ =	sdelay $0x4  }
0x5a: {  	v0 =	vmul.f32 $8.000000000e+00, v0;
	_ =	sdelay $0x1  }
0x5b: {  	[tilespmem:s13+$0x30] =	vst v0  }
0x5c: {  	v0 =	vld [tilespmem:s14+$0x40];
	_ =	sdelay $0x4  }
0x5d: {  	v0 =	vmul.f32 $8.000000000e+00, v0;
	_ =	sdelay $0x1  }
0x5e: {  	[tilespmem:s13+$0x40] =	vst v0  }
0x5f: {  	v0 =	vld [tilespmem:s14+$0x50];
	_ =	sdelay $0x4  }
0x60: {  	v0 =	vmul.f32 $8.000000000e+00, v0;
	_ =	sdelay $0x1  }
0x61: {  	[tilespmem:s13+$0x50] =	vst v0  }
0x62: {  	v0 =	vld [tilespmem:s14+$0x60];
	_ =	sdelay $0x4  }
0x63: {  	v0 =	vmul.f32 $8.000000000e+00, v0;
	_ =	sdelay $0x1  }
0x64: {  	[tilespmem:s13+$0x60] =	vst v0  }
0x65: {  	v0 =	vld [tilespmem:s14+$0x70];
	_ =	sdelay $0x4  }
0x66: {  	v0 =	vmul.f32 $8.000000000e+00, v0;
	_ =	sdelay $0x1  }
0x67: {  	[tilespmem:s13+$0x70] =	vst v0  }
0x68: {  	v0 =	vld [tilespmem:s14+$0x80];
	_ =	sdelay $0x4  }
0x69: {  	v0 =	vmul.f32 $8.000000000e+00, v0;
	_ =	sdelay $0x1  }
0x6a: {  	[tilespmem:s13+$0x80] =	vst v0  }
0x6b: {  	v0 =	vld [tilespmem:s14+$0x90];
	_ =	sdelay $0x4  }
0x6c: {  	v0 =	vmul.f32 $8.000000000e+00, v0;
	_ =	sdelay $0x1  }
0x6d: {  	[tilespmem:s13+$0x90] =	vst v0  }
0x6e: {  	v0 =	vld [tilespmem:s14+$0xA0];
	_ =	sdelay $0x4  }
0x6f: {  	v0 =	vmul.f32 $8.000000000e+00, v0;
	_ =	sdelay $0x1  }
0x70: {  	[tilespmem:s13+$0xA0] =	vst v0  }
0x71: {  	v0 =	vld [tilespmem:s14+$0xB0];
	_ =	sdelay $0x4  }
0x72: {  	v0 =	vmul.f32 $8.000000000e+00, v0;
	_ =	sdelay $0x1  }
0x73: {  	[tilespmem:s13+$0xB0] =	vst v0  }
0x74: {  	v0 =	vld [tilespmem:s14+$0xC0];
	_ =	sdelay $0x4  }
0x75: {  	v0 =	vmul.f32 $8.000000000e+00, v0;
	_ =	sdelay $0x1  }
0x76: {  	[tilespmem:s13+$0xC0] =	vst v0  }
0x77: {  	v0 =	vld [tilespmem:s14+$0xD0];
	_ =	sdelay $0x4  }
0x78: {  	v0 =	vmul.f32 $8.000000000e+00, v0;
	_ =	sdelay $0x1  }
0x79: {  	[tilespmem:s13+$0xD0] =	vst v0  }
0x7a: {  	v0 =	vld [tilespmem:s14+$0xE0];
	_ =	sdelay $0x4  }
0x7b: {  	v0 =	vmul.f32 $8.000000000e+00, v0;
	_ =	sdelay $0x1  }
0x7c: {  	[tilespmem:s13+$0xE0] =	vst v0  }
0x7d: {  	v0 =	vld [tilespmem:s14+$0xF0];
	_ =	sdelay $0x4  }
0x7e: {  	v0 =	vmul.f32 $8.000000000e+00, v0;
	_ =	sdelay $0x1  }
0x7f: {  	s15 =	simm.s32 $0x0;
	s16 =	simm.s32 $0x6700;
	s14 =	sshll.u32 s0, $0xB;
	[tilespmem:s13+$0xF0] =	vst v0  }
.LBB2_3:
0x80: {  	v0 =	vld [tilespmem:s16+$0xFFFFFF00];
	s15 =	sadd.s32 $0x8, s15  }
0x81: {  	p1 =	slt.u32 s15, $0x78;
	_ =	sdelay $0x3  }
0x82: {  	v0 =	vmul.f32 $8.000000000e+00, v0  }
0x83: {  	s13 =	sadd.s32 $0x200, s13  }
0x84: {  	[tilespmem:s13+$0xFFFFFF00] =	vst v0  }
0x85: {  	v0 =	vld [tilespmem:s16+$0xFFFFFF10];
	_ =	sdelay $0x4  }
0x86: {  	v0 =	vmul.f32 $8.000000000e+00, v0;
	_ =	sdelay $0x1  }
0x87: {  	[tilespmem:s13+$0xFFFFFF10] =	vst v0  }
0x88: {  	v0 =	vld [tilespmem:s16+$0xFFFFFF20];
	_ =	sdelay $0x4  }
0x89: {  	v0 =	vmul.f32 $8.000000000e+00, v0;
	_ =	sdelay $0x1  }
0x8a: {  	[tilespmem:s13+$0xFFFFFF20] =	vst v0  }
0x8b: {  	v0 =	vld [tilespmem:s16+$0xFFFFFF30];
	_ =	sdelay $0x4  }
0x8c: {  	v0 =	vmul.f32 $8.000000000e+00, v0;
	_ =	sdelay $0x1  }
0x8d: {  	[tilespmem:s13+$0xFFFFFF30] =	vst v0  }
0x8e: {  	v0 =	vld [tilespmem:s16+$0xFFFFFF40];
	_ =	sdelay $0x4  }
0x8f: {  	v0 =	vmul.f32 $8.000000000e+00, v0;
	_ =	sdelay $0x1  }
0x90: {  	[tilespmem:s13+$0xFFFFFF40] =	vst v0  }
0x91: {  	v0 =	vld [tilespmem:s16+$0xFFFFFF50];
	_ =	sdelay $0x4  }
0x92: {  	v0 =	vmul.f32 $8.000000000e+00, v0;
	_ =	sdelay $0x1  }
0x93: {  	[tilespmem:s13+$0xFFFFFF50] =	vst v0  }
0x94: {  	v0 =	vld [tilespmem:s16+$0xFFFFFF60];
	_ =	sdelay $0x4  }
0x95: {  	v0 =	vmul.f32 $8.000000000e+00, v0;
	_ =	sdelay $0x1  }
0x96: {  	[tilespmem:s13+$0xFFFFFF60] =	vst v0  }
0x97: {  	v0 =	vld [tilespmem:s16+$0xFFFFFF70];
	_ =	sdelay $0x4  }
0x98: {  	v0 =	vmul.f32 $8.000000000e+00, v0;
	_ =	sdelay $0x1  }
0x99: {  	[tilespmem:s13+$0xFFFFFF70] =	vst v0  }
0x9a: {  	v0 =	vld [tilespmem:s16+$0xFFFFFF80];
	_ =	sdelay $0x4  }
0x9b: {  	v0 =	vmul.f32 $8.000000000e+00, v0;
	_ =	sdelay $0x1  }
0x9c: {  	[tilespmem:s13+$0xFFFFFF80] =	vst v0  }
0x9d: {  	v0 =	vld [tilespmem:s16+$0xFFFFFF90];
	_ =	sdelay $0x4  }
0x9e: {  	v0 =	vmul.f32 $8.000000000e+00, v0;
	_ =	sdelay $0x1  }
0x9f: {  	[tilespmem:s13+$0xFFFFFF90] =	vst v0  }
0xa0: {  	v0 =	vld [tilespmem:s16+$0xFFFFFFA0];
	_ =	sdelay $0x4  }
0xa1: {  	v0 =	vmul.f32 $8.000000000e+00, v0;
	_ =	sdelay $0x1  }
0xa2: {  	[tilespmem:s13+$0xFFFFFFA0] =	vst v0  }
0xa3: {  	v0 =	vld [tilespmem:s16+$0xFFFFFFB0];
	_ =	sdelay $0x4  }
0xa4: {  	v0 =	vmul.f32 $8.000000000e+00, v0;
	_ =	sdelay $0x1  }
0xa5: {  	[tilespmem:s13+$0xFFFFFFB0] =	vst v0  }
0xa6: {  	v0 =	vld [tilespmem:s16+$0xFFFFFFC0];
	_ =	sdelay $0x4  }
0xa7: {  	v0 =	vmul.f32 $8.000000000e+00, v0;
	_ =	sdelay $0x1  }
0xa8: {  	[tilespmem:s13+$0xFFFFFFC0] =	vst v0  }
0xa9: {  	v0 =	vld [tilespmem:s16+$0xFFFFFFD0];
	_ =	sdelay $0x4  }
0xaa: {  	v0 =	vmul.f32 $8.000000000e+00, v0;
	_ =	sdelay $0x1  }
0xab: {  	[tilespmem:s13+$0xFFFFFFD0] =	vst v0  }
0xac: {  	v0 =	vld [tilespmem:s16+$0xFFFFFFE0];
	_ =	sdelay $0x4  }
0xad: {  	v0 =	vmul.f32 $8.000000000e+00, v0;
	_ =	sdelay $0x1  }
0xae: {  	[tilespmem:s13+$0xFFFFFFE0] =	vst v0  }
0xaf: {  	v0 =	vld [tilespmem:s16+$0xFFFFFFF0];
	_ =	sdelay $0x4  }
0xb0: {  	v0 =	vmul.f32 $8.000000000e+00, v0;
	_ =	sdelay $0x1  }
0xb1: {  	[tilespmem:s13+$0xFFFFFFF0] =	vst v0  }
0xb2: {  	v0 =	vld [tilespmem:s16+$0x0];
	_ =	sdelay $0x4  }
0xb3: {  	v0 =	vmul.f32 $8.000000000e+00, v0;
	_ =	sdelay $0x1  }
0xb4: {  	[tilespmem:s13+$0x0] =	vst v0  }
0xb5: {  	v0 =	vld [tilespmem:s16+$0x10];
	_ =	sdelay $0x4  }
0xb6: {  	v0 =	vmul.f32 $8.000000000e+00, v0;
	_ =	sdelay $0x1  }
0xb7: {  	[tilespmem:s13+$0x10] =	vst v0  }
0xb8: {  	v0 =	vld [tilespmem:s16+$0x20];
	_ =	sdelay $0x4  }
0xb9: {  	v0 =	vmul.f32 $8.000000000e+00, v0;
	_ =	sdelay $0x1  }
0xba: {  	[tilespmem:s13+$0x20] =	vst v0  }
0xbb: {  	v0 =	vld [tilespmem:s16+$0x30];
	_ =	sdelay $0x4  }
0xbc: {  	v0 =	vmul.f32 $8.000000000e+00, v0;
	_ =	sdelay $0x1  }
0xbd: {  	[tilespmem:s13+$0x30] =	vst v0  }
0xbe: {  	v0 =	vld [tilespmem:s16+$0x40];
	_ =	sdelay $0x4  }
0xbf: {  	v0 =	vmul.f32 $8.000000000e+00, v0;
	_ =	sdelay $0x1  }
0xc0: {  	[tilespmem:s13+$0x40] =	vst v0  }
0xc1: {  	v0 =	vld [tilespmem:s16+$0x50];
	_ =	sdelay $0x4  }
0xc2: {  	v0 =	vmul.f32 $8.000000000e+00, v0;
	_ =	sdelay $0x1  }
0xc3: {  	[tilespmem:s13+$0x50] =	vst v0  }
0xc4: {  	v0 =	vld [tilespmem:s16+$0x60];
	_ =	sdelay $0x4  }
0xc5: {  	v0 =	vmul.f32 $8.000000000e+00, v0;
	_ =	sdelay $0x1  }
0xc6: {  	[tilespmem:s13+$0x60] =	vst v0  }
0xc7: {  	v0 =	vld [tilespmem:s16+$0x70];
	_ =	sdelay $0x4  }
0xc8: {  	v0 =	vmul.f32 $8.000000000e+00, v0;
	_ =	sdelay $0x1  }
0xc9: {  	[tilespmem:s13+$0x70] =	vst v0  }
0xca: {  	v0 =	vld [tilespmem:s16+$0x80];
	_ =	sdelay $0x4  }
0xcb: {  	v0 =	vmul.f32 $8.000000000e+00, v0;
	_ =	sdelay $0x1  }
0xcc: {  	[tilespmem:s13+$0x80] =	vst v0  }
0xcd: {  	v0 =	vld [tilespmem:s16+$0x90];
	_ =	sdelay $0x4  }
0xce: {  	v0 =	vmul.f32 $8.000000000e+00, v0;
	_ =	sdelay $0x1  }
0xcf: {  	[tilespmem:s13+$0x90] =	vst v0  }
0xd0: {  	v0 =	vld [tilespmem:s16+$0xA0];
	_ =	sdelay $0x4  }
0xd1: {  	v0 =	vmul.f32 $8.000000000e+00, v0;
	_ =	sdelay $0x1  }
0xd2: {  	[tilespmem:s13+$0xA0] =	vst v0  }
0xd3: {  	v0 =	vld [tilespmem:s16+$0xB0];
	_ =	sdelay $0x4  }
0xd4: {  	v0 =	vmul.f32 $8.000000000e+00, v0;
	_ =	sdelay $0x1  }
0xd5: {  	[tilespmem:s13+$0xB0] =	vst v0  }
0xd6: {  	v0 =	vld [tilespmem:s16+$0xC0];
	_ =	sdelay $0x4  }
0xd7: {  	v0 =	vmul.f32 $8.000000000e+00, v0;
	_ =	sdelay $0x1  }
0xd8: {  	[tilespmem:s13+$0xC0] =	vst v0  }
0xd9: {  	v0 =	vld [tilespmem:s16+$0xD0];
	_ =	sdelay $0x4  }
0xda: {  	v0 =	vmul.f32 $8.000000000e+00, v0;
	_ =	sdelay $0x1  }
0xdb: {  	[tilespmem:s13+$0xD0] =	vst v0  }
0xdc: {  	v0 =	vld [tilespmem:s16+$0xE0];
	_ =	sdelay $0x4  }
0xdd: {  	v0 =	vmul.f32 $8.000000000e+00, v0;
	_ =	sdelay $0x1  }
0xde: {  	[tilespmem:s13+$0xE0] =	vst v0  }
0xdf: {  	v0 =	vld [tilespmem:s16+$0xF0];
	_ =	sdelay $0x2  }
.Ltmp0:
0xe0: {  	(pc) =	sbr.rel @p1 .LBB2_3-.Ltmp0, $3  }
0xe1: {  	_ = 	snop  }
0xe2: {  	v0 =	vmul.f32 $8.000000000e+00, v0;
	_ =	sdelay $0x1  }
0xe3: {  	s16 =	sadd.s32 $0x200, s16;
	[tilespmem:s13+$0xF0] =	vst v0  }
0xe4: {  	p1 =	seq.s32 s0, $0x31  }
0xe5: {  	s17 =	sshll.u32 s0, $0xF;
	s13 =	sshrl.u32 @!p1 s14, $0x2  }
0xe6: {  	s15 =	simm.s32 @!p1 $0x80;
	s16 =	simm.s32 @!p1 $0x6400;
	s14 =	sadd.s32 @!p1 $0x200, s13  }
0xe7: {  	[tilespmem:s16], [sflag:$0x1] =	stream.indirect.gather @!p1 [hbm4b:s3+s15], $0x40, s14, s15, $0xb8;
	[tilespmem:$0x16400] =	vst v63  }
0xe8: {  	s14 =	sadd.s32 s6, s17  }
0xe9: {  	s14 =	sshrl.u32 s14, $0x3  }
0xea: {  	s14 =	sadd.s32 s4, s14  }
0xeb: {  	[hbm4b:s14+s2] =	stream.linear.scatter [tilespmem:s20], [sflag:$0x5], $0x2000, $0x38;
	[tilespmem:$0x16400] =	vst v63  }
0xec: {  	_ =	swait.ge [sflag:s21], $0x2000  }
0xed: {  	[sflag:s21] =	ssyncset.done $0x0  }
0xee: {  	s14 =	simm.s32 @!p0 $0x6;
	[sflag:s21] =	ssyncadd.s32 $0xFFFFE000  }
0xef: {  	_ =	swait.ge @!p0 [sflag:s14], $0x2000  }
0xf0: {  	[sflag:s14] =	ssyncset.done @!p0 $0x0  }
0xf1: {  	s18 =	simm.s32 $0x85F0;
	[sflag:s14] =	ssyncadd.s32 @!p0 $0xFFFFE000  }
0xf2: {  	v0 =	vld [tilespmem:s18+$0xFFFFFE10];
	_ =	sdelay $0x4  }
0xf3: {  	v0 =	vmul.f32 $8.000000000e+00, v0  }
0xf4: {  	s14 =	simm.s32 $0x105F0  }
0xf5: {  	[tilespmem:s14+$0xFFFFFE10] =	vst v0  }
0xf6: {  	v0 =	vld [tilespmem:s18+$0xFFFFFE20];
	_ =	sdelay $0x4  }
0xf7: {  	v0 =	vmul.f32 $8.000000000e+00, v0;
	_ =	sdelay $0x1  }
0xf8: {  	[tilespmem:s14+$0xFFFFFE20] =	vst v0  }
0xf9: {  	v0 =	vld [tilespmem:s18+$0xFFFFFE30];
	_ =	sdelay $0x4  }
0xfa: {  	v0 =	vmul.f32 $8.000000000e+00, v0;
	_ =	sdelay $0x1  }
0xfb: {  	[tilespmem:s14+$0xFFFFFE30] =	vst v0  }
0xfc: {  	v0 =	vld [tilespmem:s18+$0xFFFFFE40];
	_ =	sdelay $0x4  }
0xfd: {  	v0 =	vmul.f32 $8.000000000e+00, v0;
	_ =	sdelay $0x1  }
0xfe: {  	[tilespmem:s14+$0xFFFFFE40] =	vst v0  }
0xff: {  	v0 =	vld [tilespmem:s18+$0xFFFFFE50];
	_ =	sdelay $0x4  }
0x100: {  	v0 =	vmul.f32 $8.000000000e+00, v0;
	_ =	sdelay $0x1  }
0x101: {  	[tilespmem:s14+$0xFFFFFE50] =	vst v0  }
0x102: {  	v0 =	vld [tilespmem:s18+$0xFFFFFE60];
	_ =	sdelay $0x4  }
0x103: {  	v0 =	vmul.f32 $8.000000000e+00, v0;
	_ =	sdelay $0x1  }
0x104: {  	[tilespmem:s14+$0xFFFFFE60] =	vst v0  }
0x105: {  	v0 =	vld [tilespmem:s18+$0xFFFFFE70];
	_ =	sdelay $0x4  }
0x106: {  	v0 =	vmul.f32 $8.000000000e+00, v0;
	_ =	sdelay $0x1  }
0x107: {  	[tilespmem:s14+$0xFFFFFE70] =	vst v0  }
0x108: {  	v0 =	vld [tilespmem:s18+$0xFFFFFE80];
	_ =	sdelay $0x4  }
0x109: {  	v0 =	vmul.f32 $8.000000000e+00, v0;
	_ =	sdelay $0x1  }
0x10a: {  	[tilespmem:s14+$0xFFFFFE80] =	vst v0  }
0x10b: {  	v0 =	vld [tilespmem:s18+$0xFFFFFE90];
	_ =	sdelay $0x4  }
0x10c: {  	v0 =	vmul.f32 $8.000000000e+00, v0;
	_ =	sdelay $0x1  }
0x10d: {  	[tilespmem:s14+$0xFFFFFE90] =	vst v0  }
0x10e: {  	v0 =	vld [tilespmem:s18+$0xFFFFFEA0];
	_ =	sdelay $0x4  }
0x10f: {  	v0 =	vmul.f32 $8.000000000e+00, v0;
	_ =	sdelay $0x1  }
0x110: {  	[tilespmem:s14+$0xFFFFFEA0] =	vst v0  }
0x111: {  	v0 =	vld [tilespmem:s18+$0xFFFFFEB0];
	_ =	sdelay $0x4  }
0x112: {  	v0 =	vmul.f32 $8.000000000e+00, v0;
	_ =	sdelay $0x1  }
0x113: {  	[tilespmem:s14+$0xFFFFFEB0] =	vst v0  }
0x114: {  	v0 =	vld [tilespmem:s18+$0xFFFFFEC0];
	_ =	sdelay $0x4  }
0x115: {  	v0 =	vmul.f32 $8.000000000e+00, v0;
	_ =	sdelay $0x1  }
0x116: {  	[tilespmem:s14+$0xFFFFFEC0] =	vst v0  }
0x117: {  	v0 =	vld [tilespmem:s18+$0xFFFFFED0];
	_ =	sdelay $0x4  }
0x118: {  	v0 =	vmul.f32 $8.000000000e+00, v0;
	_ =	sdelay $0x1  }
0x119: {  	[tilespmem:s14+$0xFFFFFED0] =	vst v0  }
0x11a: {  	v0 =	vld [tilespmem:s18+$0xFFFFFEE0];
	_ =	sdelay $0x4  }
0x11b: {  	v0 =	vmul.f32 $8.000000000e+00, v0;
	_ =	sdelay $0x1  }
0x11c: {  	[tilespmem:s14+$0xFFFFFEE0] =	vst v0  }
0x11d: {  	v0 =	vld [tilespmem:s18+$0xFFFFFEF0];
	_ =	sdelay $0x4  }
0x11e: {  	v0 =	vmul.f32 $8.000000000e+00, v0;
	_ =	sdelay $0x1  }
0x11f: {  	[tilespmem:s14+$0xFFFFFEF0] =	vst v0  }
0x120: {  	v0 =	vld [tilespmem:s18+$0xFFFFFF00];
	_ =	sdelay $0x4  }
0x121: {  	v0 =	vmul.f32 $8.000000000e+00, v0;
	_ =	sdelay $0x1  }
0x122: {  	[tilespmem:s14+$0xFFFFFF00] =	vst v0  }
0x123: {  	v0 =	vld [tilespmem:s18+$0xFFFFFF10];
	_ =	sdelay $0x4  }
0x124: {  	v0 =	vmul.f32 $8.000000000e+00, v0;
	_ =	sdelay $0x1  }
0x125: {  	[tilespmem:s14+$0xFFFFFF10] =	vst v0  }
0x126: {  	v0 =	vld [tilespmem:s18+$0xFFFFFF20];
	_ =	sdelay $0x4  }
0x127: {  	v0 =	vmul.f32 $8.000000000e+00, v0;
	_ =	sdelay $0x1  }
0x128: {  	[tilespmem:s14+$0xFFFFFF20] =	vst v0  }
0x129: {  	v0 =	vld [tilespmem:s18+$0xFFFFFF30];
	_ =	sdelay $0x4  }
0x12a: {  	v0 =	vmul.f32 $8.000000000e+00, v0;
	_ =	sdelay $0x1  }
0x12b: {  	[tilespmem:s14+$0xFFFFFF30] =	vst v0  }
0x12c: {  	v0 =	vld [tilespmem:s18+$0xFFFFFF40];
	_ =	sdelay $0x4  }
0x12d: {  	v0 =	vmul.f32 $8.000000000e+00, v0;
	_ =	sdelay $0x1  }
0x12e: {  	[tilespmem:s14+$0xFFFFFF40] =	vst v0  }
0x12f: {  	v0 =	vld [tilespmem:s18+$0xFFFFFF50];
	_ =	sdelay $0x4  }
0x130: {  	v0 =	vmul.f32 $8.000000000e+00, v0;
	_ =	sdelay $0x1  }
0x131: {  	[tilespmem:s14+$0xFFFFFF50] =	vst v0  }
0x132: {  	v0 =	vld [tilespmem:s18+$0xFFFFFF60];
	_ =	sdelay $0x4  }
0x133: {  	v0 =	vmul.f32 $8.000000000e+00, v0;
	_ =	sdelay $0x1  }
0x134: {  	[tilespmem:s14+$0xFFFFFF60] =	vst v0  }
0x135: {  	v0 =	vld [tilespmem:s18+$0xFFFFFF70];
	_ =	sdelay $0x4  }
0x136: {  	v0 =	vmul.f32 $8.000000000e+00, v0;
	_ =	sdelay $0x1  }
0x137: {  	[tilespmem:s14+$0xFFFFFF70] =	vst v0  }
0x138: {  	v0 =	vld [tilespmem:s18+$0xFFFFFF80];
	_ =	sdelay $0x4  }
0x139: {  	v0 =	vmul.f32 $8.000000000e+00, v0;
	_ =	sdelay $0x1  }
0x13a: {  	[tilespmem:s14+$0xFFFFFF80] =	vst v0  }
0x13b: {  	v0 =	vld [tilespmem:s18+$0xFFFFFF90];
	_ =	sdelay $0x4  }
0x13c: {  	v0 =	vmul.f32 $8.000000000e+00, v0;
	_ =	sdelay $0x1  }
0x13d: {  	[tilespmem:s14+$0xFFFFFF90] =	vst v0  }
0x13e: {  	v0 =	vld [tilespmem:s18+$0xFFFFFFA0];
	_ =	sdelay $0x4  }
0x13f: {  	v0 =	vmul.f32 $8.000000000e+00, v0;
	_ =	sdelay $0x1  }
0x140: {  	[tilespmem:s14+$0xFFFFFFA0] =	vst v0  }
0x141: {  	v0 =	vld [tilespmem:s18+$0xFFFFFFB0];
	_ =	sdelay $0x4  }
0x142: {  	v0 =	vmul.f32 $8.000000000e+00, v0;
	_ =	sdelay $0x1  }
0x143: {  	[tilespmem:s14+$0xFFFFFFB0] =	vst v0  }
0x144: {  	v0 =	vld [tilespmem:s18+$0xFFFFFFC0];
	_ =	sdelay $0x4  }
0x145: {  	v0 =	vmul.f32 $8.000000000e+00, v0;
	_ =	sdelay $0x1  }
0x146: {  	[tilespmem:s14+$0xFFFFFFC0] =	vst v0  }
0x147: {  	v0 =	vld [tilespmem:s18+$0xFFFFFFD0];
	_ =	sdelay $0x4  }
0x148: {  	v0 =	vmul.f32 $8.000000000e+00, v0;
	_ =	sdelay $0x1  }
0x149: {  	[tilespmem:s14+$0xFFFFFFD0] =	vst v0  }
0x14a: {  	v0 =	vld [tilespmem:s18+$0xFFFFFFE0];
	_ =	sdelay $0x4  }
0x14b: {  	v0 =	vmul.f32 $8.000000000e+00, v0;
	_ =	sdelay $0x1  }
0x14c: {  	[tilespmem:s14+$0xFFFFFFE0] =	vst v0  }
0x14d: {  	v0 =	vld [tilespmem:s18+$0xFFFFFFF0];
	_ =	sdelay $0x4  }
0x14e: {  	v0 =	vmul.f32 $8.000000000e+00, v0;
	_ =	sdelay $0x1  }
0x14f: {  	[tilespmem:s14+$0xFFFFFFF0] =	vst v0  }
0x150: {  	v0 =	vld [tilespmem:s18+$0x0];
	_ =	sdelay $0x4  }
0x151: {  	v0 =	vmul.f32 $8.000000000e+00, v0;
	_ =	sdelay $0x1  }
0x152: {  	s15 =	simm.s32 $0x0;
	s16 =	simm.s32 $0x87F0;
	[tilespmem:s14+$0x0] =	vst v0  }
.LBB2_5:
0x153: {  	v0 =	vld [tilespmem:s16+$0xFFFFFE10];
	s15 =	sadd.s32 $0x8, s15  }
0x154: {  	p2 =	slt.u32 s15, $0x78;
	_ =	sdelay $0x3  }
0x155: {  	v0 =	vmul.f32 $8.000000000e+00, v0  }
0x156: {  	s14 =	sadd.s32 $0x200, s14  }
0x157: {  	[tilespmem:s14+$0xFFFFFE10] =	vst v0  }
0x158: {  	v0 =	vld [tilespmem:s16+$0xFFFFFE20];
	_ =	sdelay $0x4  }
0x159: {  	v0 =	vmul.f32 $8.000000000e+00, v0;
	_ =	sdelay $0x1  }
0x15a: {  	[tilespmem:s14+$0xFFFFFE20] =	vst v0  }
0x15b: {  	v0 =	vld [tilespmem:s16+$0xFFFFFE30];
	_ =	sdelay $0x4  }
0x15c: {  	v0 =	vmul.f32 $8.000000000e+00, v0;
	_ =	sdelay $0x1  }
0x15d: {  	[tilespmem:s14+$0xFFFFFE30] =	vst v0  }
0x15e: {  	v0 =	vld [tilespmem:s16+$0xFFFFFE40];
	_ =	sdelay $0x4  }
0x15f: {  	v0 =	vmul.f32 $8.000000000e+00, v0;
	_ =	sdelay $0x1  }
0x160: {  	[tilespmem:s14+$0xFFFFFE40] =	vst v0  }
0x161: {  	v0 =	vld [tilespmem:s16+$0xFFFFFE50];
	_ =	sdelay $0x4  }
0x162: {  	v0 =	vmul.f32 $8.000000000e+00, v0;
	_ =	sdelay $0x1  }
0x163: {  	[tilespmem:s14+$0xFFFFFE50] =	vst v0  }
0x164: {  	v0 =	vld [tilespmem:s16+$0xFFFFFE60];
	_ =	sdelay $0x4  }
0x165: {  	v0 =	vmul.f32 $8.000000000e+00, v0;
	_ =	sdelay $0x1  }
0x166: {  	[tilespmem:s14+$0xFFFFFE60] =	vst v0  }
0x167: {  	v0 =	vld [tilespmem:s16+$0xFFFFFE70];
	_ =	sdelay $0x4  }
0x168: {  	v0 =	vmul.f32 $8.000000000e+00, v0;
	_ =	sdelay $0x1  }
0x169: {  	[tilespmem:s14+$0xFFFFFE70] =	vst v0  }
0x16a: {  	v0 =	vld [tilespmem:s16+$0xFFFFFE80];
	_ =	sdelay $0x4  }
0x16b: {  	v0 =	vmul.f32 $8.000000000e+00, v0;
	_ =	sdelay $0x1  }
0x16c: {  	[tilespmem:s14+$0xFFFFFE80] =	vst v0  }
0x16d: {  	v0 =	vld [tilespmem:s16+$0xFFFFFE90];
	_ =	sdelay $0x4  }
0x16e: {  	v0 =	vmul.f32 $8.000000000e+00, v0;
	_ =	sdelay $0x1  }
0x16f: {  	[tilespmem:s14+$0xFFFFFE90] =	vst v0  }
0x170: {  	v0 =	vld [tilespmem:s16+$0xFFFFFEA0];
	_ =	sdelay $0x4  }
0x171: {  	v0 =	vmul.f32 $8.000000000e+00, v0;
	_ =	sdelay $0x1  }
0x172: {  	[tilespmem:s14+$0xFFFFFEA0] =	vst v0  }
0x173: {  	v0 =	vld [tilespmem:s16+$0xFFFFFEB0];
	_ =	sdelay $0x4  }
0x174: {  	v0 =	vmul.f32 $8.000000000e+00, v0;
	_ =	sdelay $0x1  }
0x175: {  	[tilespmem:s14+$0xFFFFFEB0] =	vst v0  }
0x176: {  	v0 =	vld [tilespmem:s16+$0xFFFFFEC0];
	_ =	sdelay $0x4  }
0x177: {  	v0 =	vmul.f32 $8.000000000e+00, v0;
	_ =	sdelay $0x1  }
0x178: {  	[tilespmem:s14+$0xFFFFFEC0] =	vst v0  }
0x179: {  	v0 =	vld [tilespmem:s16+$0xFFFFFED0];
	_ =	sdelay $0x4  }
0x17a: {  	v0 =	vmul.f32 $8.000000000e+00, v0;
	_ =	sdelay $0x1  }
0x17b: {  	[tilespmem:s14+$0xFFFFFED0] =	vst v0  }
0x17c: {  	v0 =	vld [tilespmem:s16+$0xFFFFFEE0];
	_ =	sdelay $0x4  }
0x17d: {  	v0 =	vmul.f32 $8.000000000e+00, v0;
	_ =	sdelay $0x1  }
0x17e: {  	[tilespmem:s14+$0xFFFFFEE0] =	vst v0  }
0x17f: {  	v0 =	vld [tilespmem:s16+$0xFFFFFEF0];
	_ =	sdelay $0x4  }
0x180: {  	v0 =	vmul.f32 $8.000000000e+00, v0;
	_ =	sdelay $0x1  }
0x181: {  	[tilespmem:s14+$0xFFFFFEF0] =	vst v0  }
0x182: {  	v0 =	vld [tilespmem:s16+$0xFFFFFF00];
	_ =	sdelay $0x4  }
0x183: {  	v0 =	vmul.f32 $8.000000000e+00, v0;
	_ =	sdelay $0x1  }
0x184: {  	[tilespmem:s14+$0xFFFFFF00] =	vst v0  }
0x185: {  	v0 =	vld [tilespmem:s16+$0xFFFFFF10];
	_ =	sdelay $0x4  }
0x186: {  	v0 =	vmul.f32 $8.000000000e+00, v0;
	_ =	sdelay $0x1  }
0x187: {  	[tilespmem:s14+$0xFFFFFF10] =	vst v0  }
0x188: {  	v0 =	vld [tilespmem:s16+$0xFFFFFF20];
	_ =	sdelay $0x4  }
0x189: {  	v0 =	vmul.f32 $8.000000000e+00, v0;
	_ =	sdelay $0x1  }
0x18a: {  	[tilespmem:s14+$0xFFFFFF20] =	vst v0  }
0x18b: {  	v0 =	vld [tilespmem:s16+$0xFFFFFF30];
	_ =	sdelay $0x4  }
0x18c: {  	v0 =	vmul.f32 $8.000000000e+00, v0;
	_ =	sdelay $0x1  }
0x18d: {  	[tilespmem:s14+$0xFFFFFF30] =	vst v0  }
0x18e: {  	v0 =	vld [tilespmem:s16+$0xFFFFFF40];
	_ =	sdelay $0x4  }
0x18f: {  	v0 =	vmul.f32 $8.000000000e+00, v0;
	_ =	sdelay $0x1  }
0x190: {  	[tilespmem:s14+$0xFFFFFF40] =	vst v0  }
0x191: {  	v0 =	vld [tilespmem:s16+$0xFFFFFF50];
	_ =	sdelay $0x4  }
0x192: {  	v0 =	vmul.f32 $8.000000000e+00, v0;
	_ =	sdelay $0x1  }
0x193: {  	[tilespmem:s14+$0xFFFFFF50] =	vst v0  }
0x194: {  	v0 =	vld [tilespmem:s16+$0xFFFFFF60];
	_ =	sdelay $0x4  }
0x195: {  	v0 =	vmul.f32 $8.000000000e+00, v0;
	_ =	sdelay $0x1  }
0x196: {  	[tilespmem:s14+$0xFFFFFF60] =	vst v0  }
0x197: {  	v0 =	vld [tilespmem:s16+$0xFFFFFF70];
	_ =	sdelay $0x4  }
0x198: {  	v0 =	vmul.f32 $8.000000000e+00, v0;
	_ =	sdelay $0x1  }
0x199: {  	[tilespmem:s14+$0xFFFFFF70] =	vst v0  }
0x19a: {  	v0 =	vld [tilespmem:s16+$0xFFFFFF80];
	_ =	sdelay $0x4  }
0x19b: {  	v0 =	vmul.f32 $8.000000000e+00, v0;
	_ =	sdelay $0x1  }
0x19c: {  	[tilespmem:s14+$0xFFFFFF80] =	vst v0  }
0x19d: {  	v0 =	vld [tilespmem:s16+$0xFFFFFF90];
	_ =	sdelay $0x4  }
0x19e: {  	v0 =	vmul.f32 $8.000000000e+00, v0;
	_ =	sdelay $0x1  }
0x19f: {  	[tilespmem:s14+$0xFFFFFF90] =	vst v0  }
0x1a0: {  	v0 =	vld [tilespmem:s16+$0xFFFFFFA0];
	_ =	sdelay $0x4  }
0x1a1: {  	v0 =	vmul.f32 $8.000000000e+00, v0;
	_ =	sdelay $0x1  }
0x1a2: {  	[tilespmem:s14+$0xFFFFFFA0] =	vst v0  }
0x1a3: {  	v0 =	vld [tilespmem:s16+$0xFFFFFFB0];
	_ =	sdelay $0x4  }
0x1a4: {  	v0 =	vmul.f32 $8.000000000e+00, v0;
	_ =	sdelay $0x1  }
0x1a5: {  	[tilespmem:s14+$0xFFFFFFB0] =	vst v0  }
0x1a6: {  	v0 =	vld [tilespmem:s16+$0xFFFFFFC0];
	_ =	sdelay $0x4  }
0x1a7: {  	v0 =	vmul.f32 $8.000000000e+00, v0;
	_ =	sdelay $0x1  }
0x1a8: {  	[tilespmem:s14+$0xFFFFFFC0] =	vst v0  }
0x1a9: {  	v0 =	vld [tilespmem:s16+$0xFFFFFFD0];
	_ =	sdelay $0x4  }
0x1aa: {  	v0 =	vmul.f32 $8.000000000e+00, v0;
	_ =	sdelay $0x1  }
0x1ab: {  	[tilespmem:s14+$0xFFFFFFD0] =	vst v0  }
0x1ac: {  	v0 =	vld [tilespmem:s16+$0xFFFFFFE0];
	_ =	sdelay $0x4  }
0x1ad: {  	v0 =	vmul.f32 $8.000000000e+00, v0;
	_ =	sdelay $0x1  }
0x1ae: {  	[tilespmem:s14+$0xFFFFFFE0] =	vst v0  }
0x1af: {  	v0 =	vld [tilespmem:s16+$0xFFFFFFF0];
	_ =	sdelay $0x4  }
0x1b0: {  	v0 =	vmul.f32 $8.000000000e+00, v0;
	_ =	sdelay $0x1  }
0x1b1: {  	[tilespmem:s14+$0xFFFFFFF0] =	vst v0  }
0x1b2: {  	v0 =	vld [tilespmem:s16+$0x0];
	_ =	sdelay $0x2  }
.Ltmp1:
0x1b3: {  	(pc) =	sbr.rel @p2 .LBB2_5-.Ltmp1, $3  }
0x1b4: {  	_ = 	snop  }
0x1b5: {  	v0 =	vmul.f32 $8.000000000e+00, v0;
	_ =	sdelay $0x1  }
0x1b6: {  	s16 =	sadd.s32 $0x200, s16;
	[tilespmem:s14+$0x0] =	vst v0  }
0x1b7: {  	s14 =	sadd.s32 @!p1 $0x280, s13;
	s15 =	simm.s32 @!p1 $0x80;
	s16 =	simm.s32 @!p1 $0x8400  }
0x1b8: {  	[tilespmem:s16], [sflag:$0x2] =	stream.indirect.gather @!p1 [hbm4b:s3+s15], $0x40, s14, s15, $0xb8;
	[tilespmem:$0x16400] =	vst v63  }
0x1b9: {  	s14 =	sshll.u32 s0, $0x9  }
0x1ba: {  	s18 =	sadd.s32 s14, s7  }
0x1bb: {  	s15 =	sshll.u32 s18, $0x3  }
0x1bc: {  	s15 =	sand.u32 $0x1FFFF400, s15  }
0x1bd: {  	s15 =	sadd.s32 s4, s15  }
0x1be: {  	[hbm4b:s15+s2] =	stream.linear.scatter [tilespmem:s22], [sflag:$0x6], $0x2000, $0x38;
	[tilespmem:$0x16400] =	vst v63  }
0x1bf: {  	_ =	swait.ge [sflag:s23], $0x2000  }
0x1c0: {  	[sflag:s23] =	ssyncset.done $0x0  }
0x1c1: {  	s15 =	simm.s32 @!p0 $0x7;
	[sflag:s23] =	ssyncadd.s32 $0xFFFFE000  }
0x1c2: {  	_ =	swait.ge @!p0 [sflag:s15], $0x2000  }
0x1c3: {  	[sflag:s15] =	ssyncset.done @!p0 $0x0  }
0x1c4: {  	[sflag:s15] =	ssyncadd.s32 @!p0 $0xFFFFE000;
	s15 =	simm.s32 $0x0  }
0x1c5: {  	v0 =	vld [tilespmem:s15+$0xA5F0]  }
0x1c6: {  	v1 =	vld [tilespmem:s15+$0xA400]  }
0x1c7: {  	v2 =	vld [tilespmem:s15+$0xA410]  }
0x1c8: {  	v3 =	vld [tilespmem:s15+$0xA420]  }
0x1c9: {  	v4 =	vld [tilespmem:s15+$0xA430]  }
0x1ca: {  	v5 =	vld [tilespmem:s15+$0xA440];
	v0 =	vmul.f32 $8.000000000e+00, v0  }
0x1cb: {  	v6 =	vld [tilespmem:s15+$0xA450];
	v1 =	vmul.f32 $8.000000000e+00, v1  }
0x1cc: {  	v7 =	vld [tilespmem:s15+$0xA460];
	[tilespmem:s15+$0x125F0] =	vst v0;
	v0 =	vmul.f32 $8.000000000e+00, v2  }
0x1cd: {  	[tilespmem:s15+$0x12400] =	vst v1;
	v1 =	vld [tilespmem:s15+$0xA470];
	v2 =	vmul.f32 $8.000000000e+00, v3  }
0x1ce: {  	v3 =	vmul.f32 $8.000000000e+00, v4;
	[tilespmem:s15+$0x12410] =	vst v0;
	v0 =	vld [tilespmem:s15+$0xA480]  }
0x1cf: {  	v4 =	vmul.f32 $8.000000000e+00, v5;
	[tilespmem:s15+$0x12420] =	vst v2;
	v2 =	vld [tilespmem:s15+$0xA490]  }
0x1d0: {  	v5 =	vmul.f32 $8.000000000e+00, v6;
	[tilespmem:s15+$0x12430] =	vst v3;
	v3 =	vld [tilespmem:s15+$0xA4A0]  }
0x1d1: {  	v6 =	vmul.f32 $8.000000000e+00, v7;
	[tilespmem:s15+$0x12440] =	vst v4;
	v4 =	vld [tilespmem:s15+$0xA4B0]  }
0x1d2: {  	[tilespmem:s15+$0x12450] =	vst v5;
	v5 =	vld [tilespmem:s15+$0xA4C0];
	v1 =	vmul.f32 $8.000000000e+00, v1  }
0x1d3: {  	[tilespmem:s15+$0x12460] =	vst v6;
	v6 =	vld [tilespmem:s15+$0xA4D0];
	v0 =	vmul.f32 $8.000000000e+00, v0  }
0x1d4: {  	[tilespmem:s15+$0x12470] =	vst v1;
	v1 =	vld [tilespmem:s15+$0xA4E0];
	v2 =	vmul.f32 $8.000000000e+00, v2  }
0x1d5: {  	v3 =	vmul.f32 $8.000000000e+00, v3;
	[tilespmem:s15+$0x12480] =	vst v0;
	v0 =	vld [tilespmem:s15+$0xA4F0]  }
0x1d6: {  	v4 =	vmul.f32 $8.000000000e+00, v4;
	[tilespmem:s15+$0x12490] =	vst v2;
	v2 =	vld [tilespmem:s15+$0xA500]  }
0x1d7: {  	v5 =	vmul.f32 $8.000000000e+00, v5;
	[tilespmem:s15+$0x124A0] =	vst v3;
	v3 =	vld [tilespmem:s15+$0xA510]  }
0x1d8: {  	v6 =	vmul.f32 $8.000000000e+00, v6;
	[tilespmem:s15+$0x124B0] =	vst v4;
	v4 =	vld [tilespmem:s15+$0xA520]  }
0x1d9: {  	[tilespmem:s15+$0x124C0] =	vst v5;
	v5 =	vld [tilespmem:s15+$0xA530];
	v1 =	vmul.f32 $8.000000000e+00, v1  }
0x1da: {  	[tilespmem:s15+$0x124D0] =	vst v6;
	v6 =	vld [tilespmem:s15+$0xA540];
	v0 =	vmul.f32 $8.000000000e+00, v0  }
0x1db: {  	v7 =	vld [tilespmem:s15+$0xA560];
	[tilespmem:s15+$0x124E0] =	vst v1;
	v2 =	vmul.f32 $8.000000000e+00, v2  }
0x1dc: {  	v1 =	vld [tilespmem:s15+$0xA550];
	[tilespmem:s15+$0x124F0] =	vst v0;
	v0 =	vmul.f32 $8.000000000e+00, v3  }
0x1dd: {  	v8 =	vld [tilespmem:s15+$0xA570];
	[tilespmem:s15+$0x12500] =	vst v2;
	v2 =	vmul.f32 $8.000000000e+00, v4  }
0x1de: {  	v4 =	vld [tilespmem:s15+$0xA580];
	[tilespmem:s15+$0x12510] =	vst v0;
	v0 =	vmul.f32 $8.000000000e+00, v5  }
0x1df: {  	v3 =	vmul.f32 $8.000000000e+00, v6;
	[tilespmem:s15+$0x12520] =	vst v2;
	v2 =	vld [tilespmem:s15+$0xA590]  }
0x1e0: {  	v6 =	vmul.f32 $8.000000000e+00, v7;
	[tilespmem:s15+$0x12530] =	vst v0;
	v0 =	vld [tilespmem:s15+$0xA5A0]  }
0x1e1: {  	[tilespmem:s15+$0x12540] =	vst v3;
	v5 =	vmul.f32 $8.000000000e+00, v1;
	v1 =	vld [tilespmem:s15+$0xA5B0]  }
0x1e2: {  	v3 =	vld [tilespmem:s15+$0xA5C0];
	[tilespmem:s15+$0x12560] =	vst v6;
	v6 =	vmul.f32 $8.000000000e+00, v8  }
0x1e3: {  	s17 =	simm.s32 $0x800;
	s16 =	simm.s32 $0x0;
	[tilespmem:s15+$0x12550] =	vst v5;
	v5 =	vmul.f32 $8.000000000e+00, v4;
	v4 =	vld [tilespmem:s15+$0xA5D0]  }
.LBB2_7:
0x1e4: {  	s18 =	sshra.s32 s17, $0x2;
	s16 =	sadd.s32 $0x8, s16;
	[tilespmem:s15+$0x12570] =	vst v6;
	v2 =	vmul.f32 $8.000000000e+00, v2;
	v6 =	vld [tilespmem:s15+$0xA5E0]  }
0x1e5: {  	v7 =	vld [tilespmem:s18+$0xA5F0];
	p2 =	slt.u32 s16, $0x78;
	[tilespmem:s15+$0x12580] =	vst v5;
	v0 =	vmul.f32 $8.000000000e+00, v0  }
0x1e6: {  	v5 =	vld [tilespmem:s18+$0xA400];
	[tilespmem:s15+$0x12590] =	vst v2;
	v1 =	vmul.f32 $8.000000000e+00, v1  }
0x1e7: {  	v2 =	vld [tilespmem:s18+$0xA410];
	[tilespmem:s15+$0x125A0] =	vst v0;
	v0 =	vmul.f32 $8.000000000e+00, v3  }
0x1e8: {  	v3 =	vld [tilespmem:s18+$0xA420];
	[tilespmem:s15+$0x125B0] =	vst v1;
	v1 =	vmul.f32 $8.000000000e+00, v4  }
0x1e9: {  	v4 =	vld [tilespmem:s18+$0xA430];
	[tilespmem:s15+$0x125C0] =	vst v0;
	v0 =	vmul.f32 $8.000000000e+00, v6  }
0x1ea: {  	v6 =	vld [tilespmem:s18+$0xA440];
	v7 =	vmul.f32 $8.000000000e+00, v7;
	[tilespmem:s15+$0x125D0] =	vst v1  }
0x1eb: {  	v1 =	vmul.f32 $8.000000000e+00, v5;
	v5 =	vld [tilespmem:s18+$0xA450];
	[tilespmem:s15+$0x125E0] =	vst v0;
	s15 =	smov.u32 s18  }
0x1ec: {  	v0 =	vmul.f32 $8.000000000e+00, v2;
	v2 =	vld [tilespmem:s15+$0xA460];
	[tilespmem:s15+$0x125F0] =	vst v7  }
0x1ed: {  	[tilespmem:s15+$0x12400] =	vst v1;
	v1 =	vmul.f32 $8.000000000e+00, v3;
	v3 =	vld [tilespmem:s15+$0xA470]  }
0x1ee: {  	[tilespmem:s15+$0x12410] =	vst v0;
	v0 =	vmul.f32 $8.000000000e+00, v4;
	v4 =	vld [tilespmem:s15+$0xA480]  }
0x1ef: {  	[tilespmem:s15+$0x12420] =	vst v1;
	v1 =	vmul.f32 $8.000000000e+00, v6;
	v6 =	vld [tilespmem:s15+$0xA490]  }
0x1f0: {  	[tilespmem:s15+$0x12430] =	vst v0;
	v0 =	vmul.f32 $8.000000000e+00, v5;
	v5 =	vld [tilespmem:s15+$0xA4A0]  }
0x1f1: {  	[tilespmem:s15+$0x12440] =	vst v1;
	v1 =	vmul.f32 $8.000000000e+00, v2;
	v2 =	vld [tilespmem:s15+$0xA4B0]  }
0x1f2: {  	[tilespmem:s15+$0x12450] =	vst v0;
	v0 =	vmul.f32 $8.000000000e+00, v3;
	v3 =	vld [tilespmem:s15+$0xA4C0]  }
0x1f3: {  	[tilespmem:s15+$0x12460] =	vst v1;
	v1 =	vmul.f32 $8.000000000e+00, v4;
	v4 =	vld [tilespmem:s15+$0xA4D0]  }
0x1f4: {  	[tilespmem:s15+$0x12470] =	vst v0;
	v0 =	vmul.f32 $8.000000000e+00, v6;
	v6 =	vld [tilespmem:s15+$0xA4E0]  }
0x1f5: {  	[tilespmem:s15+$0x12480] =	vst v1;
	v1 =	vmul.f32 $8.000000000e+00, v5;
	v5 =	vld [tilespmem:s15+$0xA4F0]  }
0x1f6: {  	[tilespmem:s15+$0x12490] =	vst v0;
	v0 =	vmul.f32 $8.000000000e+00, v2;
	v2 =	vld [tilespmem:s15+$0xA500]  }
0x1f7: {  	[tilespmem:s15+$0x124A0] =	vst v1;
	v1 =	vmul.f32 $8.000000000e+00, v3;
	v3 =	vld [tilespmem:s15+$0xA510]  }
0x1f8: {  	[tilespmem:s15+$0x124B0] =	vst v0;
	v0 =	vmul.f32 $8.000000000e+00, v4;
	v4 =	vld [tilespmem:s15+$0xA520]  }
0x1f9: {  	[tilespmem:s15+$0x124C0] =	vst v1;
	v1 =	vmul.f32 $8.000000000e+00, v6;
	v6 =	vld [tilespmem:s15+$0xA530]  }
0x1fa: {  	[tilespmem:s15+$0x124D0] =	vst v0;
	v0 =	vmul.f32 $8.000000000e+00, v5;
	v5 =	vld [tilespmem:s15+$0xA540]  }
0x1fb: {  	[tilespmem:s15+$0x124E0] =	vst v1;
	v1 =	vmul.f32 $8.000000000e+00, v2;
	v7 =	vld [tilespmem:s15+$0xA550]  }
0x1fc: {  	[tilespmem:s15+$0x124F0] =	vst v0;
	v0 =	vmul.f32 $8.000000000e+00, v3;
	v3 =	vld [tilespmem:s15+$0xA560]  }
0x1fd: {  	[tilespmem:s15+$0x12500] =	vst v1;
	v1 =	vmul.f32 $8.000000000e+00, v4;
	v4 =	vld [tilespmem:s15+$0xA570]  }
0x1fe: {  	[tilespmem:s15+$0x12510] =	vst v0;
	v0 =	vmul.f32 $8.000000000e+00, v6;
	v8 =	vld [tilespmem:s15+$0xA580]  }
.Ltmp2:
0x1ff: {  	[tilespmem:s15+$0x12520] =	vst v1;
	v1 =	vmul.f32 $8.000000000e+00, v5;
	v2 =	vld [tilespmem:s15+$0xA590];
	(pc) =	sbr.rel @p2 .LBB2_7-.Ltmp2, $4  }
0x200: {  	[tilespmem:s15+$0x12530] =	vst v0;
	v5 =	vmul.f32 $8.000000000e+00, v7;
	v0 =	vld [tilespmem:s15+$0xA5A0]  }
0x201: {  	[tilespmem:s15+$0x12540] =	vst v1;
	v7 =	vmul.f32 $8.000000000e+00, v3;
	v1 =	vld [tilespmem:s15+$0xA5B0]  }
0x202: {  	[tilespmem:s15+$0x12550] =	vst v5;
	v6 =	vmul.f32 $8.000000000e+00, v4;
	v3 =	vld [tilespmem:s15+$0xA5C0]  }
0x203: {  	s17 =	sadd.s32 $0x800, s17;
	[tilespmem:s15+$0x12560] =	vst v7;
	v5 =	vmul.f32 $8.000000000e+00, v8;
	v4 =	vld [tilespmem:s15+$0xA5D0]  }
0x204: {  	[tilespmem:s15+$0x12570] =	vst v6;
	v2 =	vmul.f32 $8.000000000e+00, v2;
	v6 =	vld [tilespmem:s15+$0xA5E0]  }
0x205: {  	[tilespmem:s15+$0x12580] =	vst v5;
	v0 =	vmul.f32 $8.000000000e+00, v0  }
0x206: {  	[tilespmem:s15+$0x12590] =	vst v2;
	v1 =	vmul.f32 $8.000000000e+00, v1  }
0x207: {  	[tilespmem:s15+$0x125A0] =	vst v0;
	v0 =	vmul.f32 $8.000000000e+00, v3  }
0x208: {  	[tilespmem:s15+$0x125B0] =	vst v1;
	v1 =	vmul.f32 $8.000000000e+00, v4  }
0x209: {  	[tilespmem:s15+$0x125C0] =	vst v0;
	v0 =	vmul.f32 $8.000000000e+00, v6  }
0x20a: {  	s16 =	simm.s32 @!p1 $0x80;
	[tilespmem:s15+$0x125D0] =	vst v1  }
0x20b: {  	s17 =	simm.s32 @!p1 $0xA400;
	s18 =	sadd.s32 s14, s8;
	[tilespmem:s15+$0x125E0] =	vst v0;
	s15 =	sadd.s32 @!p1 $0x300, s13  }
0x20c: {  	[tilespmem:s17], [sflag:$0x3] =	stream.indirect.gather @!p1 [hbm4b:s3+s16], $0x40, s15, s16, $0xb8;
	[tilespmem:$0x16400] =	vst v63  }
0x20d: {  	s15 =	sshll.u32 s18, $0x3  }
0x20e: {  	s15 =	sand.u32 $0x1FFFF800, s15  }
0x20f: {  	s15 =	sadd.s32 s4, s15  }
0x210: {  	[hbm4b:s15+s2] =	stream.linear.scatter [tilespmem:s24], [sflag:$0x7], $0x2000, $0x38;
	[tilespmem:$0x16400] =	vst v63  }
0x211: {  	_ =	swait.ge [sflag:s25], $0x2000  }
0x212: {  	[sflag:s25] =	ssyncset.done $0x0  }
0x213: {  	s15 =	simm.s32 @!p0 $0x8;
	[sflag:s25] =	ssyncadd.s32 $0xFFFFE000  }
0x214: {  	_ =	swait.ge @!p0 [sflag:s15], $0x2000  }
0x215: {  	[sflag:s15] =	ssyncset.done @!p0 $0x0  }
0x216: {  	[sflag:s15] =	ssyncadd.s32 @!p0 $0xFFFFE000;
	s15 =	simm.s32 $0x0  }
0x217: {  	v0 =	vld [tilespmem:s15+$0xC5F0]  }
0x218: {  	v1 =	vld [tilespmem:s15+$0xC400]  }
0x219: {  	v2 =	vld [tilespmem:s15+$0xC410]  }
0x21a: {  	v3 =	vld [tilespmem:s15+$0xC420]  }
0x21b: {  	v4 =	vld [tilespmem:s15+$0xC430]  }
0x21c: {  	v5 =	vld [tilespmem:s15+$0xC440];
	v0 =	vmul.f32 $8.000000000e+00, v0  }
0x21d: {  	v6 =	vld [tilespmem:s15+$0xC450];
	v1 =	vmul.f32 $8.000000000e+00, v1  }
0x21e: {  	v7 =	vld [tilespmem:s15+$0xC460];
	[tilespmem:s15+$0x145F0] =	vst v0;
	v0 =	vmul.f32 $8.000000000e+00, v2  }
0x21f: {  	[tilespmem:s15+$0x14400] =	vst v1;
	v1 =	vld [tilespmem:s15+$0xC470];
	v2 =	vmul.f32 $8.000000000e+00, v3  }
0x220: {  	v3 =	vmul.f32 $8.000000000e+00, v4;
	[tilespmem:s15+$0x14410] =	vst v0;
	v0 =	vld [tilespmem:s15+$0xC480]  }
0x221: {  	v4 =	vmul.f32 $8.000000000e+00, v5;
	[tilespmem:s15+$0x14420] =	vst v2;
	v2 =	vld [tilespmem:s15+$0xC490]  }
0x222: {  	v5 =	vmul.f32 $8.000000000e+00, v6;
	[tilespmem:s15+$0x14430] =	vst v3;
	v3 =	vld [tilespmem:s15+$0xC4A0]  }
0x223: {  	v6 =	vmul.f32 $8.000000000e+00, v7;
	[tilespmem:s15+$0x14440] =	vst v4;
	v4 =	vld [tilespmem:s15+$0xC4B0]  }
0x224: {  	[tilespmem:s15+$0x14450] =	vst v5;
	v5 =	vld [tilespmem:s15+$0xC4C0];
	v1 =	vmul.f32 $8.000000000e+00, v1  }
0x225: {  	[tilespmem:s15+$0x14460] =	vst v6;
	v6 =	vld [tilespmem:s15+$0xC4D0];
	v0 =	vmul.f32 $8.000000000e+00, v0  }
0x226: {  	[tilespmem:s15+$0x14470] =	vst v1;
	v1 =	vld [tilespmem:s15+$0xC4E0];
	v2 =	vmul.f32 $8.000000000e+00, v2  }
0x227: {  	v3 =	vmul.f32 $8.000000000e+00, v3;
	[tilespmem:s15+$0x14480] =	vst v0;
	v0 =	vld [tilespmem:s15+$0xC4F0]  }
0x228: {  	v4 =	vmul.f32 $8.000000000e+00, v4;
	[tilespmem:s15+$0x14490] =	vst v2;
	v2 =	vld [tilespmem:s15+$0xC500]  }
0x229: {  	v5 =	vmul.f32 $8.000000000e+00, v5;
	[tilespmem:s15+$0x144A0] =	vst v3;
	v3 =	vld [tilespmem:s15+$0xC510]  }
0x22a: {  	v6 =	vmul.f32 $8.000000000e+00, v6;
	[tilespmem:s15+$0x144B0] =	vst v4;
	v4 =	vld [tilespmem:s15+$0xC520]  }
0x22b: {  	[tilespmem:s15+$0x144C0] =	vst v5;
	v5 =	vld [tilespmem:s15+$0xC530];
	v1 =	vmul.f32 $8.000000000e+00, v1  }
0x22c: {  	[tilespmem:s15+$0x144D0] =	vst v6;
	v6 =	vld [tilespmem:s15+$0xC540];
	v0 =	vmul.f32 $8.000000000e+00, v0  }
0x22d: {  	v7 =	vld [tilespmem:s15+$0xC560];
	[tilespmem:s15+$0x144E0] =	vst v1;
	v2 =	vmul.f32 $8.000000000e+00, v2  }
0x22e: {  	v1 =	vld [tilespmem:s15+$0xC550];
	[tilespmem:s15+$0x144F0] =	vst v0;
	v0 =	vmul.f32 $8.000000000e+00, v3  }
0x22f: {  	v8 =	vld [tilespmem:s15+$0xC570];
	[tilespmem:s15+$0x14500] =	vst v2;
	v2 =	vmul.f32 $8.000000000e+00, v4  }
0x230: {  	v4 =	vld [tilespmem:s15+$0xC580];
	[tilespmem:s15+$0x14510] =	vst v0;
	v0 =	vmul.f32 $8.000000000e+00, v5  }
0x231: {  	v3 =	vmul.f32 $8.000000000e+00, v6;
	[tilespmem:s15+$0x14520] =	vst v2;
	v2 =	vld [tilespmem:s15+$0xC590]  }
0x232: {  	v6 =	vmul.f32 $8.000000000e+00, v7;
	[tilespmem:s15+$0x14530] =	vst v0;
	v0 =	vld [tilespmem:s15+$0xC5A0]  }
0x233: {  	[tilespmem:s15+$0x14540] =	vst v3;
	v5 =	vmul.f32 $8.000000000e+00, v1;
	v1 =	vld [tilespmem:s15+$0xC5B0]  }
0x234: {  	v3 =	vld [tilespmem:s15+$0xC5C0];
	[tilespmem:s15+$0x14560] =	vst v6;
	v6 =	vmul.f32 $8.000000000e+00, v8  }
0x235: {  	s16 =	simm.s32 $0x0;
	s17 =	simm.s32 $0x800;
	[tilespmem:s15+$0x14550] =	vst v5;
	v5 =	vmul.f32 $8.000000000e+00, v4;
	v4 =	vld [tilespmem:s15+$0xC5D0]  }
.LBB2_9:
0x236: {  	s18 =	sshra.s32 s17, $0x2;
	s16 =	sadd.s32 $0x8, s16;
	[tilespmem:s15+$0x14570] =	vst v6;
	v2 =	vmul.f32 $8.000000000e+00, v2;
	v6 =	vld [tilespmem:s15+$0xC5E0]  }
0x237: {  	v7 =	vld [tilespmem:s18+$0xC5F0];
	p0 =	slt.u32 s16, $0x78;
	[tilespmem:s15+$0x14580] =	vst v5;
	v0 =	vmul.f32 $8.000000000e+00, v0  }
0x238: {  	v5 =	vld [tilespmem:s18+$0xC400];
	[tilespmem:s15+$0x14590] =	vst v2;
	v1 =	vmul.f32 $8.000000000e+00, v1  }
0x239: {  	v2 =	vld [tilespmem:s18+$0xC410];
	[tilespmem:s15+$0x145A0] =	vst v0;
	v0 =	vmul.f32 $8.000000000e+00, v3  }
0x23a: {  	v3 =	vld [tilespmem:s18+$0xC420];
	[tilespmem:s15+$0x145B0] =	vst v1;
	v1 =	vmul.f32 $8.000000000e+00, v4  }
0x23b: {  	v4 =	vld [tilespmem:s18+$0xC430];
	[tilespmem:s15+$0x145C0] =	vst v0;
	v0 =	vmul.f32 $8.000000000e+00, v6  }
0x23c: {  	v6 =	vld [tilespmem:s18+$0xC440];
	v7 =	vmul.f32 $8.000000000e+00, v7;
	[tilespmem:s15+$0x145D0] =	vst v1  }
0x23d: {  	v1 =	vmul.f32 $8.000000000e+00, v5;
	v5 =	vld [tilespmem:s18+$0xC450];
	[tilespmem:s15+$0x145E0] =	vst v0;
	s15 =	smov.u32 s18  }
0x23e: {  	v0 =	vmul.f32 $8.000000000e+00, v2;
	v2 =	vld [tilespmem:s15+$0xC460];
	[tilespmem:s15+$0x145F0] =	vst v7  }
0x23f: {  	[tilespmem:s15+$0x14400] =	vst v1;
	v1 =	vmul.f32 $8.000000000e+00, v3;
	v3 =	vld [tilespmem:s15+$0xC470]  }
0x240: {  	[tilespmem:s15+$0x14410] =	vst v0;
	v0 =	vmul.f32 $8.000000000e+00, v4;
	v4 =	vld [tilespmem:s15+$0xC480]  }
0x241: {  	[tilespmem:s15+$0x14420] =	vst v1;
	v1 =	vmul.f32 $8.000000000e+00, v6;
	v6 =	vld [tilespmem:s15+$0xC490]  }
0x242: {  	[tilespmem:s15+$0x14430] =	vst v0;
	v0 =	vmul.f32 $8.000000000e+00, v5;
	v5 =	vld [tilespmem:s15+$0xC4A0]  }
0x243: {  	[tilespmem:s15+$0x14440] =	vst v1;
	v1 =	vmul.f32 $8.000000000e+00, v2;
	v2 =	vld [tilespmem:s15+$0xC4B0]  }
0x244: {  	[tilespmem:s15+$0x14450] =	vst v0;
	v0 =	vmul.f32 $8.000000000e+00, v3;
	v3 =	vld [tilespmem:s15+$0xC4C0]  }
0x245: {  	[tilespmem:s15+$0x14460] =	vst v1;
	v1 =	vmul.f32 $8.000000000e+00, v4;
	v4 =	vld [tilespmem:s15+$0xC4D0]  }
0x246: {  	[tilespmem:s15+$0x14470] =	vst v0;
	v0 =	vmul.f32 $8.000000000e+00, v6;
	v6 =	vld [tilespmem:s15+$0xC4E0]  }
0x247: {  	[tilespmem:s15+$0x14480] =	vst v1;
	v1 =	vmul.f32 $8.000000000e+00, v5;
	v5 =	vld [tilespmem:s15+$0xC4F0]  }
0x248: {  	[tilespmem:s15+$0x14490] =	vst v0;
	v0 =	vmul.f32 $8.000000000e+00, v2;
	v2 =	vld [tilespmem:s15+$0xC500]  }
0x249: {  	[tilespmem:s15+$0x144A0] =	vst v1;
	v1 =	vmul.f32 $8.000000000e+00, v3;
	v3 =	vld [tilespmem:s15+$0xC510]  }
0x24a: {  	[tilespmem:s15+$0x144B0] =	vst v0;
	v0 =	vmul.f32 $8.000000000e+00, v4;
	v4 =	vld [tilespmem:s15+$0xC520]  }
0x24b: {  	[tilespmem:s15+$0x144C0] =	vst v1;
	v1 =	vmul.f32 $8.000000000e+00, v6;
	v6 =	vld [tilespmem:s15+$0xC530]  }
0x24c: {  	[tilespmem:s15+$0x144D0] =	vst v0;
	v0 =	vmul.f32 $8.000000000e+00, v5;
	v5 =	vld [tilespmem:s15+$0xC540]  }
0x24d: {  	[tilespmem:s15+$0x144E0] =	vst v1;
	v1 =	vmul.f32 $8.000000000e+00, v2;
	v7 =	vld [tilespmem:s15+$0xC550]  }
0x24e: {  	[tilespmem:s15+$0x144F0] =	vst v0;
	v0 =	vmul.f32 $8.000000000e+00, v3;
	v3 =	vld [tilespmem:s15+$0xC560]  }
0x24f: {  	[tilespmem:s15+$0x14500] =	vst v1;
	v1 =	vmul.f32 $8.000000000e+00, v4;
	v4 =	vld [tilespmem:s15+$0xC570]  }
0x250: {  	[tilespmem:s15+$0x14510] =	vst v0;
	v0 =	vmul.f32 $8.000000000e+00, v6;
	v8 =	vld [tilespmem:s15+$0xC580]  }
.Ltmp3:
0x251: {  	[tilespmem:s15+$0x14520] =	vst v1;
	v1 =	vmul.f32 $8.000000000e+00, v5;
	v2 =	vld [tilespmem:s15+$0xC590];
	(pc) =	sbr.rel @p0 .LBB2_9-.Ltmp3, $4  }
0x252: {  	[tilespmem:s15+$0x14530] =	vst v0;
	v5 =	vmul.f32 $8.000000000e+00, v7;
	v0 =	vld [tilespmem:s15+$0xC5A0]  }
0x253: {  	[tilespmem:s15+$0x14540] =	vst v1;
	v7 =	vmul.f32 $8.000000000e+00, v3;
	v1 =	vld [tilespmem:s15+$0xC5B0]  }
0x254: {  	[tilespmem:s15+$0x14550] =	vst v5;
	v6 =	vmul.f32 $8.000000000e+00, v4;
	v3 =	vld [tilespmem:s15+$0xC5C0]  }
0x255: {  	s17 =	sadd.s32 $0x800, s17;
	[tilespmem:s15+$0x14560] =	vst v7;
	v5 =	vmul.f32 $8.000000000e+00, v8;
	v4 =	vld [tilespmem:s15+$0xC5D0]  }
0x256: {  	[tilespmem:s15+$0x14570] =	vst v6;
	v2 =	vmul.f32 $8.000000000e+00, v2;
	v60 =	vld [tilespmem:s15+$0xC5E0]  }
0x257: {  	[tilespmem:s15+$0x14580] =	vst v5;
	v0 =	vmul.f32 $8.000000000e+00, v0  }
0x258: {  	[tilespmem:s15+$0x14590] =	vst v2;
	v1 =	vmul.f32 $8.000000000e+00, v1  }
0x259: {  	[tilespmem:s15+$0x145A0] =	vst v0;
	v61 =	vmul.f32 $8.000000000e+00, v3  }
0x25a: {  	[tilespmem:s15+$0x145B0] =	vst v1;
	v62 =	vmul.f32 $8.000000000e+00, v4  }
0x25b: {  	[tilespmem:s15+$0x145C0] =	vst v61;
	v63 =	vmul.f32 $8.000000000e+00, v60  }
0x25c: {  	s13 =	sadd.s32 @!p1 $0x380, s13;
	s0 =	sadd.s32 $0x1, s0;
	[tilespmem:s15+$0x145D0] =	vst v62  }
0x25d: {  	s16 =	simm.s32 @!p1 $0xC400;
	p0 =	sne.s32 s0, $0x32;
	[tilespmem:s15+$0x145E0] =	vst v63;
	s15 =	simm.s32 @!p1 $0x80  }
0x25e: {  	[tilespmem:s16], [sflag:$0x4] =	stream.indirect.gather @!p1 [hbm4b:s3+s15], $0x40, s13, s15, $0xb8;
	[tilespmem:$0x16400] =	vst v63  }
.Ltmp4:
0x25f: {  	s18 =	sadd.s32 s14, s9;
	(pc) =	sbr.rel @p0 .LBB2_2-.Ltmp4, $4  }
0x260: {  	s13 =	sshll.u32 s18, $0x3  }
0x261: {  	s13 =	sand.u32 $0x1FFFFC00, s13  }
0x262: {  	s13 =	sadd.s32 s4, s13  }
0x263: {  	[hbm4b:s13+s2] =	stream.linear.scatter [tilespmem:s26], [sflag:$0x8], $0x2000, $0x38;
	[tilespmem:$0x16400] =	vst v63  }
0x264: {  	_ =	swait.ge [sflag:s28], $0x2000  }
0x265: {  	[sflag:s28] =	ssyncset.done $0x0  }
0x266: {  	[sflag:s28] =	ssyncadd.s32 $0xFFFFE000  }
0x267: {  	_ =	swait.ge [sflag:s29], $0x2000  }
0x268: {  	[sflag:s29] =	ssyncset.done $0x0  }
0x269: {  	s1 =	sadd.s32 $0x1, s1;
	[sflag:s29] =	ssyncadd.s32 $0xFFFFE000  }
0x26a: {  	p0 =	sne.s32 s1, s10;
	_ =	swait.ge [sflag:s30], $0x2000  }
.Ltmp5:
0x26b: {  	[sflag:s30] =	ssyncset.done $0x0;
	(pc) =	sbr.rel @p0 .LBB2_1-.Ltmp5, $4  }
0x26c: {  	[sflag:s30] =	ssyncadd.s32 $0xFFFFE000  }
0x26d: {  	_ =	swait.ge [sflag:s31], $0x2000  }
0x26e: {  	[sflag:s31] =	ssyncset.done $0x0  }
0x26f: {  	[sflag:s31] =	ssyncadd.s32 $0xFFFFE000  }
0x270: {  	_ =	sfence.sel $0x180000  }
0x271: {  	[bflag:$0x0] =	sbarrier.arrive $0xFFFF  }
0x272: {  	_ =	strace $0x9000004A  }
0x273: {  	s0 =	stileid.u32;
	[bflag:$0x2] =	sbarrier.arrive $0xFFFF  }
0x274: {  	p0 =	sne.s32 s0, $0x0;
	s0 =	rddreg [dreg:$0x1]  }
0x275: {  	s0 =	sadd.s32 @!p0 $0x100000, s0  }
0x276: {  	[sflag:s0] =	ssyncadd.tile.s32 @!p0 $0x1;
	_ =	shalt  }
.Lfunc_end2:
_tile_overlayer_lowered:
.L_overlay_start_2:
0x277: {  	(tag) =	ssettag $0x2  }
0x278: {  	s0 =	rddreg [dreg:$0x0];
	s2 =	stileid.u32  }
0x279: {  	s1 =	rddreg [dreg:$0x1];
	p0 =	sne.s32 s2, $0x0  }
0x27a: {  	s3 =	rddreg [dreg:$0x2];
	[bflag:$0x3] =	sbarrier.arrive $0xFFFF;
	s2 =	simm.s32 @!p0 $0x1C09  }
0x27b: {  	[timem:s3], [sflag:s2] =	dma.local @!p0 [hbm:s0], s1  }
0x27c: {  	s0 =	simm.s32 @!p0 $0x9  }
0x27d: {  	_ =	swait.ge @!p0 [sflag:s0], s1  }
0x27e: {  	s1 =	ssub.s32 @!p0 $0x0, s1;
	[sflag:s0] =	ssyncset.done @!p0 $0x0  }
0x27f: {  	[sflag:s0] =	ssyncadd.s32 @!p0 s1  }
0x280: {  	[bflag:$0x3] =	sbarrier.arrive $0xFFFF  }
0x281: {  	_ =	shalt  }

</sc_bundles>
